<compile_context>
chip_gen: v7x
topology: tpu7x:2x2x1
jax: 0.10.2.dev20260603
libtpu: 0.0.44.dev20260713+nightly
codegen_flags: <defaults>
</compile_context>

<pallas_src>
import functools

import jax
import jax.numpy as jnp
from jax import lax
from jax.experimental import pallas as pl
from jax.experimental.pallas import tpu as pltpu
from jax.experimental.pallas import tpu_sc as plsc

NC = 2
NS = 16
LANES = 16



def _tables_body(dx, nb, x_ref, w_ref, attr_ref, wc_ref, b1_ref,
                 a_ref, b_ref, c_ref):
    i = pl.program_id(1)

    @pl.when(i < nb)
    def _():
        x = x_ref[...]
        w = w_ref[...]
        a_ref[0] = 2.0 * jnp.dot(x, w[0:dx],
                                 preferred_element_type=jnp.float32)
        b_ref[0] = 2.0 * jnp.dot(x, w[dx:2 * dx],
                                 preferred_element_type=jnp.float32)

    @pl.when(i >= nb)
    def _():
        at = attr_ref[...]
        c_ref[0] = 2.0 * (jnp.dot(at, wc_ref[...],
                                  preferred_element_type=jnp.float32)
                          + b1_ref[...])


def _final_body(dx, hh, x_ref, o0_ref, o1_ref, c0_ref, c1_ref, w2_ref, b2_ref,
                out_ref):
    x = x_ref[...]
    recip = 1.0 / jnp.maximum(c0_ref[...] + c1_ref[...], 1.0)
    m0 = o0_ref[...] * recip
    m1 = o1_ref[...] * recip
    w2 = w2_ref[...]
    acc = jnp.dot(x, w2[0:dx], preferred_element_type=jnp.float32)
    acc = acc + jnp.dot(m0, w2[dx:dx + hh], preferred_element_type=jnp.float32)
    acc = acc + jnp.dot(m1, w2[dx + hh:dx + 2 * hh],
                        preferred_element_type=jnp.float32)
    out_ref[...] = acc + b2_ref[...]



def _sc_edge_body(n, n_pad, e, hh, ch, x_unused_consts,
                  src_hbm, dst_hbm, a0_hbm, a1_hbm, b0_hbm, b1_hbm, c_hbm,
                  out_hbm, cnt_hbm,
                  shared, src0_v, dst0_v, src1_v, dst1_v,
                  a0_v, b0_v, c0_v, a1_v, b1_v, c1_v,
                  sem0, sem1):
    del x_unused_consts
    c = lax.axis_index("c")
    s = lax.axis_index("s")
    ept = e // NS
    nch = ept // ch
    npt = n_pad // NS
    nz = npt // ch

    def fill(ref, vec):
        def frow(r, _):
            for j in range(hh // LANES):
                ref[r, pl.ds(j * LANES, LANES)] = vec
            return 0
        lax.fori_loop(0, ch, frow, 0)

    zero16 = jnp.zeros((LANES,), jnp.float32)
    one16 = jnp.full((LANES,), 1.0, dtype=jnp.float32)
    fill(a0_v, zero16)

    def zcp(k, _):
        r0 = pl.multiple_of(s * npt + k * ch, 8)
        pltpu.sync_copy(a0_v, shared.at[pl.ds(r0, ch)])
        return 0
    lax.fori_loop(0, nz, zcp, 0)
    plsc.subcore_barrier()

    base0 = s * ept

    def load_idx(k, sv, dv):
        eb = pl.multiple_of(base0 + k * ch, 8)
        pltpu.sync_copy(src_hbm.at[pl.ds(eb, ch)], sv)
        pltpu.sync_copy(dst_hbm.at[pl.ds(eb, ch)], dv)

    def phase1(a_t, b_t, ce):
        def fire(k, sv, dv, av, bv, cv, sem):
            eb = pl.multiple_of(base0 + k * ch, 8)
            pltpu.async_copy(a_t.at[sv], av, sem)
            pltpu.async_copy(b_t.at[dv], bv, sem)
            pltpu.async_copy(c_hbm.at[pl.ds(pl.multiple_of(ce + eb, 8), ch)],
                             cv, sem)

        def drain(sv, dv, av, bv, cv, sem):
            pltpu.make_async_copy(a_t.at[sv], av, sem).wait()
            pltpu.make_async_copy(b_t.at[dv], bv, sem).wait()
            pltpu.make_async_copy(c_hbm.at[pl.ds(0, ch)], cv, sem).wait()

        def work(sv, dv, av, bv, cv, sem):
            drain(sv, dv, av, bv, cv, sem)

            def row(r, _):
                for j in range(hh // LANES):
                    sl = pl.ds(j * LANES, LANES)
                    t2 = av[r, sl] + bv[r, sl] + cv[r, sl]
                    ex = jnp.exp(t2)
                    av[r, sl] = 1.0 - 2.0 / (ex + 1.0)
                return 0
            lax.fori_loop(0, ch, row, 0)
            pltpu.sync_copy(av, shared.at[sv], add=True)

        load_idx(0, src0_v, dst0_v)
        fire(0, src0_v, dst0_v, a0_v, b0_v, c0_v, sem0)

        def pair(i2, _):
            k1 = 2 * i2 + 1
            load_idx(k1, src1_v, dst1_v)
            fire(k1, src1_v, dst1_v, a1_v, b1_v, c1_v, sem1)
            work(src0_v, dst0_v, a0_v, b0_v, c0_v, sem0)
            k2 = 2 * i2 + 2
            load_idx(k2, src0_v, dst0_v)
            fire(k2, src0_v, dst0_v, a0_v, b0_v, c0_v, sem0)
            work(src1_v, dst1_v, a1_v, b1_v, c1_v, sem1)
            return 0
        lax.fori_loop(0, nch // 2 - 1, pair, 0)

        load_idx(nch - 1, src1_v, dst1_v)
        fire(nch - 1, src1_v, dst1_v, a1_v, b1_v, c1_v, sem1)
        work(src0_v, dst0_v, a0_v, b0_v, c0_v, sem0)
        work(src1_v, dst1_v, a1_v, b1_v, c1_v, sem1)

    @pl.when(c == 0)
    def _():
        phase1(a0_hbm, b0_hbm, 0)

    @pl.when(c == 1)
    def _():
        phase1(a1_hbm, b1_hbm, e)
    plsc.subcore_barrier()

    fill(c0_v, zero16)

    def wcp(k, _):
        r0 = pl.multiple_of(s * npt + k * ch, 8)
        pltpu.sync_copy(shared.at[pl.ds(r0, ch)], out_hbm.at[c, pl.ds(r0, ch)])
        pltpu.sync_copy(c0_v, shared.at[pl.ds(r0, ch)])
        return 0
    lax.fori_loop(0, nz, wcp, 0)
    plsc.subcore_barrier()

    fill(a0_v, one16)
    ept2 = e // (NC * NS)
    base2 = c * (e // NC) + s * ept2
    nch2 = ept2 // ch

    def load_idx2(k, sv):
        eb = pl.multiple_of(base2 + k * ch, 8)
        pltpu.sync_copy(src_hbm.at[pl.ds(eb, ch)], sv)

    def fire2(sv, sem):
        pltpu.async_copy(a0_v, shared.at[sv], sem, add=True)

    def drain2(sv, sem):
        pltpu.make_async_copy(a0_v, shared.at[sv], sem).wait()

    load_idx2(0, src0_v)
    fire2(src0_v, sem0)

    def pair2(i2, _):
        k1 = 2 * i2 + 1
        load_idx2(k1, src1_v)
        fire2(src1_v, sem1)
        drain2(src0_v, sem0)
        k2 = 2 * i2 + 2
        load_idx2(k2, src0_v)
        fire2(src0_v, sem0)
        drain2(src1_v, sem1)
        return 0
    lax.fori_loop(0, nch2 // 2 - 1, pair2, 0)

    load_idx2(nch2 - 1, src1_v)
    fire2(src1_v, sem1)
    drain2(src0_v, sem0)
    drain2(src1_v, sem1)
    plsc.subcore_barrier()

    def wcp2(k, _):
        r0 = pl.multiple_of(s * npt + k * ch, 8)
        pltpu.sync_copy(shared.at[pl.ds(r0, ch)], cnt_hbm.at[c, pl.ds(r0, ch)])
        return 0
    lax.fori_loop(0, nz, wcp2, 0)



def kernel(requests_x, req2req_edge_index, req2req_edge_attr, W1, b1, W2, b2):
    n, dx = requests_x.shape
    e, de = req2req_edge_attr.shape
    h = W1.shape[1]
    hh = h // 2
    assert h == 2 * hh and hh == 128
    assert n % NS == 0 and e % (NS * 8) == 0

    rb = 1000
    eb = 2000
    ch = 40
    assert n % rb == 0 and e % eb == 0 and (e // NS) % ch == 0
    npt = ((n + NS - 1) // NS + 127) // 128 * 128
    n_pad = NS * npt
    assert npt % ch == 0 and e % (NC * NS * ch) == 0
    assert (e // NS // ch) % 2 == 0 and (e // (NC * NS) // ch) % 2 == 0

    src = req2req_edge_index[0].astype(jnp.int32)
    dst = req2req_edge_index[1].astype(jnp.int32)
    w1ab = W1[0:2 * dx]
    w1c = W1[2 * dx:]
    b1r = b1.reshape(1, h)
    b2r = b2.reshape(1, h)

    nb = n // rb
    ne = e // eb
    abc = pl.pallas_call(
        functools.partial(_tables_body, dx, nb),
        grid=(2, nb + ne),
        in_specs=[
            pl.BlockSpec((rb, dx), lambda j, i: (jnp.minimum(i, nb - 1), 0)),
            pl.BlockSpec((2 * dx, hh), lambda j, i: (0, j)),
            pl.BlockSpec((eb, de), lambda j, i: (jnp.maximum(i - nb, 0), 0)),
            pl.BlockSpec((de, hh), lambda j, i: (0, j)),
            pl.BlockSpec((1, hh), lambda j, i: (0, j)),
        ],
        out_specs=[
            pl.BlockSpec((1, rb, hh),
                         lambda j, i: (j, jnp.minimum(i, nb - 1), 0)),
            pl.BlockSpec((1, rb, hh),
                         lambda j, i: (j, jnp.minimum(i, nb - 1), 0)),
            pl.BlockSpec((1, eb, hh),
                         lambda j, i: (j, jnp.maximum(i - nb, 0), 0)),
        ],
        out_shape=[
            jax.ShapeDtypeStruct((2, n, hh), jnp.float32),
            jax.ShapeDtypeStruct((2, n, hh), jnp.float32),
            jax.ShapeDtypeStruct((2, e, hh), jnp.float32),
        ],
    )(requests_x, w1ab, req2req_edge_attr, w1c, b1r)
    a0_t, a1_t = abc[0][0], abc[0][1]
    b0_t, b1_t = abc[1][0], abc[1][1]
    c_t = abc[2].reshape(2 * e, hh)

    mesh = plsc.VectorSubcoreMesh(core_axis_name="c", subcore_axis_name="s",
                                  num_cores=NC, num_subcores=NS)
    sc_fn = pl.kernel(
        functools.partial(_sc_edge_body, n, n_pad, e, hh, ch, None),
        out_type=[
            jax.ShapeDtypeStruct((NC, n_pad, hh), jnp.float32),
            jax.ShapeDtypeStruct((NC, n_pad, hh), jnp.float32),
        ],
        mesh=mesh,
        scratch_types=[
            pltpu.VMEM_SHARED((n_pad, hh), jnp.float32),
            pltpu.VMEM((ch,), jnp.int32),
            pltpu.VMEM((ch,), jnp.int32),
            pltpu.VMEM((ch,), jnp.int32),
            pltpu.VMEM((ch,), jnp.int32),
            pltpu.VMEM((ch, hh), jnp.float32),
            pltpu.VMEM((ch, hh), jnp.float32),
            pltpu.VMEM((ch, hh), jnp.float32),
            pltpu.VMEM((ch, hh), jnp.float32),
            pltpu.VMEM((ch, hh), jnp.float32),
            pltpu.VMEM((ch, hh), jnp.float32),
            pltpu.SemaphoreType.DMA,
            pltpu.SemaphoreType.DMA,
        ],
    )
    osc, ocnt = sc_fn(src, dst, a0_t, a1_t, b0_t, b1_t, c_t)
    cnt0_col = ocnt[0, :, 0].reshape(n_pad, 1)
    cnt1_col = ocnt[1, :, 0].reshape(n_pad, 1)

    out = pl.pallas_call(
        functools.partial(_final_body, dx, hh),
        grid=(n // rb,),
        in_specs=[
            pl.BlockSpec((rb, dx), lambda i: (i, 0)),
            pl.BlockSpec((rb, hh), lambda i: (i, 0)),
            pl.BlockSpec((rb, hh), lambda i: (i, 0)),
            pl.BlockSpec((rb, 1), lambda i: (i, 0)),
            pl.BlockSpec((rb, 1), lambda i: (i, 0)),
            pl.BlockSpec((dx + h, h), lambda i: (0, 0)),
            pl.BlockSpec((1, h), lambda i: (0, 0)),
        ],
        out_specs=pl.BlockSpec((rb, h), lambda i: (i, 0)),
        out_shape=jax.ShapeDtypeStruct((n, h), jnp.float32),
    )(requests_x, osc[0], osc[1], cnt0_col, cnt1_col, W2, b2r)
    return out

# --- scband reference (transcript-rebuilt; emitter-appended) ---
"""Pipeline reference for scband-trip-model-24721831756511 (READ-ONLY COPY).

The authoritative reference and input builder live on the scoring server;
editing this copy changes nothing except your own understanding.
"""

import jax, jax.numpy as jnp
import numpy as np

N = 10000
E = 320000
DX = 128
DE = 16
H = 256

def setup_inputs(seed: int = 0) -> dict:
    key = jax.random.key(seed)
    k1, k2, k3, k4, k5 = jax.random.split(key, 5)
    requests_x = jax.random.normal(k1, (N, DX), dtype=jnp.float32)
    req2req_edge_index = jax.random.randint(k2, (2, E), 0, N, dtype=jnp.int64 if jax.config.read('jax_enable_x64') else jnp.int32)
    req2req_edge_attr = jax.random.normal(k3, (E, DE), dtype=jnp.float32)
    W1 = jax.random.normal(k4, (2 * DX + DE, H), dtype=jnp.float32) * 0.05
    b1 = jnp.zeros((H,), dtype=jnp.float32)
    W2 = jax.random.normal(k5, (DX + H, H), dtype=jnp.float32) * 0.05
    b2 = jnp.zeros((H,), dtype=jnp.float32)
    return {
        'requests_x': requests_x,
        'req2req_edge_index': req2req_edge_index,
        'req2req_edge_attr': req2req_edge_attr,
        'W1': W1, 'b1': b1, 'W2': W2, 'b2': b2,
    }

def reference(requests_x, req2req_edge_index, req2req_edge_attr, W1, b1, W2, b2):
    src = req2req_edge_index[0]
    dst = req2req_edge_index[1]
    # edge_mlp1: Linear(2*req_x + req_e -> trip_hidden) + Tanh
    x = jnp.concatenate([requests_x[src], requests_x[dst], req2req_edge_attr], axis=1)
    edge = jnp.tanh(x @ W1 + b1)
    # scatter_mean(edge, src, dim=0, dim_size=N)
    num_nodes = requests_x.shape[0]
    sums = jax.ops.segment_sum(edge, src, num_segments=num_nodes)
    counts = jax.ops.segment_sum(jnp.ones((edge.shape[0],), dtype=edge.dtype), src, num_segments=num_nodes)
    edge_mean = sums / jnp.clip(counts, 1.0, None)[:, None]
    # node_mlp1: Linear(req_x + trip_hidden -> trip_hidden)
    out = jnp.concatenate([requests_x, edge_mean], axis=1) @ W2 + b2
    return out

if __name__ == "__main__":
    import jax
    _d = setup_inputs()
    print(jax.jit(kernel)(*tuple(_d.values())))

</pallas_src>

<mosaic_0001>
#map = affine_map<(d0, d1) -> (0)>
#map1 = affine_map<(d0, d1) -> (0, 0)>
#map2 = affine_map<(d0, d1) -> (0, 0, 0)>
module attributes {stable_mosaic.version = 14 : i64} {
  func.func @_sc_edge_body(%arg0: i32, %arg1: i32, %arg2: memref<320000xi32, #tpu.memory_space<hbm>>, %arg3: memref<320000xi32, #tpu.memory_space<hbm>>, %arg4: memref<10000x128xf32, #tpu.memory_space<hbm>>, %arg5: memref<10000x128xf32, #tpu.memory_space<hbm>>, %arg6: memref<10000x128xf32, #tpu.memory_space<hbm>>, %arg7: memref<10000x128xf32, #tpu.memory_space<hbm>>, %arg8: memref<640000x128xf32, #tpu.memory_space<hbm>>, %arg9: memref<2x10240x128xf32, #tpu.memory_space<hbm>>, %arg10: memref<2x10240x128xf32, #tpu.memory_space<hbm>>, %arg11: memref<10240x128xf32, #tpu.memory_space<vmem_shared>>, %arg12: memref<40xi32, #tpu.memory_space<vmem>>, %arg13: memref<40xi32, #tpu.memory_space<vmem>>, %arg14: memref<40xi32, #tpu.memory_space<vmem>>, %arg15: memref<40xi32, #tpu.memory_space<vmem>>, %arg16: memref<40x128xf32, #tpu.memory_space<vmem>>, %arg17: memref<40x128xf32, #tpu.memory_space<vmem>>, %arg18: memref<40x128xf32, #tpu.memory_space<vmem>>, %arg19: memref<40x128xf32, #tpu.memory_space<vmem>>, %arg20: memref<40x128xf32, #tpu.memory_space<vmem>>, %arg21: memref<40x128xf32, #tpu.memory_space<vmem>>, %arg22: memref<!tpu.dma_semaphore, #tpu.memory_space<semaphore_mem>>, %arg23: memref<!tpu.dma_semaphore, #tpu.memory_space<semaphore_mem>>) attributes {dimension_semantics = [#tpu.dimension_semantics<core_parallel>, #tpu.dimension_semantics<subcore_parallel>], iteration_bounds = array<i64: 2, 16>, scalar_prefetch = 0 : i64, scratch_operands = 13 : i64, tpu.core_type = #tpu.core_type<sc_vector_subcore>, window_params = [{transform_indices = #map}, {transform_indices = #map}, {transform_indices = #map1}, {transform_indices = #map1}, {transform_indices = #map1}, {transform_indices = #map1}, {transform_indices = #map1}, {transform_indices = #map2}, {transform_indices = #map2}]} {
    %broadcast_in_dim3A = arith.constant 0.000000e+00 : f32
    %broadcast_in_dim3A_0 = vector.broadcast %broadcast_in_dim3A : f32 to vector<16xf32>
    %broadcast_in_dim3A_1 = arith.constant 1.000000e+00 : f32
    %broadcast_in_dim3A_2 = vector.broadcast %broadcast_in_dim3A_1 : f32 to vector<16xf32>
    %scan3A = arith.constant 0 : i32
    %scan3A_3 = arith.constant 0 : i32
    %scan3A_4 = arith.constant 40 : i32
    %scan3A_5 = arith.addi %scan3A_3, %scan3A_4 : i32
    %scan3A_6 = arith.constant 1 : i32
    %scan3A_7 = scf.for %scan3A_81 = %scan3A_3 to %scan3A_5 step %scan3A_6 iter_args(%scan3A_82 = %scan3A) -> (i32)  : i32 {
      %swap3A = arith.index_cast %scan3A_81 : i32 to index
      %swap3A_83 = arith.constant 0 : index
      %swap3A_84 = tpu.vector_load %arg16[%swap3A, %swap3A_83] {strides = array<i32>} : memref<40x128xf32, #tpu.memory_space<vmem>>, vector<1x16xf32>,
      %swap3A_85 = vector.shape_cast %swap3A_84 : vector<1x16xf32> to vector<16xf32>
      %swap3A_86 = vector.shape_cast %broadcast_in_dim3A_0 : vector<16xf32> to vector<1x16xf32>
      tpu.vector_store %arg16[%swap3A, %swap3A_83], %swap3A_86 {strides = array<i32>} : memref<40x128xf32, #tpu.memory_space<vmem>>, vector<1x16xf32>,
      %swap3A_87 = arith.index_cast %scan3A_81 : i32 to index
      %swap3A_88 = arith.constant 16 : index
      %swap3A_89 = tpu.vector_load %arg16[%swap3A_87, %swap3A_88] {strides = array<i32>} : memref<40x128xf32, #tpu.memory_space<vmem>>, vector<1x16xf32>,
      %swap3A_90 = vector.shape_cast %swap3A_89 : vector<1x16xf32> to vector<16xf32>
      %swap3A_91 = vector.shape_cast %broadcast_in_dim3A_0 : vector<16xf32> to vector<1x16xf32>
      tpu.vector_store %arg16[%swap3A_87, %swap3A_88], %swap3A_91 {strides = array<i32>} : memref<40x128xf32, #tpu.memory_space<vmem>>, vector<1x16xf32>,
      %swap3A_92 = arith.index_cast %scan3A_81 : i32 to index
      %swap3A_93 = arith.constant 32 : index
      %swap3A_94 = tpu.vector_load %arg16[%swap3A_92, %swap3A_93] {strides = array<i32>} : memref<40x128xf32, #tpu.memory_space<vmem>>, vector<1x16xf32>,
      %swap3A_95 = vector.shape_cast %swap3A_94 : vector<1x16xf32> to vector<16xf32>
      %swap3A_96 = vector.shape_cast %broadcast_in_dim3A_0 : vector<16xf32> to vector<1x16xf32>
      tpu.vector_store %arg16[%swap3A_92, %swap3A_93], %swap3A_96 {strides = array<i32>} : memref<40x128xf32, #tpu.memory_space<vmem>>, vector<1x16xf32>,
      %swap3A_97 = arith.index_cast %scan3A_81 : i32 to index
      %swap3A_98 = arith.constant 48 : index
      %swap3A_99 = tpu.vector_load %arg16[%swap3A_97, %swap3A_98] {strides = array<i32>} : memref<40x128xf32, #tpu.memory_space<vmem>>, vector<1x16xf32>,
      %swap3A_100 = vector.shape_cast %swap3A_99 : vector<1x16xf32> to vector<16xf32>
      %swap3A_101 = vector.shape_cast %broadcast_in_dim3A_0 : vector<16xf32> to vector<1x16xf32>
      tpu.vector_store %arg16[%swap3A_97, %swap3A_98], %swap3A_101 {strides = array<i32>} : memref<40x128xf32, #tpu.memory_space<vmem>>, vector<1x16xf32>,
      %swap3A_102 = arith.index_cast %scan3A_81 : i32 to index
      %swap3A_103 = arith.constant 64 : index
      %swap3A_104 = tpu.vector_load %arg16[%swap3A_102, %swap3A_103] {strides = array<i32>} : memref<40x128xf32, #tpu.memory_space<vmem>>, vector<1x16xf32>,
      %swap3A_105 = vector.shape_cast %swap3A_104 : vector<1x16xf32> to vector<16xf32>
      %swap3A_106 = vector.shape_cast %broadcast_in_dim3A_0 : vector<16xf32> to vector<1x16xf32>
      tpu.vector_store %arg16[%swap3A_102, %swap3A_103], %swap3A_106 {strides = array<i32>} : memref<40x128xf32, #tpu.memory_space<vmem>>, vector<1x16xf32>,
      %swap3A_107 = arith.index_cast %scan3A_81 : i32 to index
      %swap3A_108 = arith.constant 80 : index
      %swap3A_109 = tpu.vector_load %arg16[%swap3A_107, %swap3A_108] {strides = array<i32>} : memref<40x128xf32, #tpu.memory_space<vmem>>, vector<1x16xf32>,
      %swap3A_110 = vector.shape_cast %swap3A_109 : vector<1x16xf32> to vector<16xf32>
      %swap3A_111 = vector.shape_cast %broadcast_in_dim3A_0 : vector<16xf32> to vector<1x16xf32>
      tpu.vector_store %arg16[%swap3A_107, %swap3A_108], %swap3A_111 {strides = array<i32>} : memref<40x128xf32, #tpu.memory_space<vmem>>, vector<1x16xf32>,
      %swap3A_112 = arith.index_cast %scan3A_81 : i32 to index
      %swap3A_113 = arith.constant 96 : index
      %swap3A_114 = tpu.vector_load %arg16[%swap3A_112, %swap3A_113] {strides = array<i32>} : memref<40x128xf32, #tpu.memory_space<vmem>>, vector<1x16xf32>,
      %swap3A_115 = vector.shape_cast %swap3A_114 : vector<1x16xf32> to vector<16xf32>
      %swap3A_116 = vector.shape_cast %broadcast_in_dim3A_0 : vector<16xf32> to vector<1x16xf32>
      tpu.vector_store %arg16[%swap3A_112, %swap3A_113], %swap3A_116 {strides = array<i32>} : memref<40x128xf32, #tpu.memory_space<vmem>>, vector<1x16xf32>,
      %swap3A_117 = arith.index_cast %scan3A_81 : i32 to index
      %swap3A_118 = arith.constant 112 : index
      %swap3A_119 = tpu.vector_load %arg16[%swap3A_117, %swap3A_118] {strides = array<i32>} : memref<40x128xf32, #tpu.memory_space<vmem>>, vector<1x16xf32>,
      %swap3A_120 = vector.shape_cast %swap3A_119 : vector<1x16xf32> to vector<16xf32>
      %swap3A_121 = vector.shape_cast %broadcast_in_dim3A_0 : vector<16xf32> to vector<1x16xf32>
      tpu.vector_store %arg16[%swap3A_117, %swap3A_118], %swap3A_121 {strides = array<i32>} : memref<40x128xf32, #tpu.memory_space<vmem>>, vector<1x16xf32>,
      %scan3A_122 = arith.constant 0 : i32
      scf.yield %scan3A_122 : i32
    }
    %scan3A_8 = arith.constant 40 : i32
    %scan3A_9 = arith.constant 0 : i32
    %scan3A_10 = arith.constant 0 : i32
    %scan3A_11 = arith.constant 16 : i32
    %scan3A_12 = arith.addi %scan3A_10, %scan3A_11 : i32
    %scan3A_13 = arith.constant 1 : i32
    %scan3A_14 = scf.for %scan3A_81 = %scan3A_10 to %scan3A_12 step %scan3A_13 iter_args(%scan3A_82 = %scan3A_9) -> (i32)  : i32 {
      %mul3A_83 = arith.constant 640 : i32
      %mul3A_84 = arith.muli %arg1, %mul3A_83 : i32
      %mul3A_85 = arith.constant 40 : i32
      %mul3A_86 = arith.muli %scan3A_81, %mul3A_85 : i32
      %add3A_87 = arith.addi %mul3A_84, %mul3A_86 : i32
      %multiple_of3A_88 = tpu.assume_multiple %add3A_87, 8 : i32
      "tpu.region"() ({
        %run_scoped3A = tpu.sem_alloc : memref<!tpu.dma_semaphore, #tpu.memory_space<semaphore_mem>>
        %dma_start3A_90 = arith.constant 0 : i32
        %dma_start3A_91 = tpu.memref_slice %arg11[%multiple_of3A_88, %dma_start3A_90] : memref<10240x128xf32, #tpu.memory_space<vmem_shared>> -> memref<40x128xf32, #tpu.memory_space<vmem_shared>>
        %dma_start3A_92 = arith.constant 0 : i32
        %dma_start3A_93 = tpu.memref_slice %arg11[%multiple_of3A_88, %dma_start3A_92] : memref<10240x128xf32, #tpu.memory_space<vmem_shared>> -> memref<40x128xf32, #tpu.memory_space<vmem_shared>>
        tpu.enqueue_dma source(%arg16 : memref<40x128xf32, #tpu.memory_space<vmem>>) target(%dma_start3A_93 : memref<40x128xf32, #tpu.memory_space<vmem_shared>>) target_semaphore(%run_scoped3A : memref<!tpu.dma_semaphore, #tpu.memory_space<semaphore_mem>>)
        %dma_wait3A_94 = arith.constant 0 : i32
        %dma_wait3A_95 = tpu.memref_slice %arg11[%multiple_of3A_88, %dma_wait3A_94] : memref<10240x128xf32, #tpu.memory_space<vmem_shared>> -> memref<40x128xf32, #tpu.memory_space<vmem_shared>>
        %dma_wait3A_96 = arith.constant 0 : i32
        %dma_wait3A_97 = tpu.memref_slice %arg11[%multiple_of3A_88, %dma_wait3A_96] : memref<10240x128xf32, #tpu.memory_space<vmem_shared>> -> memref<40x128xf32, #tpu.memory_space<vmem_shared>>
        tpu.wait_dma2 semaphore(%run_scoped3A : memref<!tpu.dma_semaphore, #tpu.memory_space<semaphore_mem>>) src(%arg16 : memref<40x128xf32, #tpu.memory_space<vmem>>) dst(%dma_wait3A_97 : memref<40x128xf32, #tpu.memory_space<vmem_shared>>)
        tpu.yield
      }) : () -> ()
      %scan3A_89 = arith.constant 0 : i32
      scf.yield %scan3A_89 : i32
    }
    %scan3A_15 = arith.constant 16 : i32
    %barrier3A = arith.constant 0 : index
    tpu.barrier barrier_id(%barrier3A)
    %mul3A = arith.constant 20000 : i32
    %mul3A_16 = arith.muli %arg1, %mul3A : i32
    %eq3A = arith.constant 0 : i32
    %eq3A_17 = arith.cmpi eq, %arg0, %eq3A : i32
    %convert_element_type3A = arith.extui %eq3A_17 : i1 to i32
    %cond3A = arith.constant 0 : i32
    %cond3A_18 = arith.cmpi ne, %convert_element_type3A, %cond3A : i32
    scf.if %cond3A_18 {
      %add3A_81 = arith.constant 0 : i32
      %add3A_82 = arith.addi %mul3A_16, %add3A_81 : i32
      %multiple_of3A_83 = tpu.assume_multiple %add3A_82, 8 : i32
      "tpu.region"() ({
        %run_scoped3A = tpu.sem_alloc : memref<!tpu.dma_semaphore, #tpu.memory_space<semaphore_mem>>
        %dma_start3A_164 = tpu.memref_slice %arg2[%multiple_of3A_83] : memref<320000xi32, #tpu.memory_space<hbm>> -> memref<40xi32, #tpu.memory_space<hbm>>
        %dma_start3A_165 = tpu.memref_slice %arg2[%multiple_of3A_83] : memref<320000xi32, #tpu.memory_space<hbm>> -> memref<40xi32, #tpu.memory_space<hbm>>
        tpu.enqueue_dma source(%dma_start3A_165 : memref<40xi32, #tpu.memory_space<hbm>>) target(%arg12 : memref<40xi32, #tpu.memory_space<vmem>>) target_semaphore(%run_scoped3A : memref<!tpu.dma_semaphore, #tpu.memory_space<semaphore_mem>>)
        %dma_wait3A_166 = tpu.memref_slice %arg2[%multiple_of3A_83] : memref<320000xi32, #tpu.memory_space<hbm>> -> memref<40xi32, #tpu.memory_space<hbm>>
        %dma_wait3A_167 = tpu.memref_slice %arg2[%multiple_of3A_83] : memref<320000xi32, #tpu.memory_space<hbm>> -> memref<40xi32, #tpu.memory_space<hbm>>
        tpu.wait_dma2 semaphore(%run_scoped3A : memref<!tpu.dma_semaphore, #tpu.memory_space<semaphore_mem>>) src(%dma_wait3A_167 : memref<40xi32, #tpu.memory_space<hbm>>) dst(%arg12 : memref<40xi32, #tpu.memory_space<vmem>>)
        tpu.yield
      }) : () -> ()
      "tpu.region"() ({
        %run_scoped3A = tpu.sem_alloc : memref<!tpu.dma_semaphore, #tpu.memory_space<semaphore_mem>>
        %dma_start3A_164 = tpu.memref_slice %arg3[%multiple_of3A_83] : memref<320000xi32, #tpu.memory_space<hbm>> -> memref<40xi32, #tpu.memory_space<hbm>>
        %dma_start3A_165 = tpu.memref_slice %arg3[%multiple_of3A_83] : memref<320000xi32, #tpu.memory_space<hbm>> -> memref<40xi32, #tpu.memory_space<hbm>>
        tpu.enqueue_dma source(%dma_start3A_165 : memref<40xi32, #tpu.memory_space<hbm>>) target(%arg13 : memref<40xi32, #tpu.memory_space<vmem>>) target_semaphore(%run_scoped3A : memref<!tpu.dma_semaphore, #tpu.memory_space<semaphore_mem>>)
        %dma_wait3A_166 = tpu.memref_slice %arg3[%multiple_of3A_83] : memref<320000xi32, #tpu.memory_space<hbm>> -> memref<40xi32, #tpu.memory_space<hbm>>
        %dma_wait3A_167 = tpu.memref_slice %arg3[%multiple_of3A_83] : memref<320000xi32, #tpu.memory_space<hbm>> -> memref<40xi32, #tpu.memory_space<hbm>>
        tpu.wait_dma2 semaphore(%run_scoped3A : memref<!tpu.dma_semaphore, #tpu.memory_space<semaphore_mem>>) src(%dma_wait3A_167 : memref<40xi32, #tpu.memory_space<hbm>>) dst(%arg13 : memref<40xi32, #tpu.memory_space<vmem>>)
        tpu.yield
      }) : () -> ()
      %add3A_84 = arith.constant 0 : i32
      %add3A_85 = arith.addi %mul3A_16, %add3A_84 : i32
      %multiple_of3A_86 = tpu.assume_multiple %add3A_85, 8 : i32
      %dma_start3A_87 = arith.constant 0 : i32
      %dma_start3A_88 = arith.constant 0 : i32
      %dma_start3A_89 = tpu.memref_slice %arg4[%dma_start3A_87, %dma_start3A_88] : memref<10000x128xf32, #tpu.memory_space<hbm>> -> memref<10000x128xf32, #tpu.memory_space<hbm>>
      tpu.enqueue_indirect_dma source(%dma_start3A_89 : memref<10000x128xf32, #tpu.memory_space<hbm>>) target(%arg16 : memref<40x128xf32, #tpu.memory_space<vmem>>) offsets(%arg12 : memref<40xi32, #tpu.memory_space<vmem>>) semaphore(%arg22 : memref<!tpu.dma_semaphore, #tpu.memory_space<semaphore_mem>>)
      %dma_start3A_90 = arith.constant 0 : i32
      %dma_start3A_91 = arith.constant 0 : i32
      %dma_start3A_92 = tpu.memref_slice %arg6[%dma_start3A_90, %dma_start3A_91] : memref<10000x128xf32, #tpu.memory_space<hbm>> -> memref<10000x128xf32, #tpu.memory_space<hbm>>
      tpu.enqueue_indirect_dma source(%dma_start3A_92 : memref<10000x128xf32, #tpu.memory_space<hbm>>) target(%arg17 : memref<40x128xf32, #tpu.memory_space<vmem>>) offsets(%arg13 : memref<40xi32, #tpu.memory_space<vmem>>) semaphore(%arg22 : memref<!tpu.dma_semaphore, #tpu.memory_space<semaphore_mem>>)
      %add3A_93 = arith.constant 0 : i32
      %add3A_94 = arith.addi %add3A_93, %multiple_of3A_86 : i32
      %multiple_of3A_95 = tpu.assume_multiple %add3A_94, 8 : i32
      %dma_start3A_96 = arith.constant 0 : i32
      %dma_start3A_97 = tpu.memref_slice %arg8[%multiple_of3A_95, %dma_start3A_96] : memref<640000x128xf32, #tpu.memory_space<hbm>> -> memref<40x128xf32, #tpu.memory_space<hbm>>
      %dma_start3A_98 = arith.constant 0 : i32
      %dma_start3A_99 = tpu.memref_slice %arg8[%multiple_of3A_95, %dma_start3A_98] : memref<640000x128xf32, #tpu.memory_space<hbm>> -> memref<40x128xf32, #tpu.memory_space<hbm>>
      tpu.enqueue_dma source(%dma_start3A_99 : memref<40x128xf32, #tpu.memory_space<hbm>>) target(%arg18 : memref<40x128xf32, #tpu.memory_space<vmem>>) target_semaphore(%arg22 : memref<!tpu.dma_semaphore, #tpu.memory_space<semaphore_mem>>)
      %scan3A_100 = arith.constant 0 : i32
      %scan3A_101 = arith.constant 0 : i32
      %scan3A_102 = arith.constant 249 : i32
      %scan3A_103 = arith.addi %scan3A_101, %scan3A_102 : i32
      %scan3A_104 = arith.constant 1 : i32
      %scan3A_105 = scf.for %scan3A_164 = %scan3A_101 to %scan3A_103 step %scan3A_104 iter_args(%scan3A_165 = %scan3A_100) -> (i32)  : i32 {
        %mul3A_166 = arith.constant 2 : i32
        %mul3A_167 = arith.muli %mul3A_166, %scan3A_164 : i32
        %add3A_168 = arith.constant 1 : i32
        %add3A_169 = arith.addi %mul3A_167, %add3A_168 : i32
        %mul3A_170 = arith.constant 40 : i32
        %mul3A_171 = arith.muli %add3A_169, %mul3A_170 : i32
        %add3A_172 = arith.addi %mul3A_16, %mul3A_171 : i32
        %multiple_of3A_173 = tpu.assume_multiple %add3A_172, 8 : i32
        "tpu.region"() ({
          %run_scoped3A = tpu.sem_alloc : memref<!tpu.dma_semaphore, #tpu.memory_space<semaphore_mem>>
          %dma_start3A_255 = tpu.memref_slice %arg2[%multiple_of3A_173] : memref<320000xi32, #tpu.memory_space<hbm>> -> memref<40xi32, #tpu.memory_space<hbm>>
          %dma_start3A_256 = tpu.memref_slice %arg2[%multiple_of3A_173] : memref<320000xi32, #tpu.memory_space<hbm>> -> memref<40xi32, #tpu.memory_space<hbm>>
          tpu.enqueue_dma source(%dma_start3A_256 : memref<40xi32, #tpu.memory_space<hbm>>) target(%arg14 : memref<40xi32, #tpu.memory_space<vmem>>) target_semaphore(%run_scoped3A : memref<!tpu.dma_semaphore, #tpu.memory_space<semaphore_mem>>)
          %dma_wait3A_257 = tpu.memref_slice %arg2[%multiple_of3A_173] : memref<320000xi32, #tpu.memory_space<hbm>> -> memref<40xi32, #tpu.memory_space<hbm>>
          %dma_wait3A_258 = tpu.memref_slice %arg2[%multiple_of3A_173] : memref<320000xi32, #tpu.memory_space<hbm>> -> memref<40xi32, #tpu.memory_space<hbm>>
          tpu.wait_dma2 semaphore(%run_scoped3A : memref<!tpu.dma_semaphore, #tpu.memory_space<semaphore_mem>>) src(%dma_wait3A_258 : memref<40xi32, #tpu.memory_space<hbm>>) dst(%arg14 : memref<40xi32, #tpu.memory_space<vmem>>)
          tpu.yield
        }) : () -> ()
        "tpu.region"() ({
          %run_scoped3A = tpu.sem_alloc : memref<!tpu.dma_semaphore, #tpu.memory_space<semaphore_mem>>
          %dma_start3A_255 = tpu.memref_slice %arg3[%multiple_of3A_173] : memref<320000xi32, #tpu.memory_space<hbm>> -> memref<40xi32, #tpu.memory_space<hbm>>
          %dma_start3A_256 = tpu.memref_slice %arg3[%multiple_of3A_173] : memref<320000xi32, #tpu.memory_space<hbm>> -> memref<40xi32, #tpu.memory_space<hbm>>
          tpu.enqueue_dma source(%dma_start3A_256 : memref<40xi32, #tpu.memory_space<hbm>>) target(%arg15 : memref<40xi32, #tpu.memory_space<vmem>>) target_semaphore(%run_scoped3A : memref<!tpu.dma_semaphore, #tpu.memory_space<semaphore_mem>>)
          %dma_wait3A_257 = tpu.memref_slice %arg3[%multiple_of3A_173] : memref<320000xi32, #tpu.memory_space<hbm>> -> memref<40xi32, #tpu.memory_space<hbm>>
          %dma_wait3A_258 = tpu.memref_slice %arg3[%multiple_of3A_173] : memref<320000xi32, #tpu.memory_space<hbm>> -> memref<40xi32, #tpu.memory_space<hbm>>
          tpu.wait_dma2 semaphore(%run_scoped3A : memref<!tpu.dma_semaphore, #tpu.memory_space<semaphore_mem>>) src(%dma_wait3A_258 : memref<40xi32, #tpu.memory_space<hbm>>) dst(%arg15 : memref<40xi32, #tpu.memory_space<vmem>>)
          tpu.yield
        }) : () -> ()
        %mul3A_174 = arith.constant 40 : i32
        %mul3A_175 = arith.muli %add3A_169, %mul3A_174 : i32
        %add3A_176 = arith.addi %mul3A_16, %mul3A_175 : i32
        %multiple_of3A_177 = tpu.assume_multiple %add3A_176, 8 : i32
        %dma_start3A_178 = arith.constant 0 : i32
        %dma_start3A_179 = arith.constant 0 : i32
        %dma_start3A_180 = tpu.memref_slice %arg4[%dma_start3A_178, %dma_start3A_179] : memref<10000x128xf32, #tpu.memory_space<hbm>> -> memref<10000x128xf32, #tpu.memory_space<hbm>>
        tpu.enqueue_indirect_dma source(%dma_start3A_180 : memref<10000x128xf32, #tpu.memory_space<hbm>>) target(%arg19 : memref<40x128xf32, #tpu.memory_space<vmem>>) offsets(%arg14 : memref<40xi32, #tpu.memory_space<vmem>>) semaphore(%arg23 : memref<!tpu.dma_semaphore, #tpu.memory_space<semaphore_mem>>)
        %dma_start3A_181 = arith.constant 0 : i32
        %dma_start3A_182 = arith.constant 0 : i32
        %dma_start3A_183 = tpu.memref_slice %arg6[%dma_start3A_181, %dma_start3A_182] : memref<10000x128xf32, #tpu.memory_space<hbm>> -> memref<10000x128xf32, #tpu.memory_space<hbm>>
        tpu.enqueue_indirect_dma source(%dma_start3A_183 : memref<10000x128xf32, #tpu.memory_space<hbm>>) target(%arg20 : memref<40x128xf32, #tpu.memory_space<vmem>>) offsets(%arg15 : memref<40xi32, #tpu.memory_space<vmem>>) semaphore(%arg23 : memref<!tpu.dma_semaphore, #tpu.memory_space<semaphore_mem>>)
        %add3A_184 = arith.constant 0 : i32
        %add3A_185 = arith.addi %add3A_184, %multiple_of3A_177 : i32
        %multiple_of3A_186 = tpu.assume_multiple %add3A_185, 8 : i32
        %dma_start3A_187 = arith.constant 0 : i32
        %dma_start3A_188 = tpu.memref_slice %arg8[%multiple_of3A_186, %dma_start3A_187] : memref<640000x128xf32, #tpu.memory_space<hbm>> -> memref<40x128xf32, #tpu.memory_space<hbm>>
        %dma_start3A_189 = arith.constant 0 : i32
        %dma_start3A_190 = tpu.memref_slice %arg8[%multiple_of3A_186, %dma_start3A_189] : memref<640000x128xf32, #tpu.memory_space<hbm>> -> memref<40x128xf32, #tpu.memory_space<hbm>>
        tpu.enqueue_dma source(%dma_start3A_190 : memref<40x128xf32, #tpu.memory_space<hbm>>) target(%arg21 : memref<40x128xf32, #tpu.memory_space<vmem>>) target_semaphore(%arg23 : memref<!tpu.dma_semaphore, #tpu.memory_space<semaphore_mem>>)
        %dma_wait3A_191 = arith.constant 0 : i32
        %dma_wait3A_192 = arith.constant 0 : i32
        %dma_wait3A_193 = tpu.memref_slice %arg4[%dma_wait3A_191, %dma_wait3A_192] : memref<10000x128xf32, #tpu.memory_space<hbm>> -> memref<10000x128xf32, #tpu.memory_space<hbm>>
        tpu.wait_indirect_dma semaphore(%arg22 : memref<!tpu.dma_semaphore, #tpu.memory_space<semaphore_mem>>) src(%dma_wait3A_193 : memref<10000x128xf32, #tpu.memory_space<hbm>>) dst(%arg16 : memref<40x128xf32, #tpu.memory_space<vmem>>)
        %dma_wait3A_194 = arith.constant 0 : i32
        %dma_wait3A_195 = arith.constant 0 : i32
        %dma_wait3A_196 = tpu.memref_slice %arg6[%dma_wait3A_194, %dma_wait3A_195] : memref<10000x128xf32, #tpu.memory_space<hbm>> -> memref<10000x128xf32, #tpu.memory_space<hbm>>
        tpu.wait_indirect_dma semaphore(%arg22 : memref<!tpu.dma_semaphore, #tpu.memory_space<semaphore_mem>>) src(%dma_wait3A_196 : memref<10000x128xf32, #tpu.memory_space<hbm>>) dst(%arg17 : memref<40x128xf32, #tpu.memory_space<vmem>>)
        %dma_wait3A_197 = arith.constant 0 : i32
        %dma_wait3A_198 = arith.constant 0 : i32
        %dma_wait3A_199 = tpu.memref_slice %arg8[%dma_wait3A_197, %dma_wait3A_198] : memref<640000x128xf32, #tpu.memory_space<hbm>> -> memref<40x128xf32, #tpu.memory_space<hbm>>
        %dma_wait3A_200 = arith.constant 0 : i32
        %dma_wait3A_201 = arith.constant 0 : i32
        %dma_wait3A_202 = tpu.memref_slice %arg8[%dma_wait3A_200, %dma_wait3A_201] : memref<640000x128xf32, #tpu.memory_space<hbm>> -> memref<40x128xf32, #tpu.memory_space<hbm>>
        tpu.wait_dma2 semaphore(%arg22 : memref<!tpu.dma_semaphore, #tpu.memory_space<semaphore_mem>>) src(%dma_wait3A_202 : memref<40x128xf32, #tpu.memory_space<hbm>>) dst(%arg18 : memref<40x128xf32, #tpu.memory_space<vmem>>)
        %scan3A_203 = arith.constant 0 : i32
        %scan3A_204 = arith.constant 0 : i32
        %scan3A_205 = arith.constant 40 : i32
        %scan3A_206 = arith.addi %scan3A_204, %scan3A_205 : i32
        %scan3A_207 = arith.constant 1 : i32
        %scan3A_208 = scf.for %scan3A_255 = %scan3A_204 to %scan3A_206 step %scan3A_207 iter_args(%scan3A_256 = %scan3A_203) -> (i32)  : i32 {
          %get3A = arith.index_cast %scan3A_255 : i32 to index
          %get3A_257 = arith.constant 0 : index
          %get3A_258 = tpu.vector_load %arg16[%get3A, %get3A_257] {strides = array<i32>} : memref<40x128xf32, #tpu.memory_space<vmem>>, vector<1x16xf32>,
          %get3A_259 = vector.shape_cast %get3A_258 : vector<1x16xf32> to vector<16xf32>
          %get3A_260 = arith.index_cast %scan3A_255 : i32 to index
          %get3A_261 = arith.constant 0 : index
          %get3A_262 = tpu.vector_load %arg17[%get3A_260, %get3A_261] {strides = array<i32>} : memref<40x128xf32, #tpu.memory_space<vmem>>, vector<1x16xf32>,
          %get3A_263 = vector.shape_cast %get3A_262 : vector<1x16xf32> to vector<16xf32>
          %add3A_264 = arith.addf %get3A_259, %get3A_263 : vector<16xf32>
          %get3A_265 = arith.index_cast %scan3A_255 : i32 to index
          %get3A_266 = arith.constant 0 : index
          %get3A_267 = tpu.vector_load %arg18[%get3A_265, %get3A_266] {strides = array<i32>} : memref<40x128xf32, #tpu.memory_space<vmem>>, vector<1x16xf32>,
          %get3A_268 = vector.shape_cast %get3A_267 : vector<1x16xf32> to vector<16xf32>
          %add3A_269 = arith.addf %add3A_264, %get3A_268 : vector<16xf32>
          %exp3A = math.exp %add3A_269 : vector<16xf32>
          %add3A_270 = arith.constant 1.000000e+00 : f32
          %add3A_271 = vector.broadcast %add3A_270 : f32 to vector<16xf32>
          %add3A_272 = arith.addf %exp3A, %add3A_271 : vector<16xf32>
          %div3A = arith.constant 2.000000e+00 : f32
          %div3A_273 = vector.broadcast %div3A : f32 to vector<16xf32>
          %div3A_274 = arith.divf %div3A_273, %add3A_272 : vector<16xf32>
          %sub3A = arith.constant 1.000000e+00 : f32
          %sub3A_275 = vector.broadcast %sub3A : f32 to vector<16xf32>
          %sub3A_276 = arith.subf %sub3A_275, %div3A_274 : vector<16xf32>
          %swap3A = arith.index_cast %scan3A_255 : i32 to index
          %swap3A_277 = arith.constant 0 : index
          %swap3A_278 = tpu.vector_load %arg16[%swap3A, %swap3A_277] {strides = array<i32>} : memref<40x128xf32, #tpu.memory_space<vmem>>, vector<1x16xf32>,
          %swap3A_279 = vector.shape_cast %swap3A_278 : vector<1x16xf32> to vector<16xf32>
          %swap3A_280 = vector.shape_cast %sub3A_276 : vector<16xf32> to vector<1x16xf32>
          tpu.vector_store %arg16[%swap3A, %swap3A_277], %swap3A_280 {strides = array<i32>} : memref<40x128xf32, #tpu.memory_space<vmem>>, vector<1x16xf32>,
          %get3A_281 = arith.index_cast %scan3A_255 : i32 to index
          %get3A_282 = arith.constant 16 : index
          %get3A_283 = tpu.vector_load %arg16[%get3A_281, %get3A_282] {strides = array<i32>} : memref<40x128xf32, #tpu.memory_space<vmem>>, vector<1x16xf32>,
          %get3A_284 = vector.shape_cast %get3A_283 : vector<1x16xf32> to vector<16xf32>
          %get3A_285 = arith.index_cast %scan3A_255 : i32 to index
          %get3A_286 = arith.constant 16 : index
          %get3A_287 = tpu.vector_load %arg17[%get3A_285, %get3A_286] {strides = array<i32>} : memref<40x128xf32, #tpu.memory_space<vmem>>, vector<1x16xf32>,
          %get3A_288 = vector.shape_cast %get3A_287 : vector<1x16xf32> to vector<16xf32>
          %add3A_289 = arith.addf %get3A_284, %get3A_288 : vector<16xf32>
          %get3A_290 = arith.index_cast %scan3A_255 : i32 to index
          %get3A_291 = arith.constant 16 : index
          %get3A_292 = tpu.vector_load %arg18[%get3A_290, %get3A_291] {strides = array<i32>} : memref<40x128xf32, #tpu.memory_space<vmem>>, vector<1x16xf32>,
          %get3A_293 = vector.shape_cast %get3A_292 : vector<1x16xf32> to vector<16xf32>
          %add3A_294 = arith.addf %add3A_289, %get3A_293 : vector<16xf32>
          %exp3A_295 = math.exp %add3A_294 : vector<16xf32>
          %add3A_296 = arith.constant 1.000000e+00 : f32
          %add3A_297 = vector.broadcast %add3A_296 : f32 to vector<16xf32>
          %add3A_298 = arith.addf %exp3A_295, %add3A_297 : vector<16xf32>
          %div3A_299 = arith.constant 2.000000e+00 : f32
          %div3A_300 = vector.broadcast %div3A_299 : f32 to vector<16xf32>
          %div3A_301 = arith.divf %div3A_300, %add3A_298 : vector<16xf32>
          %sub3A_302 = arith.constant 1.000000e+00 : f32
          %sub3A_303 = vector.broadcast %sub3A_302 : f32 to vector<16xf32>
          %sub3A_304 = arith.subf %sub3A_303, %div3A_301 : vector<16xf32>
          %swap3A_305 = arith.index_cast %scan3A_255 : i32 to index
          %swap3A_306 = arith.constant 16 : index
          %swap3A_307 = tpu.vector_load %arg16[%swap3A_305, %swap3A_306] {strides = array<i32>} : memref<40x128xf32, #tpu.memory_space<vmem>>, vector<1x16xf32>,
          %swap3A_308 = vector.shape_cast %swap3A_307 : vector<1x16xf32> to vector<16xf32>
          %swap3A_309 = vector.shape_cast %sub3A_304 : vector<16xf32> to vector<1x16xf32>
          tpu.vector_store %arg16[%swap3A_305, %swap3A_306], %swap3A_309 {strides = array<i32>} : memref<40x128xf32, #tpu.memory_space<vmem>>, vector<1x16xf32>,
          %get3A_310 = arith.index_cast %scan3A_255 : i32 to index
          %get3A_311 = arith.constant 32 : index
          %get3A_312 = tpu.vector_load %arg16[%get3A_310, %get3A_311] {strides = array<i32>} : memref<40x128xf32, #tpu.memory_space<vmem>>, vector<1x16xf32>,
          %get3A_313 = vector.shape_cast %get3A_312 : vector<1x16xf32> to vector<16xf32>
          %get3A_314 = arith.index_cast %scan3A_255 : i32 to index
          %get3A_315 = arith.constant 32 : index
          %get3A_316 = tpu.vector_load %arg17[%get3A_314, %get3A_315] {strides = array<i32>} : memref<40x128xf32, #tpu.memory_space<vmem>>, vector<1x16xf32>,
          %get3A_317 = vector.shape_cast %get3A_316 : vector<1x16xf32> to vector<16xf32>
          %add3A_318 = arith.addf %get3A_313, %get3A_317 : vector<16xf32>
          %get3A_319 = arith.index_cast %scan3A_255 : i32 to index
          %get3A_320 = arith.constant 32 : index
          %get3A_321 = tpu.vector_load %arg18[%get3A_319, %get3A_320] {strides = array<i32>} : memref<40x128xf32, #tpu.memory_space<vmem>>, vector<1x16xf32>,
          %get3A_322 = vector.shape_cast %get3A_321 : vector<1x16xf32> to vector<16xf32>
          %add3A_323 = arith.addf %add3A_318, %get3A_322 : vector<16xf32>
          %exp3A_324 = math.exp %add3A_323 : vector<16xf32>
          %add3A_325 = arith.constant 1.000000e+00 : f32
          %add3A_326 = vector.broadcast %add3A_325 : f32 to vector<16xf32>
          %add3A_327 = arith.addf %exp3A_324, %add3A_326 : vector<16xf32>
          %div3A_328 = arith.constant 2.000000e+00 : f32
          %div3A_329 = vector.broadcast %div3A_328 : f32 to vector<16xf32>
          %div3A_330 = arith.divf %div3A_329, %add3A_327 : vector<16xf32>
          %sub3A_331 = arith.constant 1.000000e+00 : f32
          %sub3A_332 = vector.broadcast %sub3A_331 : f32 to vector<16xf32>
          %sub3A_333 = arith.subf %sub3A_332, %div3A_330 : vector<16xf32>
          %swap3A_334 = arith.index_cast %scan3A_255 : i32 to index
          %swap3A_335 = arith.constant 32 : index
          %swap3A_336 = tpu.vector_load %arg16[%swap3A_334, %swap3A_335] {strides = array<i32>} : memref<40x128xf32, #tpu.memory_space<vmem>>, vector<1x16xf32>,
          %swap3A_337 = vector.shape_cast %swap3A_336 : vector<1x16xf32> to vector<16xf32>
          %swap3A_338 = vector.shape_cast %sub3A_333 : vector<16xf32> to vector<1x16xf32>
          tpu.vector_store %arg16[%swap3A_334, %swap3A_335], %swap3A_338 {strides = array<i32>} : memref<40x128xf32, #tpu.memory_space<vmem>>, vector<1x16xf32>,
          %get3A_339 = arith.index_cast %scan3A_255 : i32 to index
          %get3A_340 = arith.constant 48 : index
          %get3A_341 = tpu.vector_load %arg16[%get3A_339, %get3A_340] {strides = array<i32>} : memref<40x128xf32, #tpu.memory_space<vmem>>, vector<1x16xf32>,
          %get3A_342 = vector.shape_cast %get3A_341 : vector<1x16xf32> to vector<16xf32>
          %get3A_343 = arith.index_cast %scan3A_255 : i32 to index
          %get3A_344 = arith.constant 48 : index
          %get3A_345 = tpu.vector_load %arg17[%get3A_343, %get3A_344] {strides = array<i32>} : memref<40x128xf32, #tpu.memory_space<vmem>>, vector<1x16xf32>,
          %get3A_346 = vector.shape_cast %get3A_345 : vector<1x16xf32> to vector<16xf32>
          %add3A_347 = arith.addf %get3A_342, %get3A_346 : vector<16xf32>
          %get3A_348 = arith.index_cast %scan3A_255 : i32 to index
          %get3A_349 = arith.constant 48 : index
          %get3A_350 = tpu.vector_load %arg18[%get3A_348, %get3A_349] {strides = array<i32>} : memref<40x128xf32, #tpu.memory_space<vmem>>, vector<1x16xf32>,
          %get3A_351 = vector.shape_cast %get3A_350 : vector<1x16xf32> to vector<16xf32>
          %add3A_352 = arith.addf %add3A_347, %get3A_351 : vector<16xf32>
          %exp3A_353 = math.exp %add3A_352 : vector<16xf32>
          %add3A_354 = arith.constant 1.000000e+00 : f32
          %add3A_355 = vector.broadcast %add3A_354 : f32 to vector<16xf32>
          %add3A_356 = arith.addf %exp3A_353, %add3A_355 : vector<16xf32>
          %div3A_357 = arith.constant 2.000000e+00 : f32
          %div3A_358 = vector.broadcast %div3A_357 : f32 to vector<16xf32>
          %div3A_359 = arith.divf %div3A_358, %add3A_356 : vector<16xf32>
          %sub3A_360 = arith.constant 1.000000e+00 : f32
          %sub3A_361 = vector.broadcast %sub3A_360 : f32 to vector<16xf32>
          %sub3A_362 = arith.subf %sub3A_361, %div3A_359 : vector<16xf32>
          %swap3A_363 = arith.index_cast %scan3A_255 : i32 to index
          %swap3A_364 = arith.constant 48 : index
          %swap3A_365 = tpu.vector_load %arg16[%swap3A_363, %swap3A_364] {strides = array<i32>} : memref<40x128xf32, #tpu.memory_space<vmem>>, vector<1x16xf32>,
          %swap3A_366 = vector.shape_cast %swap3A_365 : vector<1x16xf32> to vector<16xf32>
          %swap3A_367 = vector.shape_cast %sub3A_362 : vector<16xf32> to vector<1x16xf32>
          tpu.vector_store %arg16[%swap3A_363, %swap3A_364], %swap3A_367 {strides = array<i32>} : memref<40x128xf32, #tpu.memory_space<vmem>>, vector<1x16xf32>,
          %get3A_368 = arith.index_cast %scan3A_255 : i32 to index
          %get3A_369 = arith.constant 64 : index
          %get3A_370 = tpu.vector_load %arg16[%get3A_368, %get3A_369] {strides = array<i32>} : memref<40x128xf32, #tpu.memory_space<vmem>>, vector<1x16xf32>,
          %get3A_371 = vector.shape_cast %get3A_370 : vector<1x16xf32> to vector<16xf32>
          %get3A_372 = arith.index_cast %scan3A_255 : i32 to index
          %get3A_373 = arith.constant 64 : index
          %get3A_374 = tpu.vector_load %arg17[%get3A_372, %get3A_373] {strides = array<i32>} : memref<40x128xf32, #tpu.memory_space<vmem>>, vector<1x16xf32>,
          %get3A_375 = vector.shape_cast %get3A_374 : vector<1x16xf32> to vector<16xf32>
          %add3A_376 = arith.addf %get3A_371, %get3A_375 : vector<16xf32>
          %get3A_377 = arith.index_cast %scan3A_255 : i32 to index
          %get3A_378 = arith.constant 64 : index
          %get3A_379 = tpu.vector_load %arg18[%get3A_377, %get3A_378] {strides = array<i32>} : memref<40x128xf32, #tpu.memory_space<vmem>>, vector<1x16xf32>,
          %get3A_380 = vector.shape_cast %get3A_379 : vector<1x16xf32> to vector<16xf32>
          %add3A_381 = arith.addf %add3A_376, %get3A_380 : vector<16xf32>
          %exp3A_382 = math.exp %add3A_381 : vector<16xf32>
          %add3A_383 = arith.constant 1.000000e+00 : f32
          %add3A_384 = vector.broadcast %add3A_383 : f32 to vector<16xf32>
          %add3A_385 = arith.addf %exp3A_382, %add3A_384 : vector<16xf32>
          %div3A_386 = arith.constant 2.000000e+00 : f32
          %div3A_387 = vector.broadcast %div3A_386 : f32 to vector<16xf32>
          %div3A_388 = arith.divf %div3A_387, %add3A_385 : vector<16xf32>
          %sub3A_389 = arith.constant 1.000000e+00 : f32
          %sub3A_390 = vector.broadcast %sub3A_389 : f32 to vector<16xf32>
          %sub3A_391 = arith.subf %sub3A_390, %div3A_388 : vector<16xf32>
          %swap3A_392 = arith.index_cast %scan3A_255 : i32 to index
          %swap3A_393 = arith.constant 64 : index
          %swap3A_394 = tpu.vector_load %arg16[%swap3A_392, %swap3A_393] {strides = array<i32>} : memref<40x128xf32, #tpu.memory_space<vmem>>, vector<1x16xf32>,
          %swap3A_395 = vector.shape_cast %swap3A_394 : vector<1x16xf32> to vector<16xf32>
          %swap3A_396 = vector.shape_cast %sub3A_391 : vector<16xf32> to vector<1x16xf32>
          tpu.vector_store %arg16[%swap3A_392, %swap3A_393], %swap3A_396 {strides = array<i32>} : memref<40x128xf32, #tpu.memory_space<vmem>>, vector<1x16xf32>,
          %get3A_397 = arith.index_cast %scan3A_255 : i32 to index
          %get3A_398 = arith.constant 80 : index
          %get3A_399 = tpu.vector_load %arg16[%get3A_397, %get3A_398] {strides = array<i32>} : memref<40x128xf32, #tpu.memory_space<vmem>>, vector<1x16xf32>,
          %get3A_400 = vector.shape_cast %get3A_399 : vector<1x16xf32> to vector<16xf32>
          %get3A_401 = arith.index_cast %scan3A_255 : i32 to index
          %get3A_402 = arith.constant 80 : index
          %get3A_403 = tpu.vector_load %arg17[%get3A_401, %get3A_402] {strides = array<i32>} : memref<40x128xf32, #tpu.memory_space<vmem>>, vector<1x16xf32>,
          %get3A_404 = vector.shape_cast %get3A_403 : vector<1x16xf32> to vector<16xf32>
          %add3A_405 = arith.addf %get3A_400, %get3A_404 : vector<16xf32>
          %get3A_406 = arith.index_cast %scan3A_255 : i32 to index
          %get3A_407 = arith.constant 80 : index
          %get3A_408 = tpu.vector_load %arg18[%get3A_406, %get3A_407] {strides = array<i32>} : memref<40x128xf32, #tpu.memory_space<vmem>>, vector<1x16xf32>,
          %get3A_409 = vector.shape_cast %get3A_408 : vector<1x16xf32> to vector<16xf32>
          %add3A_410 = arith.addf %add3A_405, %get3A_409 : vector<16xf32>
          %exp3A_411 = math.exp %add3A_410 : vector<16xf32>
          %add3A_412 = arith.constant 1.000000e+00 : f32
          %add3A_413 = vector.broadcast %add3A_412 : f32 to vector<16xf32>
          %add3A_414 = arith.addf %exp3A_411, %add3A_413 : vector<16xf32>
          %div3A_415 = arith.constant 2.000000e+00 : f32
          %div3A_416 = vector.broadcast %div3A_415 : f32 to vector<16xf32>
          %div3A_417 = arith.divf %div3A_416, %add3A_414 : vector<16xf32>
          %sub3A_418 = arith.constant 1.000000e+00 : f32
          %sub3A_419 = vector.broadcast %sub3A_418 : f32 to vector<16xf32>
          %sub3A_420 = arith.subf %sub3A_419, %div3A_417 : vector<16xf32>
          %swap3A_421 = arith.index_cast %scan3A_255 : i32 to index
          %swap3A_422 = arith.constant 80 : index
          %swap3A_423 = tpu.vector_load %arg16[%swap3A_421, %swap3A_422] {strides = array<i32>} : memref<40x128xf32, #tpu.memory_space<vmem>>, vector<1x16xf32>,
          %swap3A_424 = vector.shape_cast %swap3A_423 : vector<1x16xf32> to vector<16xf32>
          %swap3A_425 = vector.shape_cast %sub3A_420 : vector<16xf32> to vector<1x16xf32>
          tpu.vector_store %arg16[%swap3A_421, %swap3A_422], %swap3A_425 {strides = array<i32>} : memref<40x128xf32, #tpu.memory_space<vmem>>, vector<1x16xf32>,
          %get3A_426 = arith.index_cast %scan3A_255 : i32 to index
          %get3A_427 = arith.constant 96 : index
          %get3A_428 = tpu.vector_load %arg16[%get3A_426, %get3A_427] {strides = array<i32>} : memref<40x128xf32, #tpu.memory_space<vmem>>, vector<1x16xf32>,
          %get3A_429 = vector.shape_cast %get3A_428 : vector<1x16xf32> to vector<16xf32>
          %get3A_430 = arith.index_cast %scan3A_255 : i32 to index
          %get3A_431 = arith.constant 96 : index
          %get3A_432 = tpu.vector_load %arg17[%get3A_430, %get3A_431] {strides = array<i32>} : memref<40x128xf32, #tpu.memory_space<vmem>>, vector<1x16xf32>,
          %get3A_433 = vector.shape_cast %get3A_432 : vector<1x16xf32> to vector<16xf32>
          %add3A_434 = arith.addf %get3A_429, %get3A_433 : vector<16xf32>
          %get3A_435 = arith.index_cast %scan3A_255 : i32 to index
          %get3A_436 = arith.constant 96 : index
          %get3A_437 = tpu.vector_load %arg18[%get3A_435, %get3A_436] {strides = array<i32>} : memref<40x128xf32, #tpu.memory_space<vmem>>, vector<1x16xf32>,
          %get3A_438 = vector.shape_cast %get3A_437 : vector<1x16xf32> to vector<16xf32>
          %add3A_439 = arith.addf %add3A_434, %get3A_438 : vector<16xf32>
          %exp3A_440 = math.exp %add3A_439 : vector<16xf32>
          %add3A_441 = arith.constant 1.000000e+00 : f32
          %add3A_442 = vector.broadcast %add3A_441 : f32 to vector<16xf32>
          %add3A_443 = arith.addf %exp3A_440, %add3A_442 : vector<16xf32>
          %div3A_444 = arith.constant 2.000000e+00 : f32
          %div3A_445 = vector.broadcast %div3A_444 : f32 to vector<16xf32>
          %div3A_446 = arith.divf %div3A_445, %add3A_443 : vector<16xf32>
          %sub3A_447 = arith.constant 1.000000e+00 : f32
          %sub3A_448 = vector.broadcast %sub3A_447 : f32 to vector<16xf32>
          %sub3A_449 = arith.subf %sub3A_448, %div3A_446 : vector<16xf32>
          %swap3A_450 = arith.index_cast %scan3A_255 : i32 to index
          %swap3A_451 = arith.constant 96 : index
          %swap3A_452 = tpu.vector_load %arg16[%swap3A_450, %swap3A_451] {strides = array<i32>} : memref<40x128xf32, #tpu.memory_space<vmem>>, vector<1x16xf32>,
          %swap3A_453 = vector.shape_cast %swap3A_452 : vector<1x16xf32> to vector<16xf32>
          %swap3A_454 = vector.shape_cast %sub3A_449 : vector<16xf32> to vector<1x16xf32>
          tpu.vector_store %arg16[%swap3A_450, %swap3A_451], %swap3A_454 {strides = array<i32>} : memref<40x128xf32, #tpu.memory_space<vmem>>, vector<1x16xf32>,
          %get3A_455 = arith.index_cast %scan3A_255 : i32 to index
          %get3A_456 = arith.constant 112 : index
          %get3A_457 = tpu.vector_load %arg16[%get3A_455, %get3A_456] {strides = array<i32>} : memref<40x128xf32, #tpu.memory_space<vmem>>, vector<1x16xf32>,
          %get3A_458 = vector.shape_cast %get3A_457 : vector<1x16xf32> to vector<16xf32>
          %get3A_459 = arith.index_cast %scan3A_255 : i32 to index
          %get3A_460 = arith.constant 112 : index
          %get3A_461 = tpu.vector_load %arg17[%get3A_459, %get3A_460] {strides = array<i32>} : memref<40x128xf32, #tpu.memory_space<vmem>>, vector<1x16xf32>,
          %get3A_462 = vector.shape_cast %get3A_461 : vector<1x16xf32> to vector<16xf32>
          %add3A_463 = arith.addf %get3A_458, %get3A_462 : vector<16xf32>
          %get3A_464 = arith.index_cast %scan3A_255 : i32 to index
          %get3A_465 = arith.constant 112 : index
          %get3A_466 = tpu.vector_load %arg18[%get3A_464, %get3A_465] {strides = array<i32>} : memref<40x128xf32, #tpu.memory_space<vmem>>, vector<1x16xf32>,
          %get3A_467 = vector.shape_cast %get3A_466 : vector<1x16xf32> to vector<16xf32>
          %add3A_468 = arith.addf %add3A_463, %get3A_467 : vector<16xf32>
          %exp3A_469 = math.exp %add3A_468 : vector<16xf32>
          %add3A_470 = arith.constant 1.000000e+00 : f32
          %add3A_471 = vector.broadcast %add3A_470 : f32 to vector<16xf32>
          %add3A_472 = arith.addf %exp3A_469, %add3A_471 : vector<16xf32>
          %div3A_473 = arith.constant 2.000000e+00 : f32
          %div3A_474 = vector.broadcast %div3A_473 : f32 to vector<16xf32>
          %div3A_475 = arith.divf %div3A_474, %add3A_472 : vector<16xf32>
          %sub3A_476 = arith.constant 1.000000e+00 : f32
          %sub3A_477 = vector.broadcast %sub3A_476 : f32 to vector<16xf32>
          %sub3A_478 = arith.subf %sub3A_477, %div3A_475 : vector<16xf32>
          %swap3A_479 = arith.index_cast %scan3A_255 : i32 to index
          %swap3A_480 = arith.constant 112 : index
          %swap3A_481 = tpu.vector_load %arg16[%swap3A_479, %swap3A_480] {strides = array<i32>} : memref<40x128xf32, #tpu.memory_space<vmem>>, vector<1x16xf32>,
          %swap3A_482 = vector.shape_cast %swap3A_481 : vector<1x16xf32> to vector<16xf32>
          %swap3A_483 = vector.shape_cast %sub3A_478 : vector<16xf32> to vector<1x16xf32>
          tpu.vector_store %arg16[%swap3A_479, %swap3A_480], %swap3A_483 {strides = array<i32>} : memref<40x128xf32, #tpu.memory_space<vmem>>, vector<1x16xf32>,
          %scan3A_484 = arith.constant 0 : i32
          scf.yield %scan3A_484 : i32
        }
        %scan3A_209 = arith.constant 40 : i32
        "tpu.region"() ({
          %run_scoped3A = tpu.sem_alloc : memref<!tpu.dma_semaphore, #tpu.memory_space<semaphore_mem>>
          %dma_start3A_255 = arith.constant 0 : i32
          %dma_start3A_256 = arith.constant 0 : i32
          %dma_start3A_257 = tpu.memref_slice %arg11[%dma_start3A_255, %dma_start3A_256] : memref<10240x128xf32, #tpu.memory_space<vmem_shared>> -> memref<10240x128xf32, #tpu.memory_space<vmem_shared>>
          tpu.enqueue_indirect_dma source(%arg16 : memref<40x128xf32, #tpu.memory_space<vmem>>) target(%dma_start3A_257 : memref<10240x128xf32, #tpu.memory_space<vmem_shared>>) offsets(%arg12 : memref<40xi32, #tpu.memory_space<vmem>>) semaphore(%run_scoped3A : memref<!tpu.dma_semaphore, #tpu.memory_space<semaphore_mem>>) {add = true}
          %dma_wait3A_258 = arith.constant 0 : i32
          %dma_wait3A_259 = arith.constant 0 : i32
          %dma_wait3A_260 = tpu.memref_slice %arg11[%dma_wait3A_258, %dma_wait3A_259] : memref<10240x128xf32, #tpu.memory_space<vmem_shared>> -> memref<10240x128xf32, #tpu.memory_space<vmem_shared>>
          tpu.wait_indirect_dma semaphore(%run_scoped3A : memref<!tpu.dma_semaphore, #tpu.memory_space<semaphore_mem>>) src(%arg16 : memref<40x128xf32, #tpu.memory_space<vmem>>) dst(%dma_wait3A_260 : memref<10240x128xf32, #tpu.memory_space<vmem_shared>>)
          tpu.yield
        }) : () -> ()
        %mul3A_210 = arith.constant 2 : i32
        %mul3A_211 = arith.muli %mul3A_210, %scan3A_164 : i32
        %add3A_212 = arith.constant 2 : i32
        %add3A_213 = arith.addi %mul3A_211, %add3A_212 : i32
        %mul3A_214 = arith.constant 40 : i32
        %mul3A_215 = arith.muli %add3A_213, %mul3A_214 : i32
        %add3A_216 = arith.addi %mul3A_16, %mul3A_215 : i32
        %multiple_of3A_217 = tpu.assume_multiple %add3A_216, 8 : i32
        "tpu.region"() ({
          %run_scoped3A = tpu.sem_alloc : memref<!tpu.dma_semaphore, #tpu.memory_space<semaphore_mem>>
          %dma_start3A_255 = tpu.memref_slice %arg2[%multiple_of3A_217] : memref<320000xi32, #tpu.memory_space<hbm>> -> memref<40xi32, #tpu.memory_space<hbm>>
          %dma_start3A_256 = tpu.memref_slice %arg2[%multiple_of3A_217] : memref<320000xi32, #tpu.memory_space<hbm>> -> memref<40xi32, #tpu.memory_space<hbm>>
          tpu.enqueue_dma source(%dma_start3A_256 : memref<40xi32, #tpu.memory_space<hbm>>) target(%arg12 : memref<40xi32, #tpu.memory_space<vmem>>) target_semaphore(%run_scoped3A : memref<!tpu.dma_semaphore, #tpu.memory_space<semaphore_mem>>)
          %dma_wait3A_257 = tpu.memref_slice %arg2[%multiple_of3A_217] : memref<320000xi32, #tpu.memory_space<hbm>> -> memref<40xi32, #tpu.memory_space<hbm>>
          %dma_wait3A_258 = tpu.memref_slice %arg2[%multiple_of3A_217] : memref<320000xi32, #tpu.memory_space<hbm>> -> memref<40xi32, #tpu.memory_space<hbm>>
          tpu.wait_dma2 semaphore(%run_scoped3A : memref<!tpu.dma_semaphore, #tpu.memory_space<semaphore_mem>>) src(%dma_wait3A_258 : memref<40xi32, #tpu.memory_space<hbm>>) dst(%arg12 : memref<40xi32, #tpu.memory_space<vmem>>)
          tpu.yield
        }) : () -> ()
        "tpu.region"() ({
          %run_scoped3A = tpu.sem_alloc : memref<!tpu.dma_semaphore, #tpu.memory_space<semaphore_mem>>
          %dma_start3A_255 = tpu.memref_slice %arg3[%multiple_of3A_217] : memref<320000xi32, #tpu.memory_space<hbm>> -> memref<40xi32, #tpu.memory_space<hbm>>
          %dma_start3A_256 = tpu.memref_slice %arg3[%multiple_of3A_217] : memref<320000xi32, #tpu.memory_space<hbm>> -> memref<40xi32, #tpu.memory_space<hbm>>
          tpu.enqueue_dma source(%dma_start3A_256 : memref<40xi32, #tpu.memory_space<hbm>>) target(%arg13 : memref<40xi32, #tpu.memory_space<vmem>>) target_semaphore(%run_scoped3A : memref<!tpu.dma_semaphore, #tpu.memory_space<semaphore_mem>>)
          %dma_wait3A_257 = tpu.memref_slice %arg3[%multiple_of3A_217] : memref<320000xi32, #tpu.memory_space<hbm>> -> memref<40xi32, #tpu.memory_space<hbm>>
          %dma_wait3A_258 = tpu.memref_slice %arg3[%multiple_of3A_217] : memref<320000xi32, #tpu.memory_space<hbm>> -> memref<40xi32, #tpu.memory_space<hbm>>
          tpu.wait_dma2 semaphore(%run_scoped3A : memref<!tpu.dma_semaphore, #tpu.memory_space<semaphore_mem>>) src(%dma_wait3A_258 : memref<40xi32, #tpu.memory_space<hbm>>) dst(%arg13 : memref<40xi32, #tpu.memory_space<vmem>>)
          tpu.yield
        }) : () -> ()
        %mul3A_218 = arith.constant 40 : i32
        %mul3A_219 = arith.muli %add3A_213, %mul3A_218 : i32
        %add3A_220 = arith.addi %mul3A_16, %mul3A_219 : i32
        %multiple_of3A_221 = tpu.assume_multiple %add3A_220, 8 : i32
        %dma_start3A_222 = arith.constant 0 : i32
        %dma_start3A_223 = arith.constant 0 : i32
        %dma_start3A_224 = tpu.memref_slice %arg4[%dma_start3A_222, %dma_start3A_223] : memref<10000x128xf32, #tpu.memory_space<hbm>> -> memref<10000x128xf32, #tpu.memory_space<hbm>>
        tpu.enqueue_indirect_dma source(%dma_start3A_224 : memref<10000x128xf32, #tpu.memory_space<hbm>>) target(%arg16 : memref<40x128xf32, #tpu.memory_space<vmem>>) offsets(%arg12 : memref<40xi32, #tpu.memory_space<vmem>>) semaphore(%arg22 : memref<!tpu.dma_semaphore, #tpu.memory_space<semaphore_mem>>)
        %dma_start3A_225 = arith.constant 0 : i32
        %dma_start3A_226 = arith.constant 0 : i32
        %dma_start3A_227 = tpu.memref_slice %arg6[%dma_start3A_225, %dma_start3A_226] : memref<10000x128xf32, #tpu.memory_space<hbm>> -> memref<10000x128xf32, #tpu.memory_space<hbm>>
        tpu.enqueue_indirect_dma source(%dma_start3A_227 : memref<10000x128xf32, #tpu.memory_space<hbm>>) target(%arg17 : memref<40x128xf32, #tpu.memory_space<vmem>>) offsets(%arg13 : memref<40xi32, #tpu.memory_space<vmem>>) semaphore(%arg22 : memref<!tpu.dma_semaphore, #tpu.memory_space<semaphore_mem>>)
        %add3A_228 = arith.constant 0 : i32
        %add3A_229 = arith.addi %add3A_228, %multiple_of3A_221 : i32
        %multiple_of3A_230 = tpu.assume_multiple %add3A_229, 8 : i32
        %dma_start3A_231 = arith.constant 0 : i32
        %dma_start3A_232 = tpu.memref_slice %arg8[%multiple_of3A_230, %dma_start3A_231] : memref<640000x128xf32, #tpu.memory_space<hbm>> -> memref<40x128xf32, #tpu.memory_space<hbm>>
        %dma_start3A_233 = arith.constant 0 : i32
        %dma_start3A_234 = tpu.memref_slice %arg8[%multiple_of3A_230, %dma_start3A_233] : memref<640000x128xf32, #tpu.memory_space<hbm>> -> memref<40x128xf32, #tpu.memory_space<hbm>>
        tpu.enqueue_dma source(%dma_start3A_234 : memref<40x128xf32, #tpu.memory_space<hbm>>) target(%arg18 : memref<40x128xf32, #tpu.memory_space<vmem>>) target_semaphore(%arg22 : memref<!tpu.dma_semaphore, #tpu.memory_space<semaphore_mem>>)
        %dma_wait3A_235 = arith.constant 0 : i32
        %dma_wait3A_236 = arith.constant 0 : i32
        %dma_wait3A_237 = tpu.memref_slice %arg4[%dma_wait3A_235, %dma_wait3A_236] : memref<10000x128xf32, #tpu.memory_space<hbm>> -> memref<10000x128xf32, #tpu.memory_space<hbm>>
        tpu.wait_indirect_dma semaphore(%arg23 : memref<!tpu.dma_semaphore, #tpu.memory_space<semaphore_mem>>) src(%dma_wait3A_237 : memref<10000x128xf32, #tpu.memory_space<hbm>>) dst(%arg19 : memref<40x128xf32, #tpu.memory_space<vmem>>)
        %dma_wait3A_238 = arith.constant 0 : i32
        %dma_wait3A_239 = arith.constant 0 : i32
        %dma_wait3A_240 = tpu.memref_slice %arg6[%dma_wait3A_238, %dma_wait3A_239] : memref<10000x128xf32, #tpu.memory_space<hbm>> -> memref<10000x128xf32, #tpu.memory_space<hbm>>
        tpu.wait_indirect_dma semaphore(%arg23 : memref<!tpu.dma_semaphore, #tpu.memory_space<semaphore_mem>>) src(%dma_wait3A_240 : memref<10000x128xf32, #tpu.memory_space<hbm>>) dst(%arg20 : memref<40x128xf32, #tpu.memory_space<vmem>>)
        %dma_wait3A_241 = arith.constant 0 : i32
        %dma_wait3A_242 = arith.constant 0 : i32
        %dma_wait3A_243 = tpu.memref_slice %arg8[%dma_wait3A_241, %dma_wait3A_242] : memref<640000x128xf32, #tpu.memory_space<hbm>> -> memref<40x128xf32, #tpu.memory_space<hbm>>
        %dma_wait3A_244 = arith.constant 0 : i32
        %dma_wait3A_245 = arith.constant 0 : i32
        %dma_wait3A_246 = tpu.memref_slice %arg8[%dma_wait3A_244, %dma_wait3A_245] : memref<640000x128xf32, #tpu.memory_space<hbm>> -> memref<40x128xf32, #tpu.memory_space<hbm>>
        tpu.wait_dma2 semaphore(%arg23 : memref<!tpu.dma_semaphore, #tpu.memory_space<semaphore_mem>>) src(%dma_wait3A_246 : memref<40x128xf32, #tpu.memory_space<hbm>>) dst(%arg21 : memref<40x128xf32, #tpu.memory_space<vmem>>)
        %scan3A_247 = arith.constant 0 : i32
        %scan3A_248 = arith.constant 0 : i32
        %scan3A_249 = arith.constant 40 : i32
        %scan3A_250 = arith.addi %scan3A_248, %scan3A_249 : i32
        %scan3A_251 = arith.constant 1 : i32
        %scan3A_252 = scf.for %scan3A_255 = %scan3A_248 to %scan3A_250 step %scan3A_251 iter_args(%scan3A_256 = %scan3A_247) -> (i32)  : i32 {
          %get3A = arith.index_cast %scan3A_255 : i32 to index
          %get3A_257 = arith.constant 0 : index
          %get3A_258 = tpu.vector_load %arg19[%get3A, %get3A_257] {strides = array<i32>} : memref<40x128xf32, #tpu.memory_space<vmem>>, vector<1x16xf32>,
          %get3A_259 = vector.shape_cast %get3A_258 : vector<1x16xf32> to vector<16xf32>
          %get3A_260 = arith.index_cast %scan3A_255 : i32 to index
          %get3A_261 = arith.constant 0 : index
          %get3A_262 = tpu.vector_load %arg20[%get3A_260, %get3A_261] {strides = array<i32>} : memref<40x128xf32, #tpu.memory_space<vmem>>, vector<1x16xf32>,
          %get3A_263 = vector.shape_cast %get3A_262 : vector<1x16xf32> to vector<16xf32>
          %add3A_264 = arith.addf %get3A_259, %get3A_263 : vector<16xf32>
          %get3A_265 = arith.index_cast %scan3A_255 : i32 to index
          %get3A_266 = arith.constant 0 : index
          %get3A_267 = tpu.vector_load %arg21[%get3A_265, %get3A_266] {strides = array<i32>} : memref<40x128xf32, #tpu.memory_space<vmem>>, vector<1x16xf32>,
          %get3A_268 = vector.shape_cast %get3A_267 : vector<1x16xf32> to vector<16xf32>
          %add3A_269 = arith.addf %add3A_264, %get3A_268 : vector<16xf32>
          %exp3A = math.exp %add3A_269 : vector<16xf32>
          %add3A_270 = arith.constant 1.000000e+00 : f32
          %add3A_271 = vector.broadcast %add3A_270 : f32 to vector<16xf32>
          %add3A_272 = arith.addf %exp3A, %add3A_271 : vector<16xf32>
          %div3A = arith.constant 2.000000e+00 : f32
          %div3A_273 = vector.broadcast %div3A : f32 to vector<16xf32>
          %div3A_274 = arith.divf %div3A_273, %add3A_272 : vector<16xf32>
          %sub3A = arith.constant 1.000000e+00 : f32
          %sub3A_275 = vector.broadcast %sub3A : f32 to vector<16xf32>
          %sub3A_276 = arith.subf %sub3A_275, %div3A_274 : vector<16xf32>
          %swap3A = arith.index_cast %scan3A_255 : i32 to index
          %swap3A_277 = arith.constant 0 : index
          %swap3A_278 = tpu.vector_load %arg19[%swap3A, %swap3A_277] {strides = array<i32>} : memref<40x128xf32, #tpu.memory_space<vmem>>, vector<1x16xf32>,
          %swap3A_279 = vector.shape_cast %swap3A_278 : vector<1x16xf32> to vector<16xf32>
          %swap3A_280 = vector.shape_cast %sub3A_276 : vector<16xf32> to vector<1x16xf32>
          tpu.vector_store %arg19[%swap3A, %swap3A_277], %swap3A_280 {strides = array<i32>} : memref<40x128xf32, #tpu.memory_space<vmem>>, vector<1x16xf32>,
          %get3A_281 = arith.index_cast %scan3A_255 : i32 to index
          %get3A_282 = arith.constant 16 : index
          %get3A_283 = tpu.vector_load %arg19[%get3A_281, %get3A_282] {strides = array<i32>} : memref<40x128xf32, #tpu.memory_space<vmem>>, vector<1x16xf32>,
          %get3A_284 = vector.shape_cast %get3A_283 : vector<1x16xf32> to vector<16xf32>
          %get3A_285 = arith.index_cast %scan3A_255 : i32 to index
          %get3A_286 = arith.constant 16 : index
          %get3A_287 = tpu.vector_load %arg20[%get3A_285, %get3A_286] {strides = array<i32>} : memref<40x128xf32, #tpu.memory_space<vmem>>, vector<1x16xf32>,
          %get3A_288 = vector.shape_cast %get3A_287 : vector<1x16xf32> to vector<16xf32>
          %add3A_289 = arith.addf %get3A_284, %get3A_288 : vector<16xf32>
          %get3A_290 = arith.index_cast %scan3A_255 : i32 to index
          %get3A_291 = arith.constant 16 : index
          %get3A_292 = tpu.vector_load %arg21[%get3A_290, %get3A_291] {strides = array<i32>} : memref<40x128xf32, #tpu.memory_space<vmem>>, vector<1x16xf32>,
          %get3A_293 = vector.shape_cast %get3A_292 : vector<1x16xf32> to vector<16xf32>
          %add3A_294 = arith.addf %add3A_289, %get3A_293 : vector<16xf32>
          %exp3A_295 = math.exp %add3A_294 : vector<16xf32>
          %add3A_296 = arith.constant 1.000000e+00 : f32
          %add3A_297 = vector.broadcast %add3A_296 : f32 to vector<16xf32>
          %add3A_298 = arith.addf %exp3A_295, %add3A_297 : vector<16xf32>
          %div3A_299 = arith.constant 2.000000e+00 : f32
          %div3A_300 = vector.broadcast %div3A_299 : f32 to vector<16xf32>
          %div3A_301 = arith.divf %div3A_300, %add3A_298 : vector<16xf32>
          %sub3A_302 = arith.constant 1.000000e+00 : f32
          %sub3A_303 = vector.broadcast %sub3A_302 : f32 to vector<16xf32>
          %sub3A_304 = arith.subf %sub3A_303, %div3A_301 : vector<16xf32>
          %swap3A_305 = arith.index_cast %scan3A_255 : i32 to index
          %swap3A_306 = arith.constant 16 : index
          %swap3A_307 = tpu.vector_load %arg19[%swap3A_305, %swap3A_306] {strides = array<i32>} : memref<40x128xf32, #tpu.memory_space<vmem>>, vector<1x16xf32>,
          %swap3A_308 = vector.shape_cast %swap3A_307 : vector<1x16xf32> to vector<16xf32>
          %swap3A_309 = vector.shape_cast %sub3A_304 : vector<16xf32> to vector<1x16xf32>
          tpu.vector_store %arg19[%swap3A_305, %swap3A_306], %swap3A_309 {strides = array<i32>} : memref<40x128xf32, #tpu.memory_space<vmem>>, vector<1x16xf32>,
          %get3A_310 = arith.index_cast %scan3A_255 : i32 to index
          %get3A_311 = arith.constant 32 : index
          %get3A_312 = tpu.vector_load %arg19[%get3A_310, %get3A_311] {strides = array<i32>} : memref<40x128xf32, #tpu.memory_space<vmem>>, vector<1x16xf32>,
          %get3A_313 = vector.shape_cast %get3A_312 : vector<1x16xf32> to vector<16xf32>
          %get3A_314 = arith.index_cast %scan3A_255 : i32 to index
          %get3A_315 = arith.constant 32 : index
          %get3A_316 = tpu.vector_load %arg20[%get3A_314, %get3A_315] {strides = array<i32>} : memref<40x128xf32, #tpu.memory_space<vmem>>, vector<1x16xf32>,
          %get3A_317 = vector.shape_cast %get3A_316 : vector<1x16xf32> to vector<16xf32>
          %add3A_318 = arith.addf %get3A_313, %get3A_317 : vector<16xf32>
          %get3A_319 = arith.index_cast %scan3A_255 : i32 to index
          %get3A_320 = arith.constant 32 : index
          %get3A_321 = tpu.vector_load %arg21[%get3A_319, %get3A_320] {strides = array<i32>} : memref<40x128xf32, #tpu.memory_space<vmem>>, vector<1x16xf32>,
          %get3A_322 = vector.shape_cast %get3A_321 : vector<1x16xf32> to vector<16xf32>
          %add3A_323 = arith.addf %add3A_318, %get3A_322 : vector<16xf32>
          %exp3A_324 = math.exp %add3A_323 : vector<16xf32>
          %add3A_325 = arith.constant 1.000000e+00 : f32
          %add3A_326 = vector.broadcast %add3A_325 : f32 to vector<16xf32>
          %add3A_327 = arith.addf %exp3A_324, %add3A_326 : vector<16xf32>
          %div3A_328 = arith.constant 2.000000e+00 : f32
          %div3A_329 = vector.broadcast %div3A_328 : f32 to vector<16xf32>
          %div3A_330 = arith.divf %div3A_329, %add3A_327 : vector<16xf32>
          %sub3A_331 = arith.constant 1.000000e+00 : f32
          %sub3A_332 = vector.broadcast %sub3A_331 : f32 to vector<16xf32>
          %sub3A_333 = arith.subf %sub3A_332, %div3A_330 : vector<16xf32>
          %swap3A_334 = arith.index_cast %scan3A_255 : i32 to index
          %swap3A_335 = arith.constant 32 : index
          %swap3A_336 = tpu.vector_load %arg19[%swap3A_334, %swap3A_335] {strides = array<i32>} : memref<40x128xf32, #tpu.memory_space<vmem>>, vector<1x16xf32>,
          %swap3A_337 = vector.shape_cast %swap3A_336 : vector<1x16xf32> to vector<16xf32>
          %swap3A_338 = vector.shape_cast %sub3A_333 : vector<16xf32> to vector<1x16xf32>
          tpu.vector_store %arg19[%swap3A_334, %swap3A_335], %swap3A_338 {strides = array<i32>} : memref<40x128xf32, #tpu.memory_space<vmem>>, vector<1x16xf32>,
          %get3A_339 = arith.index_cast %scan3A_255 : i32 to index
          %get3A_340 = arith.constant 48 : index
          %get3A_341 = tpu.vector_load %arg19[%get3A_339, %get3A_340] {strides = array<i32>} : memref<40x128xf32, #tpu.memory_space<vmem>>, vector<1x16xf32>,
          %get3A_342 = vector.shape_cast %get3A_341 : vector<1x16xf32> to vector<16xf32>
          %get3A_343 = arith.index_cast %scan3A_255 : i32 to index
          %get3A_344 = arith.constant 48 : index
          %get3A_345 = tpu.vector_load %arg20[%get3A_343, %get3A_344] {strides = array<i32>} : memref<40x128xf32, #tpu.memory_space<vmem>>, vector<1x16xf32>,
          %get3A_346 = vector.shape_cast %get3A_345 : vector<1x16xf32> to vector<16xf32>
          %add3A_347 = arith.addf %get3A_342, %get3A_346 : vector<16xf32>
          %get3A_348 = arith.index_cast %scan3A_255 : i32 to index
          %get3A_349 = arith.constant 48 : index
          %get3A_350 = tpu.vector_load %arg21[%get3A_348, %get3A_349] {strides = array<i32>} : memref<40x128xf32, #tpu.memory_space<vmem>>, vector<1x16xf32>,
          %get3A_351 = vector.shape_cast %get3A_350 : vector<1x16xf32> to vector<16xf32>
          %add3A_352 = arith.addf %add3A_347, %get3A_351 : vector<16xf32>
          %exp3A_353 = math.exp %add3A_352 : vector<16xf32>
          %add3A_354 = arith.constant 1.000000e+00 : f32
          %add3A_355 = vector.broadcast %add3A_354 : f32 to vector<16xf32>
          %add3A_356 = arith.addf %exp3A_353, %add3A_355 : vector<16xf32>
          %div3A_357 = arith.constant 2.000000e+00 : f32
          %div3A_358 = vector.broadcast %div3A_357 : f32 to vector<16xf32>
          %div3A_359 = arith.divf %div3A_358, %add3A_356 : vector<16xf32>
          %sub3A_360 = arith.constant 1.000000e+00 : f32
          %sub3A_361 = vector.broadcast %sub3A_360 : f32 to vector<16xf32>
          %sub3A_362 = arith.subf %sub3A_361, %div3A_359 : vector<16xf32>
          %swap3A_363 = arith.index_cast %scan3A_255 : i32 to index
          %swap3A_364 = arith.constant 48 : index
          %swap3A_365 = tpu.vector_load %arg19[%swap3A_363, %swap3A_364] {strides = array<i32>} : memref<40x128xf32, #tpu.memory_space<vmem>>, vector<1x16xf32>,
          %swap3A_366 = vector.shape_cast %swap3A_365 : vector<1x16xf32> to vector<16xf32>
          %swap3A_367 = vector.shape_cast %sub3A_362 : vector<16xf32> to vector<1x16xf32>
          tpu.vector_store %arg19[%swap3A_363, %swap3A_364], %swap3A_367 {strides = array<i32>} : memref<40x128xf32, #tpu.memory_space<vmem>>, vector<1x16xf32>,
          %get3A_368 = arith.index_cast %scan3A_255 : i32 to index
          %get3A_369 = arith.constant 64 : index
          %get3A_370 = tpu.vector_load %arg19[%get3A_368, %get3A_369] {strides = array<i32>} : memref<40x128xf32, #tpu.memory_space<vmem>>, vector<1x16xf32>,
          %get3A_371 = vector.shape_cast %get3A_370 : vector<1x16xf32> to vector<16xf32>
          %get3A_372 = arith.index_cast %scan3A_255 : i32 to index
          %get3A_373 = arith.constant 64 : index
          %get3A_374 = tpu.vector_load %arg20[%get3A_372, %get3A_373] {strides = array<i32>} : memref<40x128xf32, #tpu.memory_space<vmem>>, vector<1x16xf32>,
          %get3A_375 = vector.shape_cast %get3A_374 : vector<1x16xf32> to vector<16xf32>
          %add3A_376 = arith.addf %get3A_371, %get3A_375 : vector<16xf32>
          %get3A_377 = arith.index_cast %scan3A_255 : i32 to index
          %get3A_378 = arith.constant 64 : index
          %get3A_379 = tpu.vector_load %arg21[%get3A_377, %get3A_378] {strides = array<i32>} : memref<40x128xf32, #tpu.memory_space<vmem>>, vector<1x16xf32>,
          %get3A_380 = vector.shape_cast %get3A_379 : vector<1x16xf32> to vector<16xf32>
          %add3A_381 = arith.addf %add3A_376, %get3A_380 : vector<16xf32>
          %exp3A_382 = math.exp %add3A_381 : vector<16xf32>
          %add3A_383 = arith.constant 1.000000e+00 : f32
          %add3A_384 = vector.broadcast %add3A_383 : f32 to vector<16xf32>
          %add3A_385 = arith.addf %exp3A_382, %add3A_384 : vector<16xf32>
          %div3A_386 = arith.constant 2.000000e+00 : f32
          %div3A_387 = vector.broadcast %div3A_386 : f32 to vector<16xf32>
          %div3A_388 = arith.divf %div3A_387, %add3A_385 : vector<16xf32>
          %sub3A_389 = arith.constant 1.000000e+00 : f32
          %sub3A_390 = vector.broadcast %sub3A_389 : f32 to vector<16xf32>
          %sub3A_391 = arith.subf %sub3A_390, %div3A_388 : vector<16xf32>
          %swap3A_392 = arith.index_cast %scan3A_255 : i32 to index
          %swap3A_393 = arith.constant 64 : index
          %swap3A_394 = tpu.vector_load %arg19[%swap3A_392, %swap3A_393] {strides = array<i32>} : memref<40x128xf32, #tpu.memory_space<vmem>>, vector<1x16xf32>,
          %swap3A_395 = vector.shape_cast %swap3A_394 : vector<1x16xf32> to vector<16xf32>
          %swap3A_396 = vector.shape_cast %sub3A_391 : vector<16xf32> to vector<1x16xf32>
          tpu.vector_store %arg19[%swap3A_392, %swap3A_393], %swap3A_396 {strides = array<i32>} : memref<40x128xf32, #tpu.memory_space<vmem>>, vector<1x16xf32>,
          %get3A_397 = arith.index_cast %scan3A_255 : i32 to index
          %get3A_398 = arith.constant 80 : index
          %get3A_399 = tpu.vector_load %arg19[%get3A_397, %get3A_398] {strides = array<i32>} : memref<40x128xf32, #tpu.memory_space<vmem>>, vector<1x16xf32>,
          %get3A_400 = vector.shape_cast %get3A_399 : vector<1x16xf32> to vector<16xf32>
          %get3A_401 = arith.index_cast %scan3A_255 : i32 to index
          %get3A_402 = arith.constant 80 : index
          %get3A_403 = tpu.vector_load %arg20[%get3A_401, %get3A_402] {strides = array<i32>} : memref<40x128xf32, #tpu.memory_space<vmem>>, vector<1x16xf32>,
          %get3A_404 = vector.shape_cast %get3A_403 : vector<1x16xf32> to vector<16xf32>
          %add3A_405 = arith.addf %get3A_400, %get3A_404 : vector<16xf32>
          %get3A_406 = arith.index_cast %scan3A_255 : i32 to index
          %get3A_407 = arith.constant 80 : index
          %get3A_408 = tpu.vector_load %arg21[%get3A_406, %get3A_407] {strides = array<i32>} : memref<40x128xf32, #tpu.memory_space<vmem>>, vector<1x16xf32>,
          %get3A_409 = vector.shape_cast %get3A_408 : vector<1x16xf32> to vector<16xf32>
          %add3A_410 = arith.addf %add3A_405, %get3A_409 : vector<16xf32>
          %exp3A_411 = math.exp %add3A_410 : vector<16xf32>
          %add3A_412 = arith.constant 1.000000e+00 : f32
          %add3A_413 = vector.broadcast %add3A_412 : f32 to vector<16xf32>
          %add3A_414 = arith.addf %exp3A_411, %add3A_413 : vector<16xf32>
          %div3A_415 = arith.constant 2.000000e+00 : f32
          %div3A_416 = vector.broadcast %div3A_415 : f32 to vector<16xf32>
          %div3A_417 = arith.divf %div3A_416, %add3A_414 : vector<16xf32>
          %sub3A_418 = arith.constant 1.000000e+00 : f32
          %sub3A_419 = vector.broadcast %sub3A_418 : f32 to vector<16xf32>
          %sub3A_420 = arith.subf %sub3A_419, %div3A_417 : vector<16xf32>
          %swap3A_421 = arith.index_cast %scan3A_255 : i32 to index
          %swap3A_422 = arith.constant 80 : index
          %swap3A_423 = tpu.vector_load %arg19[%swap3A_421, %swap3A_422] {strides = array<i32>} : memref<40x128xf32, #tpu.memory_space<vmem>>, vector<1x16xf32>,
          %swap3A_424 = vector.shape_cast %swap3A_423 : vector<1x16xf32> to vector<16xf32>
          %swap3A_425 = vector.shape_cast %sub3A_420 : vector<16xf32> to vector<1x16xf32>
          tpu.vector_store %arg19[%swap3A_421, %swap3A_422], %swap3A_425 {strides = array<i32>} : memref<40x128xf32, #tpu.memory_space<vmem>>, vector<1x16xf32>,
          %get3A_426 = arith.index_cast %scan3A_255 : i32 to index
          %get3A_427 = arith.constant 96 : index
          %get3A_428 = tpu.vector_load %arg19[%get3A_426, %get3A_427] {strides = array<i32>} : memref<40x128xf32, #tpu.memory_space<vmem>>, vector<1x16xf32>,
          %get3A_429 = vector.shape_cast %get3A_428 : vector<1x16xf32> to vector<16xf32>
          %get3A_430 = arith.index_cast %scan3A_255 : i32 to index
          %get3A_431 = arith.constant 96 : index
          %get3A_432 = tpu.vector_load %arg20[%get3A_430, %get3A_431] {strides = array<i32>} : memref<40x128xf32, #tpu.memory_space<vmem>>, vector<1x16xf32>,
          %get3A_433 = vector.shape_cast %get3A_432 : vector<1x16xf32> to vector<16xf32>
          %add3A_434 = arith.addf %get3A_429, %get3A_433 : vector<16xf32>
          %get3A_435 = arith.index_cast %scan3A_255 : i32 to index
          %get3A_436 = arith.constant 96 : index
          %get3A_437 = tpu.vector_load %arg21[%get3A_435, %get3A_436] {strides = array<i32>} : memref<40x128xf32, #tpu.memory_space<vmem>>, vector<1x16xf32>,
          %get3A_438 = vector.shape_cast %get3A_437 : vector<1x16xf32> to vector<16xf32>
          %add3A_439 = arith.addf %add3A_434, %get3A_438 : vector<16xf32>
          %exp3A_440 = math.exp %add3A_439 : vector<16xf32>
          %add3A_441 = arith.constant 1.000000e+00 : f32
          %add3A_442 = vector.broadcast %add3A_441 : f32 to vector<16xf32>
          %add3A_443 = arith.addf %exp3A_440, %add3A_442 : vector<16xf32>
          %div3A_444 = arith.constant 2.000000e+00 : f32
          %div3A_445 = vector.broadcast %div3A_444 : f32 to vector<16xf32>
          %div3A_446 = arith.divf %div3A_445, %add3A_443 : vector<16xf32>
          %sub3A_447 = arith.constant 1.000000e+00 : f32
          %sub3A_448 = vector.broadcast %sub3A_447 : f32 to vector<16xf32>
          %sub3A_449 = arith.subf %sub3A_448, %div3A_446 : vector<16xf32>
          %swap3A_450 = arith.index_cast %scan3A_255 : i32 to index
          %swap3A_451 = arith.constant 96 : index
          %swap3A_452 = tpu.vector_load %arg19[%swap3A_450, %swap3A_451] {strides = array<i32>} : memref<40x128xf32, #tpu.memory_space<vmem>>, vector<1x16xf32>,
          %swap3A_453 = vector.shape_cast %swap3A_452 : vector<1x16xf32> to vector<16xf32>
          %swap3A_454 = vector.shape_cast %sub3A_449 : vector<16xf32> to vector<1x16xf32>
          tpu.vector_store %arg19[%swap3A_450, %swap3A_451], %swap3A_454 {strides = array<i32>} : memref<40x128xf32, #tpu.memory_space<vmem>>, vector<1x16xf32>,
          %get3A_455 = arith.index_cast %scan3A_255 : i32 to index
          %get3A_456 = arith.constant 112 : index
          %get3A_457 = tpu.vector_load %arg19[%get3A_455, %get3A_456] {strides = array<i32>} : memref<40x128xf32, #tpu.memory_space<vmem>>, vector<1x16xf32>,
          %get3A_458 = vector.shape_cast %get3A_457 : vector<1x16xf32> to vector<16xf32>
          %get3A_459 = arith.index_cast %scan3A_255 : i32 to index
          %get3A_460 = arith.constant 112 : index
          %get3A_461 = tpu.vector_load %arg20[%get3A_459, %get3A_460] {strides = array<i32>} : memref<40x128xf32, #tpu.memory_space<vmem>>, vector<1x16xf32>,
          %get3A_462 = vector.shape_cast %get3A_461 : vector<1x16xf32> to vector<16xf32>
          %add3A_463 = arith.addf %get3A_458, %get3A_462 : vector<16xf32>
          %get3A_464 = arith.index_cast %scan3A_255 : i32 to index
          %get3A_465 = arith.constant 112 : index
          %get3A_466 = tpu.vector_load %arg21[%get3A_464, %get3A_465] {strides = array<i32>} : memref<40x128xf32, #tpu.memory_space<vmem>>, vector<1x16xf32>,
          %get3A_467 = vector.shape_cast %get3A_466 : vector<1x16xf32> to vector<16xf32>
          %add3A_468 = arith.addf %add3A_463, %get3A_467 : vector<16xf32>
          %exp3A_469 = math.exp %add3A_468 : vector<16xf32>
          %add3A_470 = arith.constant 1.000000e+00 : f32
          %add3A_471 = vector.broadcast %add3A_470 : f32 to vector<16xf32>
          %add3A_472 = arith.addf %exp3A_469, %add3A_471 : vector<16xf32>
          %div3A_473 = arith.constant 2.000000e+00 : f32
          %div3A_474 = vector.broadcast %div3A_473 : f32 to vector<16xf32>
          %div3A_475 = arith.divf %div3A_474, %add3A_472 : vector<16xf32>
          %sub3A_476 = arith.constant 1.000000e+00 : f32
          %sub3A_477 = vector.broadcast %sub3A_476 : f32 to vector<16xf32>
          %sub3A_478 = arith.subf %sub3A_477, %div3A_475 : vector<16xf32>
          %swap3A_479 = arith.index_cast %scan3A_255 : i32 to index
          %swap3A_480 = arith.constant 112 : index
          %swap3A_481 = tpu.vector_load %arg19[%swap3A_479, %swap3A_480] {strides = array<i32>} : memref<40x128xf32, #tpu.memory_space<vmem>>, vector<1x16xf32>,
          %swap3A_482 = vector.shape_cast %swap3A_481 : vector<1x16xf32> to vector<16xf32>
          %swap3A_483 = vector.shape_cast %sub3A_478 : vector<16xf32> to vector<1x16xf32>
          tpu.vector_store %arg19[%swap3A_479, %swap3A_480], %swap3A_483 {strides = array<i32>} : memref<40x128xf32, #tpu.memory_space<vmem>>, vector<1x16xf32>,
          %scan3A_484 = arith.constant 0 : i32
          scf.yield %scan3A_484 : i32
        }
        %scan3A_253 = arith.constant 40 : i32
        "tpu.region"() ({
          %run_scoped3A = tpu.sem_alloc : memref<!tpu.dma_semaphore, #tpu.memory_space<semaphore_mem>>
          %dma_start3A_255 = arith.constant 0 : i32
          %dma_start3A_256 = arith.constant 0 : i32
          %dma_start3A_257 = tpu.memref_slice %arg11[%dma_start3A_255, %dma_start3A_256] : memref<10240x128xf32, #tpu.memory_space<vmem_shared>> -> memref<10240x128xf32, #tpu.memory_space<vmem_shared>>
          tpu.enqueue_indirect_dma source(%arg19 : memref<40x128xf32, #tpu.memory_space<vmem>>) target(%dma_start3A_257 : memref<10240x128xf32, #tpu.memory_space<vmem_shared>>) offsets(%arg14 : memref<40xi32, #tpu.memory_space<vmem>>) semaphore(%run_scoped3A : memref<!tpu.dma_semaphore, #tpu.memory_space<semaphore_mem>>) {add = true}
          %dma_wait3A_258 = arith.constant 0 : i32
          %dma_wait3A_259 = arith.constant 0 : i32
          %dma_wait3A_260 = tpu.memref_slice %arg11[%dma_wait3A_258, %dma_wait3A_259] : memref<10240x128xf32, #tpu.memory_space<vmem_shared>> -> memref<10240x128xf32, #tpu.memory_space<vmem_shared>>
          tpu.wait_indirect_dma semaphore(%run_scoped3A : memref<!tpu.dma_semaphore, #tpu.memory_space<semaphore_mem>>) src(%arg19 : memref<40x128xf32, #tpu.memory_space<vmem>>) dst(%dma_wait3A_260 : memref<10240x128xf32, #tpu.memory_space<vmem_shared>>)
          tpu.yield
        }) : () -> ()
        %scan3A_254 = arith.constant 0 : i32
        scf.yield %scan3A_254 : i32
      }
      %scan3A_106 = arith.constant 249 : i32
      %add3A_107 = arith.constant 19960 : i32
      %add3A_108 = arith.addi %mul3A_16, %add3A_107 : i32
      %multiple_of3A_109 = tpu.assume_multiple %add3A_108, 8 : i32
      "tpu.region"() ({
        %run_scoped3A = tpu.sem_alloc : memref<!tpu.dma_semaphore, #tpu.memory_space<semaphore_mem>>
        %dma_start3A_164 = tpu.memref_slice %arg2[%multiple_of3A_109] : memref<320000xi32, #tpu.memory_space<hbm>> -> memref<40xi32, #tpu.memory_space<hbm>>
        %dma_start3A_165 = tpu.memref_slice %arg2[%multiple_of3A_109] : memref<320000xi32, #tpu.memory_space<hbm>> -> memref<40xi32, #tpu.memory_space<hbm>>
        tpu.enqueue_dma source(%dma_start3A_165 : memref<40xi32, #tpu.memory_space<hbm>>) target(%arg14 : memref<40xi32, #tpu.memory_space<vmem>>) target_semaphore(%run_scoped3A : memref<!tpu.dma_semaphore, #tpu.memory_space<semaphore_mem>>)
        %dma_wait3A_166 = tpu.memref_slice %arg2[%multiple_of3A_109] : memref<320000xi32, #tpu.memory_space<hbm>> -> memref<40xi32, #tpu.memory_space<hbm>>
        %dma_wait3A_167 = tpu.memref_slice %arg2[%multiple_of3A_109] : memref<320000xi32, #tpu.memory_space<hbm>> -> memref<40xi32, #tpu.memory_space<hbm>>
        tpu.wait_dma2 semaphore(%run_scoped3A : memref<!tpu.dma_semaphore, #tpu.memory_space<semaphore_mem>>) src(%dma_wait3A_167 : memref<40xi32, #tpu.memory_space<hbm>>) dst(%arg14 : memref<40xi32, #tpu.memory_space<vmem>>)
        tpu.yield
      }) : () -> ()
      "tpu.region"() ({
        %run_scoped3A = tpu.sem_alloc : memref<!tpu.dma_semaphore, #tpu.memory_space<semaphore_mem>>
        %dma_start3A_164 = tpu.memref_slice %arg3[%multiple_of3A_109] : memref<320000xi32, #tpu.memory_space<hbm>> -> memref<40xi32, #tpu.memory_space<hbm>>
        %dma_start3A_165 = tpu.memref_slice %arg3[%multiple_of3A_109] : memref<320000xi32, #tpu.memory_space<hbm>> -> memref<40xi32, #tpu.memory_space<hbm>>
        tpu.enqueue_dma source(%dma_start3A_165 : memref<40xi32, #tpu.memory_space<hbm>>) target(%arg15 : memref<40xi32, #tpu.memory_space<vmem>>) target_semaphore(%run_scoped3A : memref<!tpu.dma_semaphore, #tpu.memory_space<semaphore_mem>>)
        %dma_wait3A_166 = tpu.memref_slice %arg3[%multiple_of3A_109] : memref<320000xi32, #tpu.memory_space<hbm>> -> memref<40xi32, #tpu.memory_space<hbm>>
        %dma_wait3A_167 = tpu.memref_slice %arg3[%multiple_of3A_109] : memref<320000xi32, #tpu.memory_space<hbm>> -> memref<40xi32, #tpu.memory_space<hbm>>
        tpu.wait_dma2 semaphore(%run_scoped3A : memref<!tpu.dma_semaphore, #tpu.memory_space<semaphore_mem>>) src(%dma_wait3A_167 : memref<40xi32, #tpu.memory_space<hbm>>) dst(%arg15 : memref<40xi32, #tpu.memory_space<vmem>>)
        tpu.yield
      }) : () -> ()
      %add3A_110 = arith.constant 19960 : i32
      %add3A_111 = arith.addi %mul3A_16, %add3A_110 : i32
      %multiple_of3A_112 = tpu.assume_multiple %add3A_111, 8 : i32
      %dma_start3A_113 = arith.constant 0 : i32
      %dma_start3A_114 = arith.constant 0 : i32
      %dma_start3A_115 = tpu.memref_slice %arg4[%dma_start3A_113, %dma_start3A_114] : memref<10000x128xf32, #tpu.memory_space<hbm>> -> memref<10000x128xf32, #tpu.memory_space<hbm>>
      tpu.enqueue_indirect_dma source(%dma_start3A_115 : memref<10000x128xf32, #tpu.memory_space<hbm>>) target(%arg19 : memref<40x128xf32, #tpu.memory_space<vmem>>) offsets(%arg14 : memref<40xi32, #tpu.memory_space<vmem>>) semaphore(%arg23 : memref<!tpu.dma_semaphore, #tpu.memory_space<semaphore_mem>>)
      %dma_start3A_116 = arith.constant 0 : i32
      %dma_start3A_117 = arith.constant 0 : i32
      %dma_start3A_118 = tpu.memref_slice %arg6[%dma_start3A_116, %dma_start3A_117] : memref<10000x128xf32, #tpu.memory_space<hbm>> -> memref<10000x128xf32, #tpu.memory_space<hbm>>
      tpu.enqueue_indirect_dma source(%dma_start3A_118 : memref<10000x128xf32, #tpu.memory_space<hbm>>) target(%arg20 : memref<40x128xf32, #tpu.memory_space<vmem>>) offsets(%arg15 : memref<40xi32, #tpu.memory_space<vmem>>) semaphore(%arg23 : memref<!tpu.dma_semaphore, #tpu.memory_space<semaphore_mem>>)
      %add3A_119 = arith.constant 0 : i32
      %add3A_120 = arith.addi %add3A_119, %multiple_of3A_112 : i32
      %multiple_of3A_121 = tpu.assume_multiple %add3A_120, 8 : i32
      %dma_start3A_122 = arith.constant 0 : i32
      %dma_start3A_123 = tpu.memref_slice %arg8[%multiple_of3A_121, %dma_start3A_122] : memref<640000x128xf32, #tpu.memory_space<hbm>> -> memref<40x128xf32, #tpu.memory_space<hbm>>
      %dma_start3A_124 = arith.constant 0 : i32
      %dma_start3A_125 = tpu.memref_slice %arg8[%multiple_of3A_121, %dma_start3A_124] : memref<640000x128xf32, #tpu.memory_space<hbm>> -> memref<40x128xf32, #tpu.memory_space<hbm>>
      tpu.enqueue_dma source(%dma_start3A_125 : memref<40x128xf32, #tpu.memory_space<hbm>>) target(%arg21 : memref<40x128xf32, #tpu.memory_space<vmem>>) target_semaphore(%arg23 : memref<!tpu.dma_semaphore, #tpu.memory_space<semaphore_mem>>)
      %dma_wait3A_126 = arith.constant 0 : i32
      %dma_wait3A_127 = arith.constant 0 : i32
      %dma_wait3A_128 = tpu.memref_slice %arg4[%dma_wait3A_126, %dma_wait3A_127] : memref<10000x128xf32, #tpu.memory_space<hbm>> -> memref<10000x128xf32, #tpu.memory_space<hbm>>
      tpu.wait_indirect_dma semaphore(%arg22 : memref<!tpu.dma_semaphore, #tpu.memory_space<semaphore_mem>>) src(%dma_wait3A_128 : memref<10000x128xf32, #tpu.memory_space<hbm>>) dst(%arg16 : memref<40x128xf32, #tpu.memory_space<vmem>>)
      %dma_wait3A_129 = arith.constant 0 : i32
      %dma_wait3A_130 = arith.constant 0 : i32
      %dma_wait3A_131 = tpu.memref_slice %arg6[%dma_wait3A_129, %dma_wait3A_130] : memref<10000x128xf32, #tpu.memory_space<hbm>> -> memref<10000x128xf32, #tpu.memory_space<hbm>>
      tpu.wait_indirect_dma semaphore(%arg22 : memref<!tpu.dma_semaphore, #tpu.memory_space<semaphore_mem>>) src(%dma_wait3A_131 : memref<10000x128xf32, #tpu.memory_space<hbm>>) dst(%arg17 : memref<40x128xf32, #tpu.memory_space<vmem>>)
      %dma_wait3A_132 = arith.constant 0 : i32
      %dma_wait3A_133 = arith.constant 0 : i32
      %dma_wait3A_134 = tpu.memref_slice %arg8[%dma_wait3A_132, %dma_wait3A_133] : memref<640000x128xf32, #tpu.memory_space<hbm>> -> memref<40x128xf32, #tpu.memory_space<hbm>>
      %dma_wait3A_135 = arith.constant 0 : i32
      %dma_wait3A_136 = arith.constant 0 : i32
      %dma_wait3A_137 = tpu.memref_slice %arg8[%dma_wait3A_135, %dma_wait3A_136] : memref<640000x128xf32, #tpu.memory_space<hbm>> -> memref<40x128xf32, #tpu.memory_space<hbm>>
      tpu.wait_dma2 semaphore(%arg22 : memref<!tpu.dma_semaphore, #tpu.memory_space<semaphore_mem>>) src(%dma_wait3A_137 : memref<40x128xf32, #tpu.memory_space<hbm>>) dst(%arg18 : memref<40x128xf32, #tpu.memory_space<vmem>>)
      %scan3A_138 = arith.constant 0 : i32
      %scan3A_139 = arith.constant 0 : i32
      %scan3A_140 = arith.constant 40 : i32
      %scan3A_141 = arith.addi %scan3A_139, %scan3A_140 : i32
      %scan3A_142 = arith.constant 1 : i32
      %scan3A_143 = scf.for %scan3A_164 = %scan3A_139 to %scan3A_141 step %scan3A_142 iter_args(%scan3A_165 = %scan3A_138) -> (i32)  : i32 {
        %get3A = arith.index_cast %scan3A_164 : i32 to index
        %get3A_166 = arith.constant 0 : index
        %get3A_167 = tpu.vector_load %arg16[%get3A, %get3A_166] {strides = array<i32>} : memref<40x128xf32, #tpu.memory_space<vmem>>, vector<1x16xf32>,
        %get3A_168 = vector.shape_cast %get3A_167 : vector<1x16xf32> to vector<16xf32>
        %get3A_169 = arith.index_cast %scan3A_164 : i32 to index
        %get3A_170 = arith.constant 0 : index
        %get3A_171 = tpu.vector_load %arg17[%get3A_169, %get3A_170] {strides = array<i32>} : memref<40x128xf32, #tpu.memory_space<vmem>>, vector<1x16xf32>,
        %get3A_172 = vector.shape_cast %get3A_171 : vector<1x16xf32> to vector<16xf32>
        %add3A_173 = arith.addf %get3A_168, %get3A_172 : vector<16xf32>
        %get3A_174 = arith.index_cast %scan3A_164 : i32 to index
        %get3A_175 = arith.constant 0 : index
        %get3A_176 = tpu.vector_load %arg18[%get3A_174, %get3A_175] {strides = array<i32>} : memref<40x128xf32, #tpu.memory_space<vmem>>, vector<1x16xf32>,
        %get3A_177 = vector.shape_cast %get3A_176 : vector<1x16xf32> to vector<16xf32>
        %add3A_178 = arith.addf %add3A_173, %get3A_177 : vector<16xf32>
        %exp3A = math.exp %add3A_178 : vector<16xf32>
        %add3A_179 = arith.constant 1.000000e+00 : f32
        %add3A_180 = vector.broadcast %add3A_179 : f32 to vector<16xf32>
        %add3A_181 = arith.addf %exp3A, %add3A_180 : vector<16xf32>
        %div3A = arith.constant 2.000000e+00 : f32
        %div3A_182 = vector.broadcast %div3A : f32 to vector<16xf32>
        %div3A_183 = arith.divf %div3A_182, %add3A_181 : vector<16xf32>
        %sub3A = arith.constant 1.000000e+00 : f32
        %sub3A_184 = vector.broadcast %sub3A : f32 to vector<16xf32>
        %sub3A_185 = arith.subf %sub3A_184, %div3A_183 : vector<16xf32>
        %swap3A = arith.index_cast %scan3A_164 : i32 to index
        %swap3A_186 = arith.constant 0 : index
        %swap3A_187 = tpu.vector_load %arg16[%swap3A, %swap3A_186] {strides = array<i32>} : memref<40x128xf32, #tpu.memory_space<vmem>>, vector<1x16xf32>,
        %swap3A_188 = vector.shape_cast %swap3A_187 : vector<1x16xf32> to vector<16xf32>
        %swap3A_189 = vector.shape_cast %sub3A_185 : vector<16xf32> to vector<1x16xf32>
        tpu.vector_store %arg16[%swap3A, %swap3A_186], %swap3A_189 {strides = array<i32>} : memref<40x128xf32, #tpu.memory_space<vmem>>, vector<1x16xf32>,
        %get3A_190 = arith.index_cast %scan3A_164 : i32 to index
        %get3A_191 = arith.constant 16 : index
        %get3A_192 = tpu.vector_load %arg16[%get3A_190, %get3A_191] {strides = array<i32>} : memref<40x128xf32, #tpu.memory_space<vmem>>, vector<1x16xf32>,
        %get3A_193 = vector.shape_cast %get3A_192 : vector<1x16xf32> to vector<16xf32>
        %get3A_194 = arith.index_cast %scan3A_164 : i32 to index
        %get3A_195 = arith.constant 16 : index
        %get3A_196 = tpu.vector_load %arg17[%get3A_194, %get3A_195] {strides = array<i32>} : memref<40x128xf32, #tpu.memory_space<vmem>>, vector<1x16xf32>,
        %get3A_197 = vector.shape_cast %get3A_196 : vector<1x16xf32> to vector<16xf32>
        %add3A_198 = arith.addf %get3A_193, %get3A_197 : vector<16xf32>
        %get3A_199 = arith.index_cast %scan3A_164 : i32 to index
        %get3A_200 = arith.constant 16 : index
        %get3A_201 = tpu.vector_load %arg18[%get3A_199, %get3A_200] {strides = array<i32>} : memref<40x128xf32, #tpu.memory_space<vmem>>, vector<1x16xf32>,
        %get3A_202 = vector.shape_cast %get3A_201 : vector<1x16xf32> to vector<16xf32>
        %add3A_203 = arith.addf %add3A_198, %get3A_202 : vector<16xf32>
        %exp3A_204 = math.exp %add3A_203 : vector<16xf32>
        %add3A_205 = arith.constant 1.000000e+00 : f32
        %add3A_206 = vector.broadcast %add3A_205 : f32 to vector<16xf32>
        %add3A_207 = arith.addf %exp3A_204, %add3A_206 : vector<16xf32>
        %div3A_208 = arith.constant 2.000000e+00 : f32
        %div3A_209 = vector.broadcast %div3A_208 : f32 to vector<16xf32>
        %div3A_210 = arith.divf %div3A_209, %add3A_207 : vector<16xf32>
        %sub3A_211 = arith.constant 1.000000e+00 : f32
        %sub3A_212 = vector.broadcast %sub3A_211 : f32 to vector<16xf32>
        %sub3A_213 = arith.subf %sub3A_212, %div3A_210 : vector<16xf32>
        %swap3A_214 = arith.index_cast %scan3A_164 : i32 to index
        %swap3A_215 = arith.constant 16 : index
        %swap3A_216 = tpu.vector_load %arg16[%swap3A_214, %swap3A_215] {strides = array<i32>} : memref<40x128xf32, #tpu.memory_space<vmem>>, vector<1x16xf32>,
        %swap3A_217 = vector.shape_cast %swap3A_216 : vector<1x16xf32> to vector<16xf32>
        %swap3A_218 = vector.shape_cast %sub3A_213 : vector<16xf32> to vector<1x16xf32>
        tpu.vector_store %arg16[%swap3A_214, %swap3A_215], %swap3A_218 {strides = array<i32>} : memref<40x128xf32, #tpu.memory_space<vmem>>, vector<1x16xf32>,
        %get3A_219 = arith.index_cast %scan3A_164 : i32 to index
        %get3A_220 = arith.constant 32 : index
        %get3A_221 = tpu.vector_load %arg16[%get3A_219, %get3A_220] {strides = array<i32>} : memref<40x128xf32, #tpu.memory_space<vmem>>, vector<1x16xf32>,
        %get3A_222 = vector.shape_cast %get3A_221 : vector<1x16xf32> to vector<16xf32>
        %get3A_223 = arith.index_cast %scan3A_164 : i32 to index
        %get3A_224 = arith.constant 32 : index
        %get3A_225 = tpu.vector_load %arg17[%get3A_223, %get3A_224] {strides = array<i32>} : memref<40x128xf32, #tpu.memory_space<vmem>>, vector<1x16xf32>,
        %get3A_226 = vector.shape_cast %get3A_225 : vector<1x16xf32> to vector<16xf32>
        %add3A_227 = arith.addf %get3A_222, %get3A_226 : vector<16xf32>
        %get3A_228 = arith.index_cast %scan3A_164 : i32 to index
        %get3A_229 = arith.constant 32 : index
        %get3A_230 = tpu.vector_load %arg18[%get3A_228, %get3A_229] {strides = array<i32>} : memref<40x128xf32, #tpu.memory_space<vmem>>, vector<1x16xf32>,
        %get3A_231 = vector.shape_cast %get3A_230 : vector<1x16xf32> to vector<16xf32>
        %add3A_232 = arith.addf %add3A_227, %get3A_231 : vector<16xf32>
        %exp3A_233 = math.exp %add3A_232 : vector<16xf32>
        %add3A_234 = arith.constant 1.000000e+00 : f32
        %add3A_235 = vector.broadcast %add3A_234 : f32 to vector<16xf32>
        %add3A_236 = arith.addf %exp3A_233, %add3A_235 : vector<16xf32>
        %div3A_237 = arith.constant 2.000000e+00 : f32
        %div3A_238 = vector.broadcast %div3A_237 : f32 to vector<16xf32>
        %div3A_239 = arith.divf %div3A_238, %add3A_236 : vector<16xf32>
        %sub3A_240 = arith.constant 1.000000e+00 : f32
        %sub3A_241 = vector.broadcast %sub3A_240 : f32 to vector<16xf32>
        %sub3A_242 = arith.subf %sub3A_241, %div3A_239 : vector<16xf32>
        %swap3A_243 = arith.index_cast %scan3A_164 : i32 to index
        %swap3A_244 = arith.constant 32 : index
        %swap3A_245 = tpu.vector_load %arg16[%swap3A_243, %swap3A_244] {strides = array<i32>} : memref<40x128xf32, #tpu.memory_space<vmem>>, vector<1x16xf32>,
        %swap3A_246 = vector.shape_cast %swap3A_245 : vector<1x16xf32> to vector<16xf32>
        %swap3A_247 = vector.shape_cast %sub3A_242 : vector<16xf32> to vector<1x16xf32>
        tpu.vector_store %arg16[%swap3A_243, %swap3A_244], %swap3A_247 {strides = array<i32>} : memref<40x128xf32, #tpu.memory_space<vmem>>, vector<1x16xf32>,
        %get3A_248 = arith.index_cast %scan3A_164 : i32 to index
        %get3A_249 = arith.constant 48 : index
        %get3A_250 = tpu.vector_load %arg16[%get3A_248, %get3A_249] {strides = array<i32>} : memref<40x128xf32, #tpu.memory_space<vmem>>, vector<1x16xf32>,
        %get3A_251 = vector.shape_cast %get3A_250 : vector<1x16xf32> to vector<16xf32>
        %get3A_252 = arith.index_cast %scan3A_164 : i32 to index
        %get3A_253 = arith.constant 48 : index
        %get3A_254 = tpu.vector_load %arg17[%get3A_252, %get3A_253] {strides = array<i32>} : memref<40x128xf32, #tpu.memory_space<vmem>>, vector<1x16xf32>,
        %get3A_255 = vector.shape_cast %get3A_254 : vector<1x16xf32> to vector<16xf32>
        %add3A_256 = arith.addf %get3A_251, %get3A_255 : vector<16xf32>
        %get3A_257 = arith.index_cast %scan3A_164 : i32 to index
        %get3A_258 = arith.constant 48 : index
        %get3A_259 = tpu.vector_load %arg18[%get3A_257, %get3A_258] {strides = array<i32>} : memref<40x128xf32, #tpu.memory_space<vmem>>, vector<1x16xf32>,
        %get3A_260 = vector.shape_cast %get3A_259 : vector<1x16xf32> to vector<16xf32>
        %add3A_261 = arith.addf %add3A_256, %get3A_260 : vector<16xf32>
        %exp3A_262 = math.exp %add3A_261 : vector<16xf32>
        %add3A_263 = arith.constant 1.000000e+00 : f32
        %add3A_264 = vector.broadcast %add3A_263 : f32 to vector<16xf32>
        %add3A_265 = arith.addf %exp3A_262, %add3A_264 : vector<16xf32>
        %div3A_266 = arith.constant 2.000000e+00 : f32
        %div3A_267 = vector.broadcast %div3A_266 : f32 to vector<16xf32>
        %div3A_268 = arith.divf %div3A_267, %add3A_265 : vector<16xf32>
        %sub3A_269 = arith.constant 1.000000e+00 : f32
        %sub3A_270 = vector.broadcast %sub3A_269 : f32 to vector<16xf32>
        %sub3A_271 = arith.subf %sub3A_270, %div3A_268 : vector<16xf32>
        %swap3A_272 = arith.index_cast %scan3A_164 : i32 to index
        %swap3A_273 = arith.constant 48 : index
        %swap3A_274 = tpu.vector_load %arg16[%swap3A_272, %swap3A_273] {strides = array<i32>} : memref<40x128xf32, #tpu.memory_space<vmem>>, vector<1x16xf32>,
        %swap3A_275 = vector.shape_cast %swap3A_274 : vector<1x16xf32> to vector<16xf32>
        %swap3A_276 = vector.shape_cast %sub3A_271 : vector<16xf32> to vector<1x16xf32>
        tpu.vector_store %arg16[%swap3A_272, %swap3A_273], %swap3A_276 {strides = array<i32>} : memref<40x128xf32, #tpu.memory_space<vmem>>, vector<1x16xf32>,
        %get3A_277 = arith.index_cast %scan3A_164 : i32 to index
        %get3A_278 = arith.constant 64 : index
        %get3A_279 = tpu.vector_load %arg16[%get3A_277, %get3A_278] {strides = array<i32>} : memref<40x128xf32, #tpu.memory_space<vmem>>, vector<1x16xf32>,
        %get3A_280 = vector.shape_cast %get3A_279 : vector<1x16xf32> to vector<16xf32>
        %get3A_281 = arith.index_cast %scan3A_164 : i32 to index
        %get3A_282 = arith.constant 64 : index
        %get3A_283 = tpu.vector_load %arg17[%get3A_281, %get3A_282] {strides = array<i32>} : memref<40x128xf32, #tpu.memory_space<vmem>>, vector<1x16xf32>,
        %get3A_284 = vector.shape_cast %get3A_283 : vector<1x16xf32> to vector<16xf32>
        %add3A_285 = arith.addf %get3A_280, %get3A_284 : vector<16xf32>
        %get3A_286 = arith.index_cast %scan3A_164 : i32 to index
        %get3A_287 = arith.constant 64 : index
        %get3A_288 = tpu.vector_load %arg18[%get3A_286, %get3A_287] {strides = array<i32>} : memref<40x128xf32, #tpu.memory_space<vmem>>, vector<1x16xf32>,
        %get3A_289 = vector.shape_cast %get3A_288 : vector<1x16xf32> to vector<16xf32>
        %add3A_290 = arith.addf %add3A_285, %get3A_289 : vector<16xf32>
        %exp3A_291 = math.exp %add3A_290 : vector<16xf32>
        %add3A_292 = arith.constant 1.000000e+00 : f32
        %add3A_293 = vector.broadcast %add3A_292 : f32 to vector<16xf32>
        %add3A_294 = arith.addf %exp3A_291, %add3A_293 : vector<16xf32>
        %div3A_295 = arith.constant 2.000000e+00 : f32
        %div3A_296 = vector.broadcast %div3A_295 : f32 to vector<16xf32>
        %div3A_297 = arith.divf %div3A_296, %add3A_294 : vector<16xf32>
        %sub3A_298 = arith.constant 1.000000e+00 : f32
        %sub3A_299 = vector.broadcast %sub3A_298 : f32 to vector<16xf32>
        %sub3A_300 = arith.subf %sub3A_299, %div3A_297 : vector<16xf32>
        %swap3A_301 = arith.index_cast %scan3A_164 : i32 to index
        %swap3A_302 = arith.constant 64 : index
        %swap3A_303 = tpu.vector_load %arg16[%swap3A_301, %swap3A_302] {strides = array<i32>} : memref<40x128xf32, #tpu.memory_space<vmem>>, vector<1x16xf32>,
        %swap3A_304 = vector.shape_cast %swap3A_303 : vector<1x16xf32> to vector<16xf32>
        %swap3A_305 = vector.shape_cast %sub3A_300 : vector<16xf32> to vector<1x16xf32>
        tpu.vector_store %arg16[%swap3A_301, %swap3A_302], %swap3A_305 {strides = array<i32>} : memref<40x128xf32, #tpu.memory_space<vmem>>, vector<1x16xf32>,
        %get3A_306 = arith.index_cast %scan3A_164 : i32 to index
        %get3A_307 = arith.constant 80 : index
        %get3A_308 = tpu.vector_load %arg16[%get3A_306, %get3A_307] {strides = array<i32>} : memref<40x128xf32, #tpu.memory_space<vmem>>, vector<1x16xf32>,
        %get3A_309 = vector.shape_cast %get3A_308 : vector<1x16xf32> to vector<16xf32>
        %get3A_310 = arith.index_cast %scan3A_164 : i32 to index
        %get3A_311 = arith.constant 80 : index
        %get3A_312 = tpu.vector_load %arg17[%get3A_310, %get3A_311] {strides = array<i32>} : memref<40x128xf32, #tpu.memory_space<vmem>>, vector<1x16xf32>,
        %get3A_313 = vector.shape_cast %get3A_312 : vector<1x16xf32> to vector<16xf32>
        %add3A_314 = arith.addf %get3A_309, %get3A_313 : vector<16xf32>
        %get3A_315 = arith.index_cast %scan3A_164 : i32 to index
        %get3A_316 = arith.constant 80 : index
        %get3A_317 = tpu.vector_load %arg18[%get3A_315, %get3A_316] {strides = array<i32>} : memref<40x128xf32, #tpu.memory_space<vmem>>, vector<1x16xf32>,
        %get3A_318 = vector.shape_cast %get3A_317 : vector<1x16xf32> to vector<16xf32>
        %add3A_319 = arith.addf %add3A_314, %get3A_318 : vector<16xf32>
        %exp3A_320 = math.exp %add3A_319 : vector<16xf32>
        %add3A_321 = arith.constant 1.000000e+00 : f32
        %add3A_322 = vector.broadcast %add3A_321 : f32 to vector<16xf32>
        %add3A_323 = arith.addf %exp3A_320, %add3A_322 : vector<16xf32>
        %div3A_324 = arith.constant 2.000000e+00 : f32
        %div3A_325 = vector.broadcast %div3A_324 : f32 to vector<16xf32>
        %div3A_326 = arith.divf %div3A_325, %add3A_323 : vector<16xf32>
        %sub3A_327 = arith.constant 1.000000e+00 : f32
        %sub3A_328 = vector.broadcast %sub3A_327 : f32 to vector<16xf32>
        %sub3A_329 = arith.subf %sub3A_328, %div3A_326 : vector<16xf32>
        %swap3A_330 = arith.index_cast %scan3A_164 : i32 to index
        %swap3A_331 = arith.constant 80 : index
        %swap3A_332 = tpu.vector_load %arg16[%swap3A_330, %swap3A_331] {strides = array<i32>} : memref<40x128xf32, #tpu.memory_space<vmem>>, vector<1x16xf32>,
        %swap3A_333 = vector.shape_cast %swap3A_332 : vector<1x16xf32> to vector<16xf32>
        %swap3A_334 = vector.shape_cast %sub3A_329 : vector<16xf32> to vector<1x16xf32>
        tpu.vector_store %arg16[%swap3A_330, %swap3A_331], %swap3A_334 {strides = array<i32>} : memref<40x128xf32, #tpu.memory_space<vmem>>, vector<1x16xf32>,
        %get3A_335 = arith.index_cast %scan3A_164 : i32 to index
        %get3A_336 = arith.constant 96 : index
        %get3A_337 = tpu.vector_load %arg16[%get3A_335, %get3A_336] {strides = array<i32>} : memref<40x128xf32, #tpu.memory_space<vmem>>, vector<1x16xf32>,
        %get3A_338 = vector.shape_cast %get3A_337 : vector<1x16xf32> to vector<16xf32>
        %get3A_339 = arith.index_cast %scan3A_164 : i32 to index
        %get3A_340 = arith.constant 96 : index
        %get3A_341 = tpu.vector_load %arg17[%get3A_339, %get3A_340] {strides = array<i32>} : memref<40x128xf32, #tpu.memory_space<vmem>>, vector<1x16xf32>,
        %get3A_342 = vector.shape_cast %get3A_341 : vector<1x16xf32> to vector<16xf32>
        %add3A_343 = arith.addf %get3A_338, %get3A_342 : vector<16xf32>
        %get3A_344 = arith.index_cast %scan3A_164 : i32 to index
        %get3A_345 = arith.constant 96 : index
        %get3A_346 = tpu.vector_load %arg18[%get3A_344, %get3A_345] {strides = array<i32>} : memref<40x128xf32, #tpu.memory_space<vmem>>, vector<1x16xf32>,
        %get3A_347 = vector.shape_cast %get3A_346 : vector<1x16xf32> to vector<16xf32>
        %add3A_348 = arith.addf %add3A_343, %get3A_347 : vector<16xf32>
        %exp3A_349 = math.exp %add3A_348 : vector<16xf32>
        %add3A_350 = arith.constant 1.000000e+00 : f32
        %add3A_351 = vector.broadcast %add3A_350 : f32 to vector<16xf32>
        %add3A_352 = arith.addf %exp3A_349, %add3A_351 : vector<16xf32>
        %div3A_353 = arith.constant 2.000000e+00 : f32
        %div3A_354 = vector.broadcast %div3A_353 : f32 to vector<16xf32>
        %div3A_355 = arith.divf %div3A_354, %add3A_352 : vector<16xf32>
        %sub3A_356 = arith.constant 1.000000e+00 : f32
        %sub3A_357 = vector.broadcast %sub3A_356 : f32 to vector<16xf32>
        %sub3A_358 = arith.subf %sub3A_357, %div3A_355 : vector<16xf32>
        %swap3A_359 = arith.index_cast %scan3A_164 : i32 to index
        %swap3A_360 = arith.constant 96 : index
        %swap3A_361 = tpu.vector_load %arg16[%swap3A_359, %swap3A_360] {strides = array<i32>} : memref<40x128xf32, #tpu.memory_space<vmem>>, vector<1x16xf32>,
        %swap3A_362 = vector.shape_cast %swap3A_361 : vector<1x16xf32> to vector<16xf32>
        %swap3A_363 = vector.shape_cast %sub3A_358 : vector<16xf32> to vector<1x16xf32>
        tpu.vector_store %arg16[%swap3A_359, %swap3A_360], %swap3A_363 {strides = array<i32>} : memref<40x128xf32, #tpu.memory_space<vmem>>, vector<1x16xf32>,
        %get3A_364 = arith.index_cast %scan3A_164 : i32 to index
        %get3A_365 = arith.constant 112 : index
        %get3A_366 = tpu.vector_load %arg16[%get3A_364, %get3A_365] {strides = array<i32>} : memref<40x128xf32, #tpu.memory_space<vmem>>, vector<1x16xf32>,
        %get3A_367 = vector.shape_cast %get3A_366 : vector<1x16xf32> to vector<16xf32>
        %get3A_368 = arith.index_cast %scan3A_164 : i32 to index
        %get3A_369 = arith.constant 112 : index
        %get3A_370 = tpu.vector_load %arg17[%get3A_368, %get3A_369] {strides = array<i32>} : memref<40x128xf32, #tpu.memory_space<vmem>>, vector<1x16xf32>,
        %get3A_371 = vector.shape_cast %get3A_370 : vector<1x16xf32> to vector<16xf32>
        %add3A_372 = arith.addf %get3A_367, %get3A_371 : vector<16xf32>
        %get3A_373 = arith.index_cast %scan3A_164 : i32 to index
        %get3A_374 = arith.constant 112 : index
        %get3A_375 = tpu.vector_load %arg18[%get3A_373, %get3A_374] {strides = array<i32>} : memref<40x128xf32, #tpu.memory_space<vmem>>, vector<1x16xf32>,
        %get3A_376 = vector.shape_cast %get3A_375 : vector<1x16xf32> to vector<16xf32>
        %add3A_377 = arith.addf %add3A_372, %get3A_376 : vector<16xf32>
        %exp3A_378 = math.exp %add3A_377 : vector<16xf32>
        %add3A_379 = arith.constant 1.000000e+00 : f32
        %add3A_380 = vector.broadcast %add3A_379 : f32 to vector<16xf32>
        %add3A_381 = arith.addf %exp3A_378, %add3A_380 : vector<16xf32>
        %div3A_382 = arith.constant 2.000000e+00 : f32
        %div3A_383 = vector.broadcast %div3A_382 : f32 to vector<16xf32>
        %div3A_384 = arith.divf %div3A_383, %add3A_381 : vector<16xf32>
        %sub3A_385 = arith.constant 1.000000e+00 : f32
        %sub3A_386 = vector.broadcast %sub3A_385 : f32 to vector<16xf32>
        %sub3A_387 = arith.subf %sub3A_386, %div3A_384 : vector<16xf32>
        %swap3A_388 = arith.index_cast %scan3A_164 : i32 to index
        %swap3A_389 = arith.constant 112 : index
        %swap3A_390 = tpu.vector_load %arg16[%swap3A_388, %swap3A_389] {strides = array<i32>} : memref<40x128xf32, #tpu.memory_space<vmem>>, vector<1x16xf32>,
        %swap3A_391 = vector.shape_cast %swap3A_390 : vector<1x16xf32> to vector<16xf32>
        %swap3A_392 = vector.shape_cast %sub3A_387 : vector<16xf32> to vector<1x16xf32>
        tpu.vector_store %arg16[%swap3A_388, %swap3A_389], %swap3A_392 {strides = array<i32>} : memref<40x128xf32, #tpu.memory_space<vmem>>, vector<1x16xf32>,
        %scan3A_393 = arith.constant 0 : i32
        scf.yield %scan3A_393 : i32
      }
      %scan3A_144 = arith.constant 40 : i32
      "tpu.region"() ({
        %run_scoped3A = tpu.sem_alloc : memref<!tpu.dma_semaphore, #tpu.memory_space<semaphore_mem>>
        %dma_start3A_164 = arith.constant 0 : i32
        %dma_start3A_165 = arith.constant 0 : i32
        %dma_start3A_166 = tpu.memref_slice %arg11[%dma_start3A_164, %dma_start3A_165] : memref<10240x128xf32, #tpu.memory_space<vmem_shared>> -> memref<10240x128xf32, #tpu.memory_space<vmem_shared>>
        tpu.enqueue_indirect_dma source(%arg16 : memref<40x128xf32, #tpu.memory_space<vmem>>) target(%dma_start3A_166 : memref<10240x128xf32, #tpu.memory_space<vmem_shared>>) offsets(%arg12 : memref<40xi32, #tpu.memory_space<vmem>>) semaphore(%run_scoped3A : memref<!tpu.dma_semaphore, #tpu.memory_space<semaphore_mem>>) {add = true}
        %dma_wait3A_167 = arith.constant 0 : i32
        %dma_wait3A_168 = arith.constant 0 : i32
        %dma_wait3A_169 = tpu.memref_slice %arg11[%dma_wait3A_167, %dma_wait3A_168] : memref<10240x128xf32, #tpu.memory_space<vmem_shared>> -> memref<10240x128xf32, #tpu.memory_space<vmem_shared>>
        tpu.wait_indirect_dma semaphore(%run_scoped3A : memref<!tpu.dma_semaphore, #tpu.memory_space<semaphore_mem>>) src(%arg16 : memref<40x128xf32, #tpu.memory_space<vmem>>) dst(%dma_wait3A_169 : memref<10240x128xf32, #tpu.memory_space<vmem_shared>>)
        tpu.yield
      }) : () -> ()
      %dma_wait3A_145 = arith.constant 0 : i32
      %dma_wait3A_146 = arith.constant 0 : i32
      %dma_wait3A_147 = tpu.memref_slice %arg4[%dma_wait3A_145, %dma_wait3A_146] : memref<10000x128xf32, #tpu.memory_space<hbm>> -> memref<10000x128xf32, #tpu.memory_space<hbm>>
      tpu.wait_indirect_dma semaphore(%arg23 : memref<!tpu.dma_semaphore, #tpu.memory_space<semaphore_mem>>) src(%dma_wait3A_147 : memref<10000x128xf32, #tpu.memory_space<hbm>>) dst(%arg19 : memref<40x128xf32, #tpu.memory_space<vmem>>)
      %dma_wait3A_148 = arith.constant 0 : i32
      %dma_wait3A_149 = arith.constant 0 : i32
      %dma_wait3A_150 = tpu.memref_slice %arg6[%dma_wait3A_148, %dma_wait3A_149] : memref<10000x128xf32, #tpu.memory_space<hbm>> -> memref<10000x128xf32, #tpu.memory_space<hbm>>
      tpu.wait_indirect_dma semaphore(%arg23 : memref<!tpu.dma_semaphore, #tpu.memory_space<semaphore_mem>>) src(%dma_wait3A_150 : memref<10000x128xf32, #tpu.memory_space<hbm>>) dst(%arg20 : memref<40x128xf32, #tpu.memory_space<vmem>>)
      %dma_wait3A_151 = arith.constant 0 : i32
      %dma_wait3A_152 = arith.constant 0 : i32
      %dma_wait3A_153 = tpu.memref_slice %arg8[%dma_wait3A_151, %dma_wait3A_152] : memref<640000x128xf32, #tpu.memory_space<hbm>> -> memref<40x128xf32, #tpu.memory_space<hbm>>
      %dma_wait3A_154 = arith.constant 0 : i32
      %dma_wait3A_155 = arith.constant 0 : i32
      %dma_wait3A_156 = tpu.memref_slice %arg8[%dma_wait3A_154, %dma_wait3A_155] : memref<640000x128xf32, #tpu.memory_space<hbm>> -> memref<40x128xf32, #tpu.memory_space<hbm>>
      tpu.wait_dma2 semaphore(%arg23 : memref<!tpu.dma_semaphore, #tpu.memory_space<semaphore_mem>>) src(%dma_wait3A_156 : memref<40x128xf32, #tpu.memory_space<hbm>>) dst(%arg21 : memref<40x128xf32, #tpu.memory_space<vmem>>)
      %scan3A_157 = arith.constant 0 : i32
      %scan3A_158 = arith.constant 0 : i32
      %scan3A_159 = arith.constant 40 : i32
      %scan3A_160 = arith.addi %scan3A_158, %scan3A_159 : i32
      %scan3A_161 = arith.constant 1 : i32
      %scan3A_162 = scf.for %scan3A_164 = %scan3A_158 to %scan3A_160 step %scan3A_161 iter_args(%scan3A_165 = %scan3A_157) -> (i32)  : i32 {
        %get3A = arith.index_cast %scan3A_164 : i32 to index
        %get3A_166 = arith.constant 0 : index
        %get3A_167 = tpu.vector_load %arg19[%get3A, %get3A_166] {strides = array<i32>} : memref<40x128xf32, #tpu.memory_space<vmem>>, vector<1x16xf32>,
        %get3A_168 = vector.shape_cast %get3A_167 : vector<1x16xf32> to vector<16xf32>
        %get3A_169 = arith.index_cast %scan3A_164 : i32 to index
        %get3A_170 = arith.constant 0 : index
        %get3A_171 = tpu.vector_load %arg20[%get3A_169, %get3A_170] {strides = array<i32>} : memref<40x128xf32, #tpu.memory_space<vmem>>, vector<1x16xf32>,
        %get3A_172 = vector.shape_cast %get3A_171 : vector<1x16xf32> to vector<16xf32>
        %add3A_173 = arith.addf %get3A_168, %get3A_172 : vector<16xf32>
        %get3A_174 = arith.index_cast %scan3A_164 : i32 to index
        %get3A_175 = arith.constant 0 : index
        %get3A_176 = tpu.vector_load %arg21[%get3A_174, %get3A_175] {strides = array<i32>} : memref<40x128xf32, #tpu.memory_space<vmem>>, vector<1x16xf32>,
        %get3A_177 = vector.shape_cast %get3A_176 : vector<1x16xf32> to vector<16xf32>
        %add3A_178 = arith.addf %add3A_173, %get3A_177 : vector<16xf32>
        %exp3A = math.exp %add3A_178 : vector<16xf32>
        %add3A_179 = arith.constant 1.000000e+00 : f32
        %add3A_180 = vector.broadcast %add3A_179 : f32 to vector<16xf32>
        %add3A_181 = arith.addf %exp3A, %add3A_180 : vector<16xf32>
        %div3A = arith.constant 2.000000e+00 : f32
        %div3A_182 = vector.broadcast %div3A : f32 to vector<16xf32>
        %div3A_183 = arith.divf %div3A_182, %add3A_181 : vector<16xf32>
        %sub3A = arith.constant 1.000000e+00 : f32
        %sub3A_184 = vector.broadcast %sub3A : f32 to vector<16xf32>
        %sub3A_185 = arith.subf %sub3A_184, %div3A_183 : vector<16xf32>
        %swap3A = arith.index_cast %scan3A_164 : i32 to index
        %swap3A_186 = arith.constant 0 : index
        %swap3A_187 = tpu.vector_load %arg19[%swap3A, %swap3A_186] {strides = array<i32>} : memref<40x128xf32, #tpu.memory_space<vmem>>, vector<1x16xf32>,
        %swap3A_188 = vector.shape_cast %swap3A_187 : vector<1x16xf32> to vector<16xf32>
        %swap3A_189 = vector.shape_cast %sub3A_185 : vector<16xf32> to vector<1x16xf32>
        tpu.vector_store %arg19[%swap3A, %swap3A_186], %swap3A_189 {strides = array<i32>} : memref<40x128xf32, #tpu.memory_space<vmem>>, vector<1x16xf32>,
        %get3A_190 = arith.index_cast %scan3A_164 : i32 to index
        %get3A_191 = arith.constant 16 : index
        %get3A_192 = tpu.vector_load %arg19[%get3A_190, %get3A_191] {strides = array<i32>} : memref<40x128xf32, #tpu.memory_space<vmem>>, vector<1x16xf32>,
        %get3A_193 = vector.shape_cast %get3A_192 : vector<1x16xf32> to vector<16xf32>
        %get3A_194 = arith.index_cast %scan3A_164 : i32 to index
        %get3A_195 = arith.constant 16 : index
        %get3A_196 = tpu.vector_load %arg20[%get3A_194, %get3A_195] {strides = array<i32>} : memref<40x128xf32, #tpu.memory_space<vmem>>, vector<1x16xf32>,
        %get3A_197 = vector.shape_cast %get3A_196 : vector<1x16xf32> to vector<16xf32>
        %add3A_198 = arith.addf %get3A_193, %get3A_197 : vector<16xf32>
        %get3A_199 = arith.index_cast %scan3A_164 : i32 to index
        %get3A_200 = arith.constant 16 : index
        %get3A_201 = tpu.vector_load %arg21[%get3A_199, %get3A_200] {strides = array<i32>} : memref<40x128xf32, #tpu.memory_space<vmem>>, vector<1x16xf32>,
        %get3A_202 = vector.shape_cast %get3A_201 : vector<1x16xf32> to vector<16xf32>
        %add3A_203 = arith.addf %add3A_198, %get3A_202 : vector<16xf32>
        %exp3A_204 = math.exp %add3A_203 : vector<16xf32>
        %add3A_205 = arith.constant 1.000000e+00 : f32
        %add3A_206 = vector.broadcast %add3A_205 : f32 to vector<16xf32>
        %add3A_207 = arith.addf %exp3A_204, %add3A_206 : vector<16xf32>
        %div3A_208 = arith.constant 2.000000e+00 : f32
        %div3A_209 = vector.broadcast %div3A_208 : f32 to vector<16xf32>
        %div3A_210 = arith.divf %div3A_209, %add3A_207 : vector<16xf32>
        %sub3A_211 = arith.constant 1.000000e+00 : f32
        %sub3A_212 = vector.broadcast %sub3A_211 : f32 to vector<16xf32>
        %sub3A_213 = arith.subf %sub3A_212, %div3A_210 : vector<16xf32>
        %swap3A_214 = arith.index_cast %scan3A_164 : i32 to index
        %swap3A_215 = arith.constant 16 : index
        %swap3A_216 = tpu.vector_load %arg19[%swap3A_214, %swap3A_215] {strides = array<i32>} : memref<40x128xf32, #tpu.memory_space<vmem>>, vector<1x16xf32>,
        %swap3A_217 = vector.shape_cast %swap3A_216 : vector<1x16xf32> to vector<16xf32>
        %swap3A_218 = vector.shape_cast %sub3A_213 : vector<16xf32> to vector<1x16xf32>
        tpu.vector_store %arg19[%swap3A_214, %swap3A_215], %swap3A_218 {strides = array<i32>} : memref<40x128xf32, #tpu.memory_space<vmem>>, vector<1x16xf32>,
        %get3A_219 = arith.index_cast %scan3A_164 : i32 to index
        %get3A_220 = arith.constant 32 : index
        %get3A_221 = tpu.vector_load %arg19[%get3A_219, %get3A_220] {strides = array<i32>} : memref<40x128xf32, #tpu.memory_space<vmem>>, vector<1x16xf32>,
        %get3A_222 = vector.shape_cast %get3A_221 : vector<1x16xf32> to vector<16xf32>
        %get3A_223 = arith.index_cast %scan3A_164 : i32 to index
        %get3A_224 = arith.constant 32 : index
        %get3A_225 = tpu.vector_load %arg20[%get3A_223, %get3A_224] {strides = array<i32>} : memref<40x128xf32, #tpu.memory_space<vmem>>, vector<1x16xf32>,
        %get3A_226 = vector.shape_cast %get3A_225 : vector<1x16xf32> to vector<16xf32>
        %add3A_227 = arith.addf %get3A_222, %get3A_226 : vector<16xf32>
        %get3A_228 = arith.index_cast %scan3A_164 : i32 to index
        %get3A_229 = arith.constant 32 : index
        %get3A_230 = tpu.vector_load %arg21[%get3A_228, %get3A_229] {strides = array<i32>} : memref<40x128xf32, #tpu.memory_space<vmem>>, vector<1x16xf32>,
        %get3A_231 = vector.shape_cast %get3A_230 : vector<1x16xf32> to vector<16xf32>
        %add3A_232 = arith.addf %add3A_227, %get3A_231 : vector<16xf32>
        %exp3A_233 = math.exp %add3A_232 : vector<16xf32>
        %add3A_234 = arith.constant 1.000000e+00 : f32
        %add3A_235 = vector.broadcast %add3A_234 : f32 to vector<16xf32>
        %add3A_236 = arith.addf %exp3A_233, %add3A_235 : vector<16xf32>
        %div3A_237 = arith.constant 2.000000e+00 : f32
        %div3A_238 = vector.broadcast %div3A_237 : f32 to vector<16xf32>
        %div3A_239 = arith.divf %div3A_238, %add3A_236 : vector<16xf32>
        %sub3A_240 = arith.constant 1.000000e+00 : f32
        %sub3A_241 = vector.broadcast %sub3A_240 : f32 to vector<16xf32>
        %sub3A_242 = arith.subf %sub3A_241, %div3A_239 : vector<16xf32>
        %swap3A_243 = arith.index_cast %scan3A_164 : i32 to index
        %swap3A_244 = arith.constant 32 : index
        %swap3A_245 = tpu.vector_load %arg19[%swap3A_243, %swap3A_244] {strides = array<i32>} : memref<40x128xf32, #tpu.memory_space<vmem>>, vector<1x16xf32>,
        %swap3A_246 = vector.shape_cast %swap3A_245 : vector<1x16xf32> to vector<16xf32>
        %swap3A_247 = vector.shape_cast %sub3A_242 : vector<16xf32> to vector<1x16xf32>
        tpu.vector_store %arg19[%swap3A_243, %swap3A_244], %swap3A_247 {strides = array<i32>} : memref<40x128xf32, #tpu.memory_space<vmem>>, vector<1x16xf32>,
        %get3A_248 = arith.index_cast %scan3A_164 : i32 to index
        %get3A_249 = arith.constant 48 : index
        %get3A_250 = tpu.vector_load %arg19[%get3A_248, %get3A_249] {strides = array<i32>} : memref<40x128xf32, #tpu.memory_space<vmem>>, vector<1x16xf32>,
        %get3A_251 = vector.shape_cast %get3A_250 : vector<1x16xf32> to vector<16xf32>
        %get3A_252 = arith.index_cast %scan3A_164 : i32 to index
        %get3A_253 = arith.constant 48 : index
        %get3A_254 = tpu.vector_load %arg20[%get3A_252, %get3A_253] {strides = array<i32>} : memref<40x128xf32, #tpu.memory_space<vmem>>, vector<1x16xf32>,
        %get3A_255 = vector.shape_cast %get3A_254 : vector<1x16xf32> to vector<16xf32>
        %add3A_256 = arith.addf %get3A_251, %get3A_255 : vector<16xf32>
        %get3A_257 = arith.index_cast %scan3A_164 : i32 to index
        %get3A_258 = arith.constant 48 : index
        %get3A_259 = tpu.vector_load %arg21[%get3A_257, %get3A_258] {strides = array<i32>} : memref<40x128xf32, #tpu.memory_space<vmem>>, vector<1x16xf32>,
        %get3A_260 = vector.shape_cast %get3A_259 : vector<1x16xf32> to vector<16xf32>
        %add3A_261 = arith.addf %add3A_256, %get3A_260 : vector<16xf32>
        %exp3A_262 = math.exp %add3A_261 : vector<16xf32>
        %add3A_263 = arith.constant 1.000000e+00 : f32
        %add3A_264 = vector.broadcast %add3A_263 : f32 to vector<16xf32>
        %add3A_265 = arith.addf %exp3A_262, %add3A_264 : vector<16xf32>
        %div3A_266 = arith.constant 2.000000e+00 : f32
        %div3A_267 = vector.broadcast %div3A_266 : f32 to vector<16xf32>
        %div3A_268 = arith.divf %div3A_267, %add3A_265 : vector<16xf32>
        %sub3A_269 = arith.constant 1.000000e+00 : f32
        %sub3A_270 = vector.broadcast %sub3A_269 : f32 to vector<16xf32>
        %sub3A_271 = arith.subf %sub3A_270, %div3A_268 : vector<16xf32>
        %swap3A_272 = arith.index_cast %scan3A_164 : i32 to index
        %swap3A_273 = arith.constant 48 : index
        %swap3A_274 = tpu.vector_load %arg19[%swap3A_272, %swap3A_273] {strides = array<i32>} : memref<40x128xf32, #tpu.memory_space<vmem>>, vector<1x16xf32>,
        %swap3A_275 = vector.shape_cast %swap3A_274 : vector<1x16xf32> to vector<16xf32>
        %swap3A_276 = vector.shape_cast %sub3A_271 : vector<16xf32> to vector<1x16xf32>
        tpu.vector_store %arg19[%swap3A_272, %swap3A_273], %swap3A_276 {strides = array<i32>} : memref<40x128xf32, #tpu.memory_space<vmem>>, vector<1x16xf32>,
        %get3A_277 = arith.index_cast %scan3A_164 : i32 to index
        %get3A_278 = arith.constant 64 : index
        %get3A_279 = tpu.vector_load %arg19[%get3A_277, %get3A_278] {strides = array<i32>} : memref<40x128xf32, #tpu.memory_space<vmem>>, vector<1x16xf32>,
        %get3A_280 = vector.shape_cast %get3A_279 : vector<1x16xf32> to vector<16xf32>
        %get3A_281 = arith.index_cast %scan3A_164 : i32 to index
        %get3A_282 = arith.constant 64 : index
        %get3A_283 = tpu.vector_load %arg20[%get3A_281, %get3A_282] {strides = array<i32>} : memref<40x128xf32, #tpu.memory_space<vmem>>, vector<1x16xf32>,
        %get3A_284 = vector.shape_cast %get3A_283 : vector<1x16xf32> to vector<16xf32>
        %add3A_285 = arith.addf %get3A_280, %get3A_284 : vector<16xf32>
        %get3A_286 = arith.index_cast %scan3A_164 : i32 to index
        %get3A_287 = arith.constant 64 : index
        %get3A_288 = tpu.vector_load %arg21[%get3A_286, %get3A_287] {strides = array<i32>} : memref<40x128xf32, #tpu.memory_space<vmem>>, vector<1x16xf32>,
        %get3A_289 = vector.shape_cast %get3A_288 : vector<1x16xf32> to vector<16xf32>
        %add3A_290 = arith.addf %add3A_285, %get3A_289 : vector<16xf32>
        %exp3A_291 = math.exp %add3A_290 : vector<16xf32>
        %add3A_292 = arith.constant 1.000000e+00 : f32
        %add3A_293 = vector.broadcast %add3A_292 : f32 to vector<16xf32>
        %add3A_294 = arith.addf %exp3A_291, %add3A_293 : vector<16xf32>
        %div3A_295 = arith.constant 2.000000e+00 : f32
        %div3A_296 = vector.broadcast %div3A_295 : f32 to vector<16xf32>
        %div3A_297 = arith.divf %div3A_296, %add3A_294 : vector<16xf32>
        %sub3A_298 = arith.constant 1.000000e+00 : f32
        %sub3A_299 = vector.broadcast %sub3A_298 : f32 to vector<16xf32>
        %sub3A_300 = arith.subf %sub3A_299, %div3A_297 : vector<16xf32>
        %swap3A_301 = arith.index_cast %scan3A_164 : i32 to index
        %swap3A_302 = arith.constant 64 : index
        %swap3A_303 = tpu.vector_load %arg19[%swap3A_301, %swap3A_302] {strides = array<i32>} : memref<40x128xf32, #tpu.memory_space<vmem>>, vector<1x16xf32>,
        %swap3A_304 = vector.shape_cast %swap3A_303 : vector<1x16xf32> to vector<16xf32>
        %swap3A_305 = vector.shape_cast %sub3A_300 : vector<16xf32> to vector<1x16xf32>
        tpu.vector_store %arg19[%swap3A_301, %swap3A_302], %swap3A_305 {strides = array<i32>} : memref<40x128xf32, #tpu.memory_space<vmem>>, vector<1x16xf32>,
        %get3A_306 = arith.index_cast %scan3A_164 : i32 to index
        %get3A_307 = arith.constant 80 : index
        %get3A_308 = tpu.vector_load %arg19[%get3A_306, %get3A_307] {strides = array<i32>} : memref<40x128xf32, #tpu.memory_space<vmem>>, vector<1x16xf32>,
        %get3A_309 = vector.shape_cast %get3A_308 : vector<1x16xf32> to vector<16xf32>
        %get3A_310 = arith.index_cast %scan3A_164 : i32 to index
        %get3A_311 = arith.constant 80 : index
        %get3A_312 = tpu.vector_load %arg20[%get3A_310, %get3A_311] {strides = array<i32>} : memref<40x128xf32, #tpu.memory_space<vmem>>, vector<1x16xf32>,
        %get3A_313 = vector.shape_cast %get3A_312 : vector<1x16xf32> to vector<16xf32>
        %add3A_314 = arith.addf %get3A_309, %get3A_313 : vector<16xf32>
        %get3A_315 = arith.index_cast %scan3A_164 : i32 to index
        %get3A_316 = arith.constant 80 : index
        %get3A_317 = tpu.vector_load %arg21[%get3A_315, %get3A_316] {strides = array<i32>} : memref<40x128xf32, #tpu.memory_space<vmem>>, vector<1x16xf32>,
        %get3A_318 = vector.shape_cast %get3A_317 : vector<1x16xf32> to vector<16xf32>
        %add3A_319 = arith.addf %add3A_314, %get3A_318 : vector<16xf32>
        %exp3A_320 = math.exp %add3A_319 : vector<16xf32>
        %add3A_321 = arith.constant 1.000000e+00 : f32
        %add3A_322 = vector.broadcast %add3A_321 : f32 to vector<16xf32>
        %add3A_323 = arith.addf %exp3A_320, %add3A_322 : vector<16xf32>
        %div3A_324 = arith.constant 2.000000e+00 : f32
        %div3A_325 = vector.broadcast %div3A_324 : f32 to vector<16xf32>
        %div3A_326 = arith.divf %div3A_325, %add3A_323 : vector<16xf32>
        %sub3A_327 = arith.constant 1.000000e+00 : f32
        %sub3A_328 = vector.broadcast %sub3A_327 : f32 to vector<16xf32>
        %sub3A_329 = arith.subf %sub3A_328, %div3A_326 : vector<16xf32>
        %swap3A_330 = arith.index_cast %scan3A_164 : i32 to index
        %swap3A_331 = arith.constant 80 : index
        %swap3A_332 = tpu.vector_load %arg19[%swap3A_330, %swap3A_331] {strides = array<i32>} : memref<40x128xf32, #tpu.memory_space<vmem>>, vector<1x16xf32>,
        %swap3A_333 = vector.shape_cast %swap3A_332 : vector<1x16xf32> to vector<16xf32>
        %swap3A_334 = vector.shape_cast %sub3A_329 : vector<16xf32> to vector<1x16xf32>
        tpu.vector_store %arg19[%swap3A_330, %swap3A_331], %swap3A_334 {strides = array<i32>} : memref<40x128xf32, #tpu.memory_space<vmem>>, vector<1x16xf32>,
        %get3A_335 = arith.index_cast %scan3A_164 : i32 to index
        %get3A_336 = arith.constant 96 : index
        %get3A_337 = tpu.vector_load %arg19[%get3A_335, %get3A_336] {strides = array<i32>} : memref<40x128xf32, #tpu.memory_space<vmem>>, vector<1x16xf32>,
        %get3A_338 = vector.shape_cast %get3A_337 : vector<1x16xf32> to vector<16xf32>
        %get3A_339 = arith.index_cast %scan3A_164 : i32 to index
        %get3A_340 = arith.constant 96 : index
        %get3A_341 = tpu.vector_load %arg20[%get3A_339, %get3A_340] {strides = array<i32>} : memref<40x128xf32, #tpu.memory_space<vmem>>, vector<1x16xf32>,
        %get3A_342 = vector.shape_cast %get3A_341 : vector<1x16xf32> to vector<16xf32>
        %add3A_343 = arith.addf %get3A_338, %get3A_342 : vector<16xf32>
        %get3A_344 = arith.index_cast %scan3A_164 : i32 to index
        %get3A_345 = arith.constant 96 : index
        %get3A_346 = tpu.vector_load %arg21[%get3A_344, %get3A_345] {strides = array<i32>} : memref<40x128xf32, #tpu.memory_space<vmem>>, vector<1x16xf32>,
        %get3A_347 = vector.shape_cast %get3A_346 : vector<1x16xf32> to vector<16xf32>
        %add3A_348 = arith.addf %add3A_343, %get3A_347 : vector<16xf32>
        %exp3A_349 = math.exp %add3A_348 : vector<16xf32>
        %add3A_350 = arith.constant 1.000000e+00 : f32
        %add3A_351 = vector.broadcast %add3A_350 : f32 to vector<16xf32>
        %add3A_352 = arith.addf %exp3A_349, %add3A_351 : vector<16xf32>
        %div3A_353 = arith.constant 2.000000e+00 : f32
        %div3A_354 = vector.broadcast %div3A_353 : f32 to vector<16xf32>
        %div3A_355 = arith.divf %div3A_354, %add3A_352 : vector<16xf32>
        %sub3A_356 = arith.constant 1.000000e+00 : f32
        %sub3A_357 = vector.broadcast %sub3A_356 : f32 to vector<16xf32>
        %sub3A_358 = arith.subf %sub3A_357, %div3A_355 : vector<16xf32>
        %swap3A_359 = arith.index_cast %scan3A_164 : i32 to index
        %swap3A_360 = arith.constant 96 : index
        %swap3A_361 = tpu.vector_load %arg19[%swap3A_359, %swap3A_360] {strides = array<i32>} : memref<40x128xf32, #tpu.memory_space<vmem>>, vector<1x16xf32>,
        %swap3A_362 = vector.shape_cast %swap3A_361 : vector<1x16xf32> to vector<16xf32>
        %swap3A_363 = vector.shape_cast %sub3A_358 : vector<16xf32> to vector<1x16xf32>
        tpu.vector_store %arg19[%swap3A_359, %swap3A_360], %swap3A_363 {strides = array<i32>} : memref<40x128xf32, #tpu.memory_space<vmem>>, vector<1x16xf32>,
        %get3A_364 = arith.index_cast %scan3A_164 : i32 to index
        %get3A_365 = arith.constant 112 : index
        %get3A_366 = tpu.vector_load %arg19[%get3A_364, %get3A_365] {strides = array<i32>} : memref<40x128xf32, #tpu.memory_space<vmem>>, vector<1x16xf32>,
        %get3A_367 = vector.shape_cast %get3A_366 : vector<1x16xf32> to vector<16xf32>
        %get3A_368 = arith.index_cast %scan3A_164 : i32 to index
        %get3A_369 = arith.constant 112 : index
        %get3A_370 = tpu.vector_load %arg20[%get3A_368, %get3A_369] {strides = array<i32>} : memref<40x128xf32, #tpu.memory_space<vmem>>, vector<1x16xf32>,
        %get3A_371 = vector.shape_cast %get3A_370 : vector<1x16xf32> to vector<16xf32>
        %add3A_372 = arith.addf %get3A_367, %get3A_371 : vector<16xf32>
        %get3A_373 = arith.index_cast %scan3A_164 : i32 to index
        %get3A_374 = arith.constant 112 : index
        %get3A_375 = tpu.vector_load %arg21[%get3A_373, %get3A_374] {strides = array<i32>} : memref<40x128xf32, #tpu.memory_space<vmem>>, vector<1x16xf32>,
        %get3A_376 = vector.shape_cast %get3A_375 : vector<1x16xf32> to vector<16xf32>
        %add3A_377 = arith.addf %add3A_372, %get3A_376 : vector<16xf32>
        %exp3A_378 = math.exp %add3A_377 : vector<16xf32>
        %add3A_379 = arith.constant 1.000000e+00 : f32
        %add3A_380 = vector.broadcast %add3A_379 : f32 to vector<16xf32>
        %add3A_381 = arith.addf %exp3A_378, %add3A_380 : vector<16xf32>
        %div3A_382 = arith.constant 2.000000e+00 : f32
        %div3A_383 = vector.broadcast %div3A_382 : f32 to vector<16xf32>
        %div3A_384 = arith.divf %div3A_383, %add3A_381 : vector<16xf32>
        %sub3A_385 = arith.constant 1.000000e+00 : f32
        %sub3A_386 = vector.broadcast %sub3A_385 : f32 to vector<16xf32>
        %sub3A_387 = arith.subf %sub3A_386, %div3A_384 : vector<16xf32>
        %swap3A_388 = arith.index_cast %scan3A_164 : i32 to index
        %swap3A_389 = arith.constant 112 : index
        %swap3A_390 = tpu.vector_load %arg19[%swap3A_388, %swap3A_389] {strides = array<i32>} : memref<40x128xf32, #tpu.memory_space<vmem>>, vector<1x16xf32>,
        %swap3A_391 = vector.shape_cast %swap3A_390 : vector<1x16xf32> to vector<16xf32>
        %swap3A_392 = vector.shape_cast %sub3A_387 : vector<16xf32> to vector<1x16xf32>
        tpu.vector_store %arg19[%swap3A_388, %swap3A_389], %swap3A_392 {strides = array<i32>} : memref<40x128xf32, #tpu.memory_space<vmem>>, vector<1x16xf32>,
        %scan3A_393 = arith.constant 0 : i32
        scf.yield %scan3A_393 : i32
      }
      %scan3A_163 = arith.constant 40 : i32
      "tpu.region"() ({
        %run_scoped3A = tpu.sem_alloc : memref<!tpu.dma_semaphore, #tpu.memory_space<semaphore_mem>>
        %dma_start3A_164 = arith.constant 0 : i32
        %dma_start3A_165 = arith.constant 0 : i32
        %dma_start3A_166 = tpu.memref_slice %arg11[%dma_start3A_164, %dma_start3A_165] : memref<10240x128xf32, #tpu.memory_space<vmem_shared>> -> memref<10240x128xf32, #tpu.memory_space<vmem_shared>>
        tpu.enqueue_indirect_dma source(%arg19 : memref<40x128xf32, #tpu.memory_space<vmem>>) target(%dma_start3A_166 : memref<10240x128xf32, #tpu.memory_space<vmem_shared>>) offsets(%arg14 : memref<40xi32, #tpu.memory_space<vmem>>) semaphore(%run_scoped3A : memref<!tpu.dma_semaphore, #tpu.memory_space<semaphore_mem>>) {add = true}
        %dma_wait3A_167 = arith.constant 0 : i32
        %dma_wait3A_168 = arith.constant 0 : i32
        %dma_wait3A_169 = tpu.memref_slice %arg11[%dma_wait3A_167, %dma_wait3A_168] : memref<10240x128xf32, #tpu.memory_space<vmem_shared>> -> memref<10240x128xf32, #tpu.memory_space<vmem_shared>>
        tpu.wait_indirect_dma semaphore(%run_scoped3A : memref<!tpu.dma_semaphore, #tpu.memory_space<semaphore_mem>>) src(%arg19 : memref<40x128xf32, #tpu.memory_space<vmem>>) dst(%dma_wait3A_169 : memref<10240x128xf32, #tpu.memory_space<vmem_shared>>)
        tpu.yield
      }) : () -> ()
    } else {
    }
    %eq3A_19 = arith.constant 1 : i32
    %eq3A_20 = arith.cmpi eq, %arg0, %eq3A_19 : i32
    %convert_element_type3A_21 = arith.extui %eq3A_20 : i1 to i32
    %cond3A_22 = arith.constant 0 : i32
    %cond3A_23 = arith.cmpi ne, %convert_element_type3A_21, %cond3A_22 : i32
    scf.if %cond3A_23 {
      %add3A_81 = arith.constant 0 : i32
      %add3A_82 = arith.addi %mul3A_16, %add3A_81 : i32
      %multiple_of3A_83 = tpu.assume_multiple %add3A_82, 8 : i32
      "tpu.region"() ({
        %run_scoped3A = tpu.sem_alloc : memref<!tpu.dma_semaphore, #tpu.memory_space<semaphore_mem>>
        %dma_start3A_164 = tpu.memref_slice %arg2[%multiple_of3A_83] : memref<320000xi32, #tpu.memory_space<hbm>> -> memref<40xi32, #tpu.memory_space<hbm>>
        %dma_start3A_165 = tpu.memref_slice %arg2[%multiple_of3A_83] : memref<320000xi32, #tpu.memory_space<hbm>> -> memref<40xi32, #tpu.memory_space<hbm>>
        tpu.enqueue_dma source(%dma_start3A_165 : memref<40xi32, #tpu.memory_space<hbm>>) target(%arg12 : memref<40xi32, #tpu.memory_space<vmem>>) target_semaphore(%run_scoped3A : memref<!tpu.dma_semaphore, #tpu.memory_space<semaphore_mem>>)
        %dma_wait3A_166 = tpu.memref_slice %arg2[%multiple_of3A_83] : memref<320000xi32, #tpu.memory_space<hbm>> -> memref<40xi32, #tpu.memory_space<hbm>>
        %dma_wait3A_167 = tpu.memref_slice %arg2[%multiple_of3A_83] : memref<320000xi32, #tpu.memory_space<hbm>> -> memref<40xi32, #tpu.memory_space<hbm>>
        tpu.wait_dma2 semaphore(%run_scoped3A : memref<!tpu.dma_semaphore, #tpu.memory_space<semaphore_mem>>) src(%dma_wait3A_167 : memref<40xi32, #tpu.memory_space<hbm>>) dst(%arg12 : memref<40xi32, #tpu.memory_space<vmem>>)
        tpu.yield
      }) : () -> ()
      "tpu.region"() ({
        %run_scoped3A = tpu.sem_alloc : memref<!tpu.dma_semaphore, #tpu.memory_space<semaphore_mem>>
        %dma_start3A_164 = tpu.memref_slice %arg3[%multiple_of3A_83] : memref<320000xi32, #tpu.memory_space<hbm>> -> memref<40xi32, #tpu.memory_space<hbm>>
        %dma_start3A_165 = tpu.memref_slice %arg3[%multiple_of3A_83] : memref<320000xi32, #tpu.memory_space<hbm>> -> memref<40xi32, #tpu.memory_space<hbm>>
        tpu.enqueue_dma source(%dma_start3A_165 : memref<40xi32, #tpu.memory_space<hbm>>) target(%arg13 : memref<40xi32, #tpu.memory_space<vmem>>) target_semaphore(%run_scoped3A : memref<!tpu.dma_semaphore, #tpu.memory_space<semaphore_mem>>)
        %dma_wait3A_166 = tpu.memref_slice %arg3[%multiple_of3A_83] : memref<320000xi32, #tpu.memory_space<hbm>> -> memref<40xi32, #tpu.memory_space<hbm>>
        %dma_wait3A_167 = tpu.memref_slice %arg3[%multiple_of3A_83] : memref<320000xi32, #tpu.memory_space<hbm>> -> memref<40xi32, #tpu.memory_space<hbm>>
        tpu.wait_dma2 semaphore(%run_scoped3A : memref<!tpu.dma_semaphore, #tpu.memory_space<semaphore_mem>>) src(%dma_wait3A_167 : memref<40xi32, #tpu.memory_space<hbm>>) dst(%arg13 : memref<40xi32, #tpu.memory_space<vmem>>)
        tpu.yield
      }) : () -> ()
      %add3A_84 = arith.constant 0 : i32
      %add3A_85 = arith.addi %mul3A_16, %add3A_84 : i32
      %multiple_of3A_86 = tpu.assume_multiple %add3A_85, 8 : i32
      %dma_start3A_87 = arith.constant 0 : i32
      %dma_start3A_88 = arith.constant 0 : i32
      %dma_start3A_89 = tpu.memref_slice %arg5[%dma_start3A_87, %dma_start3A_88] : memref<10000x128xf32, #tpu.memory_space<hbm>> -> memref<10000x128xf32, #tpu.memory_space<hbm>>
      tpu.enqueue_indirect_dma source(%dma_start3A_89 : memref<10000x128xf32, #tpu.memory_space<hbm>>) target(%arg16 : memref<40x128xf32, #tpu.memory_space<vmem>>) offsets(%arg12 : memref<40xi32, #tpu.memory_space<vmem>>) semaphore(%arg22 : memref<!tpu.dma_semaphore, #tpu.memory_space<semaphore_mem>>)
      %dma_start3A_90 = arith.constant 0 : i32
      %dma_start3A_91 = arith.constant 0 : i32
      %dma_start3A_92 = tpu.memref_slice %arg7[%dma_start3A_90, %dma_start3A_91] : memref<10000x128xf32, #tpu.memory_space<hbm>> -> memref<10000x128xf32, #tpu.memory_space<hbm>>
      tpu.enqueue_indirect_dma source(%dma_start3A_92 : memref<10000x128xf32, #tpu.memory_space<hbm>>) target(%arg17 : memref<40x128xf32, #tpu.memory_space<vmem>>) offsets(%arg13 : memref<40xi32, #tpu.memory_space<vmem>>) semaphore(%arg22 : memref<!tpu.dma_semaphore, #tpu.memory_space<semaphore_mem>>)
      %add3A_93 = arith.constant 320000 : i32
      %add3A_94 = arith.addi %add3A_93, %multiple_of3A_86 : i32
      %multiple_of3A_95 = tpu.assume_multiple %add3A_94, 8 : i32
      %dma_start3A_96 = arith.constant 0 : i32
      %dma_start3A_97 = tpu.memref_slice %arg8[%multiple_of3A_95, %dma_start3A_96] : memref<640000x128xf32, #tpu.memory_space<hbm>> -> memref<40x128xf32, #tpu.memory_space<hbm>>
      %dma_start3A_98 = arith.constant 0 : i32
      %dma_start3A_99 = tpu.memref_slice %arg8[%multiple_of3A_95, %dma_start3A_98] : memref<640000x128xf32, #tpu.memory_space<hbm>> -> memref<40x128xf32, #tpu.memory_space<hbm>>
      tpu.enqueue_dma source(%dma_start3A_99 : memref<40x128xf32, #tpu.memory_space<hbm>>) target(%arg18 : memref<40x128xf32, #tpu.memory_space<vmem>>) target_semaphore(%arg22 : memref<!tpu.dma_semaphore, #tpu.memory_space<semaphore_mem>>)
      %scan3A_100 = arith.constant 0 : i32
      %scan3A_101 = arith.constant 0 : i32
      %scan3A_102 = arith.constant 249 : i32
      %scan3A_103 = arith.addi %scan3A_101, %scan3A_102 : i32
      %scan3A_104 = arith.constant 1 : i32
      %scan3A_105 = scf.for %scan3A_164 = %scan3A_101 to %scan3A_103 step %scan3A_104 iter_args(%scan3A_165 = %scan3A_100) -> (i32)  : i32 {
        %mul3A_166 = arith.constant 2 : i32
        %mul3A_167 = arith.muli %mul3A_166, %scan3A_164 : i32
        %add3A_168 = arith.constant 1 : i32
        %add3A_169 = arith.addi %mul3A_167, %add3A_168 : i32
        %mul3A_170 = arith.constant 40 : i32
        %mul3A_171 = arith.muli %add3A_169, %mul3A_170 : i32
        %add3A_172 = arith.addi %mul3A_16, %mul3A_171 : i32
        %multiple_of3A_173 = tpu.assume_multiple %add3A_172, 8 : i32
        "tpu.region"() ({
          %run_scoped3A = tpu.sem_alloc : memref<!tpu.dma_semaphore, #tpu.memory_space<semaphore_mem>>
          %dma_start3A_255 = tpu.memref_slice %arg2[%multiple_of3A_173] : memref<320000xi32, #tpu.memory_space<hbm>> -> memref<40xi32, #tpu.memory_space<hbm>>
          %dma_start3A_256 = tpu.memref_slice %arg2[%multiple_of3A_173] : memref<320000xi32, #tpu.memory_space<hbm>> -> memref<40xi32, #tpu.memory_space<hbm>>
          tpu.enqueue_dma source(%dma_start3A_256 : memref<40xi32, #tpu.memory_space<hbm>>) target(%arg14 : memref<40xi32, #tpu.memory_space<vmem>>) target_semaphore(%run_scoped3A : memref<!tpu.dma_semaphore, #tpu.memory_space<semaphore_mem>>)
          %dma_wait3A_257 = tpu.memref_slice %arg2[%multiple_of3A_173] : memref<320000xi32, #tpu.memory_space<hbm>> -> memref<40xi32, #tpu.memory_space<hbm>>
          %dma_wait3A_258 = tpu.memref_slice %arg2[%multiple_of3A_173] : memref<320000xi32, #tpu.memory_space<hbm>> -> memref<40xi32, #tpu.memory_space<hbm>>
          tpu.wait_dma2 semaphore(%run_scoped3A : memref<!tpu.dma_semaphore, #tpu.memory_space<semaphore_mem>>) src(%dma_wait3A_258 : memref<40xi32, #tpu.memory_space<hbm>>) dst(%arg14 : memref<40xi32, #tpu.memory_space<vmem>>)
          tpu.yield
        }) : () -> ()
        "tpu.region"() ({
          %run_scoped3A = tpu.sem_alloc : memref<!tpu.dma_semaphore, #tpu.memory_space<semaphore_mem>>
          %dma_start3A_255 = tpu.memref_slice %arg3[%multiple_of3A_173] : memref<320000xi32, #tpu.memory_space<hbm>> -> memref<40xi32, #tpu.memory_space<hbm>>
          %dma_start3A_256 = tpu.memref_slice %arg3[%multiple_of3A_173] : memref<320000xi32, #tpu.memory_space<hbm>> -> memref<40xi32, #tpu.memory_space<hbm>>
          tpu.enqueue_dma source(%dma_start3A_256 : memref<40xi32, #tpu.memory_space<hbm>>) target(%arg15 : memref<40xi32, #tpu.memory_space<vmem>>) target_semaphore(%run_scoped3A : memref<!tpu.dma_semaphore, #tpu.memory_space<semaphore_mem>>)
          %dma_wait3A_257 = tpu.memref_slice %arg3[%multiple_of3A_173] : memref<320000xi32, #tpu.memory_space<hbm>> -> memref<40xi32, #tpu.memory_space<hbm>>
          %dma_wait3A_258 = tpu.memref_slice %arg3[%multiple_of3A_173] : memref<320000xi32, #tpu.memory_space<hbm>> -> memref<40xi32, #tpu.memory_space<hbm>>
          tpu.wait_dma2 semaphore(%run_scoped3A : memref<!tpu.dma_semaphore, #tpu.memory_space<semaphore_mem>>) src(%dma_wait3A_258 : memref<40xi32, #tpu.memory_space<hbm>>) dst(%arg15 : memref<40xi32, #tpu.memory_space<vmem>>)
          tpu.yield
        }) : () -> ()
        %mul3A_174 = arith.constant 40 : i32
        %mul3A_175 = arith.muli %add3A_169, %mul3A_174 : i32
        %add3A_176 = arith.addi %mul3A_16, %mul3A_175 : i32
        %multiple_of3A_177 = tpu.assume_multiple %add3A_176, 8 : i32
        %dma_start3A_178 = arith.constant 0 : i32
        %dma_start3A_179 = arith.constant 0 : i32
        %dma_start3A_180 = tpu.memref_slice %arg5[%dma_start3A_178, %dma_start3A_179] : memref<10000x128xf32, #tpu.memory_space<hbm>> -> memref<10000x128xf32, #tpu.memory_space<hbm>>
        tpu.enqueue_indirect_dma source(%dma_start3A_180 : memref<10000x128xf32, #tpu.memory_space<hbm>>) target(%arg19 : memref<40x128xf32, #tpu.memory_space<vmem>>) offsets(%arg14 : memref<40xi32, #tpu.memory_space<vmem>>) semaphore(%arg23 : memref<!tpu.dma_semaphore, #tpu.memory_space<semaphore_mem>>)
        %dma_start3A_181 = arith.constant 0 : i32
        %dma_start3A_182 = arith.constant 0 : i32
        %dma_start3A_183 = tpu.memref_slice %arg7[%dma_start3A_181, %dma_start3A_182] : memref<10000x128xf32, #tpu.memory_space<hbm>> -> memref<10000x128xf32, #tpu.memory_space<hbm>>
        tpu.enqueue_indirect_dma source(%dma_start3A_183 : memref<10000x128xf32, #tpu.memory_space<hbm>>) target(%arg20 : memref<40x128xf32, #tpu.memory_space<vmem>>) offsets(%arg15 : memref<40xi32, #tpu.memory_space<vmem>>) semaphore(%arg23 : memref<!tpu.dma_semaphore, #tpu.memory_space<semaphore_mem>>)
        %add3A_184 = arith.constant 320000 : i32
        %add3A_185 = arith.addi %add3A_184, %multiple_of3A_177 : i32
        %multiple_of3A_186 = tpu.assume_multiple %add3A_185, 8 : i32
        %dma_start3A_187 = arith.constant 0 : i32
        %dma_start3A_188 = tpu.memref_slice %arg8[%multiple_of3A_186, %dma_start3A_187] : memref<640000x128xf32, #tpu.memory_space<hbm>> -> memref<40x128xf32, #tpu.memory_space<hbm>>
        %dma_start3A_189 = arith.constant 0 : i32
        %dma_start3A_190 = tpu.memref_slice %arg8[%multiple_of3A_186, %dma_start3A_189] : memref<640000x128xf32, #tpu.memory_space<hbm>> -> memref<40x128xf32, #tpu.memory_space<hbm>>
        tpu.enqueue_dma source(%dma_start3A_190 : memref<40x128xf32, #tpu.memory_space<hbm>>) target(%arg21 : memref<40x128xf32, #tpu.memory_space<vmem>>) target_semaphore(%arg23 : memref<!tpu.dma_semaphore, #tpu.memory_space<semaphore_mem>>)
        %dma_wait3A_191 = arith.constant 0 : i32
        %dma_wait3A_192 = arith.constant 0 : i32
        %dma_wait3A_193 = tpu.memref_slice %arg5[%dma_wait3A_191, %dma_wait3A_192] : memref<10000x128xf32, #tpu.memory_space<hbm>> -> memref<10000x128xf32, #tpu.memory_space<hbm>>
        tpu.wait_indirect_dma semaphore(%arg22 : memref<!tpu.dma_semaphore, #tpu.memory_space<semaphore_mem>>) src(%dma_wait3A_193 : memref<10000x128xf32, #tpu.memory_space<hbm>>) dst(%arg16 : memref<40x128xf32, #tpu.memory_space<vmem>>)
        %dma_wait3A_194 = arith.constant 0 : i32
        %dma_wait3A_195 = arith.constant 0 : i32
        %dma_wait3A_196 = tpu.memref_slice %arg7[%dma_wait3A_194, %dma_wait3A_195] : memref<10000x128xf32, #tpu.memory_space<hbm>> -> memref<10000x128xf32, #tpu.memory_space<hbm>>
        tpu.wait_indirect_dma semaphore(%arg22 : memref<!tpu.dma_semaphore, #tpu.memory_space<semaphore_mem>>) src(%dma_wait3A_196 : memref<10000x128xf32, #tpu.memory_space<hbm>>) dst(%arg17 : memref<40x128xf32, #tpu.memory_space<vmem>>)
        %dma_wait3A_197 = arith.constant 0 : i32
        %dma_wait3A_198 = arith.constant 0 : i32
        %dma_wait3A_199 = tpu.memref_slice %arg8[%dma_wait3A_197, %dma_wait3A_198] : memref<640000x128xf32, #tpu.memory_space<hbm>> -> memref<40x128xf32, #tpu.memory_space<hbm>>
        %dma_wait3A_200 = arith.constant 0 : i32
        %dma_wait3A_201 = arith.constant 0 : i32
        %dma_wait3A_202 = tpu.memref_slice %arg8[%dma_wait3A_200, %dma_wait3A_201] : memref<640000x128xf32, #tpu.memory_space<hbm>> -> memref<40x128xf32, #tpu.memory_space<hbm>>
        tpu.wait_dma2 semaphore(%arg22 : memref<!tpu.dma_semaphore, #tpu.memory_space<semaphore_mem>>) src(%dma_wait3A_202 : memref<40x128xf32, #tpu.memory_space<hbm>>) dst(%arg18 : memref<40x128xf32, #tpu.memory_space<vmem>>)
        %scan3A_203 = arith.constant 0 : i32
        %scan3A_204 = arith.constant 0 : i32
        %scan3A_205 = arith.constant 40 : i32
        %scan3A_206 = arith.addi %scan3A_204, %scan3A_205 : i32
        %scan3A_207 = arith.constant 1 : i32
        %scan3A_208 = scf.for %scan3A_255 = %scan3A_204 to %scan3A_206 step %scan3A_207 iter_args(%scan3A_256 = %scan3A_203) -> (i32)  : i32 {
          %get3A = arith.index_cast %scan3A_255 : i32 to index
          %get3A_257 = arith.constant 0 : index
          %get3A_258 = tpu.vector_load %arg16[%get3A, %get3A_257] {strides = array<i32>} : memref<40x128xf32, #tpu.memory_space<vmem>>, vector<1x16xf32>,
          %get3A_259 = vector.shape_cast %get3A_258 : vector<1x16xf32> to vector<16xf32>
          %get3A_260 = arith.index_cast %scan3A_255 : i32 to index
          %get3A_261 = arith.constant 0 : index
          %get3A_262 = tpu.vector_load %arg17[%get3A_260, %get3A_261] {strides = array<i32>} : memref<40x128xf32, #tpu.memory_space<vmem>>, vector<1x16xf32>,
          %get3A_263 = vector.shape_cast %get3A_262 : vector<1x16xf32> to vector<16xf32>
          %add3A_264 = arith.addf %get3A_259, %get3A_263 : vector<16xf32>
          %get3A_265 = arith.index_cast %scan3A_255 : i32 to index
          %get3A_266 = arith.constant 0 : index
          %get3A_267 = tpu.vector_load %arg18[%get3A_265, %get3A_266] {strides = array<i32>} : memref<40x128xf32, #tpu.memory_space<vmem>>, vector<1x16xf32>,
          %get3A_268 = vector.shape_cast %get3A_267 : vector<1x16xf32> to vector<16xf32>
          %add3A_269 = arith.addf %add3A_264, %get3A_268 : vector<16xf32>
          %exp3A = math.exp %add3A_269 : vector<16xf32>
          %add3A_270 = arith.constant 1.000000e+00 : f32
          %add3A_271 = vector.broadcast %add3A_270 : f32 to vector<16xf32>
          %add3A_272 = arith.addf %exp3A, %add3A_271 : vector<16xf32>
          %div3A = arith.constant 2.000000e+00 : f32
          %div3A_273 = vector.broadcast %div3A : f32 to vector<16xf32>
          %div3A_274 = arith.divf %div3A_273, %add3A_272 : vector<16xf32>
          %sub3A = arith.constant 1.000000e+00 : f32
          %sub3A_275 = vector.broadcast %sub3A : f32 to vector<16xf32>
          %sub3A_276 = arith.subf %sub3A_275, %div3A_274 : vector<16xf32>
          %swap3A = arith.index_cast %scan3A_255 : i32 to index
          %swap3A_277 = arith.constant 0 : index
          %swap3A_278 = tpu.vector_load %arg16[%swap3A, %swap3A_277] {strides = array<i32>} : memref<40x128xf32, #tpu.memory_space<vmem>>, vector<1x16xf32>,
          %swap3A_279 = vector.shape_cast %swap3A_278 : vector<1x16xf32> to vector<16xf32>
          %swap3A_280 = vector.shape_cast %sub3A_276 : vector<16xf32> to vector<1x16xf32>
          tpu.vector_store %arg16[%swap3A, %swap3A_277], %swap3A_280 {strides = array<i32>} : memref<40x128xf32, #tpu.memory_space<vmem>>, vector<1x16xf32>,
          %get3A_281 = arith.index_cast %scan3A_255 : i32 to index
          %get3A_282 = arith.constant 16 : index
          %get3A_283 = tpu.vector_load %arg16[%get3A_281, %get3A_282] {strides = array<i32>} : memref<40x128xf32, #tpu.memory_space<vmem>>, vector<1x16xf32>,
          %get3A_284 = vector.shape_cast %get3A_283 : vector<1x16xf32> to vector<16xf32>
          %get3A_285 = arith.index_cast %scan3A_255 : i32 to index
          %get3A_286 = arith.constant 16 : index
          %get3A_287 = tpu.vector_load %arg17[%get3A_285, %get3A_286] {strides = array<i32>} : memref<40x128xf32, #tpu.memory_space<vmem>>, vector<1x16xf32>,
          %get3A_288 = vector.shape_cast %get3A_287 : vector<1x16xf32> to vector<16xf32>
          %add3A_289 = arith.addf %get3A_284, %get3A_288 : vector<16xf32>
          %get3A_290 = arith.index_cast %scan3A_255 : i32 to index
          %get3A_291 = arith.constant 16 : index
          %get3A_292 = tpu.vector_load %arg18[%get3A_290, %get3A_291] {strides = array<i32>} : memref<40x128xf32, #tpu.memory_space<vmem>>, vector<1x16xf32>,
          %get3A_293 = vector.shape_cast %get3A_292 : vector<1x16xf32> to vector<16xf32>
          %add3A_294 = arith.addf %add3A_289, %get3A_293 : vector<16xf32>
          %exp3A_295 = math.exp %add3A_294 : vector<16xf32>
          %add3A_296 = arith.constant 1.000000e+00 : f32
          %add3A_297 = vector.broadcast %add3A_296 : f32 to vector<16xf32>
          %add3A_298 = arith.addf %exp3A_295, %add3A_297 : vector<16xf32>
          %div3A_299 = arith.constant 2.000000e+00 : f32
          %div3A_300 = vector.broadcast %div3A_299 : f32 to vector<16xf32>
          %div3A_301 = arith.divf %div3A_300, %add3A_298 : vector<16xf32>
          %sub3A_302 = arith.constant 1.000000e+00 : f32
          %sub3A_303 = vector.broadcast %sub3A_302 : f32 to vector<16xf32>
          %sub3A_304 = arith.subf %sub3A_303, %div3A_301 : vector<16xf32>
          %swap3A_305 = arith.index_cast %scan3A_255 : i32 to index
          %swap3A_306 = arith.constant 16 : index
          %swap3A_307 = tpu.vector_load %arg16[%swap3A_305, %swap3A_306] {strides = array<i32>} : memref<40x128xf32, #tpu.memory_space<vmem>>, vector<1x16xf32>,
          %swap3A_308 = vector.shape_cast %swap3A_307 : vector<1x16xf32> to vector<16xf32>
          %swap3A_309 = vector.shape_cast %sub3A_304 : vector<16xf32> to vector<1x16xf32>
          tpu.vector_store %arg16[%swap3A_305, %swap3A_306], %swap3A_309 {strides = array<i32>} : memref<40x128xf32, #tpu.memory_space<vmem>>, vector<1x16xf32>,
          %get3A_310 = arith.index_cast %scan3A_255 : i32 to index
          %get3A_311 = arith.constant 32 : index
          %get3A_312 = tpu.vector_load %arg16[%get3A_310, %get3A_311] {strides = array<i32>} : memref<40x128xf32, #tpu.memory_space<vmem>>, vector<1x16xf32>,
          %get3A_313 = vector.shape_cast %get3A_312 : vector<1x16xf32> to vector<16xf32>
          %get3A_314 = arith.index_cast %scan3A_255 : i32 to index
          %get3A_315 = arith.constant 32 : index
          %get3A_316 = tpu.vector_load %arg17[%get3A_314, %get3A_315] {strides = array<i32>} : memref<40x128xf32, #tpu.memory_space<vmem>>, vector<1x16xf32>,
          %get3A_317 = vector.shape_cast %get3A_316 : vector<1x16xf32> to vector<16xf32>
          %add3A_318 = arith.addf %get3A_313, %get3A_317 : vector<16xf32>
          %get3A_319 = arith.index_cast %scan3A_255 : i32 to index
          %get3A_320 = arith.constant 32 : index
          %get3A_321 = tpu.vector_load %arg18[%get3A_319, %get3A_320] {strides = array<i32>} : memref<40x128xf32, #tpu.memory_space<vmem>>, vector<1x16xf32>,
          %get3A_322 = vector.shape_cast %get3A_321 : vector<1x16xf32> to vector<16xf32>
          %add3A_323 = arith.addf %add3A_318, %get3A_322 : vector<16xf32>
          %exp3A_324 = math.exp %add3A_323 : vector<16xf32>
          %add3A_325 = arith.constant 1.000000e+00 : f32
          %add3A_326 = vector.broadcast %add3A_325 : f32 to vector<16xf32>
          %add3A_327 = arith.addf %exp3A_324, %add3A_326 : vector<16xf32>
          %div3A_328 = arith.constant 2.000000e+00 : f32
          %div3A_329 = vector.broadcast %div3A_328 : f32 to vector<16xf32>
          %div3A_330 = arith.divf %div3A_329, %add3A_327 : vector<16xf32>
          %sub3A_331 = arith.constant 1.000000e+00 : f32
          %sub3A_332 = vector.broadcast %sub3A_331 : f32 to vector<16xf32>
          %sub3A_333 = arith.subf %sub3A_332, %div3A_330 : vector<16xf32>
          %swap3A_334 = arith.index_cast %scan3A_255 : i32 to index
          %swap3A_335 = arith.constant 32 : index
          %swap3A_336 = tpu.vector_load %arg16[%swap3A_334, %swap3A_335] {strides = array<i32>} : memref<40x128xf32, #tpu.memory_space<vmem>>, vector<1x16xf32>,
          %swap3A_337 = vector.shape_cast %swap3A_336 : vector<1x16xf32> to vector<16xf32>
          %swap3A_338 = vector.shape_cast %sub3A_333 : vector<16xf32> to vector<1x16xf32>
          tpu.vector_store %arg16[%swap3A_334, %swap3A_335], %swap3A_338 {strides = array<i32>} : memref<40x128xf32, #tpu.memory_space<vmem>>, vector<1x16xf32>,
          %get3A_339 = arith.index_cast %scan3A_255 : i32 to index
          %get3A_340 = arith.constant 48 : index
          %get3A_341 = tpu.vector_load %arg16[%get3A_339, %get3A_340] {strides = array<i32>} : memref<40x128xf32, #tpu.memory_space<vmem>>, vector<1x16xf32>,
          %get3A_342 = vector.shape_cast %get3A_341 : vector<1x16xf32> to vector<16xf32>
          %get3A_343 = arith.index_cast %scan3A_255 : i32 to index
          %get3A_344 = arith.constant 48 : index
          %get3A_345 = tpu.vector_load %arg17[%get3A_343, %get3A_344] {strides = array<i32>} : memref<40x128xf32, #tpu.memory_space<vmem>>, vector<1x16xf32>,
          %get3A_346 = vector.shape_cast %get3A_345 : vector<1x16xf32> to vector<16xf32>
          %add3A_347 = arith.addf %get3A_342, %get3A_346 : vector<16xf32>
          %get3A_348 = arith.index_cast %scan3A_255 : i32 to index
          %get3A_349 = arith.constant 48 : index
          %get3A_350 = tpu.vector_load %arg18[%get3A_348, %get3A_349] {strides = array<i32>} : memref<40x128xf32, #tpu.memory_space<vmem>>, vector<1x16xf32>,
          %get3A_351 = vector.shape_cast %get3A_350 : vector<1x16xf32> to vector<16xf32>
          %add3A_352 = arith.addf %add3A_347, %get3A_351 : vector<16xf32>
          %exp3A_353 = math.exp %add3A_352 : vector<16xf32>
          %add3A_354 = arith.constant 1.000000e+00 : f32
          %add3A_355 = vector.broadcast %add3A_354 : f32 to vector<16xf32>
          %add3A_356 = arith.addf %exp3A_353, %add3A_355 : vector<16xf32>
          %div3A_357 = arith.constant 2.000000e+00 : f32
          %div3A_358 = vector.broadcast %div3A_357 : f32 to vector<16xf32>
          %div3A_359 = arith.divf %div3A_358, %add3A_356 : vector<16xf32>
          %sub3A_360 = arith.constant 1.000000e+00 : f32
          %sub3A_361 = vector.broadcast %sub3A_360 : f32 to vector<16xf32>
          %sub3A_362 = arith.subf %sub3A_361, %div3A_359 : vector<16xf32>
          %swap3A_363 = arith.index_cast %scan3A_255 : i32 to index
          %swap3A_364 = arith.constant 48 : index
          %swap3A_365 = tpu.vector_load %arg16[%swap3A_363, %swap3A_364] {strides = array<i32>} : memref<40x128xf32, #tpu.memory_space<vmem>>, vector<1x16xf32>,
          %swap3A_366 = vector.shape_cast %swap3A_365 : vector<1x16xf32> to vector<16xf32>
          %swap3A_367 = vector.shape_cast %sub3A_362 : vector<16xf32> to vector<1x16xf32>
          tpu.vector_store %arg16[%swap3A_363, %swap3A_364], %swap3A_367 {strides = array<i32>} : memref<40x128xf32, #tpu.memory_space<vmem>>, vector<1x16xf32>,
          %get3A_368 = arith.index_cast %scan3A_255 : i32 to index
          %get3A_369 = arith.constant 64 : index
          %get3A_370 = tpu.vector_load %arg16[%get3A_368, %get3A_369] {strides = array<i32>} : memref<40x128xf32, #tpu.memory_space<vmem>>, vector<1x16xf32>,
          %get3A_371 = vector.shape_cast %get3A_370 : vector<1x16xf32> to vector<16xf32>
          %get3A_372 = arith.index_cast %scan3A_255 : i32 to index
          %get3A_373 = arith.constant 64 : index
          %get3A_374 = tpu.vector_load %arg17[%get3A_372, %get3A_373] {strides = array<i32>} : memref<40x128xf32, #tpu.memory_space<vmem>>, vector<1x16xf32>,
          %get3A_375 = vector.shape_cast %get3A_374 : vector<1x16xf32> to vector<16xf32>
          %add3A_376 = arith.addf %get3A_371, %get3A_375 : vector<16xf32>
          %get3A_377 = arith.index_cast %scan3A_255 : i32 to index
          %get3A_378 = arith.constant 64 : index
          %get3A_379 = tpu.vector_load %arg18[%get3A_377, %get3A_378] {strides = array<i32>} : memref<40x128xf32, #tpu.memory_space<vmem>>, vector<1x16xf32>,
          %get3A_380 = vector.shape_cast %get3A_379 : vector<1x16xf32> to vector<16xf32>
          %add3A_381 = arith.addf %add3A_376, %get3A_380 : vector<16xf32>
          %exp3A_382 = math.exp %add3A_381 : vector<16xf32>
          %add3A_383 = arith.constant 1.000000e+00 : f32
          %add3A_384 = vector.broadcast %add3A_383 : f32 to vector<16xf32>
          %add3A_385 = arith.addf %exp3A_382, %add3A_384 : vector<16xf32>
          %div3A_386 = arith.constant 2.000000e+00 : f32
          %div3A_387 = vector.broadcast %div3A_386 : f32 to vector<16xf32>
          %div3A_388 = arith.divf %div3A_387, %add3A_385 : vector<16xf32>
          %sub3A_389 = arith.constant 1.000000e+00 : f32
          %sub3A_390 = vector.broadcast %sub3A_389 : f32 to vector<16xf32>
          %sub3A_391 = arith.subf %sub3A_390, %div3A_388 : vector<16xf32>
          %swap3A_392 = arith.index_cast %scan3A_255 : i32 to index
          %swap3A_393 = arith.constant 64 : index
          %swap3A_394 = tpu.vector_load %arg16[%swap3A_392, %swap3A_393] {strides = array<i32>} : memref<40x128xf32, #tpu.memory_space<vmem>>, vector<1x16xf32>,
          %swap3A_395 = vector.shape_cast %swap3A_394 : vector<1x16xf32> to vector<16xf32>
          %swap3A_396 = vector.shape_cast %sub3A_391 : vector<16xf32> to vector<1x16xf32>
          tpu.vector_store %arg16[%swap3A_392, %swap3A_393], %swap3A_396 {strides = array<i32>} : memref<40x128xf32, #tpu.memory_space<vmem>>, vector<1x16xf32>,
          %get3A_397 = arith.index_cast %scan3A_255 : i32 to index
          %get3A_398 = arith.constant 80 : index
          %get3A_399 = tpu.vector_load %arg16[%get3A_397, %get3A_398] {strides = array<i32>} : memref<40x128xf32, #tpu.memory_space<vmem>>, vector<1x16xf32>,
          %get3A_400 = vector.shape_cast %get3A_399 : vector<1x16xf32> to vector<16xf32>
          %get3A_401 = arith.index_cast %scan3A_255 : i32 to index
          %get3A_402 = arith.constant 80 : index
          %get3A_403 = tpu.vector_load %arg17[%get3A_401, %get3A_402] {strides = array<i32>} : memref<40x128xf32, #tpu.memory_space<vmem>>, vector<1x16xf32>,
          %get3A_404 = vector.shape_cast %get3A_403 : vector<1x16xf32> to vector<16xf32>
          %add3A_405 = arith.addf %get3A_400, %get3A_404 : vector<16xf32>
          %get3A_406 = arith.index_cast %scan3A_255 : i32 to index
          %get3A_407 = arith.constant 80 : index
          %get3A_408 = tpu.vector_load %arg18[%get3A_406, %get3A_407] {strides = array<i32>} : memref<40x128xf32, #tpu.memory_space<vmem>>, vector<1x16xf32>,
          %get3A_409 = vector.shape_cast %get3A_408 : vector<1x16xf32> to vector<16xf32>
          %add3A_410 = arith.addf %add3A_405, %get3A_409 : vector<16xf32>
          %exp3A_411 = math.exp %add3A_410 : vector<16xf32>
          %add3A_412 = arith.constant 1.000000e+00 : f32
          %add3A_413 = vector.broadcast %add3A_412 : f32 to vector<16xf32>
          %add3A_414 = arith.addf %exp3A_411, %add3A_413 : vector<16xf32>
          %div3A_415 = arith.constant 2.000000e+00 : f32
          %div3A_416 = vector.broadcast %div3A_415 : f32 to vector<16xf32>
          %div3A_417 = arith.divf %div3A_416, %add3A_414 : vector<16xf32>
          %sub3A_418 = arith.constant 1.000000e+00 : f32
          %sub3A_419 = vector.broadcast %sub3A_418 : f32 to vector<16xf32>
          %sub3A_420 = arith.subf %sub3A_419, %div3A_417 : vector<16xf32>
          %swap3A_421 = arith.index_cast %scan3A_255 : i32 to index
          %swap3A_422 = arith.constant 80 : index
          %swap3A_423 = tpu.vector_load %arg16[%swap3A_421, %swap3A_422] {strides = array<i32>} : memref<40x128xf32, #tpu.memory_space<vmem>>, vector<1x16xf32>,
          %swap3A_424 = vector.shape_cast %swap3A_423 : vector<1x16xf32> to vector<16xf32>
          %swap3A_425 = vector.shape_cast %sub3A_420 : vector<16xf32> to vector<1x16xf32>
          tpu.vector_store %arg16[%swap3A_421, %swap3A_422], %swap3A_425 {strides = array<i32>} : memref<40x128xf32, #tpu.memory_space<vmem>>, vector<1x16xf32>,
          %get3A_426 = arith.index_cast %scan3A_255 : i32 to index
          %get3A_427 = arith.constant 96 : index
          %get3A_428 = tpu.vector_load %arg16[%get3A_426, %get3A_427] {strides = array<i32>} : memref<40x128xf32, #tpu.memory_space<vmem>>, vector<1x16xf32>,
          %get3A_429 = vector.shape_cast %get3A_428 : vector<1x16xf32> to vector<16xf32>
          %get3A_430 = arith.index_cast %scan3A_255 : i32 to index
          %get3A_431 = arith.constant 96 : index
          %get3A_432 = tpu.vector_load %arg17[%get3A_430, %get3A_431] {strides = array<i32>} : memref<40x128xf32, #tpu.memory_space<vmem>>, vector<1x16xf32>,
          %get3A_433 = vector.shape_cast %get3A_432 : vector<1x16xf32> to vector<16xf32>
          %add3A_434 = arith.addf %get3A_429, %get3A_433 : vector<16xf32>
          %get3A_435 = arith.index_cast %scan3A_255 : i32 to index
          %get3A_436 = arith.constant 96 : index
          %get3A_437 = tpu.vector_load %arg18[%get3A_435, %get3A_436] {strides = array<i32>} : memref<40x128xf32, #tpu.memory_space<vmem>>, vector<1x16xf32>,
          %get3A_438 = vector.shape_cast %get3A_437 : vector<1x16xf32> to vector<16xf32>
          %add3A_439 = arith.addf %add3A_434, %get3A_438 : vector<16xf32>
          %exp3A_440 = math.exp %add3A_439 : vector<16xf32>
          %add3A_441 = arith.constant 1.000000e+00 : f32
          %add3A_442 = vector.broadcast %add3A_441 : f32 to vector<16xf32>
          %add3A_443 = arith.addf %exp3A_440, %add3A_442 : vector<16xf32>
          %div3A_444 = arith.constant 2.000000e+00 : f32
          %div3A_445 = vector.broadcast %div3A_444 : f32 to vector<16xf32>
          %div3A_446 = arith.divf %div3A_445, %add3A_443 : vector<16xf32>
          %sub3A_447 = arith.constant 1.000000e+00 : f32
          %sub3A_448 = vector.broadcast %sub3A_447 : f32 to vector<16xf32>
          %sub3A_449 = arith.subf %sub3A_448, %div3A_446 : vector<16xf32>
          %swap3A_450 = arith.index_cast %scan3A_255 : i32 to index
          %swap3A_451 = arith.constant 96 : index
          %swap3A_452 = tpu.vector_load %arg16[%swap3A_450, %swap3A_451] {strides = array<i32>} : memref<40x128xf32, #tpu.memory_space<vmem>>, vector<1x16xf32>,
          %swap3A_453 = vector.shape_cast %swap3A_452 : vector<1x16xf32> to vector<16xf32>
          %swap3A_454 = vector.shape_cast %sub3A_449 : vector<16xf32> to vector<1x16xf32>
          tpu.vector_store %arg16[%swap3A_450, %swap3A_451], %swap3A_454 {strides = array<i32>} : memref<40x128xf32, #tpu.memory_space<vmem>>, vector<1x16xf32>,
          %get3A_455 = arith.index_cast %scan3A_255 : i32 to index
          %get3A_456 = arith.constant 112 : index
          %get3A_457 = tpu.vector_load %arg16[%get3A_455, %get3A_456] {strides = array<i32>} : memref<40x128xf32, #tpu.memory_space<vmem>>, vector<1x16xf32>,
          %get3A_458 = vector.shape_cast %get3A_457 : vector<1x16xf32> to vector<16xf32>
          %get3A_459 = arith.index_cast %scan3A_255 : i32 to index
          %get3A_460 = arith.constant 112 : index
          %get3A_461 = tpu.vector_load %arg17[%get3A_459, %get3A_460] {strides = array<i32>} : memref<40x128xf32, #tpu.memory_space<vmem>>, vector<1x16xf32>,
          %get3A_462 = vector.shape_cast %get3A_461 : vector<1x16xf32> to vector<16xf32>
          %add3A_463 = arith.addf %get3A_458, %get3A_462 : vector<16xf32>
          %get3A_464 = arith.index_cast %scan3A_255 : i32 to index
          %get3A_465 = arith.constant 112 : index
          %get3A_466 = tpu.vector_load %arg18[%get3A_464, %get3A_465] {strides = array<i32>} : memref<40x128xf32, #tpu.memory_space<vmem>>, vector<1x16xf32>,
          %get3A_467 = vector.shape_cast %get3A_466 : vector<1x16xf32> to vector<16xf32>
          %add3A_468 = arith.addf %add3A_463, %get3A_467 : vector<16xf32>
          %exp3A_469 = math.exp %add3A_468 : vector<16xf32>
          %add3A_470 = arith.constant 1.000000e+00 : f32
          %add3A_471 = vector.broadcast %add3A_470 : f32 to vector<16xf32>
          %add3A_472 = arith.addf %exp3A_469, %add3A_471 : vector<16xf32>
          %div3A_473 = arith.constant 2.000000e+00 : f32
          %div3A_474 = vector.broadcast %div3A_473 : f32 to vector<16xf32>
          %div3A_475 = arith.divf %div3A_474, %add3A_472 : vector<16xf32>
          %sub3A_476 = arith.constant 1.000000e+00 : f32
          %sub3A_477 = vector.broadcast %sub3A_476 : f32 to vector<16xf32>
          %sub3A_478 = arith.subf %sub3A_477, %div3A_475 : vector<16xf32>
          %swap3A_479 = arith.index_cast %scan3A_255 : i32 to index
          %swap3A_480 = arith.constant 112 : index
          %swap3A_481 = tpu.vector_load %arg16[%swap3A_479, %swap3A_480] {strides = array<i32>} : memref<40x128xf32, #tpu.memory_space<vmem>>, vector<1x16xf32>,
          %swap3A_482 = vector.shape_cast %swap3A_481 : vector<1x16xf32> to vector<16xf32>
          %swap3A_483 = vector.shape_cast %sub3A_478 : vector<16xf32> to vector<1x16xf32>
          tpu.vector_store %arg16[%swap3A_479, %swap3A_480], %swap3A_483 {strides = array<i32>} : memref<40x128xf32, #tpu.memory_space<vmem>>, vector<1x16xf32>,
          %scan3A_484 = arith.constant 0 : i32
          scf.yield %scan3A_484 : i32
        }
        %scan3A_209 = arith.constant 40 : i32
        "tpu.region"() ({
          %run_scoped3A = tpu.sem_alloc : memref<!tpu.dma_semaphore, #tpu.memory_space<semaphore_mem>>
          %dma_start3A_255 = arith.constant 0 : i32
          %dma_start3A_256 = arith.constant 0 : i32
          %dma_start3A_257 = tpu.memref_slice %arg11[%dma_start3A_255, %dma_start3A_256] : memref<10240x128xf32, #tpu.memory_space<vmem_shared>> -> memref<10240x128xf32, #tpu.memory_space<vmem_shared>>
          tpu.enqueue_indirect_dma source(%arg16 : memref<40x128xf32, #tpu.memory_space<vmem>>) target(%dma_start3A_257 : memref<10240x128xf32, #tpu.memory_space<vmem_shared>>) offsets(%arg12 : memref<40xi32, #tpu.memory_space<vmem>>) semaphore(%run_scoped3A : memref<!tpu.dma_semaphore, #tpu.memory_space<semaphore_mem>>) {add = true}
          %dma_wait3A_258 = arith.constant 0 : i32
          %dma_wait3A_259 = arith.constant 0 : i32
          %dma_wait3A_260 = tpu.memref_slice %arg11[%dma_wait3A_258, %dma_wait3A_259] : memref<10240x128xf32, #tpu.memory_space<vmem_shared>> -> memref<10240x128xf32, #tpu.memory_space<vmem_shared>>
          tpu.wait_indirect_dma semaphore(%run_scoped3A : memref<!tpu.dma_semaphore, #tpu.memory_space<semaphore_mem>>) src(%arg16 : memref<40x128xf32, #tpu.memory_space<vmem>>) dst(%dma_wait3A_260 : memref<10240x128xf32, #tpu.memory_space<vmem_shared>>)
          tpu.yield
        }) : () -> ()
        %mul3A_210 = arith.constant 2 : i32
        %mul3A_211 = arith.muli %mul3A_210, %scan3A_164 : i32
        %add3A_212 = arith.constant 2 : i32
        %add3A_213 = arith.addi %mul3A_211, %add3A_212 : i32
        %mul3A_214 = arith.constant 40 : i32
        %mul3A_215 = arith.muli %add3A_213, %mul3A_214 : i32
        %add3A_216 = arith.addi %mul3A_16, %mul3A_215 : i32
        %multiple_of3A_217 = tpu.assume_multiple %add3A_216, 8 : i32
        "tpu.region"() ({
          %run_scoped3A = tpu.sem_alloc : memref<!tpu.dma_semaphore, #tpu.memory_space<semaphore_mem>>
          %dma_start3A_255 = tpu.memref_slice %arg2[%multiple_of3A_217] : memref<320000xi32, #tpu.memory_space<hbm>> -> memref<40xi32, #tpu.memory_space<hbm>>
          %dma_start3A_256 = tpu.memref_slice %arg2[%multiple_of3A_217] : memref<320000xi32, #tpu.memory_space<hbm>> -> memref<40xi32, #tpu.memory_space<hbm>>
          tpu.enqueue_dma source(%dma_start3A_256 : memref<40xi32, #tpu.memory_space<hbm>>) target(%arg12 : memref<40xi32, #tpu.memory_space<vmem>>) target_semaphore(%run_scoped3A : memref<!tpu.dma_semaphore, #tpu.memory_space<semaphore_mem>>)
          %dma_wait3A_257 = tpu.memref_slice %arg2[%multiple_of3A_217] : memref<320000xi32, #tpu.memory_space<hbm>> -> memref<40xi32, #tpu.memory_space<hbm>>
          %dma_wait3A_258 = tpu.memref_slice %arg2[%multiple_of3A_217] : memref<320000xi32, #tpu.memory_space<hbm>> -> memref<40xi32, #tpu.memory_space<hbm>>
          tpu.wait_dma2 semaphore(%run_scoped3A : memref<!tpu.dma_semaphore, #tpu.memory_space<semaphore_mem>>) src(%dma_wait3A_258 : memref<40xi32, #tpu.memory_space<hbm>>) dst(%arg12 : memref<40xi32, #tpu.memory_space<vmem>>)
          tpu.yield
        }) : () -> ()
        "tpu.region"() ({
          %run_scoped3A = tpu.sem_alloc : memref<!tpu.dma_semaphore, #tpu.memory_space<semaphore_mem>>
          %dma_start3A_255 = tpu.memref_slice %arg3[%multiple_of3A_217] : memref<320000xi32, #tpu.memory_space<hbm>> -> memref<40xi32, #tpu.memory_space<hbm>>
          %dma_start3A_256 = tpu.memref_slice %arg3[%multiple_of3A_217] : memref<320000xi32, #tpu.memory_space<hbm>> -> memref<40xi32, #tpu.memory_space<hbm>>
          tpu.enqueue_dma source(%dma_start3A_256 : memref<40xi32, #tpu.memory_space<hbm>>) target(%arg13 : memref<40xi32, #tpu.memory_space<vmem>>) target_semaphore(%run_scoped3A : memref<!tpu.dma_semaphore, #tpu.memory_space<semaphore_mem>>)
          %dma_wait3A_257 = tpu.memref_slice %arg3[%multiple_of3A_217] : memref<320000xi32, #tpu.memory_space<hbm>> -> memref<40xi32, #tpu.memory_space<hbm>>
          %dma_wait3A_258 = tpu.memref_slice %arg3[%multiple_of3A_217] : memref<320000xi32, #tpu.memory_space<hbm>> -> memref<40xi32, #tpu.memory_space<hbm>>
          tpu.wait_dma2 semaphore(%run_scoped3A : memref<!tpu.dma_semaphore, #tpu.memory_space<semaphore_mem>>) src(%dma_wait3A_258 : memref<40xi32, #tpu.memory_space<hbm>>) dst(%arg13 : memref<40xi32, #tpu.memory_space<vmem>>)
          tpu.yield
        }) : () -> ()
        %mul3A_218 = arith.constant 40 : i32
        %mul3A_219 = arith.muli %add3A_213, %mul3A_218 : i32
        %add3A_220 = arith.addi %mul3A_16, %mul3A_219 : i32
        %multiple_of3A_221 = tpu.assume_multiple %add3A_220, 8 : i32
        %dma_start3A_222 = arith.constant 0 : i32
        %dma_start3A_223 = arith.constant 0 : i32
        %dma_start3A_224 = tpu.memref_slice %arg5[%dma_start3A_222, %dma_start3A_223] : memref<10000x128xf32, #tpu.memory_space<hbm>> -> memref<10000x128xf32, #tpu.memory_space<hbm>>
        tpu.enqueue_indirect_dma source(%dma_start3A_224 : memref<10000x128xf32, #tpu.memory_space<hbm>>) target(%arg16 : memref<40x128xf32, #tpu.memory_space<vmem>>) offsets(%arg12 : memref<40xi32, #tpu.memory_space<vmem>>) semaphore(%arg22 : memref<!tpu.dma_semaphore, #tpu.memory_space<semaphore_mem>>)
        %dma_start3A_225 = arith.constant 0 : i32
        %dma_start3A_226 = arith.constant 0 : i32
        %dma_start3A_227 = tpu.memref_slice %arg7[%dma_start3A_225, %dma_start3A_226] : memref<10000x128xf32, #tpu.memory_space<hbm>> -> memref<10000x128xf32, #tpu.memory_space<hbm>>
        tpu.enqueue_indirect_dma source(%dma_start3A_227 : memref<10000x128xf32, #tpu.memory_space<hbm>>) target(%arg17 : memref<40x128xf32, #tpu.memory_space<vmem>>) offsets(%arg13 : memref<40xi32, #tpu.memory_space<vmem>>) semaphore(%arg22 : memref<!tpu.dma_semaphore, #tpu.memory_space<semaphore_mem>>)
        %add3A_228 = arith.constant 320000 : i32
        %add3A_229 = arith.addi %add3A_228, %multiple_of3A_221 : i32
        %multiple_of3A_230 = tpu.assume_multiple %add3A_229, 8 : i32
        %dma_start3A_231 = arith.constant 0 : i32
        %dma_start3A_232 = tpu.memref_slice %arg8[%multiple_of3A_230, %dma_start3A_231] : memref<640000x128xf32, #tpu.memory_space<hbm>> -> memref<40x128xf32, #tpu.memory_space<hbm>>
        %dma_start3A_233 = arith.constant 0 : i32
        %dma_start3A_234 = tpu.memref_slice %arg8[%multiple_of3A_230, %dma_start3A_233] : memref<640000x128xf32, #tpu.memory_space<hbm>> -> memref<40x128xf32, #tpu.memory_space<hbm>>
        tpu.enqueue_dma source(%dma_start3A_234 : memref<40x128xf32, #tpu.memory_space<hbm>>) target(%arg18 : memref<40x128xf32, #tpu.memory_space<vmem>>) target_semaphore(%arg22 : memref<!tpu.dma_semaphore, #tpu.memory_space<semaphore_mem>>)
        %dma_wait3A_235 = arith.constant 0 : i32
        %dma_wait3A_236 = arith.constant 0 : i32
        %dma_wait3A_237 = tpu.memref_slice %arg5[%dma_wait3A_235, %dma_wait3A_236] : memref<10000x128xf32, #tpu.memory_space<hbm>> -> memref<10000x128xf32, #tpu.memory_space<hbm>>
        tpu.wait_indirect_dma semaphore(%arg23 : memref<!tpu.dma_semaphore, #tpu.memory_space<semaphore_mem>>) src(%dma_wait3A_237 : memref<10000x128xf32, #tpu.memory_space<hbm>>) dst(%arg19 : memref<40x128xf32, #tpu.memory_space<vmem>>)
        %dma_wait3A_238 = arith.constant 0 : i32
        %dma_wait3A_239 = arith.constant 0 : i32
        %dma_wait3A_240 = tpu.memref_slice %arg7[%dma_wait3A_238, %dma_wait3A_239] : memref<10000x128xf32, #tpu.memory_space<hbm>> -> memref<10000x128xf32, #tpu.memory_space<hbm>>
        tpu.wait_indirect_dma semaphore(%arg23 : memref<!tpu.dma_semaphore, #tpu.memory_space<semaphore_mem>>) src(%dma_wait3A_240 : memref<10000x128xf32, #tpu.memory_space<hbm>>) dst(%arg20 : memref<40x128xf32, #tpu.memory_space<vmem>>)
        %dma_wait3A_241 = arith.constant 0 : i32
        %dma_wait3A_242 = arith.constant 0 : i32
        %dma_wait3A_243 = tpu.memref_slice %arg8[%dma_wait3A_241, %dma_wait3A_242] : memref<640000x128xf32, #tpu.memory_space<hbm>> -> memref<40x128xf32, #tpu.memory_space<hbm>>
        %dma_wait3A_244 = arith.constant 0 : i32
        %dma_wait3A_245 = arith.constant 0 : i32
        %dma_wait3A_246 = tpu.memref_slice %arg8[%dma_wait3A_244, %dma_wait3A_245] : memref<640000x128xf32, #tpu.memory_space<hbm>> -> memref<40x128xf32, #tpu.memory_space<hbm>>
        tpu.wait_dma2 semaphore(%arg23 : memref<!tpu.dma_semaphore, #tpu.memory_space<semaphore_mem>>) src(%dma_wait3A_246 : memref<40x128xf32, #tpu.memory_space<hbm>>) dst(%arg21 : memref<40x128xf32, #tpu.memory_space<vmem>>)
        %scan3A_247 = arith.constant 0 : i32
        %scan3A_248 = arith.constant 0 : i32
        %scan3A_249 = arith.constant 40 : i32
        %scan3A_250 = arith.addi %scan3A_248, %scan3A_249 : i32
        %scan3A_251 = arith.constant 1 : i32
        %scan3A_252 = scf.for %scan3A_255 = %scan3A_248 to %scan3A_250 step %scan3A_251 iter_args(%scan3A_256 = %scan3A_247) -> (i32)  : i32 {
          %get3A = arith.index_cast %scan3A_255 : i32 to index
          %get3A_257 = arith.constant 0 : index
          %get3A_258 = tpu.vector_load %arg19[%get3A, %get3A_257] {strides = array<i32>} : memref<40x128xf32, #tpu.memory_space<vmem>>, vector<1x16xf32>,
          %get3A_259 = vector.shape_cast %get3A_258 : vector<1x16xf32> to vector<16xf32>
          %get3A_260 = arith.index_cast %scan3A_255 : i32 to index
          %get3A_261 = arith.constant 0 : index
          %get3A_262 = tpu.vector_load %arg20[%get3A_260, %get3A_261] {strides = array<i32>} : memref<40x128xf32, #tpu.memory_space<vmem>>, vector<1x16xf32>,
          %get3A_263 = vector.shape_cast %get3A_262 : vector<1x16xf32> to vector<16xf32>
          %add3A_264 = arith.addf %get3A_259, %get3A_263 : vector<16xf32>
          %get3A_265 = arith.index_cast %scan3A_255 : i32 to index
          %get3A_266 = arith.constant 0 : index
          %get3A_267 = tpu.vector_load %arg21[%get3A_265, %get3A_266] {strides = array<i32>} : memref<40x128xf32, #tpu.memory_space<vmem>>, vector<1x16xf32>,
          %get3A_268 = vector.shape_cast %get3A_267 : vector<1x16xf32> to vector<16xf32>
          %add3A_269 = arith.addf %add3A_264, %get3A_268 : vector<16xf32>
          %exp3A = math.exp %add3A_269 : vector<16xf32>
          %add3A_270 = arith.constant 1.000000e+00 : f32
          %add3A_271 = vector.broadcast %add3A_270 : f32 to vector<16xf32>
          %add3A_272 = arith.addf %exp3A, %add3A_271 : vector<16xf32>
          %div3A = arith.constant 2.000000e+00 : f32
          %div3A_273 = vector.broadcast %div3A : f32 to vector<16xf32>
          %div3A_274 = arith.divf %div3A_273, %add3A_272 : vector<16xf32>
          %sub3A = arith.constant 1.000000e+00 : f32
          %sub3A_275 = vector.broadcast %sub3A : f32 to vector<16xf32>
          %sub3A_276 = arith.subf %sub3A_275, %div3A_274 : vector<16xf32>
          %swap3A = arith.index_cast %scan3A_255 : i32 to index
          %swap3A_277 = arith.constant 0 : index
          %swap3A_278 = tpu.vector_load %arg19[%swap3A, %swap3A_277] {strides = array<i32>} : memref<40x128xf32, #tpu.memory_space<vmem>>, vector<1x16xf32>,
          %swap3A_279 = vector.shape_cast %swap3A_278 : vector<1x16xf32> to vector<16xf32>
          %swap3A_280 = vector.shape_cast %sub3A_276 : vector<16xf32> to vector<1x16xf32>
          tpu.vector_store %arg19[%swap3A, %swap3A_277], %swap3A_280 {strides = array<i32>} : memref<40x128xf32, #tpu.memory_space<vmem>>, vector<1x16xf32>,
          %get3A_281 = arith.index_cast %scan3A_255 : i32 to index
          %get3A_282 = arith.constant 16 : index
          %get3A_283 = tpu.vector_load %arg19[%get3A_281, %get3A_282] {strides = array<i32>} : memref<40x128xf32, #tpu.memory_space<vmem>>, vector<1x16xf32>,
          %get3A_284 = vector.shape_cast %get3A_283 : vector<1x16xf32> to vector<16xf32>
          %get3A_285 = arith.index_cast %scan3A_255 : i32 to index
          %get3A_286 = arith.constant 16 : index
          %get3A_287 = tpu.vector_load %arg20[%get3A_285, %get3A_286] {strides = array<i32>} : memref<40x128xf32, #tpu.memory_space<vmem>>, vector<1x16xf32>,
          %get3A_288 = vector.shape_cast %get3A_287 : vector<1x16xf32> to vector<16xf32>
          %add3A_289 = arith.addf %get3A_284, %get3A_288 : vector<16xf32>
          %get3A_290 = arith.index_cast %scan3A_255 : i32 to index
          %get3A_291 = arith.constant 16 : index
          %get3A_292 = tpu.vector_load %arg21[%get3A_290, %get3A_291] {strides = array<i32>} : memref<40x128xf32, #tpu.memory_space<vmem>>, vector<1x16xf32>,
          %get3A_293 = vector.shape_cast %get3A_292 : vector<1x16xf32> to vector<16xf32>
          %add3A_294 = arith.addf %add3A_289, %get3A_293 : vector<16xf32>
          %exp3A_295 = math.exp %add3A_294 : vector<16xf32>
          %add3A_296 = arith.constant 1.000000e+00 : f32
          %add3A_297 = vector.broadcast %add3A_296 : f32 to vector<16xf32>
          %add3A_298 = arith.addf %exp3A_295, %add3A_297 : vector<16xf32>
          %div3A_299 = arith.constant 2.000000e+00 : f32
          %div3A_300 = vector.broadcast %div3A_299 : f32 to vector<16xf32>
          %div3A_301 = arith.divf %div3A_300, %add3A_298 : vector<16xf32>
          %sub3A_302 = arith.constant 1.000000e+00 : f32
          %sub3A_303 = vector.broadcast %sub3A_302 : f32 to vector<16xf32>
          %sub3A_304 = arith.subf %sub3A_303, %div3A_301 : vector<16xf32>
          %swap3A_305 = arith.index_cast %scan3A_255 : i32 to index
          %swap3A_306 = arith.constant 16 : index
          %swap3A_307 = tpu.vector_load %arg19[%swap3A_305, %swap3A_306] {strides = array<i32>} : memref<40x128xf32, #tpu.memory_space<vmem>>, vector<1x16xf32>,
          %swap3A_308 = vector.shape_cast %swap3A_307 : vector<1x16xf32> to vector<16xf32>
          %swap3A_309 = vector.shape_cast %sub3A_304 : vector<16xf32> to vector<1x16xf32>
          tpu.vector_store %arg19[%swap3A_305, %swap3A_306], %swap3A_309 {strides = array<i32>} : memref<40x128xf32, #tpu.memory_space<vmem>>, vector<1x16xf32>,
          %get3A_310 = arith.index_cast %scan3A_255 : i32 to index
          %get3A_311 = arith.constant 32 : index
          %get3A_312 = tpu.vector_load %arg19[%get3A_310, %get3A_311] {strides = array<i32>} : memref<40x128xf32, #tpu.memory_space<vmem>>, vector<1x16xf32>,
          %get3A_313 = vector.shape_cast %get3A_312 : vector<1x16xf32> to vector<16xf32>
          %get3A_314 = arith.index_cast %scan3A_255 : i32 to index
          %get3A_315 = arith.constant 32 : index
          %get3A_316 = tpu.vector_load %arg20[%get3A_314, %get3A_315] {strides = array<i32>} : memref<40x128xf32, #tpu.memory_space<vmem>>, vector<1x16xf32>,
          %get3A_317 = vector.shape_cast %get3A_316 : vector<1x16xf32> to vector<16xf32>
          %add3A_318 = arith.addf %get3A_313, %get3A_317 : vector<16xf32>
          %get3A_319 = arith.index_cast %scan3A_255 : i32 to index
          %get3A_320 = arith.constant 32 : index
          %get3A_321 = tpu.vector_load %arg21[%get3A_319, %get3A_320] {strides = array<i32>} : memref<40x128xf32, #tpu.memory_space<vmem>>, vector<1x16xf32>,
          %get3A_322 = vector.shape_cast %get3A_321 : vector<1x16xf32> to vector<16xf32>
          %add3A_323 = arith.addf %add3A_318, %get3A_322 : vector<16xf32>
          %exp3A_324 = math.exp %add3A_323 : vector<16xf32>
          %add3A_325 = arith.constant 1.000000e+00 : f32
          %add3A_326 = vector.broadcast %add3A_325 : f32 to vector<16xf32>
          %add3A_327 = arith.addf %exp3A_324, %add3A_326 : vector<16xf32>
          %div3A_328 = arith.constant 2.000000e+00 : f32
          %div3A_329 = vector.broadcast %div3A_328 : f32 to vector<16xf32>
          %div3A_330 = arith.divf %div3A_329, %add3A_327 : vector<16xf32>
          %sub3A_331 = arith.constant 1.000000e+00 : f32
          %sub3A_332 = vector.broadcast %sub3A_331 : f32 to vector<16xf32>
          %sub3A_333 = arith.subf %sub3A_332, %div3A_330 : vector<16xf32>
          %swap3A_334 = arith.index_cast %scan3A_255 : i32 to index
          %swap3A_335 = arith.constant 32 : index
          %swap3A_336 = tpu.vector_load %arg19[%swap3A_334, %swap3A_335] {strides = array<i32>} : memref<40x128xf32, #tpu.memory_space<vmem>>, vector<1x16xf32>,
          %swap3A_337 = vector.shape_cast %swap3A_336 : vector<1x16xf32> to vector<16xf32>
          %swap3A_338 = vector.shape_cast %sub3A_333 : vector<16xf32> to vector<1x16xf32>
          tpu.vector_store %arg19[%swap3A_334, %swap3A_335], %swap3A_338 {strides = array<i32>} : memref<40x128xf32, #tpu.memory_space<vmem>>, vector<1x16xf32>,
          %get3A_339 = arith.index_cast %scan3A_255 : i32 to index
          %get3A_340 = arith.constant 48 : index
          %get3A_341 = tpu.vector_load %arg19[%get3A_339, %get3A_340] {strides = array<i32>} : memref<40x128xf32, #tpu.memory_space<vmem>>, vector<1x16xf32>,
          %get3A_342 = vector.shape_cast %get3A_341 : vector<1x16xf32> to vector<16xf32>
          %get3A_343 = arith.index_cast %scan3A_255 : i32 to index
          %get3A_344 = arith.constant 48 : index
          %get3A_345 = tpu.vector_load %arg20[%get3A_343, %get3A_344] {strides = array<i32>} : memref<40x128xf32, #tpu.memory_space<vmem>>, vector<1x16xf32>,
          %get3A_346 = vector.shape_cast %get3A_345 : vector<1x16xf32> to vector<16xf32>
          %add3A_347 = arith.addf %get3A_342, %get3A_346 : vector<16xf32>
          %get3A_348 = arith.index_cast %scan3A_255 : i32 to index
          %get3A_349 = arith.constant 48 : index
          %get3A_350 = tpu.vector_load %arg21[%get3A_348, %get3A_349] {strides = array<i32>} : memref<40x128xf32, #tpu.memory_space<vmem>>, vector<1x16xf32>,
          %get3A_351 = vector.shape_cast %get3A_350 : vector<1x16xf32> to vector<16xf32>
          %add3A_352 = arith.addf %add3A_347, %get3A_351 : vector<16xf32>
          %exp3A_353 = math.exp %add3A_352 : vector<16xf32>
          %add3A_354 = arith.constant 1.000000e+00 : f32
          %add3A_355 = vector.broadcast %add3A_354 : f32 to vector<16xf32>
          %add3A_356 = arith.addf %exp3A_353, %add3A_355 : vector<16xf32>
          %div3A_357 = arith.constant 2.000000e+00 : f32
          %div3A_358 = vector.broadcast %div3A_357 : f32 to vector<16xf32>
          %div3A_359 = arith.divf %div3A_358, %add3A_356 : vector<16xf32>
          %sub3A_360 = arith.constant 1.000000e+00 : f32
          %sub3A_361 = vector.broadcast %sub3A_360 : f32 to vector<16xf32>
          %sub3A_362 = arith.subf %sub3A_361, %div3A_359 : vector<16xf32>
          %swap3A_363 = arith.index_cast %scan3A_255 : i32 to index
          %swap3A_364 = arith.constant 48 : index
          %swap3A_365 = tpu.vector_load %arg19[%swap3A_363, %swap3A_364] {strides = array<i32>} : memref<40x128xf32, #tpu.memory_space<vmem>>, vector<1x16xf32>,
          %swap3A_366 = vector.shape_cast %swap3A_365 : vector<1x16xf32> to vector<16xf32>
          %swap3A_367 = vector.shape_cast %sub3A_362 : vector<16xf32> to vector<1x16xf32>
          tpu.vector_store %arg19[%swap3A_363, %swap3A_364], %swap3A_367 {strides = array<i32>} : memref<40x128xf32, #tpu.memory_space<vmem>>, vector<1x16xf32>,
          %get3A_368 = arith.index_cast %scan3A_255 : i32 to index
          %get3A_369 = arith.constant 64 : index
          %get3A_370 = tpu.vector_load %arg19[%get3A_368, %get3A_369] {strides = array<i32>} : memref<40x128xf32, #tpu.memory_space<vmem>>, vector<1x16xf32>,
          %get3A_371 = vector.shape_cast %get3A_370 : vector<1x16xf32> to vector<16xf32>
          %get3A_372 = arith.index_cast %scan3A_255 : i32 to index
          %get3A_373 = arith.constant 64 : index
          %get3A_374 = tpu.vector_load %arg20[%get3A_372, %get3A_373] {strides = array<i32>} : memref<40x128xf32, #tpu.memory_space<vmem>>, vector<1x16xf32>,
          %get3A_375 = vector.shape_cast %get3A_374 : vector<1x16xf32> to vector<16xf32>
          %add3A_376 = arith.addf %get3A_371, %get3A_375 : vector<16xf32>
          %get3A_377 = arith.index_cast %scan3A_255 : i32 to index
          %get3A_378 = arith.constant 64 : index
          %get3A_379 = tpu.vector_load %arg21[%get3A_377, %get3A_378] {strides = array<i32>} : memref<40x128xf32, #tpu.memory_space<vmem>>, vector<1x16xf32>,
          %get3A_380 = vector.shape_cast %get3A_379 : vector<1x16xf32> to vector<16xf32>
          %add3A_381 = arith.addf %add3A_376, %get3A_380 : vector<16xf32>
          %exp3A_382 = math.exp %add3A_381 : vector<16xf32>
          %add3A_383 = arith.constant 1.000000e+00 : f32
          %add3A_384 = vector.broadcast %add3A_383 : f32 to vector<16xf32>
          %add3A_385 = arith.addf %exp3A_382, %add3A_384 : vector<16xf32>
          %div3A_386 = arith.constant 2.000000e+00 : f32
          %div3A_387 = vector.broadcast %div3A_386 : f32 to vector<16xf32>
          %div3A_388 = arith.divf %div3A_387, %add3A_385 : vector<16xf32>
          %sub3A_389 = arith.constant 1.000000e+00 : f32
          %sub3A_390 = vector.broadcast %sub3A_389 : f32 to vector<16xf32>
          %sub3A_391 = arith.subf %sub3A_390, %div3A_388 : vector<16xf32>
          %swap3A_392 = arith.index_cast %scan3A_255 : i32 to index
          %swap3A_393 = arith.constant 64 : index
          %swap3A_394 = tpu.vector_load %arg19[%swap3A_392, %swap3A_393] {strides = array<i32>} : memref<40x128xf32, #tpu.memory_space<vmem>>, vector<1x16xf32>,
          %swap3A_395 = vector.shape_cast %swap3A_394 : vector<1x16xf32> to vector<16xf32>
          %swap3A_396 = vector.shape_cast %sub3A_391 : vector<16xf32> to vector<1x16xf32>
          tpu.vector_store %arg19[%swap3A_392, %swap3A_393], %swap3A_396 {strides = array<i32>} : memref<40x128xf32, #tpu.memory_space<vmem>>, vector<1x16xf32>,
          %get3A_397 = arith.index_cast %scan3A_255 : i32 to index
          %get3A_398 = arith.constant 80 : index
          %get3A_399 = tpu.vector_load %arg19[%get3A_397, %get3A_398] {strides = array<i32>} : memref<40x128xf32, #tpu.memory_space<vmem>>, vector<1x16xf32>,
          %get3A_400 = vector.shape_cast %get3A_399 : vector<1x16xf32> to vector<16xf32>
          %get3A_401 = arith.index_cast %scan3A_255 : i32 to index
          %get3A_402 = arith.constant 80 : index
          %get3A_403 = tpu.vector_load %arg20[%get3A_401, %get3A_402] {strides = array<i32>} : memref<40x128xf32, #tpu.memory_space<vmem>>, vector<1x16xf32>,
          %get3A_404 = vector.shape_cast %get3A_403 : vector<1x16xf32> to vector<16xf32>
          %add3A_405 = arith.addf %get3A_400, %get3A_404 : vector<16xf32>
          %get3A_406 = arith.index_cast %scan3A_255 : i32 to index
          %get3A_407 = arith.constant 80 : index
          %get3A_408 = tpu.vector_load %arg21[%get3A_406, %get3A_407] {strides = array<i32>} : memref<40x128xf32, #tpu.memory_space<vmem>>, vector<1x16xf32>,
          %get3A_409 = vector.shape_cast %get3A_408 : vector<1x16xf32> to vector<16xf32>
          %add3A_410 = arith.addf %add3A_405, %get3A_409 : vector<16xf32>
          %exp3A_411 = math.exp %add3A_410 : vector<16xf32>
          %add3A_412 = arith.constant 1.000000e+00 : f32
          %add3A_413 = vector.broadcast %add3A_412 : f32 to vector<16xf32>
          %add3A_414 = arith.addf %exp3A_411, %add3A_413 : vector<16xf32>
          %div3A_415 = arith.constant 2.000000e+00 : f32
          %div3A_416 = vector.broadcast %div3A_415 : f32 to vector<16xf32>
          %div3A_417 = arith.divf %div3A_416, %add3A_414 : vector<16xf32>
          %sub3A_418 = arith.constant 1.000000e+00 : f32
          %sub3A_419 = vector.broadcast %sub3A_418 : f32 to vector<16xf32>
          %sub3A_420 = arith.subf %sub3A_419, %div3A_417 : vector<16xf32>
          %swap3A_421 = arith.index_cast %scan3A_255 : i32 to index
          %swap3A_422 = arith.constant 80 : index
          %swap3A_423 = tpu.vector_load %arg19[%swap3A_421, %swap3A_422] {strides = array<i32>} : memref<40x128xf32, #tpu.memory_space<vmem>>, vector<1x16xf32>,
          %swap3A_424 = vector.shape_cast %swap3A_423 : vector<1x16xf32> to vector<16xf32>
          %swap3A_425 = vector.shape_cast %sub3A_420 : vector<16xf32> to vector<1x16xf32>
          tpu.vector_store %arg19[%swap3A_421, %swap3A_422], %swap3A_425 {strides = array<i32>} : memref<40x128xf32, #tpu.memory_space<vmem>>, vector<1x16xf32>,
          %get3A_426 = arith.index_cast %scan3A_255 : i32 to index
          %get3A_427 = arith.constant 96 : index
          %get3A_428 = tpu.vector_load %arg19[%get3A_426, %get3A_427] {strides = array<i32>} : memref<40x128xf32, #tpu.memory_space<vmem>>, vector<1x16xf32>,
          %get3A_429 = vector.shape_cast %get3A_428 : vector<1x16xf32> to vector<16xf32>
          %get3A_430 = arith.index_cast %scan3A_255 : i32 to index
          %get3A_431 = arith.constant 96 : index
          %get3A_432 = tpu.vector_load %arg20[%get3A_430, %get3A_431] {strides = array<i32>} : memref<40x128xf32, #tpu.memory_space<vmem>>, vector<1x16xf32>,
          %get3A_433 = vector.shape_cast %get3A_432 : vector<1x16xf32> to vector<16xf32>
          %add3A_434 = arith.addf %get3A_429, %get3A_433 : vector<16xf32>
          %get3A_435 = arith.index_cast %scan3A_255 : i32 to index
          %get3A_436 = arith.constant 96 : index
          %get3A_437 = tpu.vector_load %arg21[%get3A_435, %get3A_436] {strides = array<i32>} : memref<40x128xf32, #tpu.memory_space<vmem>>, vector<1x16xf32>,
          %get3A_438 = vector.shape_cast %get3A_437 : vector<1x16xf32> to vector<16xf32>
          %add3A_439 = arith.addf %add3A_434, %get3A_438 : vector<16xf32>
          %exp3A_440 = math.exp %add3A_439 : vector<16xf32>
          %add3A_441 = arith.constant 1.000000e+00 : f32
          %add3A_442 = vector.broadcast %add3A_441 : f32 to vector<16xf32>
          %add3A_443 = arith.addf %exp3A_440, %add3A_442 : vector<16xf32>
          %div3A_444 = arith.constant 2.000000e+00 : f32
          %div3A_445 = vector.broadcast %div3A_444 : f32 to vector<16xf32>
          %div3A_446 = arith.divf %div3A_445, %add3A_443 : vector<16xf32>
          %sub3A_447 = arith.constant 1.000000e+00 : f32
          %sub3A_448 = vector.broadcast %sub3A_447 : f32 to vector<16xf32>
          %sub3A_449 = arith.subf %sub3A_448, %div3A_446 : vector<16xf32>
          %swap3A_450 = arith.index_cast %scan3A_255 : i32 to index
          %swap3A_451 = arith.constant 96 : index
          %swap3A_452 = tpu.vector_load %arg19[%swap3A_450, %swap3A_451] {strides = array<i32>} : memref<40x128xf32, #tpu.memory_space<vmem>>, vector<1x16xf32>,
          %swap3A_453 = vector.shape_cast %swap3A_452 : vector<1x16xf32> to vector<16xf32>
          %swap3A_454 = vector.shape_cast %sub3A_449 : vector<16xf32> to vector<1x16xf32>
          tpu.vector_store %arg19[%swap3A_450, %swap3A_451], %swap3A_454 {strides = array<i32>} : memref<40x128xf32, #tpu.memory_space<vmem>>, vector<1x16xf32>,
          %get3A_455 = arith.index_cast %scan3A_255 : i32 to index
          %get3A_456 = arith.constant 112 : index
          %get3A_457 = tpu.vector_load %arg19[%get3A_455, %get3A_456] {strides = array<i32>} : memref<40x128xf32, #tpu.memory_space<vmem>>, vector<1x16xf32>,
          %get3A_458 = vector.shape_cast %get3A_457 : vector<1x16xf32> to vector<16xf32>
          %get3A_459 = arith.index_cast %scan3A_255 : i32 to index
          %get3A_460 = arith.constant 112 : index
          %get3A_461 = tpu.vector_load %arg20[%get3A_459, %get3A_460] {strides = array<i32>} : memref<40x128xf32, #tpu.memory_space<vmem>>, vector<1x16xf32>,
          %get3A_462 = vector.shape_cast %get3A_461 : vector<1x16xf32> to vector<16xf32>
          %add3A_463 = arith.addf %get3A_458, %get3A_462 : vector<16xf32>
          %get3A_464 = arith.index_cast %scan3A_255 : i32 to index
          %get3A_465 = arith.constant 112 : index
          %get3A_466 = tpu.vector_load %arg21[%get3A_464, %get3A_465] {strides = array<i32>} : memref<40x128xf32, #tpu.memory_space<vmem>>, vector<1x16xf32>,
          %get3A_467 = vector.shape_cast %get3A_466 : vector<1x16xf32> to vector<16xf32>
          %add3A_468 = arith.addf %add3A_463, %get3A_467 : vector<16xf32>
          %exp3A_469 = math.exp %add3A_468 : vector<16xf32>
          %add3A_470 = arith.constant 1.000000e+00 : f32
          %add3A_471 = vector.broadcast %add3A_470 : f32 to vector<16xf32>
          %add3A_472 = arith.addf %exp3A_469, %add3A_471 : vector<16xf32>
          %div3A_473 = arith.constant 2.000000e+00 : f32
          %div3A_474 = vector.broadcast %div3A_473 : f32 to vector<16xf32>
          %div3A_475 = arith.divf %div3A_474, %add3A_472 : vector<16xf32>
          %sub3A_476 = arith.constant 1.000000e+00 : f32
          %sub3A_477 = vector.broadcast %sub3A_476 : f32 to vector<16xf32>
          %sub3A_478 = arith.subf %sub3A_477, %div3A_475 : vector<16xf32>
          %swap3A_479 = arith.index_cast %scan3A_255 : i32 to index
          %swap3A_480 = arith.constant 112 : index
          %swap3A_481 = tpu.vector_load %arg19[%swap3A_479, %swap3A_480] {strides = array<i32>} : memref<40x128xf32, #tpu.memory_space<vmem>>, vector<1x16xf32>,
          %swap3A_482 = vector.shape_cast %swap3A_481 : vector<1x16xf32> to vector<16xf32>
          %swap3A_483 = vector.shape_cast %sub3A_478 : vector<16xf32> to vector<1x16xf32>
          tpu.vector_store %arg19[%swap3A_479, %swap3A_480], %swap3A_483 {strides = array<i32>} : memref<40x128xf32, #tpu.memory_space<vmem>>, vector<1x16xf32>,
          %scan3A_484 = arith.constant 0 : i32
          scf.yield %scan3A_484 : i32
        }
        %scan3A_253 = arith.constant 40 : i32
        "tpu.region"() ({
          %run_scoped3A = tpu.sem_alloc : memref<!tpu.dma_semaphore, #tpu.memory_space<semaphore_mem>>
          %dma_start3A_255 = arith.constant 0 : i32
          %dma_start3A_256 = arith.constant 0 : i32
          %dma_start3A_257 = tpu.memref_slice %arg11[%dma_start3A_255, %dma_start3A_256] : memref<10240x128xf32, #tpu.memory_space<vmem_shared>> -> memref<10240x128xf32, #tpu.memory_space<vmem_shared>>
          tpu.enqueue_indirect_dma source(%arg19 : memref<40x128xf32, #tpu.memory_space<vmem>>) target(%dma_start3A_257 : memref<10240x128xf32, #tpu.memory_space<vmem_shared>>) offsets(%arg14 : memref<40xi32, #tpu.memory_space<vmem>>) semaphore(%run_scoped3A : memref<!tpu.dma_semaphore, #tpu.memory_space<semaphore_mem>>) {add = true}
          %dma_wait3A_258 = arith.constant 0 : i32
          %dma_wait3A_259 = arith.constant 0 : i32
          %dma_wait3A_260 = tpu.memref_slice %arg11[%dma_wait3A_258, %dma_wait3A_259] : memref<10240x128xf32, #tpu.memory_space<vmem_shared>> -> memref<10240x128xf32, #tpu.memory_space<vmem_shared>>
          tpu.wait_indirect_dma semaphore(%run_scoped3A : memref<!tpu.dma_semaphore, #tpu.memory_space<semaphore_mem>>) src(%arg19 : memref<40x128xf32, #tpu.memory_space<vmem>>) dst(%dma_wait3A_260 : memref<10240x128xf32, #tpu.memory_space<vmem_shared>>)
          tpu.yield
        }) : () -> ()
        %scan3A_254 = arith.constant 0 : i32
        scf.yield %scan3A_254 : i32
      }
      %scan3A_106 = arith.constant 249 : i32
      %add3A_107 = arith.constant 19960 : i32
      %add3A_108 = arith.addi %mul3A_16, %add3A_107 : i32
      %multiple_of3A_109 = tpu.assume_multiple %add3A_108, 8 : i32
      "tpu.region"() ({
        %run_scoped3A = tpu.sem_alloc : memref<!tpu.dma_semaphore, #tpu.memory_space<semaphore_mem>>
        %dma_start3A_164 = tpu.memref_slice %arg2[%multiple_of3A_109] : memref<320000xi32, #tpu.memory_space<hbm>> -> memref<40xi32, #tpu.memory_space<hbm>>
        %dma_start3A_165 = tpu.memref_slice %arg2[%multiple_of3A_109] : memref<320000xi32, #tpu.memory_space<hbm>> -> memref<40xi32, #tpu.memory_space<hbm>>
        tpu.enqueue_dma source(%dma_start3A_165 : memref<40xi32, #tpu.memory_space<hbm>>) target(%arg14 : memref<40xi32, #tpu.memory_space<vmem>>) target_semaphore(%run_scoped3A : memref<!tpu.dma_semaphore, #tpu.memory_space<semaphore_mem>>)
        %dma_wait3A_166 = tpu.memref_slice %arg2[%multiple_of3A_109] : memref<320000xi32, #tpu.memory_space<hbm>> -> memref<40xi32, #tpu.memory_space<hbm>>
        %dma_wait3A_167 = tpu.memref_slice %arg2[%multiple_of3A_109] : memref<320000xi32, #tpu.memory_space<hbm>> -> memref<40xi32, #tpu.memory_space<hbm>>
        tpu.wait_dma2 semaphore(%run_scoped3A : memref<!tpu.dma_semaphore, #tpu.memory_space<semaphore_mem>>) src(%dma_wait3A_167 : memref<40xi32, #tpu.memory_space<hbm>>) dst(%arg14 : memref<40xi32, #tpu.memory_space<vmem>>)
        tpu.yield
      }) : () -> ()
      "tpu.region"() ({
        %run_scoped3A = tpu.sem_alloc : memref<!tpu.dma_semaphore, #tpu.memory_space<semaphore_mem>>
        %dma_start3A_164 = tpu.memref_slice %arg3[%multiple_of3A_109] : memref<320000xi32, #tpu.memory_space<hbm>> -> memref<40xi32, #tpu.memory_space<hbm>>
        %dma_start3A_165 = tpu.memref_slice %arg3[%multiple_of3A_109] : memref<320000xi32, #tpu.memory_space<hbm>> -> memref<40xi32, #tpu.memory_space<hbm>>
        tpu.enqueue_dma source(%dma_start3A_165 : memref<40xi32, #tpu.memory_space<hbm>>) target(%arg15 : memref<40xi32, #tpu.memory_space<vmem>>) target_semaphore(%run_scoped3A : memref<!tpu.dma_semaphore, #tpu.memory_space<semaphore_mem>>)
        %dma_wait3A_166 = tpu.memref_slice %arg3[%multiple_of3A_109] : memref<320000xi32, #tpu.memory_space<hbm>> -> memref<40xi32, #tpu.memory_space<hbm>>
        %dma_wait3A_167 = tpu.memref_slice %arg3[%multiple_of3A_109] : memref<320000xi32, #tpu.memory_space<hbm>> -> memref<40xi32, #tpu.memory_space<hbm>>
        tpu.wait_dma2 semaphore(%run_scoped3A : memref<!tpu.dma_semaphore, #tpu.memory_space<semaphore_mem>>) src(%dma_wait3A_167 : memref<40xi32, #tpu.memory_space<hbm>>) dst(%arg15 : memref<40xi32, #tpu.memory_space<vmem>>)
        tpu.yield
      }) : () -> ()
      %add3A_110 = arith.constant 19960 : i32
      %add3A_111 = arith.addi %mul3A_16, %add3A_110 : i32
      %multiple_of3A_112 = tpu.assume_multiple %add3A_111, 8 : i32
      %dma_start3A_113 = arith.constant 0 : i32
      %dma_start3A_114 = arith.constant 0 : i32
      %dma_start3A_115 = tpu.memref_slice %arg5[%dma_start3A_113, %dma_start3A_114] : memref<10000x128xf32, #tpu.memory_space<hbm>> -> memref<10000x128xf32, #tpu.memory_space<hbm>>
      tpu.enqueue_indirect_dma source(%dma_start3A_115 : memref<10000x128xf32, #tpu.memory_space<hbm>>) target(%arg19 : memref<40x128xf32, #tpu.memory_space<vmem>>) offsets(%arg14 : memref<40xi32, #tpu.memory_space<vmem>>) semaphore(%arg23 : memref<!tpu.dma_semaphore, #tpu.memory_space<semaphore_mem>>)
      %dma_start3A_116 = arith.constant 0 : i32
      %dma_start3A_117 = arith.constant 0 : i32
      %dma_start3A_118 = tpu.memref_slice %arg7[%dma_start3A_116, %dma_start3A_117] : memref<10000x128xf32, #tpu.memory_space<hbm>> -> memref<10000x128xf32, #tpu.memory_space<hbm>>
      tpu.enqueue_indirect_dma source(%dma_start3A_118 : memref<10000x128xf32, #tpu.memory_space<hbm>>) target(%arg20 : memref<40x128xf32, #tpu.memory_space<vmem>>) offsets(%arg15 : memref<40xi32, #tpu.memory_space<vmem>>) semaphore(%arg23 : memref<!tpu.dma_semaphore, #tpu.memory_space<semaphore_mem>>)
      %add3A_119 = arith.constant 320000 : i32
      %add3A_120 = arith.addi %add3A_119, %multiple_of3A_112 : i32
      %multiple_of3A_121 = tpu.assume_multiple %add3A_120, 8 : i32
      %dma_start3A_122 = arith.constant 0 : i32
      %dma_start3A_123 = tpu.memref_slice %arg8[%multiple_of3A_121, %dma_start3A_122] : memref<640000x128xf32, #tpu.memory_space<hbm>> -> memref<40x128xf32, #tpu.memory_space<hbm>>
      %dma_start3A_124 = arith.constant 0 : i32
      %dma_start3A_125 = tpu.memref_slice %arg8[%multiple_of3A_121, %dma_start3A_124] : memref<640000x128xf32, #tpu.memory_space<hbm>> -> memref<40x128xf32, #tpu.memory_space<hbm>>
      tpu.enqueue_dma source(%dma_start3A_125 : memref<40x128xf32, #tpu.memory_space<hbm>>) target(%arg21 : memref<40x128xf32, #tpu.memory_space<vmem>>) target_semaphore(%arg23 : memref<!tpu.dma_semaphore, #tpu.memory_space<semaphore_mem>>)
      %dma_wait3A_126 = arith.constant 0 : i32
      %dma_wait3A_127 = arith.constant 0 : i32
      %dma_wait3A_128 = tpu.memref_slice %arg5[%dma_wait3A_126, %dma_wait3A_127] : memref<10000x128xf32, #tpu.memory_space<hbm>> -> memref<10000x128xf32, #tpu.memory_space<hbm>>
      tpu.wait_indirect_dma semaphore(%arg22 : memref<!tpu.dma_semaphore, #tpu.memory_space<semaphore_mem>>) src(%dma_wait3A_128 : memref<10000x128xf32, #tpu.memory_space<hbm>>) dst(%arg16 : memref<40x128xf32, #tpu.memory_space<vmem>>)
      %dma_wait3A_129 = arith.constant 0 : i32
      %dma_wait3A_130 = arith.constant 0 : i32
      %dma_wait3A_131 = tpu.memref_slice %arg7[%dma_wait3A_129, %dma_wait3A_130] : memref<10000x128xf32, #tpu.memory_space<hbm>> -> memref<10000x128xf32, #tpu.memory_space<hbm>>
      tpu.wait_indirect_dma semaphore(%arg22 : memref<!tpu.dma_semaphore, #tpu.memory_space<semaphore_mem>>) src(%dma_wait3A_131 : memref<10000x128xf32, #tpu.memory_space<hbm>>) dst(%arg17 : memref<40x128xf32, #tpu.memory_space<vmem>>)
      %dma_wait3A_132 = arith.constant 0 : i32
      %dma_wait3A_133 = arith.constant 0 : i32
      %dma_wait3A_134 = tpu.memref_slice %arg8[%dma_wait3A_132, %dma_wait3A_133] : memref<640000x128xf32, #tpu.memory_space<hbm>> -> memref<40x128xf32, #tpu.memory_space<hbm>>
      %dma_wait3A_135 = arith.constant 0 : i32
      %dma_wait3A_136 = arith.constant 0 : i32
      %dma_wait3A_137 = tpu.memref_slice %arg8[%dma_wait3A_135, %dma_wait3A_136] : memref<640000x128xf32, #tpu.memory_space<hbm>> -> memref<40x128xf32, #tpu.memory_space<hbm>>
      tpu.wait_dma2 semaphore(%arg22 : memref<!tpu.dma_semaphore, #tpu.memory_space<semaphore_mem>>) src(%dma_wait3A_137 : memref<40x128xf32, #tpu.memory_space<hbm>>) dst(%arg18 : memref<40x128xf32, #tpu.memory_space<vmem>>)
      %scan3A_138 = arith.constant 0 : i32
      %scan3A_139 = arith.constant 0 : i32
      %scan3A_140 = arith.constant 40 : i32
      %scan3A_141 = arith.addi %scan3A_139, %scan3A_140 : i32
      %scan3A_142 = arith.constant 1 : i32
      %scan3A_143 = scf.for %scan3A_164 = %scan3A_139 to %scan3A_141 step %scan3A_142 iter_args(%scan3A_165 = %scan3A_138) -> (i32)  : i32 {
        %get3A = arith.index_cast %scan3A_164 : i32 to index
        %get3A_166 = arith.constant 0 : index
        %get3A_167 = tpu.vector_load %arg16[%get3A, %get3A_166] {strides = array<i32>} : memref<40x128xf32, #tpu.memory_space<vmem>>, vector<1x16xf32>,
        %get3A_168 = vector.shape_cast %get3A_167 : vector<1x16xf32> to vector<16xf32>
        %get3A_169 = arith.index_cast %scan3A_164 : i32 to index
        %get3A_170 = arith.constant 0 : index
        %get3A_171 = tpu.vector_load %arg17[%get3A_169, %get3A_170] {strides = array<i32>} : memref<40x128xf32, #tpu.memory_space<vmem>>, vector<1x16xf32>,
        %get3A_172 = vector.shape_cast %get3A_171 : vector<1x16xf32> to vector<16xf32>
        %add3A_173 = arith.addf %get3A_168, %get3A_172 : vector<16xf32>
        %get3A_174 = arith.index_cast %scan3A_164 : i32 to index
        %get3A_175 = arith.constant 0 : index
        %get3A_176 = tpu.vector_load %arg18[%get3A_174, %get3A_175] {strides = array<i32>} : memref<40x128xf32, #tpu.memory_space<vmem>>, vector<1x16xf32>,
        %get3A_177 = vector.shape_cast %get3A_176 : vector<1x16xf32> to vector<16xf32>
        %add3A_178 = arith.addf %add3A_173, %get3A_177 : vector<16xf32>
        %exp3A = math.exp %add3A_178 : vector<16xf32>
        %add3A_179 = arith.constant 1.000000e+00 : f32
        %add3A_180 = vector.broadcast %add3A_179 : f32 to vector<16xf32>
        %add3A_181 = arith.addf %exp3A, %add3A_180 : vector<16xf32>
        %div3A = arith.constant 2.000000e+00 : f32
        %div3A_182 = vector.broadcast %div3A : f32 to vector<16xf32>
        %div3A_183 = arith.divf %div3A_182, %add3A_181 : vector<16xf32>
        %sub3A = arith.constant 1.000000e+00 : f32
        %sub3A_184 = vector.broadcast %sub3A : f32 to vector<16xf32>
        %sub3A_185 = arith.subf %sub3A_184, %div3A_183 : vector<16xf32>
        %swap3A = arith.index_cast %scan3A_164 : i32 to index
        %swap3A_186 = arith.constant 0 : index
        %swap3A_187 = tpu.vector_load %arg16[%swap3A, %swap3A_186] {strides = array<i32>} : memref<40x128xf32, #tpu.memory_space<vmem>>, vector<1x16xf32>,
        %swap3A_188 = vector.shape_cast %swap3A_187 : vector<1x16xf32> to vector<16xf32>
        %swap3A_189 = vector.shape_cast %sub3A_185 : vector<16xf32> to vector<1x16xf32>
        tpu.vector_store %arg16[%swap3A, %swap3A_186], %swap3A_189 {strides = array<i32>} : memref<40x128xf32, #tpu.memory_space<vmem>>, vector<1x16xf32>,
        %get3A_190 = arith.index_cast %scan3A_164 : i32 to index
        %get3A_191 = arith.constant 16 : index
        %get3A_192 = tpu.vector_load %arg16[%get3A_190, %get3A_191] {strides = array<i32>} : memref<40x128xf32, #tpu.memory_space<vmem>>, vector<1x16xf32>,
        %get3A_193 = vector.shape_cast %get3A_192 : vector<1x16xf32> to vector<16xf32>
        %get3A_194 = arith.index_cast %scan3A_164 : i32 to index
        %get3A_195 = arith.constant 16 : index
        %get3A_196 = tpu.vector_load %arg17[%get3A_194, %get3A_195] {strides = array<i32>} : memref<40x128xf32, #tpu.memory_space<vmem>>, vector<1x16xf32>,
        %get3A_197 = vector.shape_cast %get3A_196 : vector<1x16xf32> to vector<16xf32>
        %add3A_198 = arith.addf %get3A_193, %get3A_197 : vector<16xf32>
        %get3A_199 = arith.index_cast %scan3A_164 : i32 to index
        %get3A_200 = arith.constant 16 : index
        %get3A_201 = tpu.vector_load %arg18[%get3A_199, %get3A_200] {strides = array<i32>} : memref<40x128xf32, #tpu.memory_space<vmem>>, vector<1x16xf32>,
        %get3A_202 = vector.shape_cast %get3A_201 : vector<1x16xf32> to vector<16xf32>
        %add3A_203 = arith.addf %add3A_198, %get3A_202 : vector<16xf32>
        %exp3A_204 = math.exp %add3A_203 : vector<16xf32>
        %add3A_205 = arith.constant 1.000000e+00 : f32
        %add3A_206 = vector.broadcast %add3A_205 : f32 to vector<16xf32>
        %add3A_207 = arith.addf %exp3A_204, %add3A_206 : vector<16xf32>
        %div3A_208 = arith.constant 2.000000e+00 : f32
        %div3A_209 = vector.broadcast %div3A_208 : f32 to vector<16xf32>
        %div3A_210 = arith.divf %div3A_209, %add3A_207 : vector<16xf32>
        %sub3A_211 = arith.constant 1.000000e+00 : f32
        %sub3A_212 = vector.broadcast %sub3A_211 : f32 to vector<16xf32>
        %sub3A_213 = arith.subf %sub3A_212, %div3A_210 : vector<16xf32>
        %swap3A_214 = arith.index_cast %scan3A_164 : i32 to index
        %swap3A_215 = arith.constant 16 : index
        %swap3A_216 = tpu.vector_load %arg16[%swap3A_214, %swap3A_215] {strides = array<i32>} : memref<40x128xf32, #tpu.memory_space<vmem>>, vector<1x16xf32>,
        %swap3A_217 = vector.shape_cast %swap3A_216 : vector<1x16xf32> to vector<16xf32>
        %swap3A_218 = vector.shape_cast %sub3A_213 : vector<16xf32> to vector<1x16xf32>
        tpu.vector_store %arg16[%swap3A_214, %swap3A_215], %swap3A_218 {strides = array<i32>} : memref<40x128xf32, #tpu.memory_space<vmem>>, vector<1x16xf32>,
        %get3A_219 = arith.index_cast %scan3A_164 : i32 to index
        %get3A_220 = arith.constant 32 : index
        %get3A_221 = tpu.vector_load %arg16[%get3A_219, %get3A_220] {strides = array<i32>} : memref<40x128xf32, #tpu.memory_space<vmem>>, vector<1x16xf32>,
        %get3A_222 = vector.shape_cast %get3A_221 : vector<1x16xf32> to vector<16xf32>
        %get3A_223 = arith.index_cast %scan3A_164 : i32 to index
        %get3A_224 = arith.constant 32 : index
        %get3A_225 = tpu.vector_load %arg17[%get3A_223, %get3A_224] {strides = array<i32>} : memref<40x128xf32, #tpu.memory_space<vmem>>, vector<1x16xf32>,
        %get3A_226 = vector.shape_cast %get3A_225 : vector<1x16xf32> to vector<16xf32>
        %add3A_227 = arith.addf %get3A_222, %get3A_226 : vector<16xf32>
        %get3A_228 = arith.index_cast %scan3A_164 : i32 to index
        %get3A_229 = arith.constant 32 : index
        %get3A_230 = tpu.vector_load %arg18[%get3A_228, %get3A_229] {strides = array<i32>} : memref<40x128xf32, #tpu.memory_space<vmem>>, vector<1x16xf32>,
        %get3A_231 = vector.shape_cast %get3A_230 : vector<1x16xf32> to vector<16xf32>
        %add3A_232 = arith.addf %add3A_227, %get3A_231 : vector<16xf32>
        %exp3A_233 = math.exp %add3A_232 : vector<16xf32>
        %add3A_234 = arith.constant 1.000000e+00 : f32
        %add3A_235 = vector.broadcast %add3A_234 : f32 to vector<16xf32>
        %add3A_236 = arith.addf %exp3A_233, %add3A_235 : vector<16xf32>
        %div3A_237 = arith.constant 2.000000e+00 : f32
        %div3A_238 = vector.broadcast %div3A_237 : f32 to vector<16xf32>
        %div3A_239 = arith.divf %div3A_238, %add3A_236 : vector<16xf32>
        %sub3A_240 = arith.constant 1.000000e+00 : f32
        %sub3A_241 = vector.broadcast %sub3A_240 : f32 to vector<16xf32>
        %sub3A_242 = arith.subf %sub3A_241, %div3A_239 : vector<16xf32>
        %swap3A_243 = arith.index_cast %scan3A_164 : i32 to index
        %swap3A_244 = arith.constant 32 : index
        %swap3A_245 = tpu.vector_load %arg16[%swap3A_243, %swap3A_244] {strides = array<i32>} : memref<40x128xf32, #tpu.memory_space<vmem>>, vector<1x16xf32>,
        %swap3A_246 = vector.shape_cast %swap3A_245 : vector<1x16xf32> to vector<16xf32>
        %swap3A_247 = vector.shape_cast %sub3A_242 : vector<16xf32> to vector<1x16xf32>
        tpu.vector_store %arg16[%swap3A_243, %swap3A_244], %swap3A_247 {strides = array<i32>} : memref<40x128xf32, #tpu.memory_space<vmem>>, vector<1x16xf32>,
        %get3A_248 = arith.index_cast %scan3A_164 : i32 to index
        %get3A_249 = arith.constant 48 : index
        %get3A_250 = tpu.vector_load %arg16[%get3A_248, %get3A_249] {strides = array<i32>} : memref<40x128xf32, #tpu.memory_space<vmem>>, vector<1x16xf32>,
        %get3A_251 = vector.shape_cast %get3A_250 : vector<1x16xf32> to vector<16xf32>
        %get3A_252 = arith.index_cast %scan3A_164 : i32 to index
        %get3A_253 = arith.constant 48 : index
        %get3A_254 = tpu.vector_load %arg17[%get3A_252, %get3A_253] {strides = array<i32>} : memref<40x128xf32, #tpu.memory_space<vmem>>, vector<1x16xf32>,
        %get3A_255 = vector.shape_cast %get3A_254 : vector<1x16xf32> to vector<16xf32>
        %add3A_256 = arith.addf %get3A_251, %get3A_255 : vector<16xf32>
        %get3A_257 = arith.index_cast %scan3A_164 : i32 to index
        %get3A_258 = arith.constant 48 : index
        %get3A_259 = tpu.vector_load %arg18[%get3A_257, %get3A_258] {strides = array<i32>} : memref<40x128xf32, #tpu.memory_space<vmem>>, vector<1x16xf32>,
        %get3A_260 = vector.shape_cast %get3A_259 : vector<1x16xf32> to vector<16xf32>
        %add3A_261 = arith.addf %add3A_256, %get3A_260 : vector<16xf32>
        %exp3A_262 = math.exp %add3A_261 : vector<16xf32>
        %add3A_263 = arith.constant 1.000000e+00 : f32
        %add3A_264 = vector.broadcast %add3A_263 : f32 to vector<16xf32>
        %add3A_265 = arith.addf %exp3A_262, %add3A_264 : vector<16xf32>
        %div3A_266 = arith.constant 2.000000e+00 : f32
        %div3A_267 = vector.broadcast %div3A_266 : f32 to vector<16xf32>
        %div3A_268 = arith.divf %div3A_267, %add3A_265 : vector<16xf32>
        %sub3A_269 = arith.constant 1.000000e+00 : f32
        %sub3A_270 = vector.broadcast %sub3A_269 : f32 to vector<16xf32>
        %sub3A_271 = arith.subf %sub3A_270, %div3A_268 : vector<16xf32>
        %swap3A_272 = arith.index_cast %scan3A_164 : i32 to index
        %swap3A_273 = arith.constant 48 : index
        %swap3A_274 = tpu.vector_load %arg16[%swap3A_272, %swap3A_273] {strides = array<i32>} : memref<40x128xf32, #tpu.memory_space<vmem>>, vector<1x16xf32>,
        %swap3A_275 = vector.shape_cast %swap3A_274 : vector<1x16xf32> to vector<16xf32>
        %swap3A_276 = vector.shape_cast %sub3A_271 : vector<16xf32> to vector<1x16xf32>
        tpu.vector_store %arg16[%swap3A_272, %swap3A_273], %swap3A_276 {strides = array<i32>} : memref<40x128xf32, #tpu.memory_space<vmem>>, vector<1x16xf32>,
        %get3A_277 = arith.index_cast %scan3A_164 : i32 to index
        %get3A_278 = arith.constant 64 : index
        %get3A_279 = tpu.vector_load %arg16[%get3A_277, %get3A_278] {strides = array<i32>} : memref<40x128xf32, #tpu.memory_space<vmem>>, vector<1x16xf32>,
        %get3A_280 = vector.shape_cast %get3A_279 : vector<1x16xf32> to vector<16xf32>
        %get3A_281 = arith.index_cast %scan3A_164 : i32 to index
        %get3A_282 = arith.constant 64 : index
        %get3A_283 = tpu.vector_load %arg17[%get3A_281, %get3A_282] {strides = array<i32>} : memref<40x128xf32, #tpu.memory_space<vmem>>, vector<1x16xf32>,
        %get3A_284 = vector.shape_cast %get3A_283 : vector<1x16xf32> to vector<16xf32>
        %add3A_285 = arith.addf %get3A_280, %get3A_284 : vector<16xf32>
        %get3A_286 = arith.index_cast %scan3A_164 : i32 to index
        %get3A_287 = arith.constant 64 : index
        %get3A_288 = tpu.vector_load %arg18[%get3A_286, %get3A_287] {strides = array<i32>} : memref<40x128xf32, #tpu.memory_space<vmem>>, vector<1x16xf32>,
        %get3A_289 = vector.shape_cast %get3A_288 : vector<1x16xf32> to vector<16xf32>
        %add3A_290 = arith.addf %add3A_285, %get3A_289 : vector<16xf32>
        %exp3A_291 = math.exp %add3A_290 : vector<16xf32>
        %add3A_292 = arith.constant 1.000000e+00 : f32
        %add3A_293 = vector.broadcast %add3A_292 : f32 to vector<16xf32>
        %add3A_294 = arith.addf %exp3A_291, %add3A_293 : vector<16xf32>
        %div3A_295 = arith.constant 2.000000e+00 : f32
        %div3A_296 = vector.broadcast %div3A_295 : f32 to vector<16xf32>
        %div3A_297 = arith.divf %div3A_296, %add3A_294 : vector<16xf32>
        %sub3A_298 = arith.constant 1.000000e+00 : f32
        %sub3A_299 = vector.broadcast %sub3A_298 : f32 to vector<16xf32>
        %sub3A_300 = arith.subf %sub3A_299, %div3A_297 : vector<16xf32>
        %swap3A_301 = arith.index_cast %scan3A_164 : i32 to index
        %swap3A_302 = arith.constant 64 : index
        %swap3A_303 = tpu.vector_load %arg16[%swap3A_301, %swap3A_302] {strides = array<i32>} : memref<40x128xf32, #tpu.memory_space<vmem>>, vector<1x16xf32>,
        %swap3A_304 = vector.shape_cast %swap3A_303 : vector<1x16xf32> to vector<16xf32>
        %swap3A_305 = vector.shape_cast %sub3A_300 : vector<16xf32> to vector<1x16xf32>
        tpu.vector_store %arg16[%swap3A_301, %swap3A_302], %swap3A_305 {strides = array<i32>} : memref<40x128xf32, #tpu.memory_space<vmem>>, vector<1x16xf32>,
        %get3A_306 = arith.index_cast %scan3A_164 : i32 to index
        %get3A_307 = arith.constant 80 : index
        %get3A_308 = tpu.vector_load %arg16[%get3A_306, %get3A_307] {strides = array<i32>} : memref<40x128xf32, #tpu.memory_space<vmem>>, vector<1x16xf32>,
        %get3A_309 = vector.shape_cast %get3A_308 : vector<1x16xf32> to vector<16xf32>
        %get3A_310 = arith.index_cast %scan3A_164 : i32 to index
        %get3A_311 = arith.constant 80 : index
        %get3A_312 = tpu.vector_load %arg17[%get3A_310, %get3A_311] {strides = array<i32>} : memref<40x128xf32, #tpu.memory_space<vmem>>, vector<1x16xf32>,
        %get3A_313 = vector.shape_cast %get3A_312 : vector<1x16xf32> to vector<16xf32>
        %add3A_314 = arith.addf %get3A_309, %get3A_313 : vector<16xf32>
        %get3A_315 = arith.index_cast %scan3A_164 : i32 to index
        %get3A_316 = arith.constant 80 : index
        %get3A_317 = tpu.vector_load %arg18[%get3A_315, %get3A_316] {strides = array<i32>} : memref<40x128xf32, #tpu.memory_space<vmem>>, vector<1x16xf32>,
        %get3A_318 = vector.shape_cast %get3A_317 : vector<1x16xf32> to vector<16xf32>
        %add3A_319 = arith.addf %add3A_314, %get3A_318 : vector<16xf32>
        %exp3A_320 = math.exp %add3A_319 : vector<16xf32>
        %add3A_321 = arith.constant 1.000000e+00 : f32
        %add3A_322 = vector.broadcast %add3A_321 : f32 to vector<16xf32>
        %add3A_323 = arith.addf %exp3A_320, %add3A_322 : vector<16xf32>
        %div3A_324 = arith.constant 2.000000e+00 : f32
        %div3A_325 = vector.broadcast %div3A_324 : f32 to vector<16xf32>
        %div3A_326 = arith.divf %div3A_325, %add3A_323 : vector<16xf32>
        %sub3A_327 = arith.constant 1.000000e+00 : f32
        %sub3A_328 = vector.broadcast %sub3A_327 : f32 to vector<16xf32>
        %sub3A_329 = arith.subf %sub3A_328, %div3A_326 : vector<16xf32>
        %swap3A_330 = arith.index_cast %scan3A_164 : i32 to index
        %swap3A_331 = arith.constant 80 : index
        %swap3A_332 = tpu.vector_load %arg16[%swap3A_330, %swap3A_331] {strides = array<i32>} : memref<40x128xf32, #tpu.memory_space<vmem>>, vector<1x16xf32>,
        %swap3A_333 = vector.shape_cast %swap3A_332 : vector<1x16xf32> to vector<16xf32>
        %swap3A_334 = vector.shape_cast %sub3A_329 : vector<16xf32> to vector<1x16xf32>
        tpu.vector_store %arg16[%swap3A_330, %swap3A_331], %swap3A_334 {strides = array<i32>} : memref<40x128xf32, #tpu.memory_space<vmem>>, vector<1x16xf32>,
        %get3A_335 = arith.index_cast %scan3A_164 : i32 to index
        %get3A_336 = arith.constant 96 : index
        %get3A_337 = tpu.vector_load %arg16[%get3A_335, %get3A_336] {strides = array<i32>} : memref<40x128xf32, #tpu.memory_space<vmem>>, vector<1x16xf32>,
        %get3A_338 = vector.shape_cast %get3A_337 : vector<1x16xf32> to vector<16xf32>
        %get3A_339 = arith.index_cast %scan3A_164 : i32 to index
        %get3A_340 = arith.constant 96 : index
        %get3A_341 = tpu.vector_load %arg17[%get3A_339, %get3A_340] {strides = array<i32>} : memref<40x128xf32, #tpu.memory_space<vmem>>, vector<1x16xf32>,
        %get3A_342 = vector.shape_cast %get3A_341 : vector<1x16xf32> to vector<16xf32>
        %add3A_343 = arith.addf %get3A_338, %get3A_342 : vector<16xf32>
        %get3A_344 = arith.index_cast %scan3A_164 : i32 to index
        %get3A_345 = arith.constant 96 : index
        %get3A_346 = tpu.vector_load %arg18[%get3A_344, %get3A_345] {strides = array<i32>} : memref<40x128xf32, #tpu.memory_space<vmem>>, vector<1x16xf32>,
        %get3A_347 = vector.shape_cast %get3A_346 : vector<1x16xf32> to vector<16xf32>
        %add3A_348 = arith.addf %add3A_343, %get3A_347 : vector<16xf32>
        %exp3A_349 = math.exp %add3A_348 : vector<16xf32>
        %add3A_350 = arith.constant 1.000000e+00 : f32
        %add3A_351 = vector.broadcast %add3A_350 : f32 to vector<16xf32>
        %add3A_352 = arith.addf %exp3A_349, %add3A_351 : vector<16xf32>
        %div3A_353 = arith.constant 2.000000e+00 : f32
        %div3A_354 = vector.broadcast %div3A_353 : f32 to vector<16xf32>
        %div3A_355 = arith.divf %div3A_354, %add3A_352 : vector<16xf32>
        %sub3A_356 = arith.constant 1.000000e+00 : f32
        %sub3A_357 = vector.broadcast %sub3A_356 : f32 to vector<16xf32>
        %sub3A_358 = arith.subf %sub3A_357, %div3A_355 : vector<16xf32>
        %swap3A_359 = arith.index_cast %scan3A_164 : i32 to index
        %swap3A_360 = arith.constant 96 : index
        %swap3A_361 = tpu.vector_load %arg16[%swap3A_359, %swap3A_360] {strides = array<i32>} : memref<40x128xf32, #tpu.memory_space<vmem>>, vector<1x16xf32>,
        %swap3A_362 = vector.shape_cast %swap3A_361 : vector<1x16xf32> to vector<16xf32>
        %swap3A_363 = vector.shape_cast %sub3A_358 : vector<16xf32> to vector<1x16xf32>
        tpu.vector_store %arg16[%swap3A_359, %swap3A_360], %swap3A_363 {strides = array<i32>} : memref<40x128xf32, #tpu.memory_space<vmem>>, vector<1x16xf32>,
        %get3A_364 = arith.index_cast %scan3A_164 : i32 to index
        %get3A_365 = arith.constant 112 : index
        %get3A_366 = tpu.vector_load %arg16[%get3A_364, %get3A_365] {strides = array<i32>} : memref<40x128xf32, #tpu.memory_space<vmem>>, vector<1x16xf32>,
        %get3A_367 = vector.shape_cast %get3A_366 : vector<1x16xf32> to vector<16xf32>
        %get3A_368 = arith.index_cast %scan3A_164 : i32 to index
        %get3A_369 = arith.constant 112 : index
        %get3A_370 = tpu.vector_load %arg17[%get3A_368, %get3A_369] {strides = array<i32>} : memref<40x128xf32, #tpu.memory_space<vmem>>, vector<1x16xf32>,
        %get3A_371 = vector.shape_cast %get3A_370 : vector<1x16xf32> to vector<16xf32>
        %add3A_372 = arith.addf %get3A_367, %get3A_371 : vector<16xf32>
        %get3A_373 = arith.index_cast %scan3A_164 : i32 to index
        %get3A_374 = arith.constant 112 : index
        %get3A_375 = tpu.vector_load %arg18[%get3A_373, %get3A_374] {strides = array<i32>} : memref<40x128xf32, #tpu.memory_space<vmem>>, vector<1x16xf32>,
        %get3A_376 = vector.shape_cast %get3A_375 : vector<1x16xf32> to vector<16xf32>
        %add3A_377 = arith.addf %add3A_372, %get3A_376 : vector<16xf32>
        %exp3A_378 = math.exp %add3A_377 : vector<16xf32>
        %add3A_379 = arith.constant 1.000000e+00 : f32
        %add3A_380 = vector.broadcast %add3A_379 : f32 to vector<16xf32>
        %add3A_381 = arith.addf %exp3A_378, %add3A_380 : vector<16xf32>
        %div3A_382 = arith.constant 2.000000e+00 : f32
        %div3A_383 = vector.broadcast %div3A_382 : f32 to vector<16xf32>
        %div3A_384 = arith.divf %div3A_383, %add3A_381 : vector<16xf32>
        %sub3A_385 = arith.constant 1.000000e+00 : f32
        %sub3A_386 = vector.broadcast %sub3A_385 : f32 to vector<16xf32>
        %sub3A_387 = arith.subf %sub3A_386, %div3A_384 : vector<16xf32>
        %swap3A_388 = arith.index_cast %scan3A_164 : i32 to index
        %swap3A_389 = arith.constant 112 : index
        %swap3A_390 = tpu.vector_load %arg16[%swap3A_388, %swap3A_389] {strides = array<i32>} : memref<40x128xf32, #tpu.memory_space<vmem>>, vector<1x16xf32>,
        %swap3A_391 = vector.shape_cast %swap3A_390 : vector<1x16xf32> to vector<16xf32>
        %swap3A_392 = vector.shape_cast %sub3A_387 : vector<16xf32> to vector<1x16xf32>
        tpu.vector_store %arg16[%swap3A_388, %swap3A_389], %swap3A_392 {strides = array<i32>} : memref<40x128xf32, #tpu.memory_space<vmem>>, vector<1x16xf32>,
        %scan3A_393 = arith.constant 0 : i32
        scf.yield %scan3A_393 : i32
      }
      %scan3A_144 = arith.constant 40 : i32
      "tpu.region"() ({
        %run_scoped3A = tpu.sem_alloc : memref<!tpu.dma_semaphore, #tpu.memory_space<semaphore_mem>>
        %dma_start3A_164 = arith.constant 0 : i32
        %dma_start3A_165 = arith.constant 0 : i32
        %dma_start3A_166 = tpu.memref_slice %arg11[%dma_start3A_164, %dma_start3A_165] : memref<10240x128xf32, #tpu.memory_space<vmem_shared>> -> memref<10240x128xf32, #tpu.memory_space<vmem_shared>>
        tpu.enqueue_indirect_dma source(%arg16 : memref<40x128xf32, #tpu.memory_space<vmem>>) target(%dma_start3A_166 : memref<10240x128xf32, #tpu.memory_space<vmem_shared>>) offsets(%arg12 : memref<40xi32, #tpu.memory_space<vmem>>) semaphore(%run_scoped3A : memref<!tpu.dma_semaphore, #tpu.memory_space<semaphore_mem>>) {add = true}
        %dma_wait3A_167 = arith.constant 0 : i32
        %dma_wait3A_168 = arith.constant 0 : i32
        %dma_wait3A_169 = tpu.memref_slice %arg11[%dma_wait3A_167, %dma_wait3A_168] : memref<10240x128xf32, #tpu.memory_space<vmem_shared>> -> memref<10240x128xf32, #tpu.memory_space<vmem_shared>>
        tpu.wait_indirect_dma semaphore(%run_scoped3A : memref<!tpu.dma_semaphore, #tpu.memory_space<semaphore_mem>>) src(%arg16 : memref<40x128xf32, #tpu.memory_space<vmem>>) dst(%dma_wait3A_169 : memref<10240x128xf32, #tpu.memory_space<vmem_shared>>)
        tpu.yield
      }) : () -> ()
      %dma_wait3A_145 = arith.constant 0 : i32
      %dma_wait3A_146 = arith.constant 0 : i32
      %dma_wait3A_147 = tpu.memref_slice %arg5[%dma_wait3A_145, %dma_wait3A_146] : memref<10000x128xf32, #tpu.memory_space<hbm>> -> memref<10000x128xf32, #tpu.memory_space<hbm>>
      tpu.wait_indirect_dma semaphore(%arg23 : memref<!tpu.dma_semaphore, #tpu.memory_space<semaphore_mem>>) src(%dma_wait3A_147 : memref<10000x128xf32, #tpu.memory_space<hbm>>) dst(%arg19 : memref<40x128xf32, #tpu.memory_space<vmem>>)
      %dma_wait3A_148 = arith.constant 0 : i32
      %dma_wait3A_149 = arith.constant 0 : i32
      %dma_wait3A_150 = tpu.memref_slice %arg7[%dma_wait3A_148, %dma_wait3A_149] : memref<10000x128xf32, #tpu.memory_space<hbm>> -> memref<10000x128xf32, #tpu.memory_space<hbm>>
      tpu.wait_indirect_dma semaphore(%arg23 : memref<!tpu.dma_semaphore, #tpu.memory_space<semaphore_mem>>) src(%dma_wait3A_150 : memref<10000x128xf32, #tpu.memory_space<hbm>>) dst(%arg20 : memref<40x128xf32, #tpu.memory_space<vmem>>)
      %dma_wait3A_151 = arith.constant 0 : i32
      %dma_wait3A_152 = arith.constant 0 : i32
      %dma_wait3A_153 = tpu.memref_slice %arg8[%dma_wait3A_151, %dma_wait3A_152] : memref<640000x128xf32, #tpu.memory_space<hbm>> -> memref<40x128xf32, #tpu.memory_space<hbm>>
      %dma_wait3A_154 = arith.constant 0 : i32
      %dma_wait3A_155 = arith.constant 0 : i32
      %dma_wait3A_156 = tpu.memref_slice %arg8[%dma_wait3A_154, %dma_wait3A_155] : memref<640000x128xf32, #tpu.memory_space<hbm>> -> memref<40x128xf32, #tpu.memory_space<hbm>>
      tpu.wait_dma2 semaphore(%arg23 : memref<!tpu.dma_semaphore, #tpu.memory_space<semaphore_mem>>) src(%dma_wait3A_156 : memref<40x128xf32, #tpu.memory_space<hbm>>) dst(%arg21 : memref<40x128xf32, #tpu.memory_space<vmem>>)
      %scan3A_157 = arith.constant 0 : i32
      %scan3A_158 = arith.constant 0 : i32
      %scan3A_159 = arith.constant 40 : i32
      %scan3A_160 = arith.addi %scan3A_158, %scan3A_159 : i32
      %scan3A_161 = arith.constant 1 : i32
      %scan3A_162 = scf.for %scan3A_164 = %scan3A_158 to %scan3A_160 step %scan3A_161 iter_args(%scan3A_165 = %scan3A_157) -> (i32)  : i32 {
        %get3A = arith.index_cast %scan3A_164 : i32 to index
        %get3A_166 = arith.constant 0 : index
        %get3A_167 = tpu.vector_load %arg19[%get3A, %get3A_166] {strides = array<i32>} : memref<40x128xf32, #tpu.memory_space<vmem>>, vector<1x16xf32>,
        %get3A_168 = vector.shape_cast %get3A_167 : vector<1x16xf32> to vector<16xf32>
        %get3A_169 = arith.index_cast %scan3A_164 : i32 to index
        %get3A_170 = arith.constant 0 : index
        %get3A_171 = tpu.vector_load %arg20[%get3A_169, %get3A_170] {strides = array<i32>} : memref<40x128xf32, #tpu.memory_space<vmem>>, vector<1x16xf32>,
        %get3A_172 = vector.shape_cast %get3A_171 : vector<1x16xf32> to vector<16xf32>
        %add3A_173 = arith.addf %get3A_168, %get3A_172 : vector<16xf32>
        %get3A_174 = arith.index_cast %scan3A_164 : i32 to index
        %get3A_175 = arith.constant 0 : index
        %get3A_176 = tpu.vector_load %arg21[%get3A_174, %get3A_175] {strides = array<i32>} : memref<40x128xf32, #tpu.memory_space<vmem>>, vector<1x16xf32>,
        %get3A_177 = vector.shape_cast %get3A_176 : vector<1x16xf32> to vector<16xf32>
        %add3A_178 = arith.addf %add3A_173, %get3A_177 : vector<16xf32>
        %exp3A = math.exp %add3A_178 : vector<16xf32>
        %add3A_179 = arith.constant 1.000000e+00 : f32
        %add3A_180 = vector.broadcast %add3A_179 : f32 to vector<16xf32>
        %add3A_181 = arith.addf %exp3A, %add3A_180 : vector<16xf32>
        %div3A = arith.constant 2.000000e+00 : f32
        %div3A_182 = vector.broadcast %div3A : f32 to vector<16xf32>
        %div3A_183 = arith.divf %div3A_182, %add3A_181 : vector<16xf32>
        %sub3A = arith.constant 1.000000e+00 : f32
        %sub3A_184 = vector.broadcast %sub3A : f32 to vector<16xf32>
        %sub3A_185 = arith.subf %sub3A_184, %div3A_183 : vector<16xf32>
        %swap3A = arith.index_cast %scan3A_164 : i32 to index
        %swap3A_186 = arith.constant 0 : index
        %swap3A_187 = tpu.vector_load %arg19[%swap3A, %swap3A_186] {strides = array<i32>} : memref<40x128xf32, #tpu.memory_space<vmem>>, vector<1x16xf32>,
        %swap3A_188 = vector.shape_cast %swap3A_187 : vector<1x16xf32> to vector<16xf32>
        %swap3A_189 = vector.shape_cast %sub3A_185 : vector<16xf32> to vector<1x16xf32>
        tpu.vector_store %arg19[%swap3A, %swap3A_186], %swap3A_189 {strides = array<i32>} : memref<40x128xf32, #tpu.memory_space<vmem>>, vector<1x16xf32>,
        %get3A_190 = arith.index_cast %scan3A_164 : i32 to index
        %get3A_191 = arith.constant 16 : index
        %get3A_192 = tpu.vector_load %arg19[%get3A_190, %get3A_191] {strides = array<i32>} : memref<40x128xf32, #tpu.memory_space<vmem>>, vector<1x16xf32>,
        %get3A_193 = vector.shape_cast %get3A_192 : vector<1x16xf32> to vector<16xf32>
        %get3A_194 = arith.index_cast %scan3A_164 : i32 to index
        %get3A_195 = arith.constant 16 : index
        %get3A_196 = tpu.vector_load %arg20[%get3A_194, %get3A_195] {strides = array<i32>} : memref<40x128xf32, #tpu.memory_space<vmem>>, vector<1x16xf32>,
        %get3A_197 = vector.shape_cast %get3A_196 : vector<1x16xf32> to vector<16xf32>
        %add3A_198 = arith.addf %get3A_193, %get3A_197 : vector<16xf32>
        %get3A_199 = arith.index_cast %scan3A_164 : i32 to index
        %get3A_200 = arith.constant 16 : index
        %get3A_201 = tpu.vector_load %arg21[%get3A_199, %get3A_200] {strides = array<i32>} : memref<40x128xf32, #tpu.memory_space<vmem>>, vector<1x16xf32>,
        %get3A_202 = vector.shape_cast %get3A_201 : vector<1x16xf32> to vector<16xf32>
        %add3A_203 = arith.addf %add3A_198, %get3A_202 : vector<16xf32>
        %exp3A_204 = math.exp %add3A_203 : vector<16xf32>
        %add3A_205 = arith.constant 1.000000e+00 : f32
        %add3A_206 = vector.broadcast %add3A_205 : f32 to vector<16xf32>
        %add3A_207 = arith.addf %exp3A_204, %add3A_206 : vector<16xf32>
        %div3A_208 = arith.constant 2.000000e+00 : f32
        %div3A_209 = vector.broadcast %div3A_208 : f32 to vector<16xf32>
        %div3A_210 = arith.divf %div3A_209, %add3A_207 : vector<16xf32>
        %sub3A_211 = arith.constant 1.000000e+00 : f32
        %sub3A_212 = vector.broadcast %sub3A_211 : f32 to vector<16xf32>
        %sub3A_213 = arith.subf %sub3A_212, %div3A_210 : vector<16xf32>
        %swap3A_214 = arith.index_cast %scan3A_164 : i32 to index
        %swap3A_215 = arith.constant 16 : index
        %swap3A_216 = tpu.vector_load %arg19[%swap3A_214, %swap3A_215] {strides = array<i32>} : memref<40x128xf32, #tpu.memory_space<vmem>>, vector<1x16xf32>,
        %swap3A_217 = vector.shape_cast %swap3A_216 : vector<1x16xf32> to vector<16xf32>
        %swap3A_218 = vector.shape_cast %sub3A_213 : vector<16xf32> to vector<1x16xf32>
        tpu.vector_store %arg19[%swap3A_214, %swap3A_215], %swap3A_218 {strides = array<i32>} : memref<40x128xf32, #tpu.memory_space<vmem>>, vector<1x16xf32>,
        %get3A_219 = arith.index_cast %scan3A_164 : i32 to index
        %get3A_220 = arith.constant 32 : index
        %get3A_221 = tpu.vector_load %arg19[%get3A_219, %get3A_220] {strides = array<i32>} : memref<40x128xf32, #tpu.memory_space<vmem>>, vector<1x16xf32>,
        %get3A_222 = vector.shape_cast %get3A_221 : vector<1x16xf32> to vector<16xf32>
        %get3A_223 = arith.index_cast %scan3A_164 : i32 to index
        %get3A_224 = arith.constant 32 : index
        %get3A_225 = tpu.vector_load %arg20[%get3A_223, %get3A_224] {strides = array<i32>} : memref<40x128xf32, #tpu.memory_space<vmem>>, vector<1x16xf32>,
        %get3A_226 = vector.shape_cast %get3A_225 : vector<1x16xf32> to vector<16xf32>
        %add3A_227 = arith.addf %get3A_222, %get3A_226 : vector<16xf32>
        %get3A_228 = arith.index_cast %scan3A_164 : i32 to index
        %get3A_229 = arith.constant 32 : index
        %get3A_230 = tpu.vector_load %arg21[%get3A_228, %get3A_229] {strides = array<i32>} : memref<40x128xf32, #tpu.memory_space<vmem>>, vector<1x16xf32>,
        %get3A_231 = vector.shape_cast %get3A_230 : vector<1x16xf32> to vector<16xf32>
        %add3A_232 = arith.addf %add3A_227, %get3A_231 : vector<16xf32>
        %exp3A_233 = math.exp %add3A_232 : vector<16xf32>
        %add3A_234 = arith.constant 1.000000e+00 : f32
        %add3A_235 = vector.broadcast %add3A_234 : f32 to vector<16xf32>
        %add3A_236 = arith.addf %exp3A_233, %add3A_235 : vector<16xf32>
        %div3A_237 = arith.constant 2.000000e+00 : f32
        %div3A_238 = vector.broadcast %div3A_237 : f32 to vector<16xf32>
        %div3A_239 = arith.divf %div3A_238, %add3A_236 : vector<16xf32>
        %sub3A_240 = arith.constant 1.000000e+00 : f32
        %sub3A_241 = vector.broadcast %sub3A_240 : f32 to vector<16xf32>
        %sub3A_242 = arith.subf %sub3A_241, %div3A_239 : vector<16xf32>
        %swap3A_243 = arith.index_cast %scan3A_164 : i32 to index
        %swap3A_244 = arith.constant 32 : index
        %swap3A_245 = tpu.vector_load %arg19[%swap3A_243, %swap3A_244] {strides = array<i32>} : memref<40x128xf32, #tpu.memory_space<vmem>>, vector<1x16xf32>,
        %swap3A_246 = vector.shape_cast %swap3A_245 : vector<1x16xf32> to vector<16xf32>
        %swap3A_247 = vector.shape_cast %sub3A_242 : vector<16xf32> to vector<1x16xf32>
        tpu.vector_store %arg19[%swap3A_243, %swap3A_244], %swap3A_247 {strides = array<i32>} : memref<40x128xf32, #tpu.memory_space<vmem>>, vector<1x16xf32>,
        %get3A_248 = arith.index_cast %scan3A_164 : i32 to index
        %get3A_249 = arith.constant 48 : index
        %get3A_250 = tpu.vector_load %arg19[%get3A_248, %get3A_249] {strides = array<i32>} : memref<40x128xf32, #tpu.memory_space<vmem>>, vector<1x16xf32>,
        %get3A_251 = vector.shape_cast %get3A_250 : vector<1x16xf32> to vector<16xf32>
        %get3A_252 = arith.index_cast %scan3A_164 : i32 to index
        %get3A_253 = arith.constant 48 : index
        %get3A_254 = tpu.vector_load %arg20[%get3A_252, %get3A_253] {strides = array<i32>} : memref<40x128xf32, #tpu.memory_space<vmem>>, vector<1x16xf32>,
        %get3A_255 = vector.shape_cast %get3A_254 : vector<1x16xf32> to vector<16xf32>
        %add3A_256 = arith.addf %get3A_251, %get3A_255 : vector<16xf32>
        %get3A_257 = arith.index_cast %scan3A_164 : i32 to index
        %get3A_258 = arith.constant 48 : index
        %get3A_259 = tpu.vector_load %arg21[%get3A_257, %get3A_258] {strides = array<i32>} : memref<40x128xf32, #tpu.memory_space<vmem>>, vector<1x16xf32>,
        %get3A_260 = vector.shape_cast %get3A_259 : vector<1x16xf32> to vector<16xf32>
        %add3A_261 = arith.addf %add3A_256, %get3A_260 : vector<16xf32>
        %exp3A_262 = math.exp %add3A_261 : vector<16xf32>
        %add3A_263 = arith.constant 1.000000e+00 : f32
        %add3A_264 = vector.broadcast %add3A_263 : f32 to vector<16xf32>
        %add3A_265 = arith.addf %exp3A_262, %add3A_264 : vector<16xf32>
        %div3A_266 = arith.constant 2.000000e+00 : f32
        %div3A_267 = vector.broadcast %div3A_266 : f32 to vector<16xf32>
        %div3A_268 = arith.divf %div3A_267, %add3A_265 : vector<16xf32>
        %sub3A_269 = arith.constant 1.000000e+00 : f32
        %sub3A_270 = vector.broadcast %sub3A_269 : f32 to vector<16xf32>
        %sub3A_271 = arith.subf %sub3A_270, %div3A_268 : vector<16xf32>
        %swap3A_272 = arith.index_cast %scan3A_164 : i32 to index
        %swap3A_273 = arith.constant 48 : index
        %swap3A_274 = tpu.vector_load %arg19[%swap3A_272, %swap3A_273] {strides = array<i32>} : memref<40x128xf32, #tpu.memory_space<vmem>>, vector<1x16xf32>,
        %swap3A_275 = vector.shape_cast %swap3A_274 : vector<1x16xf32> to vector<16xf32>
        %swap3A_276 = vector.shape_cast %sub3A_271 : vector<16xf32> to vector<1x16xf32>
        tpu.vector_store %arg19[%swap3A_272, %swap3A_273], %swap3A_276 {strides = array<i32>} : memref<40x128xf32, #tpu.memory_space<vmem>>, vector<1x16xf32>,
        %get3A_277 = arith.index_cast %scan3A_164 : i32 to index
        %get3A_278 = arith.constant 64 : index
        %get3A_279 = tpu.vector_load %arg19[%get3A_277, %get3A_278] {strides = array<i32>} : memref<40x128xf32, #tpu.memory_space<vmem>>, vector<1x16xf32>,
        %get3A_280 = vector.shape_cast %get3A_279 : vector<1x16xf32> to vector<16xf32>
        %get3A_281 = arith.index_cast %scan3A_164 : i32 to index
        %get3A_282 = arith.constant 64 : index
        %get3A_283 = tpu.vector_load %arg20[%get3A_281, %get3A_282] {strides = array<i32>} : memref<40x128xf32, #tpu.memory_space<vmem>>, vector<1x16xf32>,
        %get3A_284 = vector.shape_cast %get3A_283 : vector<1x16xf32> to vector<16xf32>
        %add3A_285 = arith.addf %get3A_280, %get3A_284 : vector<16xf32>
        %get3A_286 = arith.index_cast %scan3A_164 : i32 to index
        %get3A_287 = arith.constant 64 : index
        %get3A_288 = tpu.vector_load %arg21[%get3A_286, %get3A_287] {strides = array<i32>} : memref<40x128xf32, #tpu.memory_space<vmem>>, vector<1x16xf32>,
        %get3A_289 = vector.shape_cast %get3A_288 : vector<1x16xf32> to vector<16xf32>
        %add3A_290 = arith.addf %add3A_285, %get3A_289 : vector<16xf32>
        %exp3A_291 = math.exp %add3A_290 : vector<16xf32>
        %add3A_292 = arith.constant 1.000000e+00 : f32
        %add3A_293 = vector.broadcast %add3A_292 : f32 to vector<16xf32>
        %add3A_294 = arith.addf %exp3A_291, %add3A_293 : vector<16xf32>
        %div3A_295 = arith.constant 2.000000e+00 : f32
        %div3A_296 = vector.broadcast %div3A_295 : f32 to vector<16xf32>
        %div3A_297 = arith.divf %div3A_296, %add3A_294 : vector<16xf32>
        %sub3A_298 = arith.constant 1.000000e+00 : f32
        %sub3A_299 = vector.broadcast %sub3A_298 : f32 to vector<16xf32>
        %sub3A_300 = arith.subf %sub3A_299, %div3A_297 : vector<16xf32>
        %swap3A_301 = arith.index_cast %scan3A_164 : i32 to index
        %swap3A_302 = arith.constant 64 : index
        %swap3A_303 = tpu.vector_load %arg19[%swap3A_301, %swap3A_302] {strides = array<i32>} : memref<40x128xf32, #tpu.memory_space<vmem>>, vector<1x16xf32>,
        %swap3A_304 = vector.shape_cast %swap3A_303 : vector<1x16xf32> to vector<16xf32>
        %swap3A_305 = vector.shape_cast %sub3A_300 : vector<16xf32> to vector<1x16xf32>
        tpu.vector_store %arg19[%swap3A_301, %swap3A_302], %swap3A_305 {strides = array<i32>} : memref<40x128xf32, #tpu.memory_space<vmem>>, vector<1x16xf32>,
        %get3A_306 = arith.index_cast %scan3A_164 : i32 to index
        %get3A_307 = arith.constant 80 : index
        %get3A_308 = tpu.vector_load %arg19[%get3A_306, %get3A_307] {strides = array<i32>} : memref<40x128xf32, #tpu.memory_space<vmem>>, vector<1x16xf32>,
        %get3A_309 = vector.shape_cast %get3A_308 : vector<1x16xf32> to vector<16xf32>
        %get3A_310 = arith.index_cast %scan3A_164 : i32 to index
        %get3A_311 = arith.constant 80 : index
        %get3A_312 = tpu.vector_load %arg20[%get3A_310, %get3A_311] {strides = array<i32>} : memref<40x128xf32, #tpu.memory_space<vmem>>, vector<1x16xf32>,
        %get3A_313 = vector.shape_cast %get3A_312 : vector<1x16xf32> to vector<16xf32>
        %add3A_314 = arith.addf %get3A_309, %get3A_313 : vector<16xf32>
        %get3A_315 = arith.index_cast %scan3A_164 : i32 to index
        %get3A_316 = arith.constant 80 : index
        %get3A_317 = tpu.vector_load %arg21[%get3A_315, %get3A_316] {strides = array<i32>} : memref<40x128xf32, #tpu.memory_space<vmem>>, vector<1x16xf32>,
        %get3A_318 = vector.shape_cast %get3A_317 : vector<1x16xf32> to vector<16xf32>
        %add3A_319 = arith.addf %add3A_314, %get3A_318 : vector<16xf32>
        %exp3A_320 = math.exp %add3A_319 : vector<16xf32>
        %add3A_321 = arith.constant 1.000000e+00 : f32
        %add3A_322 = vector.broadcast %add3A_321 : f32 to vector<16xf32>
        %add3A_323 = arith.addf %exp3A_320, %add3A_322 : vector<16xf32>
        %div3A_324 = arith.constant 2.000000e+00 : f32
        %div3A_325 = vector.broadcast %div3A_324 : f32 to vector<16xf32>
        %div3A_326 = arith.divf %div3A_325, %add3A_323 : vector<16xf32>
        %sub3A_327 = arith.constant 1.000000e+00 : f32
        %sub3A_328 = vector.broadcast %sub3A_327 : f32 to vector<16xf32>
        %sub3A_329 = arith.subf %sub3A_328, %div3A_326 : vector<16xf32>
        %swap3A_330 = arith.index_cast %scan3A_164 : i32 to index
        %swap3A_331 = arith.constant 80 : index
        %swap3A_332 = tpu.vector_load %arg19[%swap3A_330, %swap3A_331] {strides = array<i32>} : memref<40x128xf32, #tpu.memory_space<vmem>>, vector<1x16xf32>,
        %swap3A_333 = vector.shape_cast %swap3A_332 : vector<1x16xf32> to vector<16xf32>
        %swap3A_334 = vector.shape_cast %sub3A_329 : vector<16xf32> to vector<1x16xf32>
        tpu.vector_store %arg19[%swap3A_330, %swap3A_331], %swap3A_334 {strides = array<i32>} : memref<40x128xf32, #tpu.memory_space<vmem>>, vector<1x16xf32>,
        %get3A_335 = arith.index_cast %scan3A_164 : i32 to index
        %get3A_336 = arith.constant 96 : index
        %get3A_337 = tpu.vector_load %arg19[%get3A_335, %get3A_336] {strides = array<i32>} : memref<40x128xf32, #tpu.memory_space<vmem>>, vector<1x16xf32>,
        %get3A_338 = vector.shape_cast %get3A_337 : vector<1x16xf32> to vector<16xf32>
        %get3A_339 = arith.index_cast %scan3A_164 : i32 to index
        %get3A_340 = arith.constant 96 : index
        %get3A_341 = tpu.vector_load %arg20[%get3A_339, %get3A_340] {strides = array<i32>} : memref<40x128xf32, #tpu.memory_space<vmem>>, vector<1x16xf32>,
        %get3A_342 = vector.shape_cast %get3A_341 : vector<1x16xf32> to vector<16xf32>
        %add3A_343 = arith.addf %get3A_338, %get3A_342 : vector<16xf32>
        %get3A_344 = arith.index_cast %scan3A_164 : i32 to index
        %get3A_345 = arith.constant 96 : index
        %get3A_346 = tpu.vector_load %arg21[%get3A_344, %get3A_345] {strides = array<i32>} : memref<40x128xf32, #tpu.memory_space<vmem>>, vector<1x16xf32>,
        %get3A_347 = vector.shape_cast %get3A_346 : vector<1x16xf32> to vector<16xf32>
        %add3A_348 = arith.addf %add3A_343, %get3A_347 : vector<16xf32>
        %exp3A_349 = math.exp %add3A_348 : vector<16xf32>
        %add3A_350 = arith.constant 1.000000e+00 : f32
        %add3A_351 = vector.broadcast %add3A_350 : f32 to vector<16xf32>
        %add3A_352 = arith.addf %exp3A_349, %add3A_351 : vector<16xf32>
        %div3A_353 = arith.constant 2.000000e+00 : f32
        %div3A_354 = vector.broadcast %div3A_353 : f32 to vector<16xf32>
        %div3A_355 = arith.divf %div3A_354, %add3A_352 : vector<16xf32>
        %sub3A_356 = arith.constant 1.000000e+00 : f32
        %sub3A_357 = vector.broadcast %sub3A_356 : f32 to vector<16xf32>
        %sub3A_358 = arith.subf %sub3A_357, %div3A_355 : vector<16xf32>
        %swap3A_359 = arith.index_cast %scan3A_164 : i32 to index
        %swap3A_360 = arith.constant 96 : index
        %swap3A_361 = tpu.vector_load %arg19[%swap3A_359, %swap3A_360] {strides = array<i32>} : memref<40x128xf32, #tpu.memory_space<vmem>>, vector<1x16xf32>,
        %swap3A_362 = vector.shape_cast %swap3A_361 : vector<1x16xf32> to vector<16xf32>
        %swap3A_363 = vector.shape_cast %sub3A_358 : vector<16xf32> to vector<1x16xf32>
        tpu.vector_store %arg19[%swap3A_359, %swap3A_360], %swap3A_363 {strides = array<i32>} : memref<40x128xf32, #tpu.memory_space<vmem>>, vector<1x16xf32>,
        %get3A_364 = arith.index_cast %scan3A_164 : i32 to index
        %get3A_365 = arith.constant 112 : index
        %get3A_366 = tpu.vector_load %arg19[%get3A_364, %get3A_365] {strides = array<i32>} : memref<40x128xf32, #tpu.memory_space<vmem>>, vector<1x16xf32>,
        %get3A_367 = vector.shape_cast %get3A_366 : vector<1x16xf32> to vector<16xf32>
        %get3A_368 = arith.index_cast %scan3A_164 : i32 to index
        %get3A_369 = arith.constant 112 : index
        %get3A_370 = tpu.vector_load %arg20[%get3A_368, %get3A_369] {strides = array<i32>} : memref<40x128xf32, #tpu.memory_space<vmem>>, vector<1x16xf32>,
        %get3A_371 = vector.shape_cast %get3A_370 : vector<1x16xf32> to vector<16xf32>
        %add3A_372 = arith.addf %get3A_367, %get3A_371 : vector<16xf32>
        %get3A_373 = arith.index_cast %scan3A_164 : i32 to index
        %get3A_374 = arith.constant 112 : index
        %get3A_375 = tpu.vector_load %arg21[%get3A_373, %get3A_374] {strides = array<i32>} : memref<40x128xf32, #tpu.memory_space<vmem>>, vector<1x16xf32>,
        %get3A_376 = vector.shape_cast %get3A_375 : vector<1x16xf32> to vector<16xf32>
        %add3A_377 = arith.addf %add3A_372, %get3A_376 : vector<16xf32>
        %exp3A_378 = math.exp %add3A_377 : vector<16xf32>
        %add3A_379 = arith.constant 1.000000e+00 : f32
        %add3A_380 = vector.broadcast %add3A_379 : f32 to vector<16xf32>
        %add3A_381 = arith.addf %exp3A_378, %add3A_380 : vector<16xf32>
        %div3A_382 = arith.constant 2.000000e+00 : f32
        %div3A_383 = vector.broadcast %div3A_382 : f32 to vector<16xf32>
        %div3A_384 = arith.divf %div3A_383, %add3A_381 : vector<16xf32>
        %sub3A_385 = arith.constant 1.000000e+00 : f32
        %sub3A_386 = vector.broadcast %sub3A_385 : f32 to vector<16xf32>
        %sub3A_387 = arith.subf %sub3A_386, %div3A_384 : vector<16xf32>
        %swap3A_388 = arith.index_cast %scan3A_164 : i32 to index
        %swap3A_389 = arith.constant 112 : index
        %swap3A_390 = tpu.vector_load %arg19[%swap3A_388, %swap3A_389] {strides = array<i32>} : memref<40x128xf32, #tpu.memory_space<vmem>>, vector<1x16xf32>,
        %swap3A_391 = vector.shape_cast %swap3A_390 : vector<1x16xf32> to vector<16xf32>
        %swap3A_392 = vector.shape_cast %sub3A_387 : vector<16xf32> to vector<1x16xf32>
        tpu.vector_store %arg19[%swap3A_388, %swap3A_389], %swap3A_392 {strides = array<i32>} : memref<40x128xf32, #tpu.memory_space<vmem>>, vector<1x16xf32>,
        %scan3A_393 = arith.constant 0 : i32
        scf.yield %scan3A_393 : i32
      }
      %scan3A_163 = arith.constant 40 : i32
      "tpu.region"() ({
        %run_scoped3A = tpu.sem_alloc : memref<!tpu.dma_semaphore, #tpu.memory_space<semaphore_mem>>
        %dma_start3A_164 = arith.constant 0 : i32
        %dma_start3A_165 = arith.constant 0 : i32
        %dma_start3A_166 = tpu.memref_slice %arg11[%dma_start3A_164, %dma_start3A_165] : memref<10240x128xf32, #tpu.memory_space<vmem_shared>> -> memref<10240x128xf32, #tpu.memory_space<vmem_shared>>
        tpu.enqueue_indirect_dma source(%arg19 : memref<40x128xf32, #tpu.memory_space<vmem>>) target(%dma_start3A_166 : memref<10240x128xf32, #tpu.memory_space<vmem_shared>>) offsets(%arg14 : memref<40xi32, #tpu.memory_space<vmem>>) semaphore(%run_scoped3A : memref<!tpu.dma_semaphore, #tpu.memory_space<semaphore_mem>>) {add = true}
        %dma_wait3A_167 = arith.constant 0 : i32
        %dma_wait3A_168 = arith.constant 0 : i32
        %dma_wait3A_169 = tpu.memref_slice %arg11[%dma_wait3A_167, %dma_wait3A_168] : memref<10240x128xf32, #tpu.memory_space<vmem_shared>> -> memref<10240x128xf32, #tpu.memory_space<vmem_shared>>
        tpu.wait_indirect_dma semaphore(%run_scoped3A : memref<!tpu.dma_semaphore, #tpu.memory_space<semaphore_mem>>) src(%arg19 : memref<40x128xf32, #tpu.memory_space<vmem>>) dst(%dma_wait3A_169 : memref<10240x128xf32, #tpu.memory_space<vmem_shared>>)
        tpu.yield
      }) : () -> ()
    } else {
    }
    %barrier3A_24 = arith.constant 0 : index
    tpu.barrier barrier_id(%barrier3A_24)
    %scan3A_25 = arith.constant 0 : i32
    %scan3A_26 = arith.constant 0 : i32
    %scan3A_27 = arith.constant 40 : i32
    %scan3A_28 = arith.addi %scan3A_26, %scan3A_27 : i32
    %scan3A_29 = arith.constant 1 : i32
    %scan3A_30 = scf.for %scan3A_81 = %scan3A_26 to %scan3A_28 step %scan3A_29 iter_args(%scan3A_82 = %scan3A_25) -> (i32)  : i32 {
      %swap3A = arith.index_cast %scan3A_81 : i32 to index
      %swap3A_83 = arith.constant 0 : index
      %swap3A_84 = tpu.vector_load %arg18[%swap3A, %swap3A_83] {strides = array<i32>} : memref<40x128xf32, #tpu.memory_space<vmem>>, vector<1x16xf32>,
      %swap3A_85 = vector.shape_cast %swap3A_84 : vector<1x16xf32> to vector<16xf32>
      %swap3A_86 = vector.shape_cast %broadcast_in_dim3A_0 : vector<16xf32> to vector<1x16xf32>
      tpu.vector_store %arg18[%swap3A, %swap3A_83], %swap3A_86 {strides = array<i32>} : memref<40x128xf32, #tpu.memory_space<vmem>>, vector<1x16xf32>,
      %swap3A_87 = arith.index_cast %scan3A_81 : i32 to index
      %swap3A_88 = arith.constant 16 : index
      %swap3A_89 = tpu.vector_load %arg18[%swap3A_87, %swap3A_88] {strides = array<i32>} : memref<40x128xf32, #tpu.memory_space<vmem>>, vector<1x16xf32>,
      %swap3A_90 = vector.shape_cast %swap3A_89 : vector<1x16xf32> to vector<16xf32>
      %swap3A_91 = vector.shape_cast %broadcast_in_dim3A_0 : vector<16xf32> to vector<1x16xf32>
      tpu.vector_store %arg18[%swap3A_87, %swap3A_88], %swap3A_91 {strides = array<i32>} : memref<40x128xf32, #tpu.memory_space<vmem>>, vector<1x16xf32>,
      %swap3A_92 = arith.index_cast %scan3A_81 : i32 to index
      %swap3A_93 = arith.constant 32 : index
      %swap3A_94 = tpu.vector_load %arg18[%swap3A_92, %swap3A_93] {strides = array<i32>} : memref<40x128xf32, #tpu.memory_space<vmem>>, vector<1x16xf32>,
      %swap3A_95 = vector.shape_cast %swap3A_94 : vector<1x16xf32> to vector<16xf32>
      %swap3A_96 = vector.shape_cast %broadcast_in_dim3A_0 : vector<16xf32> to vector<1x16xf32>
      tpu.vector_store %arg18[%swap3A_92, %swap3A_93], %swap3A_96 {strides = array<i32>} : memref<40x128xf32, #tpu.memory_space<vmem>>, vector<1x16xf32>,
      %swap3A_97 = arith.index_cast %scan3A_81 : i32 to index
      %swap3A_98 = arith.constant 48 : index
      %swap3A_99 = tpu.vector_load %arg18[%swap3A_97, %swap3A_98] {strides = array<i32>} : memref<40x128xf32, #tpu.memory_space<vmem>>, vector<1x16xf32>,
      %swap3A_100 = vector.shape_cast %swap3A_99 : vector<1x16xf32> to vector<16xf32>
      %swap3A_101 = vector.shape_cast %broadcast_in_dim3A_0 : vector<16xf32> to vector<1x16xf32>
      tpu.vector_store %arg18[%swap3A_97, %swap3A_98], %swap3A_101 {strides = array<i32>} : memref<40x128xf32, #tpu.memory_space<vmem>>, vector<1x16xf32>,
      %swap3A_102 = arith.index_cast %scan3A_81 : i32 to index
      %swap3A_103 = arith.constant 64 : index
      %swap3A_104 = tpu.vector_load %arg18[%swap3A_102, %swap3A_103] {strides = array<i32>} : memref<40x128xf32, #tpu.memory_space<vmem>>, vector<1x16xf32>,
      %swap3A_105 = vector.shape_cast %swap3A_104 : vector<1x16xf32> to vector<16xf32>
      %swap3A_106 = vector.shape_cast %broadcast_in_dim3A_0 : vector<16xf32> to vector<1x16xf32>
      tpu.vector_store %arg18[%swap3A_102, %swap3A_103], %swap3A_106 {strides = array<i32>} : memref<40x128xf32, #tpu.memory_space<vmem>>, vector<1x16xf32>,
      %swap3A_107 = arith.index_cast %scan3A_81 : i32 to index
      %swap3A_108 = arith.constant 80 : index
      %swap3A_109 = tpu.vector_load %arg18[%swap3A_107, %swap3A_108] {strides = array<i32>} : memref<40x128xf32, #tpu.memory_space<vmem>>, vector<1x16xf32>,
      %swap3A_110 = vector.shape_cast %swap3A_109 : vector<1x16xf32> to vector<16xf32>
      %swap3A_111 = vector.shape_cast %broadcast_in_dim3A_0 : vector<16xf32> to vector<1x16xf32>
      tpu.vector_store %arg18[%swap3A_107, %swap3A_108], %swap3A_111 {strides = array<i32>} : memref<40x128xf32, #tpu.memory_space<vmem>>, vector<1x16xf32>,
      %swap3A_112 = arith.index_cast %scan3A_81 : i32 to index
      %swap3A_113 = arith.constant 96 : index
      %swap3A_114 = tpu.vector_load %arg18[%swap3A_112, %swap3A_113] {strides = array<i32>} : memref<40x128xf32, #tpu.memory_space<vmem>>, vector<1x16xf32>,
      %swap3A_115 = vector.shape_cast %swap3A_114 : vector<1x16xf32> to vector<16xf32>
      %swap3A_116 = vector.shape_cast %broadcast_in_dim3A_0 : vector<16xf32> to vector<1x16xf32>
      tpu.vector_store %arg18[%swap3A_112, %swap3A_113], %swap3A_116 {strides = array<i32>} : memref<40x128xf32, #tpu.memory_space<vmem>>, vector<1x16xf32>,
      %swap3A_117 = arith.index_cast %scan3A_81 : i32 to index
      %swap3A_118 = arith.constant 112 : index
      %swap3A_119 = tpu.vector_load %arg18[%swap3A_117, %swap3A_118] {strides = array<i32>} : memref<40x128xf32, #tpu.memory_space<vmem>>, vector<1x16xf32>,
      %swap3A_120 = vector.shape_cast %swap3A_119 : vector<1x16xf32> to vector<16xf32>
      %swap3A_121 = vector.shape_cast %broadcast_in_dim3A_0 : vector<16xf32> to vector<1x16xf32>
      tpu.vector_store %arg18[%swap3A_117, %swap3A_118], %swap3A_121 {strides = array<i32>} : memref<40x128xf32, #tpu.memory_space<vmem>>, vector<1x16xf32>,
      %scan3A_122 = arith.constant 0 : i32
      scf.yield %scan3A_122 : i32
    }
    %scan3A_31 = arith.constant 40 : i32
    %scan3A_32 = arith.constant 0 : i32
    %scan3A_33 = arith.constant 0 : i32
    %scan3A_34 = arith.constant 16 : i32
    %scan3A_35 = arith.addi %scan3A_33, %scan3A_34 : i32
    %scan3A_36 = arith.constant 1 : i32
    %scan3A_37 = scf.for %scan3A_81 = %scan3A_33 to %scan3A_35 step %scan3A_36 iter_args(%scan3A_82 = %scan3A_32) -> (i32)  : i32 {
      %mul3A_83 = arith.constant 640 : i32
      %mul3A_84 = arith.muli %arg1, %mul3A_83 : i32
      %mul3A_85 = arith.constant 40 : i32
      %mul3A_86 = arith.muli %scan3A_81, %mul3A_85 : i32
      %add3A_87 = arith.addi %mul3A_84, %mul3A_86 : i32
      %multiple_of3A_88 = tpu.assume_multiple %add3A_87, 8 : i32
      "tpu.region"() ({
        %run_scoped3A = tpu.sem_alloc : memref<!tpu.dma_semaphore, #tpu.memory_space<semaphore_mem>>
        %dma_start3A_90 = arith.constant 0 : i32
        %dma_start3A_91 = tpu.memref_slice %arg9[%arg0, %multiple_of3A_88, %dma_start3A_90] : memref<2x10240x128xf32, #tpu.memory_space<hbm>> -> memref<1x40x128xf32, #tpu.memory_space<hbm>>
        %dma_start3A_92 = tpu.memref_squeeze %dma_start3A_91 : memref<1x40x128xf32, #tpu.memory_space<hbm>> -> memref<40x128xf32, #tpu.memory_space<hbm>>
        %dma_start3A_93 = arith.constant 0 : i32
        %dma_start3A_94 = tpu.memref_slice %arg11[%multiple_of3A_88, %dma_start3A_93] : memref<10240x128xf32, #tpu.memory_space<vmem_shared>> -> memref<40x128xf32, #tpu.memory_space<vmem_shared>>
        tpu.enqueue_dma source(%dma_start3A_94 : memref<40x128xf32, #tpu.memory_space<vmem_shared>>) target(%dma_start3A_92 : memref<40x128xf32, #tpu.memory_space<hbm>>) target_semaphore(%run_scoped3A : memref<!tpu.dma_semaphore, #tpu.memory_space<semaphore_mem>>)
        %dma_wait3A_95 = arith.constant 0 : i32
        %dma_wait3A_96 = tpu.memref_slice %arg9[%arg0, %multiple_of3A_88, %dma_wait3A_95] : memref<2x10240x128xf32, #tpu.memory_space<hbm>> -> memref<1x40x128xf32, #tpu.memory_space<hbm>>
        %dma_wait3A_97 = tpu.memref_squeeze %dma_wait3A_96 : memref<1x40x128xf32, #tpu.memory_space<hbm>> -> memref<40x128xf32, #tpu.memory_space<hbm>>
        %dma_wait3A_98 = arith.constant 0 : i32
        %dma_wait3A_99 = tpu.memref_slice %arg11[%multiple_of3A_88, %dma_wait3A_98] : memref<10240x128xf32, #tpu.memory_space<vmem_shared>> -> memref<40x128xf32, #tpu.memory_space<vmem_shared>>
        tpu.wait_dma2 semaphore(%run_scoped3A : memref<!tpu.dma_semaphore, #tpu.memory_space<semaphore_mem>>) src(%dma_wait3A_99 : memref<40x128xf32, #tpu.memory_space<vmem_shared>>) dst(%dma_wait3A_97 : memref<40x128xf32, #tpu.memory_space<hbm>>)
        tpu.yield
      }) : () -> ()
      "tpu.region"() ({
        %run_scoped3A = tpu.sem_alloc : memref<!tpu.dma_semaphore, #tpu.memory_space<semaphore_mem>>
        %dma_start3A_90 = arith.constant 0 : i32
        %dma_start3A_91 = tpu.memref_slice %arg11[%multiple_of3A_88, %dma_start3A_90] : memref<10240x128xf32, #tpu.memory_space<vmem_shared>> -> memref<40x128xf32, #tpu.memory_space<vmem_shared>>
        %dma_start3A_92 = arith.constant 0 : i32
        %dma_start3A_93 = tpu.memref_slice %arg11[%multiple_of3A_88, %dma_start3A_92] : memref<10240x128xf32, #tpu.memory_space<vmem_shared>> -> memref<40x128xf32, #tpu.memory_space<vmem_shared>>
        tpu.enqueue_dma source(%arg18 : memref<40x128xf32, #tpu.memory_space<vmem>>) target(%dma_start3A_93 : memref<40x128xf32, #tpu.memory_space<vmem_shared>>) target_semaphore(%run_scoped3A : memref<!tpu.dma_semaphore, #tpu.memory_space<semaphore_mem>>)
        %dma_wait3A_94 = arith.constant 0 : i32
        %dma_wait3A_95 = tpu.memref_slice %arg11[%multiple_of3A_88, %dma_wait3A_94] : memref<10240x128xf32, #tpu.memory_space<vmem_shared>> -> memref<40x128xf32, #tpu.memory_space<vmem_shared>>
        %dma_wait3A_96 = arith.constant 0 : i32
        %dma_wait3A_97 = tpu.memref_slice %arg11[%multiple_of3A_88, %dma_wait3A_96] : memref<10240x128xf32, #tpu.memory_space<vmem_shared>> -> memref<40x128xf32, #tpu.memory_space<vmem_shared>>
        tpu.wait_dma2 semaphore(%run_scoped3A : memref<!tpu.dma_semaphore, #tpu.memory_space<semaphore_mem>>) src(%arg18 : memref<40x128xf32, #tpu.memory_space<vmem>>) dst(%dma_wait3A_97 : memref<40x128xf32, #tpu.memory_space<vmem_shared>>)
        tpu.yield
      }) : () -> ()
      %scan3A_89 = arith.constant 0 : i32
      scf.yield %scan3A_89 : i32
    }
    %scan3A_38 = arith.constant 16 : i32
    %barrier3A_39 = arith.constant 0 : index
    tpu.barrier barrier_id(%barrier3A_39)
    %scan3A_40 = arith.constant 0 : i32
    %scan3A_41 = arith.constant 0 : i32
    %scan3A_42 = arith.constant 40 : i32
    %scan3A_43 = arith.addi %scan3A_41, %scan3A_42 : i32
    %scan3A_44 = arith.constant 1 : i32
    %scan3A_45 = scf.for %scan3A_81 = %scan3A_41 to %scan3A_43 step %scan3A_44 iter_args(%scan3A_82 = %scan3A_40) -> (i32)  : i32 {
      %swap3A = arith.index_cast %scan3A_81 : i32 to index
      %swap3A_83 = arith.constant 0 : index
      %swap3A_84 = tpu.vector_load %arg16[%swap3A, %swap3A_83] {strides = array<i32>} : memref<40x128xf32, #tpu.memory_space<vmem>>, vector<1x16xf32>,
      %swap3A_85 = vector.shape_cast %swap3A_84 : vector<1x16xf32> to vector<16xf32>
      %swap3A_86 = vector.shape_cast %broadcast_in_dim3A_2 : vector<16xf32> to vector<1x16xf32>
      tpu.vector_store %arg16[%swap3A, %swap3A_83], %swap3A_86 {strides = array<i32>} : memref<40x128xf32, #tpu.memory_space<vmem>>, vector<1x16xf32>,
      %swap3A_87 = arith.index_cast %scan3A_81 : i32 to index
      %swap3A_88 = arith.constant 16 : index
      %swap3A_89 = tpu.vector_load %arg16[%swap3A_87, %swap3A_88] {strides = array<i32>} : memref<40x128xf32, #tpu.memory_space<vmem>>, vector<1x16xf32>,
      %swap3A_90 = vector.shape_cast %swap3A_89 : vector<1x16xf32> to vector<16xf32>
      %swap3A_91 = vector.shape_cast %broadcast_in_dim3A_2 : vector<16xf32> to vector<1x16xf32>
      tpu.vector_store %arg16[%swap3A_87, %swap3A_88], %swap3A_91 {strides = array<i32>} : memref<40x128xf32, #tpu.memory_space<vmem>>, vector<1x16xf32>,
      %swap3A_92 = arith.index_cast %scan3A_81 : i32 to index
      %swap3A_93 = arith.constant 32 : index
      %swap3A_94 = tpu.vector_load %arg16[%swap3A_92, %swap3A_93] {strides = array<i32>} : memref<40x128xf32, #tpu.memory_space<vmem>>, vector<1x16xf32>,
      %swap3A_95 = vector.shape_cast %swap3A_94 : vector<1x16xf32> to vector<16xf32>
      %swap3A_96 = vector.shape_cast %broadcast_in_dim3A_2 : vector<16xf32> to vector<1x16xf32>
      tpu.vector_store %arg16[%swap3A_92, %swap3A_93], %swap3A_96 {strides = array<i32>} : memref<40x128xf32, #tpu.memory_space<vmem>>, vector<1x16xf32>,
      %swap3A_97 = arith.index_cast %scan3A_81 : i32 to index
      %swap3A_98 = arith.constant 48 : index
      %swap3A_99 = tpu.vector_load %arg16[%swap3A_97, %swap3A_98] {strides = array<i32>} : memref<40x128xf32, #tpu.memory_space<vmem>>, vector<1x16xf32>,
      %swap3A_100 = vector.shape_cast %swap3A_99 : vector<1x16xf32> to vector<16xf32>
      %swap3A_101 = vector.shape_cast %broadcast_in_dim3A_2 : vector<16xf32> to vector<1x16xf32>
      tpu.vector_store %arg16[%swap3A_97, %swap3A_98], %swap3A_101 {strides = array<i32>} : memref<40x128xf32, #tpu.memory_space<vmem>>, vector<1x16xf32>,
      %swap3A_102 = arith.index_cast %scan3A_81 : i32 to index
      %swap3A_103 = arith.constant 64 : index
      %swap3A_104 = tpu.vector_load %arg16[%swap3A_102, %swap3A_103] {strides = array<i32>} : memref<40x128xf32, #tpu.memory_space<vmem>>, vector<1x16xf32>,
      %swap3A_105 = vector.shape_cast %swap3A_104 : vector<1x16xf32> to vector<16xf32>
      %swap3A_106 = vector.shape_cast %broadcast_in_dim3A_2 : vector<16xf32> to vector<1x16xf32>
      tpu.vector_store %arg16[%swap3A_102, %swap3A_103], %swap3A_106 {strides = array<i32>} : memref<40x128xf32, #tpu.memory_space<vmem>>, vector<1x16xf32>,
      %swap3A_107 = arith.index_cast %scan3A_81 : i32 to index
      %swap3A_108 = arith.constant 80 : index
      %swap3A_109 = tpu.vector_load %arg16[%swap3A_107, %swap3A_108] {strides = array<i32>} : memref<40x128xf32, #tpu.memory_space<vmem>>, vector<1x16xf32>,
      %swap3A_110 = vector.shape_cast %swap3A_109 : vector<1x16xf32> to vector<16xf32>
      %swap3A_111 = vector.shape_cast %broadcast_in_dim3A_2 : vector<16xf32> to vector<1x16xf32>
      tpu.vector_store %arg16[%swap3A_107, %swap3A_108], %swap3A_111 {strides = array<i32>} : memref<40x128xf32, #tpu.memory_space<vmem>>, vector<1x16xf32>,
      %swap3A_112 = arith.index_cast %scan3A_81 : i32 to index
      %swap3A_113 = arith.constant 96 : index
      %swap3A_114 = tpu.vector_load %arg16[%swap3A_112, %swap3A_113] {strides = array<i32>} : memref<40x128xf32, #tpu.memory_space<vmem>>, vector<1x16xf32>,
      %swap3A_115 = vector.shape_cast %swap3A_114 : vector<1x16xf32> to vector<16xf32>
      %swap3A_116 = vector.shape_cast %broadcast_in_dim3A_2 : vector<16xf32> to vector<1x16xf32>
      tpu.vector_store %arg16[%swap3A_112, %swap3A_113], %swap3A_116 {strides = array<i32>} : memref<40x128xf32, #tpu.memory_space<vmem>>, vector<1x16xf32>,
      %swap3A_117 = arith.index_cast %scan3A_81 : i32 to index
      %swap3A_118 = arith.constant 112 : index
      %swap3A_119 = tpu.vector_load %arg16[%swap3A_117, %swap3A_118] {strides = array<i32>} : memref<40x128xf32, #tpu.memory_space<vmem>>, vector<1x16xf32>,
      %swap3A_120 = vector.shape_cast %swap3A_119 : vector<1x16xf32> to vector<16xf32>
      %swap3A_121 = vector.shape_cast %broadcast_in_dim3A_2 : vector<16xf32> to vector<1x16xf32>
      tpu.vector_store %arg16[%swap3A_117, %swap3A_118], %swap3A_121 {strides = array<i32>} : memref<40x128xf32, #tpu.memory_space<vmem>>, vector<1x16xf32>,
      %scan3A_122 = arith.constant 0 : i32
      scf.yield %scan3A_122 : i32
    }
    %scan3A_46 = arith.constant 40 : i32
    %mul3A_47 = arith.constant 160000 : i32
    %mul3A_48 = arith.muli %arg0, %mul3A_47 : i32
    %mul3A_49 = arith.constant 10000 : i32
    %mul3A_50 = arith.muli %arg1, %mul3A_49 : i32
    %add3A = arith.addi %mul3A_48, %mul3A_50 : i32
    %add3A_51 = arith.constant 0 : i32
    %add3A_52 = arith.addi %add3A, %add3A_51 : i32
    %multiple_of3A = tpu.assume_multiple %add3A_52, 8 : i32
    "tpu.region"() ({
      %run_scoped3A = tpu.sem_alloc : memref<!tpu.dma_semaphore, #tpu.memory_space<semaphore_mem>>
      %dma_start3A_81 = tpu.memref_slice %arg2[%multiple_of3A] : memref<320000xi32, #tpu.memory_space<hbm>> -> memref<40xi32, #tpu.memory_space<hbm>>
      %dma_start3A_82 = tpu.memref_slice %arg2[%multiple_of3A] : memref<320000xi32, #tpu.memory_space<hbm>> -> memref<40xi32, #tpu.memory_space<hbm>>
      tpu.enqueue_dma source(%dma_start3A_82 : memref<40xi32, #tpu.memory_space<hbm>>) target(%arg12 : memref<40xi32, #tpu.memory_space<vmem>>) target_semaphore(%run_scoped3A : memref<!tpu.dma_semaphore, #tpu.memory_space<semaphore_mem>>)
      %dma_wait3A_83 = tpu.memref_slice %arg2[%multiple_of3A] : memref<320000xi32, #tpu.memory_space<hbm>> -> memref<40xi32, #tpu.memory_space<hbm>>
      %dma_wait3A_84 = tpu.memref_slice %arg2[%multiple_of3A] : memref<320000xi32, #tpu.memory_space<hbm>> -> memref<40xi32, #tpu.memory_space<hbm>>
      tpu.wait_dma2 semaphore(%run_scoped3A : memref<!tpu.dma_semaphore, #tpu.memory_space<semaphore_mem>>) src(%dma_wait3A_84 : memref<40xi32, #tpu.memory_space<hbm>>) dst(%arg12 : memref<40xi32, #tpu.memory_space<vmem>>)
      tpu.yield
    }) : () -> ()
    %dma_start3A = arith.constant 0 : i32
    %dma_start3A_53 = arith.constant 0 : i32
    %dma_start3A_54 = tpu.memref_slice %arg11[%dma_start3A, %dma_start3A_53] : memref<10240x128xf32, #tpu.memory_space<vmem_shared>> -> memref<10240x128xf32, #tpu.memory_space<vmem_shared>>
    tpu.enqueue_indirect_dma source(%arg16 : memref<40x128xf32, #tpu.memory_space<vmem>>) target(%dma_start3A_54 : memref<10240x128xf32, #tpu.memory_space<vmem_shared>>) offsets(%arg12 : memref<40xi32, #tpu.memory_space<vmem>>) semaphore(%arg22 : memref<!tpu.dma_semaphore, #tpu.memory_space<semaphore_mem>>) {add = true}
    %scan3A_55 = arith.constant 0 : i32
    %scan3A_56 = arith.constant 0 : i32
    %scan3A_57 = arith.constant 124 : i32
    %scan3A_58 = arith.addi %scan3A_56, %scan3A_57 : i32
    %scan3A_59 = arith.constant 1 : i32
    %scan3A_60 = scf.for %scan3A_81 = %scan3A_56 to %scan3A_58 step %scan3A_59 iter_args(%scan3A_82 = %scan3A_55) -> (i32)  : i32 {
      %mul3A_83 = arith.constant 2 : i32
      %mul3A_84 = arith.muli %mul3A_83, %scan3A_81 : i32
      %add3A_85 = arith.constant 1 : i32
      %add3A_86 = arith.addi %mul3A_84, %add3A_85 : i32
      %mul3A_87 = arith.constant 40 : i32
      %mul3A_88 = arith.muli %add3A_86, %mul3A_87 : i32
      %add3A_89 = arith.addi %add3A, %mul3A_88 : i32
      %multiple_of3A_90 = tpu.assume_multiple %add3A_89, 8 : i32
      "tpu.region"() ({
        %run_scoped3A = tpu.sem_alloc : memref<!tpu.dma_semaphore, #tpu.memory_space<semaphore_mem>>
        %dma_start3A_112 = tpu.memref_slice %arg2[%multiple_of3A_90] : memref<320000xi32, #tpu.memory_space<hbm>> -> memref<40xi32, #tpu.memory_space<hbm>>
        %dma_start3A_113 = tpu.memref_slice %arg2[%multiple_of3A_90] : memref<320000xi32, #tpu.memory_space<hbm>> -> memref<40xi32, #tpu.memory_space<hbm>>
        tpu.enqueue_dma source(%dma_start3A_113 : memref<40xi32, #tpu.memory_space<hbm>>) target(%arg14 : memref<40xi32, #tpu.memory_space<vmem>>) target_semaphore(%run_scoped3A : memref<!tpu.dma_semaphore, #tpu.memory_space<semaphore_mem>>)
        %dma_wait3A_114 = tpu.memref_slice %arg2[%multiple_of3A_90] : memref<320000xi32, #tpu.memory_space<hbm>> -> memref<40xi32, #tpu.memory_space<hbm>>
        %dma_wait3A_115 = tpu.memref_slice %arg2[%multiple_of3A_90] : memref<320000xi32, #tpu.memory_space<hbm>> -> memref<40xi32, #tpu.memory_space<hbm>>
        tpu.wait_dma2 semaphore(%run_scoped3A : memref<!tpu.dma_semaphore, #tpu.memory_space<semaphore_mem>>) src(%dma_wait3A_115 : memref<40xi32, #tpu.memory_space<hbm>>) dst(%arg14 : memref<40xi32, #tpu.memory_space<vmem>>)
        tpu.yield
      }) : () -> ()
      %dma_start3A_91 = arith.constant 0 : i32
      %dma_start3A_92 = arith.constant 0 : i32
      %dma_start3A_93 = tpu.memref_slice %arg11[%dma_start3A_91, %dma_start3A_92] : memref<10240x128xf32, #tpu.memory_space<vmem_shared>> -> memref<10240x128xf32, #tpu.memory_space<vmem_shared>>
      tpu.enqueue_indirect_dma source(%arg16 : memref<40x128xf32, #tpu.memory_space<vmem>>) target(%dma_start3A_93 : memref<10240x128xf32, #tpu.memory_space<vmem_shared>>) offsets(%arg14 : memref<40xi32, #tpu.memory_space<vmem>>) semaphore(%arg23 : memref<!tpu.dma_semaphore, #tpu.memory_space<semaphore_mem>>) {add = true}
      %dma_wait3A_94 = arith.constant 0 : i32
      %dma_wait3A_95 = arith.constant 0 : i32
      %dma_wait3A_96 = tpu.memref_slice %arg11[%dma_wait3A_94, %dma_wait3A_95] : memref<10240x128xf32, #tpu.memory_space<vmem_shared>> -> memref<10240x128xf32, #tpu.memory_space<vmem_shared>>
      tpu.wait_indirect_dma semaphore(%arg22 : memref<!tpu.dma_semaphore, #tpu.memory_space<semaphore_mem>>) src(%arg16 : memref<40x128xf32, #tpu.memory_space<vmem>>) dst(%dma_wait3A_96 : memref<10240x128xf32, #tpu.memory_space<vmem_shared>>)
      %mul3A_97 = arith.constant 2 : i32
      %mul3A_98 = arith.muli %mul3A_97, %scan3A_81 : i32
      %add3A_99 = arith.constant 2 : i32
      %add3A_100 = arith.addi %mul3A_98, %add3A_99 : i32
      %mul3A_101 = arith.constant 40 : i32
      %mul3A_102 = arith.muli %add3A_100, %mul3A_101 : i32
      %add3A_103 = arith.addi %add3A, %mul3A_102 : i32
      %multiple_of3A_104 = tpu.assume_multiple %add3A_103, 8 : i32
      "tpu.region"() ({
        %run_scoped3A = tpu.sem_alloc : memref<!tpu.dma_semaphore, #tpu.memory_space<semaphore_mem>>
        %dma_start3A_112 = tpu.memref_slice %arg2[%multiple_of3A_104] : memref<320000xi32, #tpu.memory_space<hbm>> -> memref<40xi32, #tpu.memory_space<hbm>>
        %dma_start3A_113 = tpu.memref_slice %arg2[%multiple_of3A_104] : memref<320000xi32, #tpu.memory_space<hbm>> -> memref<40xi32, #tpu.memory_space<hbm>>
        tpu.enqueue_dma source(%dma_start3A_113 : memref<40xi32, #tpu.memory_space<hbm>>) target(%arg12 : memref<40xi32, #tpu.memory_space<vmem>>) target_semaphore(%run_scoped3A : memref<!tpu.dma_semaphore, #tpu.memory_space<semaphore_mem>>)
        %dma_wait3A_114 = tpu.memref_slice %arg2[%multiple_of3A_104] : memref<320000xi32, #tpu.memory_space<hbm>> -> memref<40xi32, #tpu.memory_space<hbm>>
        %dma_wait3A_115 = tpu.memref_slice %arg2[%multiple_of3A_104] : memref<320000xi32, #tpu.memory_space<hbm>> -> memref<40xi32, #tpu.memory_space<hbm>>
        tpu.wait_dma2 semaphore(%run_scoped3A : memref<!tpu.dma_semaphore, #tpu.memory_space<semaphore_mem>>) src(%dma_wait3A_115 : memref<40xi32, #tpu.memory_space<hbm>>) dst(%arg12 : memref<40xi32, #tpu.memory_space<vmem>>)
        tpu.yield
      }) : () -> ()
      %dma_start3A_105 = arith.constant 0 : i32
      %dma_start3A_106 = arith.constant 0 : i32
      %dma_start3A_107 = tpu.memref_slice %arg11[%dma_start3A_105, %dma_start3A_106] : memref<10240x128xf32, #tpu.memory_space<vmem_shared>> -> memref<10240x128xf32, #tpu.memory_space<vmem_shared>>
      tpu.enqueue_indirect_dma source(%arg16 : memref<40x128xf32, #tpu.memory_space<vmem>>) target(%dma_start3A_107 : memref<10240x128xf32, #tpu.memory_space<vmem_shared>>) offsets(%arg12 : memref<40xi32, #tpu.memory_space<vmem>>) semaphore(%arg22 : memref<!tpu.dma_semaphore, #tpu.memory_space<semaphore_mem>>) {add = true}
      %dma_wait3A_108 = arith.constant 0 : i32
      %dma_wait3A_109 = arith.constant 0 : i32
      %dma_wait3A_110 = tpu.memref_slice %arg11[%dma_wait3A_108, %dma_wait3A_109] : memref<10240x128xf32, #tpu.memory_space<vmem_shared>> -> memref<10240x128xf32, #tpu.memory_space<vmem_shared>>
      tpu.wait_indirect_dma semaphore(%arg23 : memref<!tpu.dma_semaphore, #tpu.memory_space<semaphore_mem>>) src(%arg16 : memref<40x128xf32, #tpu.memory_space<vmem>>) dst(%dma_wait3A_110 : memref<10240x128xf32, #tpu.memory_space<vmem_shared>>)
      %scan3A_111 = arith.constant 0 : i32
      scf.yield %scan3A_111 : i32
    }
    %scan3A_61 = arith.constant 124 : i32
    %add3A_62 = arith.constant 9960 : i32
    %add3A_63 = arith.addi %add3A, %add3A_62 : i32
    %multiple_of3A_64 = tpu.assume_multiple %add3A_63, 8 : i32
    "tpu.region"() ({
      %run_scoped3A = tpu.sem_alloc : memref<!tpu.dma_semaphore, #tpu.memory_space<semaphore_mem>>
      %dma_start3A_81 = tpu.memref_slice %arg2[%multiple_of3A_64] : memref<320000xi32, #tpu.memory_space<hbm>> -> memref<40xi32, #tpu.memory_space<hbm>>
      %dma_start3A_82 = tpu.memref_slice %arg2[%multiple_of3A_64] : memref<320000xi32, #tpu.memory_space<hbm>> -> memref<40xi32, #tpu.memory_space<hbm>>
      tpu.enqueue_dma source(%dma_start3A_82 : memref<40xi32, #tpu.memory_space<hbm>>) target(%arg14 : memref<40xi32, #tpu.memory_space<vmem>>) target_semaphore(%run_scoped3A : memref<!tpu.dma_semaphore, #tpu.memory_space<semaphore_mem>>)
      %dma_wait3A_83 = tpu.memref_slice %arg2[%multiple_of3A_64] : memref<320000xi32, #tpu.memory_space<hbm>> -> memref<40xi32, #tpu.memory_space<hbm>>
      %dma_wait3A_84 = tpu.memref_slice %arg2[%multiple_of3A_64] : memref<320000xi32, #tpu.memory_space<hbm>> -> memref<40xi32, #tpu.memory_space<hbm>>
      tpu.wait_dma2 semaphore(%run_scoped3A : memref<!tpu.dma_semaphore, #tpu.memory_space<semaphore_mem>>) src(%dma_wait3A_84 : memref<40xi32, #tpu.memory_space<hbm>>) dst(%arg14 : memref<40xi32, #tpu.memory_space<vmem>>)
      tpu.yield
    }) : () -> ()
    %dma_start3A_65 = arith.constant 0 : i32
    %dma_start3A_66 = arith.constant 0 : i32
    %dma_start3A_67 = tpu.memref_slice %arg11[%dma_start3A_65, %dma_start3A_66] : memref<10240x128xf32, #tpu.memory_space<vmem_shared>> -> memref<10240x128xf32, #tpu.memory_space<vmem_shared>>
    tpu.enqueue_indirect_dma source(%arg16 : memref<40x128xf32, #tpu.memory_space<vmem>>) target(%dma_start3A_67 : memref<10240x128xf32, #tpu.memory_space<vmem_shared>>) offsets(%arg14 : memref<40xi32, #tpu.memory_space<vmem>>) semaphore(%arg23 : memref<!tpu.dma_semaphore, #tpu.memory_space<semaphore_mem>>) {add = true}
    %dma_wait3A = arith.constant 0 : i32
    %dma_wait3A_68 = arith.constant 0 : i32
    %dma_wait3A_69 = tpu.memref_slice %arg11[%dma_wait3A, %dma_wait3A_68] : memref<10240x128xf32, #tpu.memory_space<vmem_shared>> -> memref<10240x128xf32, #tpu.memory_space<vmem_shared>>
    tpu.wait_indirect_dma semaphore(%arg22 : memref<!tpu.dma_semaphore, #tpu.memory_space<semaphore_mem>>) src(%arg16 : memref<40x128xf32, #tpu.memory_space<vmem>>) dst(%dma_wait3A_69 : memref<10240x128xf32, #tpu.memory_space<vmem_shared>>)
    %dma_wait3A_70 = arith.constant 0 : i32
    %dma_wait3A_71 = arith.constant 0 : i32
    %dma_wait3A_72 = tpu.memref_slice %arg11[%dma_wait3A_70, %dma_wait3A_71] : memref<10240x128xf32, #tpu.memory_space<vmem_shared>> -> memref<10240x128xf32, #tpu.memory_space<vmem_shared>>
    tpu.wait_indirect_dma semaphore(%arg23 : memref<!tpu.dma_semaphore, #tpu.memory_space<semaphore_mem>>) src(%arg16 : memref<40x128xf32, #tpu.memory_space<vmem>>) dst(%dma_wait3A_72 : memref<10240x128xf32, #tpu.memory_space<vmem_shared>>)
    %barrier3A_73 = arith.constant 0 : index
    tpu.barrier barrier_id(%barrier3A_73)
    %scan3A_74 = arith.constant 0 : i32
    %scan3A_75 = arith.constant 0 : i32
    %scan3A_76 = arith.constant 16 : i32
    %scan3A_77 = arith.addi %scan3A_75, %scan3A_76 : i32
    %scan3A_78 = arith.constant 1 : i32
    %scan3A_79 = scf.for %scan3A_81 = %scan3A_75 to %scan3A_77 step %scan3A_78 iter_args(%scan3A_82 = %scan3A_74) -> (i32)  : i32 {
      %mul3A_83 = arith.constant 640 : i32
      %mul3A_84 = arith.muli %arg1, %mul3A_83 : i32
      %mul3A_85 = arith.constant 40 : i32
      %mul3A_86 = arith.muli %scan3A_81, %mul3A_85 : i32
      %add3A_87 = arith.addi %mul3A_84, %mul3A_86 : i32
      %multiple_of3A_88 = tpu.assume_multiple %add3A_87, 8 : i32
      "tpu.region"() ({
        %run_scoped3A = tpu.sem_alloc : memref<!tpu.dma_semaphore, #tpu.memory_space<semaphore_mem>>
        %dma_start3A_90 = arith.constant 0 : i32
        %dma_start3A_91 = tpu.memref_slice %arg10[%arg0, %multiple_of3A_88, %dma_start3A_90] : memref<2x10240x128xf32, #tpu.memory_space<hbm>> -> memref<1x40x128xf32, #tpu.memory_space<hbm>>
        %dma_start3A_92 = tpu.memref_squeeze %dma_start3A_91 : memref<1x40x128xf32, #tpu.memory_space<hbm>> -> memref<40x128xf32, #tpu.memory_space<hbm>>
        %dma_start3A_93 = arith.constant 0 : i32
        %dma_start3A_94 = tpu.memref_slice %arg11[%multiple_of3A_88, %dma_start3A_93] : memref<10240x128xf32, #tpu.memory_space<vmem_shared>> -> memref<40x128xf32, #tpu.memory_space<vmem_shared>>
        tpu.enqueue_dma source(%dma_start3A_94 : memref<40x128xf32, #tpu.memory_space<vmem_shared>>) target(%dma_start3A_92 : memref<40x128xf32, #tpu.memory_space<hbm>>) target_semaphore(%run_scoped3A : memref<!tpu.dma_semaphore, #tpu.memory_space<semaphore_mem>>)
        %dma_wait3A_95 = arith.constant 0 : i32
        %dma_wait3A_96 = tpu.memref_slice %arg10[%arg0, %multiple_of3A_88, %dma_wait3A_95] : memref<2x10240x128xf32, #tpu.memory_space<hbm>> -> memref<1x40x128xf32, #tpu.memory_space<hbm>>
        %dma_wait3A_97 = tpu.memref_squeeze %dma_wait3A_96 : memref<1x40x128xf32, #tpu.memory_space<hbm>> -> memref<40x128xf32, #tpu.memory_space<hbm>>
        %dma_wait3A_98 = arith.constant 0 : i32
        %dma_wait3A_99 = tpu.memref_slice %arg11[%multiple_of3A_88, %dma_wait3A_98] : memref<10240x128xf32, #tpu.memory_space<vmem_shared>> -> memref<40x128xf32, #tpu.memory_space<vmem_shared>>
        tpu.wait_dma2 semaphore(%run_scoped3A : memref<!tpu.dma_semaphore, #tpu.memory_space<semaphore_mem>>) src(%dma_wait3A_99 : memref<40x128xf32, #tpu.memory_space<vmem_shared>>) dst(%dma_wait3A_97 : memref<40x128xf32, #tpu.memory_space<hbm>>)
        tpu.yield
      }) : () -> ()
      %scan3A_89 = arith.constant 0 : i32
      scf.yield %scan3A_89 : i32
    }
    %scan3A_80 = arith.constant 16 : i32
    return
  }
}

module attributes {stable_mosaic.version = 14 : i64} {
  func.func @_tables_body(%arg0: i32, %arg1: i32, %arg2: memref<1000x128xf32, #tpu.memory_space<vmem>>, %arg3: memref<256x128xf32, #tpu.memory_space<vmem>>, %arg4: memref<2000x16xf32, #tpu.memory_space<vmem>>, %arg5: memref<16x128xf32, #tpu.memory_space<vmem>>, %arg6: memref<1x128xf32, #tpu.memory_space<vmem>>, %arg7: memref<1x1000x128xf32, #tpu.memory_space<vmem>>, %arg8: memref<1x1000x128xf32, #tpu.memory_space<vmem>>, %arg9: memref<1x2000x128xf32, #tpu.memory_space<vmem>>) attributes {dimension_semantics = [#tpu.dimension_semantics<arbitrary>, #tpu.dimension_semantics<arbitrary>], iteration_bounds = array<i64: 2, 170>, scalar_prefetch = 0 : i64, scratch_operands = 0 : i64, tpu.core_type = #tpu.core_type<tc>, window_params = [{transform_indices = @transform_0, window_bounds = array<i64: 1000, 128>}, {transform_indices = @transform_1, window_bounds = array<i64: 256, 128>}, {transform_indices = @transform_2, window_bounds = array<i64: 2000, 16>}, {transform_indices = @transform_3, window_bounds = array<i64: 16, 128>}, {transform_indices = @transform_4, window_bounds = array<i64: 1, 128>}, {transform_indices = @transform_5, window_bounds = array<i64: 1, 1000, 128>}, {transform_indices = @transform_6, window_bounds = array<i64: 1, 1000, 128>}, {transform_indices = @transform_7, window_bounds = array<i64: 1, 2000, 128>}]} {
    %lt3A = arith.constant 10 : i32
    %lt3A_0 = arith.cmpi slt, %arg1, %lt3A : i32
    %convert_element_type3A = arith.extui %lt3A_0 : i1 to i32
    %cond3A = arith.constant 0 : i32
    %cond3A_1 = arith.cmpi ne, %convert_element_type3A, %cond3A : i32
    scf.if %cond3A_1 {
      %get3A = arith.constant 0 : index
      %get3A_6 = arith.constant 0 : index
      %get3A_7 = vector.load %arg2[%get3A, %get3A_6] : memref<1000x128xf32, #tpu.memory_space<vmem>>, vector<1000x128xf32>
      %get3A_8 = arith.constant 0 : index
      %get3A_9 = arith.constant 0 : index
      %get3A_10 = vector.load %arg3[%get3A_8, %get3A_9] : memref<256x128xf32, #tpu.memory_space<vmem>>, vector<256x128xf32>
      %slice3A = vector.extract_strided_slice %get3A_10 {offsets = [0, 0], sizes = [128, 128], strides = [1, 1]} : vector<256x128xf32> to vector<128x128xf32>
      %dot_general3A = arith.constant dense<0.000000e+00> : vector<1000x128xf32>
      %dot_general3A_11 = tpu.matmul %get3A_7, %slice3A, %dot_general3A {dimension_numbers = #tpu.dot_dimension_numbers<[1], [0], [0], [1], [0, 0, 1, 1], [], []>, transpose_lhs_hint = false} : vector<1000x128xf32>, vector<128x128xf32>, vector<1000x128xf32> -> vector<1000x128xf32>
      %mul3A = arith.constant 2.000000e+00 : f32
      %mul3A_12 = vector.broadcast %mul3A : f32 to vector<1000x128xf32>
      %mul3A_13 = arith.mulf %mul3A_12, %dot_general3A_11 : vector<1000x128xf32>
      %swap3A = arith.constant 0 : index
      %swap3A_14 = arith.constant 0 : index
      %swap3A_15 = arith.constant 0 : index
      %swap3A_16 = vector.load %arg7[%swap3A, %swap3A_14, %swap3A_15] : memref<1x1000x128xf32, #tpu.memory_space<vmem>>, vector<1x1000x128xf32>
      %swap3A_17 = vector.shape_cast %swap3A_16 : vector<1x1000x128xf32> to vector<1000x128xf32>
      %swap3A_18 = vector.shape_cast %mul3A_13 : vector<1000x128xf32> to vector<1x1000x128xf32>
      tpu.vector_store %arg7[%swap3A, %swap3A_14, %swap3A_15], %swap3A_18 {strides = array<i32>} : memref<1x1000x128xf32, #tpu.memory_space<vmem>>, vector<1x1000x128xf32>,
      %slice3A_19 = vector.extract_strided_slice %get3A_10 {offsets = [128, 0], sizes = [128, 128], strides = [1, 1]} : vector<256x128xf32> to vector<128x128xf32>
      %dot_general3A_20 = arith.constant dense<0.000000e+00> : vector<1000x128xf32>
      %dot_general3A_21 = tpu.matmul %get3A_7, %slice3A_19, %dot_general3A_20 {dimension_numbers = #tpu.dot_dimension_numbers<[1], [0], [0], [1], [0, 0, 1, 1], [], []>, transpose_lhs_hint = false} : vector<1000x128xf32>, vector<128x128xf32>, vector<1000x128xf32> -> vector<1000x128xf32>
      %mul3A_22 = arith.constant 2.000000e+00 : f32
      %mul3A_23 = vector.broadcast %mul3A_22 : f32 to vector<1000x128xf32>
      %mul3A_24 = arith.mulf %mul3A_23, %dot_general3A_21 : vector<1000x128xf32>
      %swap3A_25 = arith.constant 0 : index
      %swap3A_26 = arith.constant 0 : index
      %swap3A_27 = arith.constant 0 : index
      %swap3A_28 = vector.load %arg8[%swap3A_25, %swap3A_26, %swap3A_27] : memref<1x1000x128xf32, #tpu.memory_space<vmem>>, vector<1x1000x128xf32>
      %swap3A_29 = vector.shape_cast %swap3A_28 : vector<1x1000x128xf32> to vector<1000x128xf32>
      %swap3A_30 = vector.shape_cast %mul3A_24 : vector<1000x128xf32> to vector<1x1000x128xf32>
      tpu.vector_store %arg8[%swap3A_25, %swap3A_26, %swap3A_27], %swap3A_30 {strides = array<i32>} : memref<1x1000x128xf32, #tpu.memory_space<vmem>>, vector<1x1000x128xf32>,
    } else {
    }
    %ge3A = arith.constant 10 : i32
    %ge3A_2 = arith.cmpi sge, %arg1, %ge3A : i32
    %convert_element_type3A_3 = arith.extui %ge3A_2 : i1 to i32
    %cond3A_4 = arith.constant 0 : i32
    %cond3A_5 = arith.cmpi ne, %convert_element_type3A_3, %cond3A_4 : i32
    scf.if %cond3A_5 {
      %get3A = arith.constant 0 : index
      %get3A_6 = arith.constant 0 : index
      %get3A_7 = vector.load %arg4[%get3A, %get3A_6] : memref<2000x16xf32, #tpu.memory_space<vmem>>, vector<2000x16xf32>
      %get3A_8 = arith.constant 0 : index
      %get3A_9 = arith.constant 0 : index
      %get3A_10 = vector.load %arg5[%get3A_8, %get3A_9] : memref<16x128xf32, #tpu.memory_space<vmem>>, vector<16x128xf32>
      %dot_general3A = arith.constant dense<0.000000e+00> : vector<2000x128xf32>
      %dot_general3A_11 = tpu.matmul %get3A_7, %get3A_10, %dot_general3A {dimension_numbers = #tpu.dot_dimension_numbers<[1], [0], [0], [1], [0, 0, 1, 1], [], []>, transpose_lhs_hint = false} : vector<2000x16xf32>, vector<16x128xf32>, vector<2000x128xf32> -> vector<2000x128xf32>
      %get3A_12 = arith.constant 0 : index
      %get3A_13 = arith.constant 0 : index
      %get3A_14 = vector.load %arg6[%get3A_12, %get3A_13] : memref<1x128xf32, #tpu.memory_space<vmem>>, vector<1x128xf32>
      %add3A = vector.broadcast %get3A_14 : vector<1x128xf32> to vector<2000x128xf32>
      %add3A_15 = arith.addf %dot_general3A_11, %add3A : vector<2000x128xf32>
      %mul3A = arith.constant 2.000000e+00 : f32
      %mul3A_16 = vector.broadcast %mul3A : f32 to vector<2000x128xf32>
      %mul3A_17 = arith.mulf %mul3A_16, %add3A_15 : vector<2000x128xf32>
      %swap3A = arith.constant 0 : index
      %swap3A_18 = arith.constant 0 : index
      %swap3A_19 = arith.constant 0 : index
      %swap3A_20 = vector.load %arg9[%swap3A, %swap3A_18, %swap3A_19] : memref<1x2000x128xf32, #tpu.memory_space<vmem>>, vector<1x2000x128xf32>
      %swap3A_21 = vector.shape_cast %swap3A_20 : vector<1x2000x128xf32> to vector<2000x128xf32>
      %swap3A_22 = vector.shape_cast %mul3A_17 : vector<2000x128xf32> to vector<1x2000x128xf32>
      tpu.vector_store %arg9[%swap3A, %swap3A_18, %swap3A_19], %swap3A_22 {strides = array<i32>} : memref<1x2000x128xf32, #tpu.memory_space<vmem>>, vector<1x2000x128xf32>,
    } else {
    }
    return
  }
  func.func @transform_0(%arg0: i32, %arg1: i32) -> (i32, i32) {
    %min3A = arith.constant 9 : i32
    %min3A_0 = arith.minsi %arg1, %min3A : i32
    %c0_i32 = arith.constant 0 : i32
    %c0_i32_1 = arith.constant 0 : i32
    return %min3A_0, %c0_i32 : i32, i32
  }
  func.func @transform_1(%arg0: i32, %arg1: i32) -> (i32, i32) {
    %c0_i32 = arith.constant 0 : i32
    %c0_i32_0 = arith.constant 0 : i32
    return %c0_i32, %arg0 : i32, i32
  }
  func.func @transform_2(%arg0: i32, %arg1: i32) -> (i32, i32) {
    %sub3A = arith.constant 10 : i32
    %sub3A_0 = arith.subi %arg1, %sub3A : i32
    %max3A = arith.constant 0 : i32
    %max3A_1 = arith.maxsi %sub3A_0, %max3A : i32
    %c0_i32 = arith.constant 0 : i32
    %c0_i32_2 = arith.constant 0 : i32
    return %max3A_1, %c0_i32 : i32, i32
  }
  func.func @transform_3(%arg0: i32, %arg1: i32) -> (i32, i32) {
    %c0_i32 = arith.constant 0 : i32
    %c0_i32_0 = arith.constant 0 : i32
    return %c0_i32, %arg0 : i32, i32
  }
  func.func @transform_4(%arg0: i32, %arg1: i32) -> (i32, i32) {
    %c0_i32 = arith.constant 0 : i32
    %c0_i32_0 = arith.constant 0 : i32
    return %c0_i32, %arg0 : i32, i32
  }
  func.func @transform_5(%arg0: i32, %arg1: i32) -> (i32, i32, i32) {
    %min3A = arith.constant 9 : i32
    %min3A_0 = arith.minsi %arg1, %min3A : i32
    %c0_i32 = arith.constant 0 : i32
    %c0_i32_1 = arith.constant 0 : i32
    return %arg0, %min3A_0, %c0_i32 : i32, i32, i32
  }
  func.func @transform_6(%arg0: i32, %arg1: i32) -> (i32, i32, i32) {
    %min3A = arith.constant 9 : i32
    %min3A_0 = arith.minsi %arg1, %min3A : i32
    %c0_i32 = arith.constant 0 : i32
    %c0_i32_1 = arith.constant 0 : i32
    return %arg0, %min3A_0, %c0_i32 : i32, i32, i32
  }
  func.func @transform_7(%arg0: i32, %arg1: i32) -> (i32, i32, i32) {
    %sub3A = arith.constant 10 : i32
    %sub3A_0 = arith.subi %arg1, %sub3A : i32
    %max3A = arith.constant 0 : i32
    %max3A_1 = arith.maxsi %sub3A_0, %max3A : i32
    %c0_i32 = arith.constant 0 : i32
    %c0_i32_2 = arith.constant 0 : i32
    return %arg0, %max3A_1, %c0_i32 : i32, i32, i32
  }
}

module attributes {stable_mosaic.version = 14 : i64} {
  func.func @_final_body(%arg0: i32, %arg1: memref<1000x128xf32, #tpu.memory_space<vmem>>, %arg2: memref<1000x128xf32, #tpu.memory_space<vmem>>, %arg3: memref<1000x128xf32, #tpu.memory_space<vmem>>, %arg4: memref<1000x1xf32, #tpu.memory_space<vmem>>, %arg5: memref<1000x1xf32, #tpu.memory_space<vmem>>, %arg6: memref<384x256xf32, #tpu.memory_space<vmem>>, %arg7: memref<1x256xf32, #tpu.memory_space<vmem>>, %arg8: memref<1000x256xf32, #tpu.memory_space<vmem>>) attributes {dimension_semantics = [#tpu.dimension_semantics<arbitrary>], iteration_bounds = array<i64: 10>, scalar_prefetch = 0 : i64, scratch_operands = 0 : i64, tpu.core_type = #tpu.core_type<tc>, window_params = [{transform_indices = @transform_0, window_bounds = array<i64: 1000, 128>}, {transform_indices = @transform_1, window_bounds = array<i64: 1000, 128>}, {transform_indices = @transform_2, window_bounds = array<i64: 1000, 128>}, {transform_indices = @transform_3, window_bounds = array<i64: 1000, 1>}, {transform_indices = @transform_4, window_bounds = array<i64: 1000, 1>}, {pipeline_mode = #tpu.pipeline_mode<synchronous>, transform_indices = @transform_5, window_bounds = array<i64: 384, 256>}, {pipeline_mode = #tpu.pipeline_mode<synchronous>, transform_indices = @transform_6, window_bounds = array<i64: 1, 256>}, {transform_indices = @transform_7, window_bounds = array<i64: 1000, 256>}]} {
    %get3A = arith.constant 0 : index
    %get3A_0 = arith.constant 0 : index
    %get3A_1 = vector.load %arg1[%get3A, %get3A_0] : memref<1000x128xf32, #tpu.memory_space<vmem>>, vector<1000x128xf32>
    %get3A_2 = arith.constant 0 : index
    %get3A_3 = arith.constant 0 : index
    %get3A_4 = vector.load %arg4[%get3A_2, %get3A_3] : memref<1000x1xf32, #tpu.memory_space<vmem>>, vector<1000x1xf32>
    %get3A_5 = arith.constant 0 : index
    %get3A_6 = arith.constant 0 : index
    %get3A_7 = vector.load %arg5[%get3A_5, %get3A_6] : memref<1000x1xf32, #tpu.memory_space<vmem>>, vector<1000x1xf32>
    %add3A = arith.addf %get3A_4, %get3A_7 : vector<1000x1xf32>
    %max3A = arith.constant 1.000000e+00 : f32
    %max3A_8 = vector.broadcast %max3A : f32 to vector<1000x1xf32>
    %max3A_9 = arith.maximumf %add3A, %max3A_8 : vector<1000x1xf32>
    %div3A = arith.constant 1.000000e+00 : f32
    %div3A_10 = vector.broadcast %div3A : f32 to vector<1000x1xf32>
    %div3A_11 = arith.divf %div3A_10, %max3A_9 : vector<1000x1xf32>
    %get3A_12 = arith.constant 0 : index
    %get3A_13 = arith.constant 0 : index
    %get3A_14 = vector.load %arg2[%get3A_12, %get3A_13] : memref<1000x128xf32, #tpu.memory_space<vmem>>, vector<1000x128xf32>
    %mul3A = vector.broadcast %div3A_11 : vector<1000x1xf32> to vector<1000x128xf32>
    %mul3A_15 = arith.mulf %get3A_14, %mul3A : vector<1000x128xf32>
    %get3A_16 = arith.constant 0 : index
    %get3A_17 = arith.constant 0 : index
    %get3A_18 = vector.load %arg3[%get3A_16, %get3A_17] : memref<1000x128xf32, #tpu.memory_space<vmem>>, vector<1000x128xf32>
    %mul3A_19 = vector.broadcast %div3A_11 : vector<1000x1xf32> to vector<1000x128xf32>
    %mul3A_20 = arith.mulf %get3A_18, %mul3A_19 : vector<1000x128xf32>
    %get3A_21 = arith.constant 0 : index
    %get3A_22 = arith.constant 0 : index
    %get3A_23 = vector.load %arg6[%get3A_21, %get3A_22] : memref<384x256xf32, #tpu.memory_space<vmem>>, vector<384x256xf32>
    %slice3A = vector.extract_strided_slice %get3A_23 {offsets = [0, 0], sizes = [128, 256], strides = [1, 1]} : vector<384x256xf32> to vector<128x256xf32>
    %dot_general3A = arith.constant dense<0.000000e+00> : vector<1000x256xf32>
    %dot_general3A_24 = tpu.matmul %get3A_1, %slice3A, %dot_general3A {dimension_numbers = #tpu.dot_dimension_numbers<[1], [0], [0], [1], [0, 0, 1, 1], [], []>, transpose_lhs_hint = false} : vector<1000x128xf32>, vector<128x256xf32>, vector<1000x256xf32> -> vector<1000x256xf32>
    %slice3A_25 = vector.extract_strided_slice %get3A_23 {offsets = [128, 0], sizes = [128, 256], strides = [1, 1]} : vector<384x256xf32> to vector<128x256xf32>
    %dot_general3A_26 = arith.constant dense<0.000000e+00> : vector<1000x256xf32>
    %dot_general3A_27 = tpu.matmul %mul3A_15, %slice3A_25, %dot_general3A_26 {dimension_numbers = #tpu.dot_dimension_numbers<[1], [0], [0], [1], [0, 0, 1, 1], [], []>, transpose_lhs_hint = false} : vector<1000x128xf32>, vector<128x256xf32>, vector<1000x256xf32> -> vector<1000x256xf32>
    %add3A_28 = arith.addf %dot_general3A_24, %dot_general3A_27 : vector<1000x256xf32>
    %slice3A_29 = vector.extract_strided_slice %get3A_23 {offsets = [256, 0], sizes = [128, 256], strides = [1, 1]} : vector<384x256xf32> to vector<128x256xf32>
    %dot_general3A_30 = arith.constant dense<0.000000e+00> : vector<1000x256xf32>
    %dot_general3A_31 = tpu.matmul %mul3A_20, %slice3A_29, %dot_general3A_30 {dimension_numbers = #tpu.dot_dimension_numbers<[1], [0], [0], [1], [0, 0, 1, 1], [], []>, transpose_lhs_hint = false} : vector<1000x128xf32>, vector<128x256xf32>, vector<1000x256xf32> -> vector<1000x256xf32>
    %add3A_32 = arith.addf %add3A_28, %dot_general3A_31 : vector<1000x256xf32>
    %get3A_33 = arith.constant 0 : index
    %get3A_34 = arith.constant 0 : index
    %get3A_35 = vector.load %arg7[%get3A_33, %get3A_34] : memref<1x256xf32, #tpu.memory_space<vmem>>, vector<1x256xf32>
    %add3A_36 = vector.broadcast %get3A_35 : vector<1x256xf32> to vector<1000x256xf32>
    %add3A_37 = arith.addf %add3A_32, %add3A_36 : vector<1000x256xf32>
    %swap3A = arith.constant 0 : index
    %swap3A_38 = arith.constant 0 : index
    %swap3A_39 = vector.load %arg8[%swap3A, %swap3A_38] : memref<1000x256xf32, #tpu.memory_space<vmem>>, vector<1000x256xf32>
    tpu.vector_store %arg8[%swap3A, %swap3A_38], %add3A_37 {strides = array<i32>} : memref<1000x256xf32, #tpu.memory_space<vmem>>, vector<1000x256xf32>,
    return
  }
  func.func @transform_0(%arg0: i32) -> (i32, i32) {
    %c0_i32 = arith.constant 0 : i32
    %c0_i32_0 = arith.constant 0 : i32
    return %arg0, %c0_i32 : i32, i32
  }
  func.func @transform_1(%arg0: i32) -> (i32, i32) {
    %c0_i32 = arith.constant 0 : i32
    %c0_i32_0 = arith.constant 0 : i32
    return %arg0, %c0_i32 : i32, i32
  }
  func.func @transform_2(%arg0: i32) -> (i32, i32) {
    %c0_i32 = arith.constant 0 : i32
    %c0_i32_0 = arith.constant 0 : i32
    return %arg0, %c0_i32 : i32, i32
  }
  func.func @transform_3(%arg0: i32) -> (i32, i32) {
    %c0_i32 = arith.constant 0 : i32
    %c0_i32_0 = arith.constant 0 : i32
    return %arg0, %c0_i32 : i32, i32
  }
  func.func @transform_4(%arg0: i32) -> (i32, i32) {
    %c0_i32 = arith.constant 0 : i32
    %c0_i32_0 = arith.constant 0 : i32
    return %arg0, %c0_i32 : i32, i32
  }
  func.func @transform_5(%arg0: i32) -> (i32, i32) {
    %c0_i32 = arith.constant 0 : i32
    %c0_i32_0 = arith.constant 0 : i32
    %c0_i32_1 = arith.constant 0 : i32
    return %c0_i32, %c0_i32_0 : i32, i32
  }
  func.func @transform_6(%arg0: i32) -> (i32, i32) {
    %c0_i32 = arith.constant 0 : i32
    %c0_i32_0 = arith.constant 0 : i32
    %c0_i32_1 = arith.constant 0 : i32
    return %c0_i32, %c0_i32_0 : i32, i32
  }
  func.func @transform_7(%arg0: i32) -> (i32, i32) {
    %c0_i32 = arith.constant 0 : i32
    %c0_i32_0 = arith.constant 0 : i32
    return %arg0, %c0_i32 : i32, i32
  }
}

</mosaic_0001>

<sc_bundles>
// kernel: kernel.5.cloned.1.call-start
scs
__scs_entry_jumppad:
0x0: {  	(pc) =	sbr.rel $0x88, $3  }
0x1: {  	(tag) =	ssettag $0x0;
	lr =	simm.s32 $0x1  }
0x2: {  	[smem:$0x3F9A] =	sst lr;
	_ =	strace $0xD0000000  }
0x3: {  	_ = 	snop  }
0x4: {  	_ = 	snop  }
0x5: {  	_ = 	snop  }
0x6: {  	_ = 	snop  }
0x7: {  	_ = 	snop  }
__scs_overlays_trampoline_lowered:
0x8: {  	[smem:$0x3FA9] =	sst s0  }
0x9: {  	[smem:$0x3FAA] =	sst s1  }
0xa: {  	[smem:$0x3FAB] =	sst s2  }
0xb: {  	[smem:$0x3FAC] =	sst s3  }
0xc: {  	[smem:$0x3FAD] =	sst s4  }
0xd: {  	[smem:$0x3FAE] =	sst s5  }
0xe: {  	[smem:$0x3FAF] =	sst s6  }
0xf: {  	[smem:$0x3FB0] =	sst s7  }
0x10: {  	[smem:$0x3FB1] =	sst s8  }
0x11: {  	[smem:$0x3FB2] =	sst s9;
	s0 =	simm.s32 @!p0 $0x0  }
0x12: {  	s1 =	sld [smem:$0x3F98];
	s0 =	simm.s32 @p0 $0x1  }
0x13: {  	[smem:$0x3FB3] =	sst s0;
	s0 =	simm.s32 @!p1 $0x0  }
0x14: {  	s2 =	sld [smem:$0x3F97];
	s0 =	simm.s32 @p1 $0x1  }
0x15: {  	[smem:$0x3FB4] =	sst s0;
	s0 =	simm.s32 @!p2 $0x0  }
0x16: {  	s3 =	sld [smem:$0x3FDB];
	s0 =	simm.s32 @p2 $0x1  }
0x17: {  	s4 =	simm.s32 $0x1BF5;
	[smem:$0x3FB6] =	sst s0  }
0x18: {  	s0 =	sld [smem:$0x3F99];
	_ =	swait.ge [sflag:s4], $0x0  }
0x19: {  	s7 =	sld [smem:$0x3F9A]  }
0x1a: {  	s8 =	sadd.s32 $0xFFFFE003, lr  }
0x1b: {  	s9 =	sadd.s32 $0xFFFFFEF7, lr;
	s5 =	simm.s32 $0xFFFFFFFF;
	p2 =	slt.u32 s8, $0xFFFFF086  }
0x1c: {  	p1 =	slt.u32 s9, $0xF7A;
	s5 =	simm.s32 @!p2 $0x0  }
0x1d: {  	s5 =	simm.s32 @p1 $0x1;
	p0 =	seq.s32 s7, s2  }
0x1e: {  	s7 =	smul.u32 @!p0 $0xF7A, s2;
	p2 =	seq.s32 @!p0 s5, $0x0  }
0x1f: {  	s9 =	smul.u32 $0xF7A, s1;
	s8 =	simm.s32 @!p0 $0x1BF5;
	p2 =	por !p2, p0  }
0x20: {  	[sflag:s8] =	ssyncset.s32 @!p0 $0xFFFFF086;
	s6 =	sadd.s32 @!p0 s3, s7;
	s7 =	simm.s32 @!p0 $0x108  }
0x21: {  	s3 =	sadd.s32 s3, s9;
	s6 =	sadd.s32 @!p0 $0x88, s6;
	s7 =	simm.s32 @p2 $0x1082  }
0x22: {  	[simem:s7], [sflag:s8] =	dma.local @!p0 [hbm:s6], $0xF7A  }
0x23: {  	s9 =	sor.u32 $0xD0000000, s2;
	s6 =	simm.s32 $0x108;
	_ =	swait.ge @!p0 [sflag:s8], $0x0  }
0x24: {  	s3 =	sadd.s32 $0x88, s3;
	s6 =	simm.s32 @!p1 $0x1082;
	[sflag:s4] =	ssyncset.s32 $0xFFFFF086  }
0x25: {  	[simem:s6], [sflag:s4] =	dma.local [hbm:s3], $0xF7A  }
0x26: {  	[smem:$0x3F9A] =	sst s1;
	(tag) =	ssettag s2;
	_ =	strace s9  }
0x27: {  	s1 =	sld [smem:$0x3FAA]  }
0x28: {  	s2 =	sld [smem:$0x3FAB]  }
0x29: {  	s4 =	sld [smem:$0x3FAD]  }
0x2a: {  	p0 =	seq.s32 s5, $0x0;
	s5 =	sld [smem:$0x3FAE]  }
0x2b: {  	s6 =	sld [smem:$0x3FAF]  }
0x2c: {  	s7 =	sld [smem:$0x3FB0]  }
0x2d: {  	s3 =	simm.s32 $0x108;
	s8 =	sld [smem:$0x3FB1]  }
0x2e: {  	s3 =	simm.s32 @!p0 $0x1082;
	s9 =	sld [smem:$0x3FB2]  }
0x2f: {  	lr =	sadd.s32 s0, s3;
	s0 =	sld [smem:$0x3FA9]  }
0x30: {  	s3 =	sld [smem:$0x3FAC]  }
0x31: {  	[smem:$0x3FB5] =	sst s10  }
0x32: {  	s10 =	sld [smem:$0x3FB3];
	_ =	sdelay $0x3  }
0x33: {  	p0 =	seq.s32 s10, $0x1;
	s10 =	sld [smem:$0x3FB5];
	_ =	sdelay $0x3  }
0x34: {  	[smem:$0x3FB5] =	sst s10  }
0x35: {  	s10 =	sld [smem:$0x3FB4];
	_ =	sdelay $0x3  }
0x36: {  	p1 =	seq.s32 s10, $0x1;
	s10 =	sld [smem:$0x3FB5];
	_ =	sdelay $0x3  }
0x37: {  	[smem:$0x3FB5] =	sst s10  }
0x38: {  	s10 =	sld [smem:$0x3FB6]  }
0x39: {  	_ = 	snop;
	(pc) =	sbr.ind lr, $3  }
0x3a: {  	_ = 	snop  }
0x3b: {  	_ = 	snop  }
0x3c: {  	p2 =	seq.s32 s10, $0x1;
	s10 =	sld [smem:$0x3FB5]  }
0x3d: {  	_ =	shalt  }
0x3e: {  	_ =	shalt  }
0x3f: {  	_ =	shalt  }
0x40: {  	_ =	shalt  }
0x41: {  	_ =	shalt  }
0x42: {  	_ =	shalt  }
0x43: {  	_ =	shalt  }
0x44: {  	_ =	shalt  }
0x45: {  	_ =	shalt  }
0x46: {  	_ =	shalt  }
0x47: {  	_ =	shalt  }
0x48: {  	_ =	shalt  }
0x49: {  	_ =	shalt  }
0x4a: {  	_ =	shalt  }
0x4b: {  	_ =	shalt  }
0x4c: {  	_ =	shalt  }
0x4d: {  	_ =	shalt  }
0x4e: {  	_ =	shalt  }
0x4f: {  	_ =	shalt  }
0x50: {  	_ =	shalt  }
0x51: {  	_ =	shalt  }
0x52: {  	_ =	shalt  }
0x53: {  	_ =	shalt  }
0x54: {  	_ =	shalt  }
0x55: {  	_ =	shalt  }
0x56: {  	_ =	shalt  }
0x57: {  	_ =	shalt  }
0x58: {  	_ =	shalt  }
0x59: {  	_ =	shalt  }
0x5a: {  	_ =	shalt  }
0x5b: {  	_ =	shalt  }
0x5c: {  	_ =	shalt  }
0x5d: {  	_ =	shalt  }
0x5e: {  	_ =	shalt  }
0x5f: {  	_ =	shalt  }
0x60: {  	_ =	shalt  }
0x61: {  	_ =	shalt  }
0x62: {  	_ =	shalt  }
0x63: {  	_ =	shalt  }
0x64: {  	_ =	shalt  }
0x65: {  	_ =	shalt  }
0x66: {  	_ =	shalt  }
0x67: {  	_ =	shalt  }
0x68: {  	_ =	shalt  }
0x69: {  	_ =	shalt  }
0x6a: {  	_ =	shalt  }
0x6b: {  	_ =	shalt  }
0x6c: {  	_ =	shalt  }
0x6d: {  	_ =	shalt  }
0x6e: {  	_ =	shalt  }
0x6f: {  	_ =	shalt  }
0x70: {  	_ =	shalt  }
0x71: {  	_ =	shalt  }
0x72: {  	_ =	shalt  }
0x73: {  	_ =	shalt  }
0x74: {  	_ =	shalt  }
0x75: {  	_ =	shalt  }
0x76: {  	_ =	shalt  }
0x77: {  	_ =	shalt  }
0x78: {  	_ =	shalt  }
0x79: {  	_ =	shalt  }
0x7a: {  	_ =	shalt  }
0x7b: {  	_ =	shalt  }
0x7c: {  	_ =	shalt  }
0x7d: {  	_ =	shalt  }
0x7e: {  	_ =	shalt  }
0x7f: {  	_ =	shalt  }
0x80: {  	_ =	shalt  }
0x81: {  	_ =	shalt  }
0x82: {  	_ =	shalt  }
0x83: {  	_ =	shalt  }
0x84: {  	_ =	shalt  }
0x85: {  	_ =	shalt  }
0x86: {  	_ =	shalt  }
0x87: {  	_ =	shalt  }
.Lfunc_end0:
.L_simem_size_0:
called_computation_lowered:
.L_overlay_start_0:
0x88: {  	s2 =	sld [smem:$0x3FD9]  }
0x89: {  	s3 =	sld [smem:$0x3FFE];
	_ =	sdelay $0x1  }
0x8a: {  	s1 =	srdreg.scid  }
0x8b: {  	s0 =	sand.u32 $0x1, s1  }
0x8c: {  	s16 =	sshll.u32 s0, $0xA;
	s2 =	sadd.s32 s3, s2  }
0x8d: {  	s2 =	sadd.s32 s2, s16  }
0x8e: {  	[smem:$0x3FC1] =	sst s2  }
0x8f: {  	_ = 	snop  }
0x90: {  	(tm) =	ssettm $0x1  }
0x91: {  	s17 =	sld [smem:$0x3FFB];
	_ =	sdelay $0x3  }
0x92: {  	_ =	strace s17  }
0x93: {  	s2 =	sld [smem:$0x3FFC];
	_ =	sdelay $0x3  }
0x94: {  	_ =	strace s2  }
0x95: {  	s2 =	sld [smem:$0x3FFD];
	_ =	sdelay $0x3  }
0x96: {  	_ =	strace s2  }
0x97: {  	_ =	strace $0x8FFFFFFF  }
0x98: {  	s18 =	sld [smem:$0x3FDB];
	_ =	sdelay $0x1  }
0x99: {  	s19 =	simm.s32 $_scs_section_size  }
0x9a: {  	s4 =	simm.s32 $_size__tile_overlayer_lowered;
	s5 =	simm.s32 $_tile_overlayer_lowered  }
0x9b: {  	s22 =	simm.s32 $0x1BFF;
	s21 =	sshll.u32 s5, $0x1;
	s2 =	sadd.s32 s19, s18  }
0x9c: {  	s6 =	simm.s32 $0x0;
	s20 =	sshll.u32 s4, $0x1;
	s4 =	sadd.s32 s21, s2  }
0x9d: {  	[timem:s6], [sflag:s22] =	dma.local [hbm:s4], s20  }
0x9e: {  	_ =	swait.ge [sflag:s22], s20  }
0x9f: {  	s3 =	ssub.s32 $0x0, s20;
	[sflag:s22] =	ssyncset.done $0x0  }
0xa0: {  	[sflag:s22] =	ssyncadd.s32 s3;
	_ =	sdelay $0x1  }
0xa1: {  	s23 =	simm.s32 $0x1B8B  }
0xa2: {  	_ =	swait.ge [sflag:s23], $0x1  }
0xa3: {  	[sflag:s23] =	ssyncset.done $0x0  }
0xa4: {  	s25 =	simm.s32 $0x1B8E;
	s24 =	sld [smem:$0x3FFE];
	[sflag:s23] =	ssyncadd.s32 $0xFFFFFFFF  }
0xa5: {  	s26 =	simm.s32 $execute0_lowered;
	[smem:$0x3FD2] =	sst s25  }
0xa6: {  	s4 =	sshll.u32 s26, $0x1;
	_ =	strace $0x80000046;
	[dreg:$0x1] =	wrdreg $0xFFFFFFFF  }
0xa7: {  	s28 =	simm.s32 $_size_execute0_lowered;
	s2 =	sadd.s32 s2, s4;
	[dreg:$0x0] =	wrdreg $0x0  }
0xa8: {  	s4 =	sshll.u32 s28, $0x1;
	[dreg:$0x2] =	wrdreg s2  }
0xa9: {  	[dreg:$0x3] =	wrdreg s4  }
0xaa: {  	[dreg:$0x4] =	wrdreg $0xC0  }
0xab: {  	_ =	task [dreg:s6], $0x5FFFF  }
0xac: {  	[dreg:$0x1] =	wrdreg $0xFFFFFFFF  }
0xad: {  	[dreg:$0x0] =	wrdreg $0x60  }
0xae: {  	[dreg:$0x2] =	wrdreg s24  }
0xaf: {  	[dreg:$0x3] =	wrdreg $0x0  }
0xb0: {  	[dreg:$0x4] =	wrdreg $0x9  }
0xb1: {  	_ =	task.clear_ibuf [dreg:s6], $0x5FFFF;
	_ =	strace $0x90000046  }
0xb2: {  	s29 =	simm.s32 $0x9;
	_ =	strace $0x80000048  }
0xb3: {  	_ =	swait.ge [sflag:s29], $0x1  }
0xb4: {  	[sflag:s29] =	ssyncadd.s32 $0xFFFFFFFF  }
0xb5: {  	_ =	strace $0x90000048  }
0xb6: {  	_ =	sfence  }
0xb7: {  	s30 =	sld [smem:$0x0];
	_ =	sdelay $0x2  }
0xb8: {  	s31 =	sshll.u32 s1, $0xD;
	s1 =	sshrl.u32 s1, $0x2  }
0xb9: {  	s3 =	sand.u32 $0x4000, s31;
	s1 =	sadd.s32 s1, s30  }
0xba: {  	s0 =	sor.u32 s3, s0;
	s1 =	sshll.u32 s1, $0x11  }
0xbb: {  	s0 =	sor.u32 s1, s0  }
0xbc: {  	s0 =	sadd.s32 $0x8F2B, s0  }
0xbd: {  	[sflag:s0] =	ssyncadd.remote.s32 $0x1  }
0xbe: {  	_ =	sfence.sel $0xFFFF  }
0xbf: {  	[dreg:$0x0] =	wrdreg $0xFFFFFFFF;
	(pc) =	sbr.abs _section_cstart, $3  }
0xc0: {  	[dreg:$0x1] =	wrdreg $0xFFFFFFFF  }
0xc1: {  	_ =	task.clear_ibuf [dreg:s6], $0x2FFFF;
	_ =	strace $0x9FFFFFFF  }
0xc2: {  	(tm) =	ssettm $0x7FFFFFFF  }
0xc3: {  	_ =	shalt  }
tec
execute0_lowered:
.L_overlay_start_1:
0x0: {  	(tag) =	ssettag $0x1  }
0x1: {  	s0 =	rddreg [dreg:$0x0]  }
0x2: {  	s1 =	rddreg [dreg:$0x1];
	s2 =	simm.s32 $0x0;
	s3 =	srdreg.scid  }
0x3: {  	s6 =	stileid.u32;
	[smem:$0x7FF] =	sst s2  }
0x4: {  	s3 =	sand.u32 $0x1, s3;
	s4 =	sadd.s32 $0x4EDA00, s0;
	s11 =	smul.u32 $0x14000, s6  }
0x5: {  	s5 =	sadd.s32 $0x4E3C00, s0;
	s7 =	sadd.s32 $0x50000, s0;
	s12 =	smul.u32 $0x4E20, s6  }
0x6: {  	s20 =	sadd.s32 $0x77200, s0;
	s8 =	sadd.s32 $0x28E00, s0;
	s14 =	smul.u32 $0x4E200, s6  }
0x7: {  	s9 =	sadd.s32 $0x1C00, s0;
	s16 =	sadd.s32 $0x4F7800, s0;
	s23 =	smul.u32 $0x271000, s6  }
0x8: {  	s31 =	smul.u32 $0x2710, s6;
	_ =	strace $0x80000047;
	[dreg:$0x5] =	wrdreg s16  }
0x9: {  	s10 =	smul.u32 $0x140000, s3;
	s18 =	ssub.s32 $0x2, s3;
	[dreg:$0x4] =	wrdreg s8  }
0xa: {  	p0 =	seq.s32 s3, $0x1;
	s3 =	smul.u32 $0x27100, s3;
	[dreg:$0x3] =	wrdreg s7  }
0xb: {  	s13 =	sshrl.u32 s18, $0x1;
	s19 =	sshrl.u32 s12, $0x3;
	s21 =	sadd.s32 s16, s14  }
0xc: {  	s22 =	sadd.s32 $0x4DF8, s12;
	s24 =	sadd.s32 $0x28, s12;
	s12 =	sadd.s32 $0x50, s12  }
0xd: {  	s14 =	sshrl.u32 s23, $0x3;
	s10 =	sadd.s32 s11, s10;
	[dreg:$0x8] =	wrdreg s21  }
0xe: {  	s11 =	ssub.s32 s18, s13;
	s15 =	sadd.s32 s4, s19;
	[dreg:$0x9] =	wrdreg s24  }
0xf: {  	s13 =	sadd.s32 s5, s19;
	s25 =	sshrl.u32 s22, $0x3;
	[dreg:$0xa] =	wrdreg s12  }
0x10: {  	s3 =	sadd.s32 s31, s3;
	s21 =	smul.u32 $0x50000, s6;
	[dreg:$0x6] =	wrdreg s15  }
0x11: {  	s10 =	sshrl.u32 s10, $0x3;
	[dreg:$0x7] =	wrdreg s13;
	s26 =	sadd.s32 s4, s25  }
0x12: {  	s15 =	sadd.s32 s5, s25;
	s13 =	sshll.u32 s22, $0x4;
	[dreg:$0xb] =	wrdreg s26  }
0x13: {  	s18 =	sadd.s32 $0x26E8, s3;
	s24 =	smax.u32 s11, $0x1;
	[dreg:$0xc] =	wrdreg s15  }
0x14: {  	s19 =	sshrl.u32 s3, $0x3;
	s13 =	sadd.s32 s16, s13;
	[dreg:$0x13] =	wrdreg s24  }
0x15: {  	s10 =	sadd.s32 s10, s0;
	s0 =	sadd.s32 $0x9D9800, s0;
	[dreg:$0xd] =	wrdreg s13  }
0x16: {  	s16 =	sadd.s32 s16, s14;
	s23 =	sadd.s32 s4, s19;
	[dreg:$0xf] =	wrdreg s0  }
0x17: {  	s26 =	sadd.s32 $0x28, s3;
	s3 =	sadd.s32 $0x50, s3;
	[dreg:$0x11] =	wrdreg s23  }
0x18: {  	s17 =	sadd.s32 $0x4E2000, s16;
	[dreg:$0x15] =	wrdreg s3  }
0x19: {  	s25 =	sshrl.u32 s21, $0x2;
	s22 =	sadd.s32 $0x52FF80, s16;
	[dreg:$0xe] =	wrdreg s17  }
0x1a: {  	s0 =	sshrl.u32 s18, $0x3;
	s31 =	sadd.s32 s25, s1;
	[dreg:$0x10] =	wrdreg s22  }
0x1b: {  	s0 =	sadd.s32 s4, s0;
	[dreg:$0x14] =	wrdreg s31  }
0x1c: {  	s12 =	sadd.s32 $0x1400, s31;
	[dreg:$0x12] =	wrdreg s0  }
0x1d: {  	s13 =	sadd.s32 $0x2800, s31;
	[dreg:$0x16] =	wrdreg s12  }
0x1e: {  	s14 =	sadd.s32 $0x3C00, s31;
	[dreg:$0x17] =	wrdreg s13  }
0x1f: {  	s15 =	sadd.s32 $0x5000, s31;
	[dreg:$0x18] =	wrdreg s14  }
0x20: {  	s16 =	sadd.s32 $0x6400, s31;
	[dreg:$0x19] =	wrdreg s15  }
0x21: {  	s17 =	sadd.s32 $0x7800, s31;
	[dreg:$0x1a] =	wrdreg s16  }
0x22: {  	s18 =	sadd.s32 $0x8C00, s31;
	[dreg:$0x1b] =	wrdreg s17  }
0x23: {  	s19 =	sadd.s32 $0xA000, s31;
	[dreg:$0x1c] =	wrdreg s18  }
0x24: {  	s21 =	sadd.s32 $0xB400, s31;
	[dreg:$0x1d] =	wrdreg s19  }
0x25: {  	s22 =	sadd.s32 $0xC800, s31;
	[dreg:$0x1e] =	wrdreg s21  }
0x26: {  	s11 =	sshrl.u32 s26, $0x3;
	s23 =	sadd.s32 $0xDC00, s31;
	[dreg:$0x1f] =	wrdreg s22  }
0x27: {  	s29 =	sadd.s32 $0xEE400, s10;
	s24 =	sadd.s32 $0xF000, s31;
	[smem:$0x7F9] =	sst s23  }
0x28: {  	s30 =	sadd.s32 $0x9E400, s10;
	s25 =	sadd.s32 $0x10400, s31;
	[smem:$0x7FA] =	sst s24  }
0x29: {  	s3 =	simm.s32 $0x28;
	s26 =	sadd.s32 $0x11800, s31;
	[smem:$0x7FB] =	sst s25  }
0x2a: {  	s10 =	simm.s32 $0x0;
	s31 =	sadd.s32 $0x12C00, s31;
	[smem:$0x7FC] =	sst s26  }
0x2b: {  	s28 =	sadd.s32 s11, s4;
	[smem:$0x7FD] =	sst s31;
	s13 =	simm.s32 $0x14200  }
0x2c: {  	s18 =	simm.s32 $0x3;
	s19 =	simm.s32 $0x14000;
	s21 =	simm.s32 $0x14080  }
0x2d: {  	s12 =	simm.s32 $0x16A00;
	s16 =	simm.s32 $0x14100;
	s17 =	simm.s32 $0x14180  }
0x2e: {  	v0 =	vimm.f32 $0.0e+00;
	v1 =	vimm.f32 $1.000000000e+00;
	s22 =	simm.s32 $0x17E00;
	s0 =	simm.s32 $0x1;
	s26 =	simm.s32 $0x2  }
.LBB2_1:
0x2f: {  	[smem:$0x7F8] =	sst s10;
	s10 =	simm.s32 $0x0;
	s11 =	simm.s32 $0x200  }
.LBB2_2:
0x30: {  	p1 =	sne.s32 s11, $0x4E00;
	[tilespmem:s10+$0x14270] =	vst v0  }
0x31: {  	[tilespmem:s10+$0x14200] =	vst v0  }
0x32: {  	[tilespmem:s10+$0x14210] =	vst v0  }
.Ltmp0:
0x33: {  	[tilespmem:s10+$0x14220] =	vst v0;
	(pc) =	sbr.rel @p1 .LBB2_2-.Ltmp0, $4  }
0x34: {  	[tilespmem:s10+$0x14230] =	vst v0  }
0x35: {  	[tilespmem:s10+$0x14240] =	vst v0  }
0x36: {  	[tilespmem:s10+$0x14250] =	vst v0  }
0x37: {  	[tilespmem:s10+$0x14260] =	vst v0;
	s10 =	sshra.s32 s11, $0x2;
	s11 =	sadd.s32 $0x200, s11  }
0x38: {  	[tilespmem:s10+$0x14270] =	vst v0  }
0x39: {  	[tilespmem:s10+$0x14200] =	vst v0  }
0x3a: {  	[tilespmem:s10+$0x14210] =	vst v0  }
0x3b: {  	[tilespmem:s10+$0x14220] =	vst v0  }
0x3c: {  	[tilespmem:s10+$0x14230] =	vst v0  }
0x3d: {  	[tilespmem:s10+$0x14240] =	vst v0  }
0x3e: {  	[tilespmem:s10+$0x14250] =	vst v0  }
0x3f: {  	[tilespmem:s10+$0x14260] =	vst v0;
	s6 =	rddreg [dreg:$0x14]  }
0x40: {  	[spmem:s6] =	stream.linear.scatter [tilespmem:s13], [sflag:$0x3], $0x1400, $0x38;
	[tilespmem:$0x1BA00] =	vst v63  }
0x41: {  	_ =	swait.ge [sflag:s18], $0x1400  }
0x42: {  	[sflag:s18] =	ssyncset.done $0x0  }
0x43: {  	s31 =	rddreg [dreg:$0x16];
	[sflag:s18] =	ssyncadd.s32 $0xFFFFEC00  }
0x44: {  	[spmem:s31] =	stream.linear.scatter [tilespmem:s13], [sflag:$0x3], $0x1400, $0x38;
	[tilespmem:$0x1BA00] =	vst v63  }
0x45: {  	_ =	swait.ge [sflag:s18], $0x1400  }
0x46: {  	[sflag:s18] =	ssyncset.done $0x0  }
0x47: {  	s10 =	rddreg [dreg:$0x17];
	[sflag:s18] =	ssyncadd.s32 $0xFFFFEC00  }
0x48: {  	[spmem:s10] =	stream.linear.scatter [tilespmem:s13], [sflag:$0x3], $0x1400, $0x38;
	[tilespmem:$0x1BA00] =	vst v63  }
0x49: {  	_ =	swait.ge [sflag:s18], $0x1400  }
0x4a: {  	[sflag:s18] =	ssyncset.done $0x0  }
0x4b: {  	s11 =	rddreg [dreg:$0x18];
	[sflag:s18] =	ssyncadd.s32 $0xFFFFEC00  }
0x4c: {  	[spmem:s11] =	stream.linear.scatter [tilespmem:s13], [sflag:$0x3], $0x1400, $0x38;
	[tilespmem:$0x1BA00] =	vst v63  }
0x4d: {  	_ =	swait.ge [sflag:s18], $0x1400  }
0x4e: {  	[sflag:s18] =	ssyncset.done $0x0  }
0x4f: {  	s14 =	rddreg [dreg:$0x19];
	[sflag:s18] =	ssyncadd.s32 $0xFFFFEC00  }
0x50: {  	[spmem:s14] =	stream.linear.scatter [tilespmem:s13], [sflag:$0x3], $0x1400, $0x38;
	[tilespmem:$0x1BA00] =	vst v63  }
0x51: {  	_ =	swait.ge [sflag:s18], $0x1400  }
0x52: {  	[sflag:s18] =	ssyncset.done $0x0  }
0x53: {  	s15 =	rddreg [dreg:$0x1a];
	[sflag:s18] =	ssyncadd.s32 $0xFFFFEC00  }
0x54: {  	[spmem:s15] =	stream.linear.scatter [tilespmem:s13], [sflag:$0x3], $0x1400, $0x38;
	[tilespmem:$0x1BA00] =	vst v63  }
0x55: {  	_ =	swait.ge [sflag:s18], $0x1400  }
0x56: {  	[sflag:s18] =	ssyncset.done $0x0  }
0x57: {  	s23 =	rddreg [dreg:$0x1b];
	[sflag:s18] =	ssyncadd.s32 $0xFFFFEC00  }
0x58: {  	[spmem:s23] =	stream.linear.scatter [tilespmem:s13], [sflag:$0x3], $0x1400, $0x38;
	[tilespmem:$0x1BA00] =	vst v63  }
0x59: {  	_ =	swait.ge [sflag:s18], $0x1400  }
0x5a: {  	[sflag:s18] =	ssyncset.done $0x0  }
0x5b: {  	s24 =	rddreg [dreg:$0x1c];
	[sflag:s18] =	ssyncadd.s32 $0xFFFFEC00  }
0x5c: {  	[spmem:s24] =	stream.linear.scatter [tilespmem:s13], [sflag:$0x3], $0x1400, $0x38;
	[tilespmem:$0x1BA00] =	vst v63  }
0x5d: {  	_ =	swait.ge [sflag:s18], $0x1400  }
0x5e: {  	[sflag:s18] =	ssyncset.done $0x0  }
0x5f: {  	s25 =	rddreg [dreg:$0x1d];
	[sflag:s18] =	ssyncadd.s32 $0xFFFFEC00  }
0x60: {  	[spmem:s25] =	stream.linear.scatter [tilespmem:s13], [sflag:$0x3], $0x1400, $0x38;
	[tilespmem:$0x1BA00] =	vst v63  }
0x61: {  	_ =	swait.ge [sflag:s18], $0x1400  }
0x62: {  	[sflag:s18] =	ssyncset.done $0x0  }
0x63: {  	s31 =	rddreg [dreg:$0x1e];
	[sflag:s18] =	ssyncadd.s32 $0xFFFFEC00  }
0x64: {  	[spmem:s31] =	stream.linear.scatter [tilespmem:s13], [sflag:$0x3], $0x1400, $0x38;
	[tilespmem:$0x1BA00] =	vst v63  }
0x65: {  	_ =	swait.ge [sflag:s18], $0x1400  }
0x66: {  	[sflag:s18] =	ssyncset.done $0x0  }
0x67: {  	s10 =	rddreg [dreg:$0x1f];
	[sflag:s18] =	ssyncadd.s32 $0xFFFFEC00  }
0x68: {  	[spmem:s10] =	stream.linear.scatter [tilespmem:s13], [sflag:$0x3], $0x1400, $0x38;
	[tilespmem:$0x1BA00] =	vst v63  }
0x69: {  	_ =	swait.ge [sflag:s18], $0x1400  }
0x6a: {  	s11 =	sld [smem:$0x7F9]  }
0x6b: {  	[sflag:s18] =	ssyncset.done $0x0  }
0x6c: {  	[sflag:s18] =	ssyncadd.s32 $0xFFFFEC00  }
0x6d: {  	[spmem:s11] =	stream.linear.scatter [tilespmem:s13], [sflag:$0x3], $0x1400, $0x38;
	[tilespmem:$0x1BA00] =	vst v63  }
0x6e: {  	_ =	swait.ge [sflag:s18], $0x1400  }
0x6f: {  	s14 =	sld [smem:$0x7FA]  }
0x70: {  	[sflag:s18] =	ssyncset.done $0x0  }
0x71: {  	[sflag:s18] =	ssyncadd.s32 $0xFFFFEC00  }
0x72: {  	[spmem:s14] =	stream.linear.scatter [tilespmem:s13], [sflag:$0x3], $0x1400, $0x38;
	[tilespmem:$0x1BA00] =	vst v63  }
0x73: {  	_ =	swait.ge [sflag:s18], $0x1400  }
0x74: {  	s15 =	sld [smem:$0x7FB]  }
0x75: {  	[sflag:s18] =	ssyncset.done $0x0  }
0x76: {  	[sflag:s18] =	ssyncadd.s32 $0xFFFFEC00  }
0x77: {  	[spmem:s15] =	stream.linear.scatter [tilespmem:s13], [sflag:$0x3], $0x1400, $0x38;
	[tilespmem:$0x1BA00] =	vst v63  }
0x78: {  	_ =	swait.ge [sflag:s18], $0x1400  }
0x79: {  	s23 =	sld [smem:$0x7FC]  }
0x7a: {  	[sflag:s18] =	ssyncset.done $0x0  }
0x7b: {  	[sflag:s18] =	ssyncadd.s32 $0xFFFFEC00  }
0x7c: {  	[spmem:s23] =	stream.linear.scatter [tilespmem:s13], [sflag:$0x3], $0x1400, $0x38;
	[tilespmem:$0x1BA00] =	vst v63  }
0x7d: {  	_ =	swait.ge [sflag:s18], $0x1400  }
0x7e: {  	s24 =	sld [smem:$0x7FD]  }
0x7f: {  	[sflag:s18] =	ssyncset.done $0x0  }
0x80: {  	[sflag:s18] =	ssyncadd.s32 $0xFFFFEC00  }
0x81: {  	[spmem:s24] =	stream.linear.scatter [tilespmem:s13], [sflag:$0x3], $0x1400, $0x38;
	[tilespmem:$0x1BA00] =	vst v63  }
0x82: {  	_ =	swait.ge [sflag:s18], $0x1400  }
0x83: {  	[sflag:s18] =	ssyncset.done $0x0  }
0x84: {  	[sflag:s18] =	ssyncadd.s32 $0xFFFFEC00  }
0x85: {  	[bflag:$0x0] =	sbarrier.arrive $0xFFFF  }
0x86: {  	s25 =	rddreg [dreg:$0x6]  }
0x87: {  	[tilespmem:s19], [sflag:$0x3] =	stream.linear.gather [hbm4b:s25+s2], $0x28, $0x38;
	[tilespmem:$0x1BA00] =	vst v63  }
0x88: {  	_ =	swait.ge [sflag:s18], $0x28  }
0x89: {  	[sflag:s18] =	ssyncset.done $0x0  }
.Ltmp1:
0x8a: {  	s31 =	rddreg [dreg:$0x7];
	[sflag:s18] =	ssyncadd.s32 $0xFFFFFFD8;
	(pc) =	sbr.rel @!p0 .LBB2_4-.Ltmp1, $4  }
0x8b: {  	[tilespmem:s21], [sflag:$0x3] =	stream.linear.gather [hbm4b:s31+s2], $0x28, $0x38;
	[tilespmem:$0x1BA00] =	vst v63  }
0x8c: {  	_ =	swait.ge [sflag:s18], $0x28  }
0x8d: {  	[sflag:s18] =	ssyncset.done $0x0  }
0x8e: {  	s6 =	rddreg [dreg:$0x5];
	[sflag:s18] =	ssyncadd.s32 $0xFFFFFFD8  }
0x8f: {  	[tilespmem:s13], [sflag:$0x1] =	stream.indirect.gather [hbm4b:s20+s3], $0x80, s19, s3, $0xb8;
	[tilespmem:$0x1BA00] =	vst v63  }
0x90: {  	s6 =	simm.s32 $0x15600  }
0x91: {  	[tilespmem:s6], [sflag:$0x1] =	stream.indirect.gather [hbm4b:s9+s3], $0x80, s21, s3, $0xb8;
	[tilespmem:$0x1BA00] =	vst v63  }
0x92: {  	s31 =	simm.s32 $0x0;
	s25 =	rddreg [dreg:$0xe]  }
0x93: {  	[tilespmem:s12], [sflag:$0x1] =	stream.linear.gather [hbm4b:s25+s31], $0x1400, $0x38;
	[tilespmem:$0x1BA00] =	vst v63  }
0x94: {  	s8 =	rddreg [dreg:$0xf];
	s25 =	simm.s32 $0x0  }
.LBB2_16:
0x95: {  	s11 =	smul.u32 $0x50, s25  }
0x96: {  	s6 =	rddreg [dreg:$0x9]  }
0x97: {  	s10 =	sadd.s32 s11, s6  }
0x98: {  	s14 =	sshrl.u32 s10, $0x3  }
0x99: {  	s15 =	sadd.s32 s4, s14  }
0x9a: {  	[tilespmem:s16], [sflag:$0x3] =	stream.linear.gather [hbm4b:s15+s31], $0x28, $0x38;
	[tilespmem:$0x1BA00] =	vst v63  }
0x9b: {  	_ =	swait.ge [sflag:s18], $0x28  }
0x9c: {  	[sflag:s18] =	ssyncset.done $0x0  }
0x9d: {  	s14 =	sadd.s32 s5, s14;
	[sflag:s18] =	ssyncadd.s32 $0xFFFFFFD8  }
0x9e: {  	[tilespmem:s17], [sflag:$0x3] =	stream.linear.gather [hbm4b:s14+s31], $0x28, $0x38;
	[tilespmem:$0x1BA00] =	vst v63  }
0x9f: {  	_ =	swait.ge [sflag:s18], $0x28  }
0xa0: {  	[sflag:s18] =	ssyncset.done $0x0  }
0xa1: {  	[sflag:s18] =	ssyncadd.s32 $0xFFFFFFD8  }
0xa2: {  	[tilespmem:s22], [sflag:$0x2] =	stream.indirect.gather [hbm4b:s20+s3], $0x80, s16, s3, $0xb8;
	[tilespmem:$0x1BA00] =	vst v63  }
0xa3: {  	s23 =	simm.s32 $0x19200;
	s10 =	sshll.u32 s10, $0x4  }
0xa4: {  	[tilespmem:s23], [sflag:$0x2] =	stream.indirect.gather [hbm4b:s9+s3], $0x80, s17, s3, $0xb8;
	[tilespmem:$0x1BA00] =	vst v63  }
0xa5: {  	s24 =	simm.s32 $0x1A600;
	s10 =	sadd.s32 s10, s8  }
0xa6: {  	[tilespmem:s24], [sflag:$0x2] =	stream.linear.gather [hbm4b:s10+s31], $0x1400, $0x38;
	[tilespmem:$0x1BA00] =	vst v63  }
0xa7: {  	_ =	swait.ge [sflag:s0], $0x1400  }
0xa8: {  	[sflag:s0] =	ssyncset.done $0x0  }
0xa9: {  	[sflag:s0] =	ssyncadd.s32 $0xFFFFEC00  }
0xaa: {  	_ =	swait.ge [sflag:s0], $0x1400  }
0xab: {  	[sflag:s0] =	ssyncset.done $0x0  }
0xac: {  	[sflag:s0] =	ssyncadd.s32 $0xFFFFEC00  }
0xad: {  	_ =	swait.ge [sflag:s0], $0x1400  }
0xae: {  	[sflag:s0] =	ssyncset.done $0x0  }
0xaf: {  	s23 =	simm.s32 $0x0;
	[sflag:s0] =	ssyncadd.s32 $0xFFFFEC00  }
0xb0: {  	v2 =	vld [tilespmem:s23+$0x16A10]  }
0xb1: {  	v3 =	vld [tilespmem:s23+$0x16A30]  }
0xb2: {  	v4 =	vld [tilespmem:s23+$0x16A40]  }
0xb3: {  	v5 =	vld [tilespmem:s23+$0x15610]  }
0xb4: {  	v6 =	vld [tilespmem:s23+$0x16A50]  }
0xb5: {  	v7 =	vld [tilespmem:s23+$0x15630]  }
0xb6: {  	v8 =	vld [tilespmem:s23+$0x15650]  }
0xb7: {  	v9 =	vld [tilespmem:s23+$0x15670]  }
0xb8: {  	v10 =	vld [tilespmem:s23+$0x14270]  }
0xb9: {  	v11 =	vld [tilespmem:s23+$0x15640]  }
0xba: {  	v12 =	vld [tilespmem:s23+$0x16A70]  }
0xbb: {  	v13 =	vld [tilespmem:s23+$0x14250]  }
0xbc: {  	v14 =	vld [tilespmem:s23+$0x14240]  }
0xbd: {  	v15 =	vld [tilespmem:s23+$0x14230]  }
0xbe: {  	v16 =	vld [tilespmem:s23+$0x15600]  }
0xbf: {  	v17 =	vld [tilespmem:s23+$0x15620]  }
0xc0: {  	v58 =	vld [tilespmem:s23+$0x14210];
	v9 =	vadd.f32 v9, v10  }
0xc1: {  	v59 =	vld [tilespmem:s23+$0x14220];
	v8 =	vadd.f32 v8, v13  }
0xc2: {  	v60 =	vld [tilespmem:s23+$0x14200];
	v11 =	vadd.f32 v11, v14;
	v9 =	vadd.f32 v12, v9  }
0xc3: {  	v61 =	vld [tilespmem:s23+$0x16A20];
	v7 =	vadd.f32 v7, v15;
	v6 =	vadd.f32 v6, v8  }
0xc4: {  	v62 =	vld [tilespmem:s23+$0x15660];
	v4 =	vadd.f32 v4, v11;
	v9 =	vmul.f32 $1.442695020e+00, v9  }
0xc5: {  	v63 =	vld [tilespmem:s23+$0x16A00];
	v3 =	vadd.f32 v3, v7;
	v6 =	vmul.f32 $1.442695020e+00, v6  }
0xc6: {  	v7 =	vld [tilespmem:s23+$0x14260];
	v4 =	vmul.f32 $1.442695020e+00, v4;
	(erf) = vpow2.f32 v9  }
0xc7: {  	v5 =	vadd.f32 v5, v58;
	v3 =	vmul.f32 $1.442695020e+00, v3;
	(erf) = vpow2.f32 v6  }
0xc8: {  	v6 =	vld [tilespmem:s23+$0x16A60];
	(erf) = vpow2.f32 v4;
	v4 =	vadd.f32 v17, v59  }
0xc9: {  	v2 =	vadd.f32 v2, v5;
	(erf) = vpow2.f32 v3;
	v3 =	vadd.f32 v16, v60  }
0xca: {  	v4 =	vadd.f32 v61, v4  }
0xcb: {  	v2 =	vmul.f32 $1.442695020e+00, v2;
	v5 =	vadd.f32 v62, v7;
	v3 =	vadd.f32 v63, v3  }
0xcc: {  	v4 =	vmul.f32 $1.442695020e+00, v4  }
0xcd: {  	(erf) = vpow2.f32 v2;
	v5 =	vadd.f32 v6, v5;
	v3 =	vmul.f32 $1.442695020e+00, v3  }
0xce: {  	(erf) = vpow2.f32 v4  }
0xcf: {  	v2 =	vmul.f32 $1.442695020e+00, v5;
	(erf) = vpow2.f32 v3  }
0xd0: {  	v4 =	vpop (erf)  }
0xd1: {  	v3 =	vadd.f32 $1.000000000e+00, v4  }
0xd2: {  	(erf) = vpow2.f32 v2;
	v4 =	vpop (erf)  }
0xd3: {  	v2 =	vpop (erf);
	(erf) = vrcp.f32 v3  }
0xd4: {  	s10 =	simm.s32 $0x200;
	s24 =	simm.s32 $0x400;
	v3 =	vadd.f32 $1.000000000e+00, v4;
	v2 =	vadd.f32 $1.000000000e+00, v2;
	v4 =	vpop (erf)  }
.LBB2_17:
0xd5: {  	p1 =	sne.s32 s24, $0x4E00  }
0xd6: {  	s14 =	sshra.s32 s10, $0x2;
	v4 =	vadd.f32 $1.000000000e+00, v4;
	v5 =	vpop (erf);
	(erf) = vrcp.f32 v3;
	s10 =	smov.u32 s24;
	s24 =	sadd.s32 $0x200, s24  }
0xd7: {  	v3 =	vld [tilespmem:s14+$0x16A10];
	v5 =	vadd.f32 $1.000000000e+00, v5;
	v6 =	vpop (erf);
	(erf) = vrcp.f32 v2  }
0xd8: {  	v2 =	vld [tilespmem:s14+$0x16A30];
	v6 =	vadd.f32 $1.000000000e+00, v6;
	v7 =	vpop (erf);
	(erf) = vrcp.f32 v4  }
0xd9: {  	v4 =	vld [tilespmem:s14+$0x16A40];
	v8 =	vadd.f32 $1.000000000e+00, v7;
	(erf) = vrcp.f32 v5  }
0xda: {  	v5 =	vld [tilespmem:s14+$0x15610];
	(erf) = vrcp.f32 v6  }
0xdb: {  	v6 =	vld [tilespmem:s14+$0x16A50];
	(erf) = vrcp.f32 v8;
	v7 =	vpop (erf)  }
0xdc: {  	v8 =	vld [tilespmem:s14+$0x15600];
	v7 =	vadd.f32 $1.000000000e+00, v7;
	v9 =	vpop (erf)  }
0xdd: {  	v10 =	vld [tilespmem:s14+$0x15620];
	v9 =	vadd.f32 v9, v9  }
0xde: {  	v11 =	vld [tilespmem:s14+$0x15630];
	(erf) = vrcp.f32 v7  }
0xdf: {  	v7 =	vld [tilespmem:s14+$0x15650];
	v16 =	vsub.f32 $1.000000000e+00, v9;
	v12 =	vpop (erf)  }
0xe0: {  	v13 =	vld [tilespmem:s14+$0x15670];
	v12 =	vadd.f32 v12, v12;
	v14 =	vpop (erf)  }
0xe1: {  	v15 =	vld [tilespmem:s14+$0x16A00];
	v14 =	vadd.f32 v14, v14;
	[tilespmem:s23+$0x14270] =	vst v16;
	v9 =	vpop (erf)  }
0xe2: {  	v16 =	vld [tilespmem:s14+$0x14270];
	v9 =	vadd.f32 v9, v9;
	v21 =	vsub.f32 $1.000000000e+00, v12;
	v17 =	vpop (erf)  }
0xe3: {  	v18 =	vld [tilespmem:s14+$0x15640];
	v17 =	vadd.f32 v17, v17;
	v14 =	vsub.f32 $1.000000000e+00, v14;
	v19 =	vpop (erf)  }
0xe4: {  	v20 =	vld [tilespmem:s14+$0x16A70];
	v19 =	vadd.f32 v19, v19;
	v9 =	vsub.f32 $1.000000000e+00, v9;
	[tilespmem:s23+$0x14250] =	vst v21;
	v12 =	vpop (erf)  }
0xe5: {  	v21 =	vld [tilespmem:s14+$0x14250];
	v12 =	vadd.f32 v12, v12;
	v17 =	vsub.f32 $1.000000000e+00, v17;
	[tilespmem:s23+$0x14240] =	vst v14  }
0xe6: {  	v14 =	vld [tilespmem:s14+$0x14240];
	v19 =	vsub.f32 $1.000000000e+00, v19;
	[tilespmem:s23+$0x14230] =	vst v9  }
0xe7: {  	v9 =	vld [tilespmem:s14+$0x14230];
	v13 =	vadd.f32 v13, v16;
	v12 =	vsub.f32 $1.000000000e+00, v12;
	[tilespmem:s23+$0x14210] =	vst v17;
	v16 =	vpop (erf)  }
0xe8: {  	v17 =	vld [tilespmem:s14+$0x14210];
	[tilespmem:s23+$0x14220] =	vst v19;
	v16 =	vadd.f32 v16, v16  }
0xe9: {  	v19 =	vld [tilespmem:s14+$0x14220];
	v13 =	vadd.f32 v20, v13;
	[tilespmem:s23+$0x14200] =	vst v12  }
0xea: {  	v12 =	vld [tilespmem:s14+$0x14200];
	v7 =	vadd.f32 v7, v21;
	v16 =	vsub.f32 $1.000000000e+00, v16  }
0xeb: {  	v20 =	vld [tilespmem:s14+$0x16A20];
	v14 =	vadd.f32 v18, v14;
	v13 =	vmul.f32 $1.442695020e+00, v13  }
0xec: {  	v9 =	vadd.f32 v11, v9;
	v6 =	vadd.f32 v6, v7;
	v7 =	vld [tilespmem:s14+$0x15660];
	[tilespmem:s23+$0x14260] =	vst v16;
	s23 =	smov.u32 s14  }
0xed: {  	v5 =	vadd.f32 v5, v17;
	v4 =	vadd.f32 v4, v14;
	v11 =	vld [tilespmem:s23+$0x14260];
	(erf) = vpow2.f32 v13  }
0xee: {  	v10 =	vadd.f32 v10, v19;
	v2 =	vadd.f32 v2, v9;
	v6 =	vmul.f32 $1.442695020e+00, v6  }
0xef: {  	v8 =	vadd.f32 v8, v12;
	v3 =	vadd.f32 v3, v5;
	v4 =	vmul.f32 $1.442695020e+00, v4;
	v5 =	vld [tilespmem:s23+$0x16A60]  }
0xf0: {  	v9 =	vadd.f32 v20, v10;
	v2 =	vmul.f32 $1.442695020e+00, v2;
	(erf) = vpow2.f32 v6  }
0xf1: {  	v6 =	vadd.f32 v15, v8;
	v3 =	vmul.f32 $1.442695020e+00, v3;
	(erf) = vpow2.f32 v4  }
0xf2: {  	v4 =	vmul.f32 $1.442695020e+00, v9;
	v7 =	vadd.f32 v7, v11;
	(erf) = vpow2.f32 v2  }
0xf3: {  	v2 =	vmul.f32 $1.442695020e+00, v6;
	(erf) = vpow2.f32 v3  }
0xf4: {  	v5 =	vadd.f32 v5, v7;
	(erf) = vpow2.f32 v4  }
0xf5: {  	(erf) = vpow2.f32 v2  }
0xf6: {  	v4 =	vmul.f32 $1.442695020e+00, v5;
	v3 =	vpop (erf)  }
.Ltmp2:
0xf7: {  	v3 =	vadd.f32 $1.000000000e+00, v3;
	(pc) =	sbr.rel @p1 .LBB2_17-.Ltmp2, $4  }
0xf8: {  	(erf) = vpow2.f32 v4  }
0xf9: {  	v2 =	vpop (erf);
	(erf) = vrcp.f32 v3  }
0xfa: {  	v3 =	vadd.f32 $1.000000000e+00, v2;
	v2 =	vpop (erf)  }
0xfb: {  	v2 =	vadd.f32 $1.000000000e+00, v2;
	v4 =	vpop (erf)  }
0xfc: {  	_ = 	snop  }
0xfd: {  	v4 =	vadd.f32 $1.000000000e+00, v4  }
0xfe: {  	s10 =	sshra.s32 s10, $0x2;
	v6 =	vpop (erf)  }
0xff: {  	(erf) = vrcp.f32 v3;
	v5 =	vld [tilespmem:s10+$0x16A10];
	v8 =	vpop (erf)  }
0x100: {  	v3 =	vld [tilespmem:s10+$0x16A30];
	(erf) = vrcp.f32 v2;
	v9 =	vpop (erf)  }
0x101: {  	v7 =	vld [tilespmem:s10+$0x16A40];
	v6 =	vadd.f32 $1.000000000e+00, v6;
	(erf) = vrcp.f32 v4;
	v4 =	vpop (erf)  }
0x102: {  	v2 =	vld [tilespmem:s10+$0x15610];
	v12 =	vpop (erf)  }
0x103: {  	v10 =	vld [tilespmem:s10+$0x16A50];
	(erf) = vrcp.f32 v6;
	v6 =	vadd.f32 v12, v12  }
0x104: {  	v11 =	vld [tilespmem:s10+$0x15600]  }
0x105: {  	v13 =	vld [tilespmem:s10+$0x15620];
	v8 =	vadd.f32 $1.000000000e+00, v8;
	v6 =	vsub.f32 $1.000000000e+00, v6  }
0x106: {  	v37 =	vld [tilespmem:s10+$0x15630]  }
0x107: {  	v14 =	vld [tilespmem:s10+$0x15650];
	(erf) = vrcp.f32 v8  }
0x108: {  	v38 =	vld [tilespmem:s10+$0x15670];
	v15 =	vpop (erf)  }
0x109: {  	v16 =	vld [tilespmem:s10+$0x16A00];
	v9 =	vadd.f32 $1.000000000e+00, v9;
	[tilespmem:s23+$0x14270] =	vst v6;
	v6 =	vpop (erf)  }
0x10a: {  	v6 =	vadd.f32 v6, v6  }
0x10b: {  	(erf) = vrcp.f32 v9;
	v39 =	vadd.f32 v15, v15  }
0x10c: {  	v4 =	vadd.f32 $1.000000000e+00, v4;
	v6 =	vsub.f32 $1.000000000e+00, v6  }
0x10d: {  	v40 =	vld [tilespmem:s10+$0x14270];
	v9 =	vsub.f32 $1.000000000e+00, v39;
	v18 =	vpop (erf)  }
0x10e: {  	v17 =	vld [tilespmem:s10+$0x15640];
	(erf) = vrcp.f32 v4;
	v4 =	vadd.f32 v18, v18  }
0x10f: {  	v19 =	vld [tilespmem:s10+$0x16A70];
	[tilespmem:s23+$0x14250] =	vst v9;
	v41 =	vpop (erf)  }
0x110: {  	v42 =	vld [tilespmem:s10+$0x14250];
	v4 =	vsub.f32 $1.000000000e+00, v4;
	[tilespmem:s23+$0x14240] =	vst v6;
	v6 =	vpop (erf)  }
0x111: {  	v6 =	vadd.f32 v6, v6  }
0x112: {  	v9 =	vadd.f32 v41, v41  }
0x113: {  	v6 =	vsub.f32 $1.000000000e+00, v6  }
0x114: {  	v9 =	vsub.f32 $1.000000000e+00, v9;
	v20 =	vld [tilespmem:s10+$0x14240];
	[tilespmem:s23+$0x14230] =	vst v4;
	v4 =	vpop (erf)  }
0x115: {  	v4 =	vadd.f32 v4, v4  }
0x116: {  	v21 =	vld [tilespmem:s10+$0x14230];
	[tilespmem:s23+$0x14210] =	vst v9  }
0x117: {  	v9 =	vld [tilespmem:s10+$0x14210];
	v4 =	vsub.f32 $1.000000000e+00, v4;
	[tilespmem:s23+$0x14220] =	vst v6;
	v6 =	vpop (erf)  }
0x118: {  	v6 =	vadd.f32 v6, v6  }
0x119: {  	v22 =	vld [tilespmem:s10+$0x14220];
	[tilespmem:s23+$0x14200] =	vst v4  }
0x11a: {  	v43 =	vld [tilespmem:s10+$0x14200];
	v6 =	vsub.f32 $1.000000000e+00, v6  }
0x11b: {  	v4 =	vadd.f32 v38, v40;
	v44 =	vld [tilespmem:s10+$0x16A20]  }
0x11c: {  	v14 =	vadd.f32 v14, v42;
	v12 =	vadd.f32 v37, v21;
	v45 =	vld [tilespmem:s10+$0x15660];
	[tilespmem:s23+$0x14260] =	vst v6  }
0x11d: {  	v4 =	vadd.f32 v19, v4;
	v6 =	vadd.f32 v17, v20;
	v46 =	vld [tilespmem:s10+$0x14260]  }
0x11e: {  	v10 =	vadd.f32 v10, v14;
	v3 =	vadd.f32 v3, v12  }
0x11f: {  	v2 =	vadd.f32 v2, v9;
	v4 =	vmul.f32 $1.442695020e+00, v4;
	v6 =	vadd.f32 v7, v6;
	v7 =	vld [tilespmem:s10+$0x16A60]  }
0x120: {  	v47 =	vmul.f32 $1.442695020e+00, v10;
	v3 =	vmul.f32 $1.442695020e+00, v3  }
0x121: {  	v2 =	vadd.f32 v5, v2;
	(erf) = vpow2.f32 v4;
	v5 =	vmul.f32 $1.442695020e+00, v6  }
0x122: {  	v4 =	vadd.f32 v13, v22;
	(erf) = vpow2.f32 v47;
	v6 =	vadd.f32 v45, v46  }
0x123: {  	v2 =	vmul.f32 $1.442695020e+00, v2;
	v8 =	vadd.f32 v11, v43;
	(erf) = vpow2.f32 v5  }
0x124: {  	v4 =	vadd.f32 v44, v4;
	(erf) = vpow2.f32 v3;
	v3 =	vadd.f32 v7, v6  }
0x125: {  	v8 =	vadd.f32 v16, v8;
	(erf) = vpow2.f32 v2  }
0x126: {  	v4 =	vmul.f32 $1.442695020e+00, v4;
	v2 =	vmul.f32 $1.442695020e+00, v3  }
0x127: {  	v5 =	vmul.f32 $1.442695020e+00, v8  }
0x128: {  	(erf) = vpow2.f32 v4  }
0x129: {  	(erf) = vpow2.f32 v5  }
0x12a: {  	(erf) = vpow2.f32 v2;
	v2 =	vpop (erf)  }
0x12b: {  	v2 =	vadd.f32 $1.000000000e+00, v2;
	v3 =	vpop (erf)  }
0x12c: {  	v4 =	vpop (erf)  }
0x12d: {  	v3 =	vadd.f32 $1.000000000e+00, v3;
	(erf) = vrcp.f32 v2;
	v2 =	vadd.f32 $1.000000000e+00, v4;
	v4 =	vpop (erf)  }
0x12e: {  	v5 =	vpop (erf)  }
0x12f: {  	(erf) = vrcp.f32 v3;
	v3 =	vadd.f32 $1.000000000e+00, v5  }
0x130: {  	v4 =	vadd.f32 $1.000000000e+00, v4  }
0x131: {  	v5 =	vpop (erf);
	(erf) = vrcp.f32 v2  }
0x132: {  	v2 =	vadd.f32 $1.000000000e+00, v5;
	v5 =	vpop (erf);
	(erf) = vrcp.f32 v4  }
0x133: {  	(erf) = vrcp.f32 v3;
	v3 =	vpop (erf)  }
0x134: {  	(erf) = vrcp.f32 v2;
	v2 =	vadd.f32 $1.000000000e+00, v3  }
0x135: {  	v4 =	vadd.f32 $1.000000000e+00, v5;
	_ =	sdelay $0x1  }
0x136: {  	(erf) = vrcp.f32 v4  }
0x137: {  	(erf) = vrcp.f32 v2;
	v2 =	vpop (erf)  }
0x138: {  	v3 =	vpop (erf)  }
0x139: {  	v3 =	vadd.f32 v3, v3;
	v4 =	vpop (erf)  }
0x13a: {  	v2 =	vadd.f32 v2, v2;
	v4 =	vadd.f32 v4, v4  }
0x13b: {  	v3 =	vsub.f32 $1.000000000e+00, v3  }
0x13c: {  	v2 =	vsub.f32 $1.000000000e+00, v2;
	v5 =	vpop (erf);
	v4 =	vsub.f32 $1.000000000e+00, v4  }
0x13d: {  	v5 =	vadd.f32 v5, v5;
	v6 =	vpop (erf)  }
0x13e: {  	[tilespmem:s10+$0x14270] =	vst v2;
	v2 =	vadd.f32 v6, v6;
	v6 =	vpop (erf)  }
0x13f: {  	v6 =	vadd.f32 v6, v6;
	v5 =	vsub.f32 $1.000000000e+00, v5;
	[tilespmem:s10+$0x14250] =	vst v3;
	v3 =	vpop (erf)  }
0x140: {  	v2 =	vsub.f32 $1.000000000e+00, v2;
	[tilespmem:s10+$0x14240] =	vst v4;
	v3 =	vadd.f32 v3, v3;
	v4 =	vpop (erf)  }
0x141: {  	v6 =	vsub.f32 $1.000000000e+00, v6;
	[tilespmem:s10+$0x14230] =	vst v5;
	v4 =	vadd.f32 v4, v4  }
0x142: {  	[tilespmem:s10+$0x14210] =	vst v2;
	v3 =	vsub.f32 $1.000000000e+00, v3  }
0x143: {  	[tilespmem:s10+$0x14220] =	vst v6;
	v2 =	vsub.f32 $1.000000000e+00, v4  }
0x144: {  	[tilespmem:s10+$0x14200] =	vst v3  }
0x145: {  	[tilespmem:s10+$0x14260] =	vst v2  }
0x146: {  	[spmem:s1] =	stream.indirect.scatter.add.f32 [tilespmem:s13], [sflag:$0x3], $0x80, s19, s3, $0xb8;
	[tilespmem:$0x1BA00] =	vst v63  }
0x147: {  	_ =	swait.ge [sflag:s18], $0x1400  }
0x148: {  	s6 =	rddreg [dreg:$0xa]  }
0x149: {  	s23 =	sadd.s32 s11, s6  }
0x14a: {  	[sflag:s18] =	ssyncset.done $0x0;
	s11 =	sshrl.u32 s23, $0x3  }
0x14b: {  	s15 =	simm.s32 $0x0;
	[sflag:s18] =	ssyncadd.s32 $0xFFFFEC00;
	s14 =	sadd.s32 s4, s11  }
0x14c: {  	[tilespmem:s19], [sflag:$0x3] =	stream.linear.gather [hbm4b:s14+s15], $0x28, $0x38;
	[tilespmem:$0x1BA00] =	vst v63  }
0x14d: {  	_ =	swait.ge [sflag:s18], $0x28  }
0x14e: {  	[sflag:s18] =	ssyncset.done $0x0  }
0x14f: {  	s11 =	sadd.s32 s5, s11;
	[sflag:s18] =	ssyncadd.s32 $0xFFFFFFD8  }
0x150: {  	[tilespmem:s21], [sflag:$0x3] =	stream.linear.gather [hbm4b:s11+s15], $0x28, $0x38;
	[tilespmem:$0x1BA00] =	vst v63  }
0x151: {  	_ =	swait.ge [sflag:s18], $0x28  }
0x152: {  	[sflag:s18] =	ssyncset.done $0x0  }
0x153: {  	[sflag:s18] =	ssyncadd.s32 $0xFFFFFFD8  }
0x154: {  	[tilespmem:s13], [sflag:$0x1] =	stream.indirect.gather [hbm4b:s20+s3], $0x80, s19, s3, $0xb8;
	[tilespmem:$0x1BA00] =	vst v63  }
0x155: {  	s24 =	simm.s32 $0x15600;
	s10 =	sshll.u32 s23, $0x4  }
0x156: {  	[tilespmem:s24], [sflag:$0x1] =	stream.indirect.gather [hbm4b:s9+s3], $0x80, s21, s3, $0xb8;
	[tilespmem:$0x1BA00] =	vst v63  }
0x157: {  	s10 =	sadd.s32 s10, s8  }
0x158: {  	[tilespmem:s12], [sflag:$0x1] =	stream.linear.gather [hbm4b:s10+s15], $0x1400, $0x38;
	[tilespmem:$0x1BA00] =	vst v63  }
0x159: {  	_ =	swait.ge [sflag:s26], $0x1400  }
0x15a: {  	[sflag:s26] =	ssyncset.done $0x0  }
0x15b: {  	[sflag:s26] =	ssyncadd.s32 $0xFFFFEC00  }
0x15c: {  	_ =	swait.ge [sflag:s26], $0x1400  }
0x15d: {  	[sflag:s26] =	ssyncset.done $0x0  }
0x15e: {  	[sflag:s26] =	ssyncadd.s32 $0xFFFFEC00  }
0x15f: {  	_ =	swait.ge [sflag:s26], $0x1400  }
0x160: {  	[sflag:s26] =	ssyncset.done $0x0  }
0x161: {  	s11 =	simm.s32 $0x0;
	[sflag:s26] =	ssyncadd.s32 $0xFFFFEC00  }
0x162: {  	v2 =	vld [tilespmem:s11+$0x1A610]  }
0x163: {  	v3 =	vld [tilespmem:s11+$0x1A630]  }
0x164: {  	v4 =	vld [tilespmem:s11+$0x1A640]  }
0x165: {  	v5 =	vld [tilespmem:s11+$0x19210]  }
0x166: {  	v6 =	vld [tilespmem:s11+$0x1A650]  }
0x167: {  	v7 =	vld [tilespmem:s11+$0x19230]  }
0x168: {  	v48 =	vld [tilespmem:s11+$0x19250]  }
0x169: {  	v49 =	vld [tilespmem:s11+$0x19270]  }
0x16a: {  	v50 =	vld [tilespmem:s11+$0x17E70]  }
0x16b: {  	v51 =	vld [tilespmem:s11+$0x19240]  }
0x16c: {  	v52 =	vld [tilespmem:s11+$0x1A670]  }
0x16d: {  	v53 =	vld [tilespmem:s11+$0x17E50]  }
0x16e: {  	v54 =	vld [tilespmem:s11+$0x17E40]  }
0x16f: {  	v55 =	vld [tilespmem:s11+$0x17E30]  }
0x170: {  	v56 =	vld [tilespmem:s11+$0x19200]  }
0x171: {  	v57 =	vld [tilespmem:s11+$0x19220];
	v9 =	vadd.f32 v49, v50  }
0x172: {  	v58 =	vld [tilespmem:s11+$0x17E10];
	v8 =	vadd.f32 v48, v53  }
0x173: {  	v59 =	vld [tilespmem:s11+$0x17E20];
	v11 =	vadd.f32 v51, v54;
	v9 =	vadd.f32 v52, v9  }
0x174: {  	v60 =	vld [tilespmem:s11+$0x17E00];
	v6 =	vadd.f32 v6, v8  }
0x175: {  	v61 =	vld [tilespmem:s11+$0x1A620];
	v7 =	vadd.f32 v7, v55;
	v4 =	vadd.f32 v4, v11;
	v9 =	vmul.f32 $1.442695020e+00, v9  }
0x176: {  	v62 =	vld [tilespmem:s11+$0x19260];
	v6 =	vmul.f32 $1.442695020e+00, v6  }
0x177: {  	v63 =	vld [tilespmem:s11+$0x1A600];
	v3 =	vadd.f32 v3, v7;
	v4 =	vmul.f32 $1.442695020e+00, v4;
	(erf) = vpow2.f32 v9  }
0x178: {  	v5 =	vadd.f32 v5, v58;
	v7 =	vld [tilespmem:s11+$0x17E60];
	(erf) = vpow2.f32 v6  }
0x179: {  	v3 =	vmul.f32 $1.442695020e+00, v3;
	(erf) = vpow2.f32 v4;
	v4 =	vadd.f32 v57, v59  }
0x17a: {  	v2 =	vadd.f32 v2, v5;
	v6 =	vld [tilespmem:s11+$0x1A660]  }
0x17b: {  	(erf) = vpow2.f32 v3;
	v3 =	vadd.f32 v56, v60;
	v4 =	vadd.f32 v61, v4  }
0x17c: {  	v2 =	vmul.f32 $1.442695020e+00, v2  }
0x17d: {  	v5 =	vadd.f32 v62, v7;
	v3 =	vadd.f32 v63, v3;
	v4 =	vmul.f32 $1.442695020e+00, v4;
	_ =	sdelay $0x1  }
0x17e: {  	(erf) = vpow2.f32 v2;
	v5 =	vadd.f32 v6, v5;
	v3 =	vmul.f32 $1.442695020e+00, v3  }
0x17f: {  	(erf) = vpow2.f32 v4  }
0x180: {  	v2 =	vmul.f32 $1.442695020e+00, v5;
	v4 =	vpop (erf);
	(erf) = vpow2.f32 v3;
	_ =	sdelay $0x1  }
0x181: {  	v3 =	vadd.f32 $1.000000000e+00, v4  }
0x182: {  	v4 =	vpop (erf);
	(erf) = vpow2.f32 v2  }
0x183: {  	v2 =	vpop (erf);
	(erf) = vrcp.f32 v3  }
0x184: {  	s23 =	simm.s32 $0x400;
	s10 =	simm.s32 $0x200;
	v3 =	vadd.f32 $1.000000000e+00, v4;
	v2 =	vadd.f32 $1.000000000e+00, v2;
	v4 =	vpop (erf)  }
.LBB2_19:
0x185: {  	p1 =	sne.s32 s23, $0x4E00  }
0x186: {  	s14 =	sshra.s32 s10, $0x2;
	v4 =	vadd.f32 $1.000000000e+00, v4;
	v5 =	vpop (erf);
	(erf) = vrcp.f32 v3;
	s10 =	smov.u32 s23;
	s23 =	sadd.s32 $0x200, s23  }
0x187: {  	v3 =	vld [tilespmem:s14+$0x1A610];
	v5 =	vadd.f32 $1.000000000e+00, v5;
	v6 =	vpop (erf);
	(erf) = vrcp.f32 v2  }
0x188: {  	v2 =	vld [tilespmem:s14+$0x1A630];
	v6 =	vadd.f32 $1.000000000e+00, v6;
	v7 =	vpop (erf);
	(erf) = vrcp.f32 v4  }
0x189: {  	v4 =	vld [tilespmem:s14+$0x1A640];
	v8 =	vadd.f32 $1.000000000e+00, v7;
	(erf) = vrcp.f32 v5  }
0x18a: {  	v5 =	vld [tilespmem:s14+$0x19210];
	(erf) = vrcp.f32 v6  }
0x18b: {  	v6 =	vld [tilespmem:s14+$0x1A650];
	(erf) = vrcp.f32 v8;
	v7 =	vpop (erf)  }
0x18c: {  	v8 =	vld [tilespmem:s14+$0x19200];
	v7 =	vadd.f32 $1.000000000e+00, v7;
	v9 =	vpop (erf)  }
0x18d: {  	v10 =	vld [tilespmem:s14+$0x19220];
	v9 =	vadd.f32 v9, v9  }
0x18e: {  	v11 =	vld [tilespmem:s14+$0x19230];
	(erf) = vrcp.f32 v7  }
0x18f: {  	v7 =	vld [tilespmem:s14+$0x19250];
	v16 =	vsub.f32 $1.000000000e+00, v9;
	v12 =	vpop (erf)  }
0x190: {  	v13 =	vld [tilespmem:s14+$0x19270];
	v12 =	vadd.f32 v12, v12;
	v14 =	vpop (erf)  }
0x191: {  	v15 =	vld [tilespmem:s14+$0x1A600];
	v14 =	vadd.f32 v14, v14;
	[tilespmem:s11+$0x17E70] =	vst v16;
	v9 =	vpop (erf)  }
0x192: {  	v16 =	vld [tilespmem:s14+$0x17E70];
	v9 =	vadd.f32 v9, v9;
	v21 =	vsub.f32 $1.000000000e+00, v12;
	v17 =	vpop (erf)  }
0x193: {  	v18 =	vld [tilespmem:s14+$0x19240];
	v17 =	vadd.f32 v17, v17;
	v14 =	vsub.f32 $1.000000000e+00, v14;
	v19 =	vpop (erf)  }
0x194: {  	v20 =	vld [tilespmem:s14+$0x1A670];
	v19 =	vadd.f32 v19, v19;
	v9 =	vsub.f32 $1.000000000e+00, v9;
	[tilespmem:s11+$0x17E50] =	vst v21;
	v12 =	vpop (erf)  }
0x195: {  	v21 =	vld [tilespmem:s14+$0x17E50];
	v12 =	vadd.f32 v12, v12;
	v17 =	vsub.f32 $1.000000000e+00, v17;
	[tilespmem:s11+$0x17E40] =	vst v14  }
0x196: {  	v14 =	vld [tilespmem:s14+$0x17E40];
	v19 =	vsub.f32 $1.000000000e+00, v19;
	[tilespmem:s11+$0x17E30] =	vst v9  }
0x197: {  	v9 =	vld [tilespmem:s14+$0x17E30];
	v13 =	vadd.f32 v13, v16;
	v12 =	vsub.f32 $1.000000000e+00, v12;
	[tilespmem:s11+$0x17E10] =	vst v17;
	v16 =	vpop (erf)  }
0x198: {  	v17 =	vld [tilespmem:s14+$0x17E10];
	[tilespmem:s11+$0x17E20] =	vst v19;
	v16 =	vadd.f32 v16, v16  }
0x199: {  	v19 =	vld [tilespmem:s14+$0x17E20];
	v13 =	vadd.f32 v20, v13;
	[tilespmem:s11+$0x17E00] =	vst v12  }
0x19a: {  	v12 =	vld [tilespmem:s14+$0x17E00];
	v7 =	vadd.f32 v7, v21;
	v16 =	vsub.f32 $1.000000000e+00, v16  }
0x19b: {  	v20 =	vld [tilespmem:s14+$0x1A620];
	v14 =	vadd.f32 v18, v14;
	v13 =	vmul.f32 $1.442695020e+00, v13  }
0x19c: {  	v9 =	vadd.f32 v11, v9;
	v6 =	vadd.f32 v6, v7;
	v7 =	vld [tilespmem:s14+$0x19260];
	[tilespmem:s11+$0x17E60] =	vst v16;
	s11 =	smov.u32 s14  }
0x19d: {  	v5 =	vadd.f32 v5, v17;
	v4 =	vadd.f32 v4, v14;
	v11 =	vld [tilespmem:s11+$0x17E60];
	(erf) = vpow2.f32 v13  }
0x19e: {  	v10 =	vadd.f32 v10, v19;
	v2 =	vadd.f32 v2, v9;
	v6 =	vmul.f32 $1.442695020e+00, v6  }
0x19f: {  	v8 =	vadd.f32 v8, v12;
	v3 =	vadd.f32 v3, v5;
	v4 =	vmul.f32 $1.442695020e+00, v4;
	v5 =	vld [tilespmem:s11+$0x1A660]  }
0x1a0: {  	v9 =	vadd.f32 v20, v10;
	v2 =	vmul.f32 $1.442695020e+00, v2;
	(erf) = vpow2.f32 v6  }
0x1a1: {  	v6 =	vadd.f32 v15, v8;
	v3 =	vmul.f32 $1.442695020e+00, v3;
	(erf) = vpow2.f32 v4  }
0x1a2: {  	v4 =	vmul.f32 $1.442695020e+00, v9;
	v7 =	vadd.f32 v7, v11;
	(erf) = vpow2.f32 v2  }
0x1a3: {  	v2 =	vmul.f32 $1.442695020e+00, v6;
	(erf) = vpow2.f32 v3  }
0x1a4: {  	v5 =	vadd.f32 v5, v7;
	(erf) = vpow2.f32 v4  }
0x1a5: {  	(erf) = vpow2.f32 v2  }
0x1a6: {  	v4 =	vmul.f32 $1.442695020e+00, v5;
	v3 =	vpop (erf)  }
.Ltmp3:
0x1a7: {  	v3 =	vadd.f32 $1.000000000e+00, v3;
	(pc) =	sbr.rel @p1 .LBB2_19-.Ltmp3, $4  }
0x1a8: {  	(erf) = vpow2.f32 v4  }
0x1a9: {  	v2 =	vpop (erf);
	(erf) = vrcp.f32 v3  }
0x1aa: {  	v3 =	vadd.f32 $1.000000000e+00, v2;
	v2 =	vpop (erf)  }
0x1ab: {  	v2 =	vadd.f32 $1.000000000e+00, v2;
	v4 =	vpop (erf)  }
0x1ac: {  	(erf) = vrcp.f32 v3;
	v6 =	vpop (erf);
	v4 =	vadd.f32 $1.000000000e+00, v4  }
0x1ad: {  	v8 =	vpop (erf);
	(erf) = vrcp.f32 v2  }
0x1ae: {  	s10 =	sshra.s32 s10, $0x2;
	(erf) = vrcp.f32 v4  }
0x1af: {  	v5 =	vld [tilespmem:s10+$0x1A610]  }
0x1b0: {  	v3 =	vld [tilespmem:s10+$0x1A630];
	v6 =	vadd.f32 $1.000000000e+00, v6;
	v9 =	vpop (erf)  }
0x1b1: {  	v7 =	vld [tilespmem:s10+$0x1A640];
	v8 =	vadd.f32 $1.000000000e+00, v8;
	v28 =	vpop (erf)  }
0x1b2: {  	v2 =	vld [tilespmem:s10+$0x19210];
	v9 =	vadd.f32 $1.000000000e+00, v9;
	v12 =	vpop (erf);
	(erf) = vrcp.f32 v6  }
0x1b3: {  	v10 =	vld [tilespmem:s10+$0x1A650];
	(erf) = vrcp.f32 v8  }
0x1b4: {  	v11 =	vld [tilespmem:s10+$0x19200];
	(erf) = vrcp.f32 v9  }
0x1b5: {  	v13 =	vld [tilespmem:s10+$0x19220];
	v4 =	vadd.f32 $1.000000000e+00, v28;
	v29 =	vadd.f32 v12, v12;
	v15 =	vpop (erf)  }
0x1b6: {  	v30 =	vld [tilespmem:s10+$0x19230];
	v33 =	vpop (erf)  }
0x1b7: {  	v14 =	vld [tilespmem:s10+$0x19250];
	v6 =	vsub.f32 $1.000000000e+00, v29;
	v18 =	vpop (erf);
	(erf) = vrcp.f32 v4  }
0x1b8: {  	v31 =	vld [tilespmem:s10+$0x19270];
	v32 =	vadd.f32 v15, v15  }
0x1b9: {  	v16 =	vld [tilespmem:s10+$0x1A600];
	[tilespmem:s11+$0x17E70] =	vst v6;
	v6 =	vadd.f32 v33, v33  }
0x1ba: {  	v34 =	vld [tilespmem:s10+$0x17E70];
	v9 =	vsub.f32 $1.000000000e+00, v32;
	v35 =	vadd.f32 v18, v18  }
0x1bb: {  	v17 =	vld [tilespmem:s10+$0x19240];
	v6 =	vsub.f32 $1.000000000e+00, v6;
	v36 =	vpop (erf)  }
0x1bc: {  	v19 =	vld [tilespmem:s10+$0x1A670];
	[tilespmem:s11+$0x17E50] =	vst v9;
	v4 =	vsub.f32 $1.000000000e+00, v35;
	v9 =	vadd.f32 v36, v36;
	v38 =	vpop (erf)  }
0x1bd: {  	v37 =	vld [tilespmem:s10+$0x17E50];
	[tilespmem:s11+$0x17E40] =	vst v6;
	v6 =	vadd.f32 v38, v38;
	v39 =	vpop (erf)  }
0x1be: {  	v20 =	vld [tilespmem:s10+$0x17E40];
	[tilespmem:s11+$0x17E30] =	vst v4;
	v9 =	vsub.f32 $1.000000000e+00, v9;
	v4 =	vadd.f32 v39, v39  }
0x1bf: {  	v6 =	vsub.f32 $1.000000000e+00, v6  }
0x1c0: {  	v21 =	vld [tilespmem:s10+$0x17E30];
	[tilespmem:s11+$0x17E10] =	vst v9;
	v4 =	vsub.f32 $1.000000000e+00, v4;
	v40 =	vpop (erf)  }
0x1c1: {  	v9 =	vld [tilespmem:s10+$0x17E10];
	[tilespmem:s11+$0x17E20] =	vst v6;
	v6 =	vadd.f32 v40, v40  }
0x1c2: {  	v22 =	vld [tilespmem:s10+$0x17E20];
	[tilespmem:s11+$0x17E00] =	vst v4  }
0x1c3: {  	v41 =	vadd.f32 v31, v34;
	v42 =	vld [tilespmem:s10+$0x17E00];
	v6 =	vsub.f32 $1.000000000e+00, v6  }
0x1c4: {  	v14 =	vadd.f32 v14, v37;
	v43 =	vld [tilespmem:s10+$0x1A620]  }
0x1c5: {  	v4 =	vadd.f32 v19, v41;
	v12 =	vadd.f32 v30, v21;
	v44 =	vld [tilespmem:s10+$0x19260];
	[tilespmem:s11+$0x17E60] =	vst v6  }
0x1c6: {  	v45 =	vadd.f32 v17, v20;
	v46 =	vld [tilespmem:s10+$0x17E60]  }
0x1c7: {  	v10 =	vadd.f32 v10, v14;
	v4 =	vmul.f32 $1.442695020e+00, v4;
	v3 =	vadd.f32 v3, v12  }
0x1c8: {  	v6 =	vadd.f32 v7, v45;
	v2 =	vadd.f32 v2, v9;
	v48 =	vld [tilespmem:s10+$0x1A660]  }
0x1c9: {  	v49 =	vmul.f32 $1.442695020e+00, v10;
	(erf) = vpow2.f32 v4  }
0x1ca: {  	v3 =	vmul.f32 $1.442695020e+00, v3;
	v50 =	vmul.f32 $1.442695020e+00, v6;
	v2 =	vadd.f32 v5, v2  }
0x1cb: {  	v47 =	vadd.f32 v13, v22;
	(erf) = vpow2.f32 v49;
	v51 =	vadd.f32 v44, v46  }
0x1cc: {  	v8 =	vadd.f32 v11, v42;
	(erf) = vpow2.f32 v50;
	v2 =	vmul.f32 $1.442695020e+00, v2  }
0x1cd: {  	v4 =	vadd.f32 v43, v47;
	(erf) = vpow2.f32 v3;
	v3 =	vadd.f32 v48, v51  }
0x1ce: {  	v8 =	vadd.f32 v16, v8;
	(erf) = vpow2.f32 v2  }
0x1cf: {  	v4 =	vmul.f32 $1.442695020e+00, v4;
	v2 =	vmul.f32 $1.442695020e+00, v3  }
0x1d0: {  	v52 =	vmul.f32 $1.442695020e+00, v8  }
0x1d1: {  	(erf) = vpow2.f32 v4  }
0x1d2: {  	(erf) = vpow2.f32 v52  }
0x1d3: {  	(erf) = vpow2.f32 v2;
	v2 =	vpop (erf)  }
0x1d4: {  	v3 =	vpop (erf)  }
0x1d5: {  	v2 =	vadd.f32 $1.000000000e+00, v2;
	v53 =	vpop (erf)  }
0x1d6: {  	v3 =	vadd.f32 $1.000000000e+00, v3;
	v54 =	vpop (erf)  }
0x1d7: {  	(erf) = vrcp.f32 v2;
	v55 =	vpop (erf)  }
0x1d8: {  	v2 =	vadd.f32 $1.000000000e+00, v53;
	(erf) = vrcp.f32 v3;
	v3 =	vadd.f32 $1.000000000e+00, v55  }
0x1d9: {  	v4 =	vadd.f32 $1.000000000e+00, v54  }
0x1da: {  	v56 =	vpop (erf);
	(erf) = vrcp.f32 v2  }
0x1db: {  	v2 =	vadd.f32 $1.000000000e+00, v56;
	v57 =	vpop (erf);
	(erf) = vrcp.f32 v4  }
0x1dc: {  	(erf) = vrcp.f32 v3;
	v3 =	vpop (erf)  }
0x1dd: {  	(erf) = vrcp.f32 v2;
	v2 =	vadd.f32 $1.000000000e+00, v3  }
0x1de: {  	v58 =	vadd.f32 $1.000000000e+00, v57;
	_ =	sdelay $0x1  }
0x1df: {  	(erf) = vrcp.f32 v58  }
0x1e0: {  	(erf) = vrcp.f32 v2;
	v2 =	vpop (erf)  }
0x1e1: {  	v3 =	vpop (erf)  }
0x1e2: {  	v3 =	vadd.f32 v3, v3  }
0x1e3: {  	v2 =	vadd.f32 v2, v2  }
0x1e4: {  	v59 =	vpop (erf);
	v3 =	vsub.f32 $1.000000000e+00, v3  }
0x1e5: {  	v2 =	vsub.f32 $1.000000000e+00, v2;
	v4 =	vadd.f32 v59, v59;
	v60 =	vpop (erf)  }
0x1e6: {  	v5 =	vadd.f32 v60, v60;
	v61 =	vpop (erf)  }
0x1e7: {  	[tilespmem:s10+$0x17E70] =	vst v2;
	v2 =	vadd.f32 v61, v61;
	v4 =	vsub.f32 $1.000000000e+00, v4;
	v62 =	vpop (erf)  }
0x1e8: {  	v6 =	vadd.f32 v62, v62;
	v5 =	vsub.f32 $1.000000000e+00, v5;
	[tilespmem:s10+$0x17E50] =	vst v3;
	v3 =	vpop (erf)  }
0x1e9: {  	v2 =	vsub.f32 $1.000000000e+00, v2;
	[tilespmem:s10+$0x17E40] =	vst v4;
	v3 =	vadd.f32 v3, v3;
	v63 =	vpop (erf)  }
0x1ea: {  	v6 =	vsub.f32 $1.000000000e+00, v6;
	[tilespmem:s10+$0x17E30] =	vst v5;
	v4 =	vadd.f32 v63, v63  }
0x1eb: {  	[tilespmem:s10+$0x17E10] =	vst v2;
	v3 =	vsub.f32 $1.000000000e+00, v3  }
0x1ec: {  	s25 =	sadd.s32 $0x1, s25;
	[tilespmem:s10+$0x17E20] =	vst v6;
	v2 =	vsub.f32 $1.000000000e+00, v4  }
0x1ed: {  	p1 =	sne.s32 s25, $0xF9;
	[tilespmem:s10+$0x17E00] =	vst v3  }
.Ltmp4:
0x1ee: {  	[tilespmem:s10+$0x17E60] =	vst v2;
	(pc) =	sbr.rel @p1 .LBB2_16-.Ltmp4, $4  }
0x1ef: {  	[spmem:s1] =	stream.indirect.scatter.add.f32 [tilespmem:s22], [sflag:$0x3], $0x80, s16, s3, $0xb8;
	[tilespmem:$0x1BA00] =	vst v63  }
0x1f0: {  	_ =	swait.ge [sflag:s18], $0x1400  }
0x1f1: {  	[sflag:s18] =	ssyncset.done $0x0  }
0x1f2: {  	[sflag:s18] =	ssyncadd.s32 $0xFFFFEC00  }
0x1f3: {  	s10 =	simm.s32 $0x0;
	s6 =	rddreg [dreg:$0xb]  }
0x1f4: {  	[tilespmem:s16], [sflag:$0x3] =	stream.linear.gather [hbm4b:s6+s10], $0x28, $0x38;
	[tilespmem:$0x1BA00] =	vst v63  }
0x1f5: {  	_ =	swait.ge [sflag:s18], $0x28  }
0x1f6: {  	[sflag:s18] =	ssyncset.done $0x0  }
0x1f7: {  	s24 =	rddreg [dreg:$0xc];
	[sflag:s18] =	ssyncadd.s32 $0xFFFFFFD8  }
0x1f8: {  	[tilespmem:s17], [sflag:$0x3] =	stream.linear.gather [hbm4b:s24+s10], $0x28, $0x38;
	[tilespmem:$0x1BA00] =	vst v63  }
0x1f9: {  	_ =	swait.ge [sflag:s18], $0x28  }
0x1fa: {  	[sflag:s18] =	ssyncset.done $0x0  }
0x1fb: {  	[sflag:s18] =	ssyncadd.s32 $0xFFFFFFD8  }
0x1fc: {  	[tilespmem:s22], [sflag:$0x2] =	stream.indirect.gather [hbm4b:s20+s3], $0x80, s16, s3, $0xb8;
	[tilespmem:$0x1BA00] =	vst v63  }
0x1fd: {  	s25 =	simm.s32 $0x19200  }
0x1fe: {  	[tilespmem:s25], [sflag:$0x2] =	stream.indirect.gather [hbm4b:s9+s3], $0x80, s17, s3, $0xb8;
	[tilespmem:$0x1BA00] =	vst v63  }
0x1ff: {  	s8 =	simm.s32 $0x1A600;
	s31 =	rddreg [dreg:$0x10]  }
0x200: {  	[tilespmem:s8], [sflag:$0x2] =	stream.linear.gather [hbm4b:s31+s10], $0x1400, $0x38;
	[tilespmem:$0x1BA00] =	vst v63  }
0x201: {  	_ =	swait.ge [sflag:s0], $0x1400  }
0x202: {  	[sflag:s0] =	ssyncset.done $0x0  }
0x203: {  	[sflag:s0] =	ssyncadd.s32 $0xFFFFEC00  }
0x204: {  	_ =	swait.ge [sflag:s0], $0x1400  }
0x205: {  	[sflag:s0] =	ssyncset.done $0x0  }
0x206: {  	[sflag:s0] =	ssyncadd.s32 $0xFFFFEC00  }
0x207: {  	_ =	swait.ge [sflag:s0], $0x1400  }
0x208: {  	[sflag:s0] =	ssyncset.done $0x0  }
0x209: {  	s11 =	simm.s32 $0x0;
	[sflag:s0] =	ssyncadd.s32 $0xFFFFEC00  }
0x20a: {  	v2 =	vld [tilespmem:s11+$0x16A10]  }
0x20b: {  	v3 =	vld [tilespmem:s11+$0x16A30]  }
0x20c: {  	v4 =	vld [tilespmem:s11+$0x16A40]  }
0x20d: {  	v5 =	vld [tilespmem:s11+$0x15610]  }
0x20e: {  	v6 =	vld [tilespmem:s11+$0x16A50]  }
0x20f: {  	v7 =	vld [tilespmem:s11+$0x15630]  }
0x210: {  	v8 =	vld [tilespmem:s11+$0x15650]  }
0x211: {  	v9 =	vld [tilespmem:s11+$0x15670]  }
0x212: {  	v10 =	vld [tilespmem:s11+$0x14270]  }
0x213: {  	v11 =	vld [tilespmem:s11+$0x15640]  }
0x214: {  	v12 =	vld [tilespmem:s11+$0x16A70]  }
0x215: {  	v13 =	vld [tilespmem:s11+$0x14250]  }
0x216: {  	v14 =	vld [tilespmem:s11+$0x14240]  }
0x217: {  	v15 =	vld [tilespmem:s11+$0x14230]  }
0x218: {  	v16 =	vld [tilespmem:s11+$0x15600]  }
0x219: {  	v17 =	vld [tilespmem:s11+$0x15620]  }
0x21a: {  	v58 =	vld [tilespmem:s11+$0x14210];
	v9 =	vadd.f32 v9, v10  }
0x21b: {  	v59 =	vld [tilespmem:s11+$0x14220];
	v8 =	vadd.f32 v8, v13  }
0x21c: {  	v60 =	vld [tilespmem:s11+$0x14200];
	v11 =	vadd.f32 v11, v14;
	v9 =	vadd.f32 v12, v9  }
0x21d: {  	v61 =	vld [tilespmem:s11+$0x16A20];
	v7 =	vadd.f32 v7, v15;
	v6 =	vadd.f32 v6, v8  }
0x21e: {  	v62 =	vld [tilespmem:s11+$0x15660];
	v4 =	vadd.f32 v4, v11;
	v9 =	vmul.f32 $1.442695020e+00, v9  }
0x21f: {  	v63 =	vld [tilespmem:s11+$0x16A00];
	v3 =	vadd.f32 v3, v7;
	v6 =	vmul.f32 $1.442695020e+00, v6  }
0x220: {  	v7 =	vld [tilespmem:s11+$0x14260];
	v4 =	vmul.f32 $1.442695020e+00, v4;
	(erf) = vpow2.f32 v9  }
0x221: {  	v5 =	vadd.f32 v5, v58;
	v3 =	vmul.f32 $1.442695020e+00, v3;
	(erf) = vpow2.f32 v6  }
0x222: {  	v6 =	vld [tilespmem:s11+$0x16A60];
	(erf) = vpow2.f32 v4;
	v4 =	vadd.f32 v17, v59  }
0x223: {  	v2 =	vadd.f32 v2, v5;
	(erf) = vpow2.f32 v3;
	v3 =	vadd.f32 v16, v60  }
0x224: {  	v4 =	vadd.f32 v61, v4  }
0x225: {  	v2 =	vmul.f32 $1.442695020e+00, v2;
	v5 =	vadd.f32 v62, v7;
	v3 =	vadd.f32 v63, v3  }
0x226: {  	v4 =	vmul.f32 $1.442695020e+00, v4  }
0x227: {  	(erf) = vpow2.f32 v2;
	v5 =	vadd.f32 v6, v5;
	v3 =	vmul.f32 $1.442695020e+00, v3  }
0x228: {  	(erf) = vpow2.f32 v4  }
0x229: {  	v2 =	vmul.f32 $1.442695020e+00, v5;
	(erf) = vpow2.f32 v3  }
0x22a: {  	v4 =	vpop (erf)  }
0x22b: {  	v3 =	vadd.f32 $1.000000000e+00, v4  }
0x22c: {  	(erf) = vpow2.f32 v2;
	v4 =	vpop (erf)  }
0x22d: {  	v2 =	vpop (erf);
	(erf) = vrcp.f32 v3  }
0x22e: {  	s23 =	simm.s32 $0x400;
	s10 =	simm.s32 $0x200;
	v3 =	vadd.f32 $1.000000000e+00, v4;
	v2 =	vadd.f32 $1.000000000e+00, v2;
	v4 =	vpop (erf)  }
.LBB2_22:
0x22f: {  	p1 =	sne.s32 s23, $0x4E00  }
0x230: {  	s14 =	sshra.s32 s10, $0x2;
	v4 =	vadd.f32 $1.000000000e+00, v4;
	v5 =	vpop (erf);
	(erf) = vrcp.f32 v3;
	s10 =	smov.u32 s23;
	s23 =	sadd.s32 $0x200, s23  }
0x231: {  	v3 =	vld [tilespmem:s14+$0x16A10];
	v5 =	vadd.f32 $1.000000000e+00, v5;
	v6 =	vpop (erf);
	(erf) = vrcp.f32 v2  }
0x232: {  	v2 =	vld [tilespmem:s14+$0x16A30];
	v6 =	vadd.f32 $1.000000000e+00, v6;
	v7 =	vpop (erf);
	(erf) = vrcp.f32 v4  }
0x233: {  	v4 =	vld [tilespmem:s14+$0x16A40];
	v8 =	vadd.f32 $1.000000000e+00, v7;
	(erf) = vrcp.f32 v5  }
0x234: {  	v5 =	vld [tilespmem:s14+$0x15610];
	(erf) = vrcp.f32 v6  }
0x235: {  	v6 =	vld [tilespmem:s14+$0x16A50];
	(erf) = vrcp.f32 v8;
	v7 =	vpop (erf)  }
0x236: {  	v8 =	vld [tilespmem:s14+$0x15600];
	v7 =	vadd.f32 $1.000000000e+00, v7;
	v9 =	vpop (erf)  }
0x237: {  	v10 =	vld [tilespmem:s14+$0x15620];
	v9 =	vadd.f32 v9, v9  }
0x238: {  	v11 =	vld [tilespmem:s14+$0x15630];
	(erf) = vrcp.f32 v7  }
0x239: {  	v7 =	vld [tilespmem:s14+$0x15650];
	v16 =	vsub.f32 $1.000000000e+00, v9;
	v12 =	vpop (erf)  }
0x23a: {  	v13 =	vld [tilespmem:s14+$0x15670];
	v12 =	vadd.f32 v12, v12;
	v14 =	vpop (erf)  }
0x23b: {  	v15 =	vld [tilespmem:s14+$0x16A00];
	v14 =	vadd.f32 v14, v14;
	[tilespmem:s11+$0x14270] =	vst v16;
	v9 =	vpop (erf)  }
0x23c: {  	v16 =	vld [tilespmem:s14+$0x14270];
	v9 =	vadd.f32 v9, v9;
	v21 =	vsub.f32 $1.000000000e+00, v12;
	v17 =	vpop (erf)  }
0x23d: {  	v18 =	vld [tilespmem:s14+$0x15640];
	v17 =	vadd.f32 v17, v17;
	v14 =	vsub.f32 $1.000000000e+00, v14;
	v19 =	vpop (erf)  }
0x23e: {  	v20 =	vld [tilespmem:s14+$0x16A70];
	v19 =	vadd.f32 v19, v19;
	v9 =	vsub.f32 $1.000000000e+00, v9;
	[tilespmem:s11+$0x14250] =	vst v21;
	v12 =	vpop (erf)  }
0x23f: {  	v21 =	vld [tilespmem:s14+$0x14250];
	v12 =	vadd.f32 v12, v12;
	v17 =	vsub.f32 $1.000000000e+00, v17;
	[tilespmem:s11+$0x14240] =	vst v14  }
0x240: {  	v14 =	vld [tilespmem:s14+$0x14240];
	v19 =	vsub.f32 $1.000000000e+00, v19;
	[tilespmem:s11+$0x14230] =	vst v9  }
0x241: {  	v9 =	vld [tilespmem:s14+$0x14230];
	v13 =	vadd.f32 v13, v16;
	v12 =	vsub.f32 $1.000000000e+00, v12;
	[tilespmem:s11+$0x14210] =	vst v17;
	v16 =	vpop (erf)  }
0x242: {  	v17 =	vld [tilespmem:s14+$0x14210];
	[tilespmem:s11+$0x14220] =	vst v19;
	v16 =	vadd.f32 v16, v16  }
0x243: {  	v19 =	vld [tilespmem:s14+$0x14220];
	v13 =	vadd.f32 v20, v13;
	[tilespmem:s11+$0x14200] =	vst v12  }
0x244: {  	v12 =	vld [tilespmem:s14+$0x14200];
	v7 =	vadd.f32 v7, v21;
	v16 =	vsub.f32 $1.000000000e+00, v16  }
0x245: {  	v20 =	vld [tilespmem:s14+$0x16A20];
	v14 =	vadd.f32 v18, v14;
	v13 =	vmul.f32 $1.442695020e+00, v13  }
0x246: {  	v9 =	vadd.f32 v11, v9;
	v6 =	vadd.f32 v6, v7;
	v7 =	vld [tilespmem:s14+$0x15660];
	[tilespmem:s11+$0x14260] =	vst v16;
	s11 =	smov.u32 s14  }
0x247: {  	v5 =	vadd.f32 v5, v17;
	v4 =	vadd.f32 v4, v14;
	v11 =	vld [tilespmem:s11+$0x14260];
	(erf) = vpow2.f32 v13  }
0x248: {  	v10 =	vadd.f32 v10, v19;
	v2 =	vadd.f32 v2, v9;
	v6 =	vmul.f32 $1.442695020e+00, v6  }
0x249: {  	v8 =	vadd.f32 v8, v12;
	v3 =	vadd.f32 v3, v5;
	v4 =	vmul.f32 $1.442695020e+00, v4;
	v5 =	vld [tilespmem:s11+$0x16A60]  }
0x24a: {  	v9 =	vadd.f32 v20, v10;
	v2 =	vmul.f32 $1.442695020e+00, v2;
	(erf) = vpow2.f32 v6  }
0x24b: {  	v6 =	vadd.f32 v15, v8;
	v3 =	vmul.f32 $1.442695020e+00, v3;
	(erf) = vpow2.f32 v4  }
0x24c: {  	v4 =	vmul.f32 $1.442695020e+00, v9;
	v7 =	vadd.f32 v7, v11;
	(erf) = vpow2.f32 v2  }
0x24d: {  	v2 =	vmul.f32 $1.442695020e+00, v6;
	(erf) = vpow2.f32 v3  }
0x24e: {  	v5 =	vadd.f32 v5, v7;
	(erf) = vpow2.f32 v4  }
0x24f: {  	(erf) = vpow2.f32 v2  }
0x250: {  	v4 =	vmul.f32 $1.442695020e+00, v5;
	v3 =	vpop (erf)  }
.Ltmp5:
0x251: {  	v3 =	vadd.f32 $1.000000000e+00, v3;
	(pc) =	sbr.rel @p1 .LBB2_22-.Ltmp5, $4  }
0x252: {  	(erf) = vpow2.f32 v4  }
0x253: {  	v2 =	vpop (erf);
	(erf) = vrcp.f32 v3  }
0x254: {  	v3 =	vadd.f32 $1.000000000e+00, v2;
	v2 =	vpop (erf)  }
0x255: {  	v2 =	vadd.f32 $1.000000000e+00, v2;
	v4 =	vpop (erf)  }
0x256: {  	_ = 	snop  }
0x257: {  	v4 =	vadd.f32 $1.000000000e+00, v4  }
0x258: {  	s10 =	sshra.s32 s10, $0x2;
	v6 =	vpop (erf)  }
0x259: {  	(erf) = vrcp.f32 v3;
	v5 =	vld [tilespmem:s10+$0x16A10];
	v8 =	vpop (erf)  }
0x25a: {  	v3 =	vld [tilespmem:s10+$0x16A30];
	(erf) = vrcp.f32 v2;
	v9 =	vpop (erf)  }
0x25b: {  	v7 =	vld [tilespmem:s10+$0x16A40];
	v6 =	vadd.f32 $1.000000000e+00, v6;
	(erf) = vrcp.f32 v4;
	v4 =	vpop (erf)  }
0x25c: {  	v2 =	vld [tilespmem:s10+$0x15610];
	v12 =	vpop (erf)  }
0x25d: {  	v10 =	vld [tilespmem:s10+$0x16A50];
	(erf) = vrcp.f32 v6;
	v6 =	vadd.f32 v12, v12  }
0x25e: {  	v11 =	vld [tilespmem:s10+$0x15600]  }
0x25f: {  	v13 =	vld [tilespmem:s10+$0x15620];
	v8 =	vadd.f32 $1.000000000e+00, v8;
	v6 =	vsub.f32 $1.000000000e+00, v6  }
0x260: {  	v37 =	vld [tilespmem:s10+$0x15630]  }
0x261: {  	v14 =	vld [tilespmem:s10+$0x15650];
	(erf) = vrcp.f32 v8  }
0x262: {  	v38 =	vld [tilespmem:s10+$0x15670];
	v15 =	vpop (erf)  }
0x263: {  	v16 =	vld [tilespmem:s10+$0x16A00];
	v9 =	vadd.f32 $1.000000000e+00, v9;
	[tilespmem:s11+$0x14270] =	vst v6;
	v6 =	vpop (erf)  }
0x264: {  	v6 =	vadd.f32 v6, v6  }
0x265: {  	(erf) = vrcp.f32 v9;
	v39 =	vadd.f32 v15, v15  }
0x266: {  	v4 =	vadd.f32 $1.000000000e+00, v4;
	v6 =	vsub.f32 $1.000000000e+00, v6  }
0x267: {  	v40 =	vld [tilespmem:s10+$0x14270];
	v9 =	vsub.f32 $1.000000000e+00, v39;
	v18 =	vpop (erf)  }
0x268: {  	v17 =	vld [tilespmem:s10+$0x15640];
	(erf) = vrcp.f32 v4;
	v4 =	vadd.f32 v18, v18  }
0x269: {  	v19 =	vld [tilespmem:s10+$0x16A70];
	[tilespmem:s11+$0x14250] =	vst v9;
	v41 =	vpop (erf)  }
0x26a: {  	v42 =	vld [tilespmem:s10+$0x14250];
	v4 =	vsub.f32 $1.000000000e+00, v4;
	[tilespmem:s11+$0x14240] =	vst v6;
	v6 =	vpop (erf)  }
0x26b: {  	v6 =	vadd.f32 v6, v6  }
0x26c: {  	v9 =	vadd.f32 v41, v41  }
0x26d: {  	v6 =	vsub.f32 $1.000000000e+00, v6  }
0x26e: {  	v9 =	vsub.f32 $1.000000000e+00, v9;
	v20 =	vld [tilespmem:s10+$0x14240];
	[tilespmem:s11+$0x14230] =	vst v4;
	v4 =	vpop (erf)  }
0x26f: {  	v4 =	vadd.f32 v4, v4  }
0x270: {  	v21 =	vld [tilespmem:s10+$0x14230];
	[tilespmem:s11+$0x14210] =	vst v9  }
0x271: {  	v9 =	vld [tilespmem:s10+$0x14210];
	v4 =	vsub.f32 $1.000000000e+00, v4;
	[tilespmem:s11+$0x14220] =	vst v6;
	v6 =	vpop (erf)  }
0x272: {  	v6 =	vadd.f32 v6, v6  }
0x273: {  	v22 =	vld [tilespmem:s10+$0x14220];
	[tilespmem:s11+$0x14200] =	vst v4  }
0x274: {  	v43 =	vld [tilespmem:s10+$0x14200];
	v6 =	vsub.f32 $1.000000000e+00, v6  }
0x275: {  	v4 =	vadd.f32 v38, v40;
	v44 =	vld [tilespmem:s10+$0x16A20]  }
0x276: {  	v14 =	vadd.f32 v14, v42;
	v12 =	vadd.f32 v37, v21;
	v45 =	vld [tilespmem:s10+$0x15660];
	[tilespmem:s11+$0x14260] =	vst v6  }
0x277: {  	v4 =	vadd.f32 v19, v4;
	v6 =	vadd.f32 v17, v20;
	v46 =	vld [tilespmem:s10+$0x14260]  }
0x278: {  	v10 =	vadd.f32 v10, v14;
	v3 =	vadd.f32 v3, v12  }
0x279: {  	v2 =	vadd.f32 v2, v9;
	v4 =	vmul.f32 $1.442695020e+00, v4;
	v6 =	vadd.f32 v7, v6;
	v7 =	vld [tilespmem:s10+$0x16A60]  }
0x27a: {  	v47 =	vmul.f32 $1.442695020e+00, v10;
	v3 =	vmul.f32 $1.442695020e+00, v3  }
0x27b: {  	v2 =	vadd.f32 v5, v2;
	(erf) = vpow2.f32 v4;
	v5 =	vmul.f32 $1.442695020e+00, v6  }
0x27c: {  	v4 =	vadd.f32 v13, v22;
	(erf) = vpow2.f32 v47;
	v6 =	vadd.f32 v45, v46  }
0x27d: {  	v2 =	vmul.f32 $1.442695020e+00, v2;
	v8 =	vadd.f32 v11, v43;
	(erf) = vpow2.f32 v5  }
0x27e: {  	v4 =	vadd.f32 v44, v4;
	(erf) = vpow2.f32 v3;
	v3 =	vadd.f32 v7, v6  }
0x27f: {  	v8 =	vadd.f32 v16, v8;
	(erf) = vpow2.f32 v2  }
0x280: {  	v4 =	vmul.f32 $1.442695020e+00, v4;
	v2 =	vmul.f32 $1.442695020e+00, v3  }
0x281: {  	v5 =	vmul.f32 $1.442695020e+00, v8  }
0x282: {  	(erf) = vpow2.f32 v4  }
0x283: {  	(erf) = vpow2.f32 v5  }
0x284: {  	(erf) = vpow2.f32 v2;
	v2 =	vpop (erf)  }
0x285: {  	v2 =	vadd.f32 $1.000000000e+00, v2;
	v3 =	vpop (erf)  }
0x286: {  	v4 =	vpop (erf)  }
0x287: {  	v3 =	vadd.f32 $1.000000000e+00, v3;
	(erf) = vrcp.f32 v2;
	v2 =	vadd.f32 $1.000000000e+00, v4;
	v4 =	vpop (erf)  }
0x288: {  	v5 =	vpop (erf)  }
0x289: {  	(erf) = vrcp.f32 v3;
	v3 =	vadd.f32 $1.000000000e+00, v5  }
0x28a: {  	v4 =	vadd.f32 $1.000000000e+00, v4  }
0x28b: {  	v5 =	vpop (erf);
	(erf) = vrcp.f32 v2  }
0x28c: {  	v2 =	vadd.f32 $1.000000000e+00, v5;
	v5 =	vpop (erf);
	(erf) = vrcp.f32 v4  }
0x28d: {  	(erf) = vrcp.f32 v3;
	v3 =	vpop (erf)  }
0x28e: {  	(erf) = vrcp.f32 v2;
	v2 =	vadd.f32 $1.000000000e+00, v3  }
0x28f: {  	v4 =	vadd.f32 $1.000000000e+00, v5;
	_ =	sdelay $0x1  }
0x290: {  	(erf) = vrcp.f32 v4  }
0x291: {  	(erf) = vrcp.f32 v2;
	v2 =	vpop (erf)  }
0x292: {  	v3 =	vpop (erf)  }
0x293: {  	v3 =	vadd.f32 v3, v3;
	v4 =	vpop (erf)  }
0x294: {  	v2 =	vadd.f32 v2, v2;
	v4 =	vadd.f32 v4, v4  }
0x295: {  	v3 =	vsub.f32 $1.000000000e+00, v3  }
0x296: {  	v2 =	vsub.f32 $1.000000000e+00, v2;
	v5 =	vpop (erf);
	v4 =	vsub.f32 $1.000000000e+00, v4  }
0x297: {  	v5 =	vadd.f32 v5, v5;
	v6 =	vpop (erf)  }
0x298: {  	[tilespmem:s10+$0x14270] =	vst v2;
	v2 =	vadd.f32 v6, v6;
	v6 =	vpop (erf)  }
0x299: {  	v6 =	vadd.f32 v6, v6;
	v5 =	vsub.f32 $1.000000000e+00, v5;
	[tilespmem:s10+$0x14250] =	vst v3;
	v3 =	vpop (erf)  }
0x29a: {  	v2 =	vsub.f32 $1.000000000e+00, v2;
	[tilespmem:s10+$0x14240] =	vst v4;
	v3 =	vadd.f32 v3, v3;
	v4 =	vpop (erf)  }
0x29b: {  	v6 =	vsub.f32 $1.000000000e+00, v6;
	[tilespmem:s10+$0x14230] =	vst v5;
	v4 =	vadd.f32 v4, v4  }
0x29c: {  	[tilespmem:s10+$0x14210] =	vst v2;
	v3 =	vsub.f32 $1.000000000e+00, v3  }
0x29d: {  	[tilespmem:s10+$0x14220] =	vst v6;
	v2 =	vsub.f32 $1.000000000e+00, v4  }
0x29e: {  	[tilespmem:s10+$0x14200] =	vst v3  }
0x29f: {  	[tilespmem:s10+$0x14260] =	vst v2  }
0x2a0: {  	[spmem:s1] =	stream.indirect.scatter.add.f32 [tilespmem:s13], [sflag:$0x3], $0x80, s19, s3, $0xb8;
	[tilespmem:$0x1BA00] =	vst v63  }
0x2a1: {  	_ =	swait.ge [sflag:s18], $0x1400  }
0x2a2: {  	[sflag:s18] =	ssyncset.done $0x0  }
0x2a3: {  	[sflag:s18] =	ssyncadd.s32 $0xFFFFEC00  }
0x2a4: {  	_ =	swait.ge [sflag:s26], $0x1400  }
0x2a5: {  	[sflag:s26] =	ssyncset.done $0x0  }
0x2a6: {  	[sflag:s26] =	ssyncadd.s32 $0xFFFFEC00  }
0x2a7: {  	_ =	swait.ge [sflag:s26], $0x1400  }
0x2a8: {  	[sflag:s26] =	ssyncset.done $0x0  }
0x2a9: {  	[sflag:s26] =	ssyncadd.s32 $0xFFFFEC00  }
0x2aa: {  	_ =	swait.ge [sflag:s26], $0x1400  }
0x2ab: {  	[sflag:s26] =	ssyncset.done $0x0  }
0x2ac: {  	s11 =	simm.s32 $0x0;
	[sflag:s26] =	ssyncadd.s32 $0xFFFFEC00  }
0x2ad: {  	v2 =	vld [tilespmem:s11+$0x1A610]  }
0x2ae: {  	v3 =	vld [tilespmem:s11+$0x1A630]  }
0x2af: {  	v4 =	vld [tilespmem:s11+$0x1A640]  }
0x2b0: {  	v5 =	vld [tilespmem:s11+$0x19210]  }
0x2b1: {  	v6 =	vld [tilespmem:s11+$0x1A650]  }
0x2b2: {  	v7 =	vld [tilespmem:s11+$0x19230]  }
0x2b3: {  	v48 =	vld [tilespmem:s11+$0x19250]  }
0x2b4: {  	v49 =	vld [tilespmem:s11+$0x19270]  }
0x2b5: {  	v50 =	vld [tilespmem:s11+$0x17E70]  }
0x2b6: {  	v51 =	vld [tilespmem:s11+$0x19240]  }
0x2b7: {  	v52 =	vld [tilespmem:s11+$0x1A670]  }
0x2b8: {  	v53 =	vld [tilespmem:s11+$0x17E50]  }
0x2b9: {  	v54 =	vld [tilespmem:s11+$0x17E40]  }
0x2ba: {  	v55 =	vld [tilespmem:s11+$0x17E30]  }
0x2bb: {  	v56 =	vld [tilespmem:s11+$0x19200]  }
0x2bc: {  	v57 =	vld [tilespmem:s11+$0x19220];
	v9 =	vadd.f32 v49, v50  }
0x2bd: {  	v58 =	vld [tilespmem:s11+$0x17E10];
	v8 =	vadd.f32 v48, v53  }
0x2be: {  	v59 =	vld [tilespmem:s11+$0x17E20];
	v11 =	vadd.f32 v51, v54;
	v9 =	vadd.f32 v52, v9  }
0x2bf: {  	v60 =	vld [tilespmem:s11+$0x17E00];
	v6 =	vadd.f32 v6, v8  }
0x2c0: {  	v61 =	vld [tilespmem:s11+$0x1A620];
	v7 =	vadd.f32 v7, v55;
	v4 =	vadd.f32 v4, v11;
	v9 =	vmul.f32 $1.442695020e+00, v9  }
0x2c1: {  	v62 =	vld [tilespmem:s11+$0x19260];
	v6 =	vmul.f32 $1.442695020e+00, v6  }
0x2c2: {  	v63 =	vld [tilespmem:s11+$0x1A600];
	v3 =	vadd.f32 v3, v7;
	v4 =	vmul.f32 $1.442695020e+00, v4;
	(erf) = vpow2.f32 v9  }
0x2c3: {  	v5 =	vadd.f32 v5, v58;
	v7 =	vld [tilespmem:s11+$0x17E60];
	(erf) = vpow2.f32 v6  }
0x2c4: {  	v3 =	vmul.f32 $1.442695020e+00, v3;
	(erf) = vpow2.f32 v4;
	v4 =	vadd.f32 v57, v59  }
0x2c5: {  	v2 =	vadd.f32 v2, v5;
	v6 =	vld [tilespmem:s11+$0x1A660]  }
0x2c6: {  	(erf) = vpow2.f32 v3;
	v3 =	vadd.f32 v56, v60;
	v4 =	vadd.f32 v61, v4  }
0x2c7: {  	v2 =	vmul.f32 $1.442695020e+00, v2  }
0x2c8: {  	v5 =	vadd.f32 v62, v7;
	v3 =	vadd.f32 v63, v3;
	v4 =	vmul.f32 $1.442695020e+00, v4;
	_ =	sdelay $0x1  }
0x2c9: {  	(erf) = vpow2.f32 v2;
	v5 =	vadd.f32 v6, v5;
	v3 =	vmul.f32 $1.442695020e+00, v3  }
0x2ca: {  	(erf) = vpow2.f32 v4  }
0x2cb: {  	v2 =	vmul.f32 $1.442695020e+00, v5;
	v4 =	vpop (erf);
	(erf) = vpow2.f32 v3;
	_ =	sdelay $0x1  }
0x2cc: {  	v3 =	vadd.f32 $1.000000000e+00, v4  }
0x2cd: {  	v4 =	vpop (erf);
	(erf) = vpow2.f32 v2  }
0x2ce: {  	v2 =	vpop (erf);
	(erf) = vrcp.f32 v3  }
0x2cf: {  	s23 =	simm.s32 $0x400;
	s10 =	simm.s32 $0x200;
	v3 =	vadd.f32 $1.000000000e+00, v4;
	v2 =	vadd.f32 $1.000000000e+00, v2;
	v4 =	vpop (erf)  }
.LBB2_24:
0x2d0: {  	p1 =	sne.s32 s23, $0x4E00  }
0x2d1: {  	s14 =	sshra.s32 s10, $0x2;
	v4 =	vadd.f32 $1.000000000e+00, v4;
	v5 =	vpop (erf);
	(erf) = vrcp.f32 v3;
	s10 =	smov.u32 s23;
	s23 =	sadd.s32 $0x200, s23  }
0x2d2: {  	v3 =	vld [tilespmem:s14+$0x1A610];
	v5 =	vadd.f32 $1.000000000e+00, v5;
	v6 =	vpop (erf);
	(erf) = vrcp.f32 v2  }
0x2d3: {  	v2 =	vld [tilespmem:s14+$0x1A630];
	v6 =	vadd.f32 $1.000000000e+00, v6;
	v7 =	vpop (erf);
	(erf) = vrcp.f32 v4  }
0x2d4: {  	v4 =	vld [tilespmem:s14+$0x1A640];
	v8 =	vadd.f32 $1.000000000e+00, v7;
	(erf) = vrcp.f32 v5  }
0x2d5: {  	v5 =	vld [tilespmem:s14+$0x19210];
	(erf) = vrcp.f32 v6  }
0x2d6: {  	v6 =	vld [tilespmem:s14+$0x1A650];
	(erf) = vrcp.f32 v8;
	v7 =	vpop (erf)  }
0x2d7: {  	v8 =	vld [tilespmem:s14+$0x19200];
	v7 =	vadd.f32 $1.000000000e+00, v7;
	v9 =	vpop (erf)  }
0x2d8: {  	v10 =	vld [tilespmem:s14+$0x19220];
	v9 =	vadd.f32 v9, v9  }
0x2d9: {  	v11 =	vld [tilespmem:s14+$0x19230];
	(erf) = vrcp.f32 v7  }
0x2da: {  	v7 =	vld [tilespmem:s14+$0x19250];
	v16 =	vsub.f32 $1.000000000e+00, v9;
	v12 =	vpop (erf)  }
0x2db: {  	v13 =	vld [tilespmem:s14+$0x19270];
	v12 =	vadd.f32 v12, v12;
	v14 =	vpop (erf)  }
0x2dc: {  	v15 =	vld [tilespmem:s14+$0x1A600];
	v14 =	vadd.f32 v14, v14;
	[tilespmem:s11+$0x17E70] =	vst v16;
	v9 =	vpop (erf)  }
0x2dd: {  	v16 =	vld [tilespmem:s14+$0x17E70];
	v9 =	vadd.f32 v9, v9;
	v21 =	vsub.f32 $1.000000000e+00, v12;
	v17 =	vpop (erf)  }
0x2de: {  	v18 =	vld [tilespmem:s14+$0x19240];
	v17 =	vadd.f32 v17, v17;
	v14 =	vsub.f32 $1.000000000e+00, v14;
	v19 =	vpop (erf)  }
0x2df: {  	v20 =	vld [tilespmem:s14+$0x1A670];
	v19 =	vadd.f32 v19, v19;
	v9 =	vsub.f32 $1.000000000e+00, v9;
	[tilespmem:s11+$0x17E50] =	vst v21;
	v12 =	vpop (erf)  }
0x2e0: {  	v21 =	vld [tilespmem:s14+$0x17E50];
	v12 =	vadd.f32 v12, v12;
	v17 =	vsub.f32 $1.000000000e+00, v17;
	[tilespmem:s11+$0x17E40] =	vst v14  }
0x2e1: {  	v14 =	vld [tilespmem:s14+$0x17E40];
	v19 =	vsub.f32 $1.000000000e+00, v19;
	[tilespmem:s11+$0x17E30] =	vst v9  }
0x2e2: {  	v9 =	vld [tilespmem:s14+$0x17E30];
	v13 =	vadd.f32 v13, v16;
	v12 =	vsub.f32 $1.000000000e+00, v12;
	[tilespmem:s11+$0x17E10] =	vst v17;
	v16 =	vpop (erf)  }
0x2e3: {  	v17 =	vld [tilespmem:s14+$0x17E10];
	[tilespmem:s11+$0x17E20] =	vst v19;
	v16 =	vadd.f32 v16, v16  }
0x2e4: {  	v19 =	vld [tilespmem:s14+$0x17E20];
	v13 =	vadd.f32 v20, v13;
	[tilespmem:s11+$0x17E00] =	vst v12  }
0x2e5: {  	v12 =	vld [tilespmem:s14+$0x17E00];
	v7 =	vadd.f32 v7, v21;
	v16 =	vsub.f32 $1.000000000e+00, v16  }
0x2e6: {  	v20 =	vld [tilespmem:s14+$0x1A620];
	v14 =	vadd.f32 v18, v14;
	v13 =	vmul.f32 $1.442695020e+00, v13  }
0x2e7: {  	v9 =	vadd.f32 v11, v9;
	v6 =	vadd.f32 v6, v7;
	v7 =	vld [tilespmem:s14+$0x19260];
	[tilespmem:s11+$0x17E60] =	vst v16;
	s11 =	smov.u32 s14  }
0x2e8: {  	v5 =	vadd.f32 v5, v17;
	v4 =	vadd.f32 v4, v14;
	v11 =	vld [tilespmem:s11+$0x17E60];
	(erf) = vpow2.f32 v13  }
0x2e9: {  	v10 =	vadd.f32 v10, v19;
	v2 =	vadd.f32 v2, v9;
	v6 =	vmul.f32 $1.442695020e+00, v6  }
0x2ea: {  	v8 =	vadd.f32 v8, v12;
	v3 =	vadd.f32 v3, v5;
	v4 =	vmul.f32 $1.442695020e+00, v4;
	v5 =	vld [tilespmem:s11+$0x1A660]  }
0x2eb: {  	v9 =	vadd.f32 v20, v10;
	v2 =	vmul.f32 $1.442695020e+00, v2;
	(erf) = vpow2.f32 v6  }
0x2ec: {  	v6 =	vadd.f32 v15, v8;
	v3 =	vmul.f32 $1.442695020e+00, v3;
	(erf) = vpow2.f32 v4  }
0x2ed: {  	v4 =	vmul.f32 $1.442695020e+00, v9;
	v7 =	vadd.f32 v7, v11;
	(erf) = vpow2.f32 v2  }
0x2ee: {  	v2 =	vmul.f32 $1.442695020e+00, v6;
	(erf) = vpow2.f32 v3  }
0x2ef: {  	v5 =	vadd.f32 v5, v7;
	(erf) = vpow2.f32 v4  }
0x2f0: {  	(erf) = vpow2.f32 v2  }
0x2f1: {  	v4 =	vmul.f32 $1.442695020e+00, v5;
	v3 =	vpop (erf)  }
.Ltmp6:
0x2f2: {  	v3 =	vadd.f32 $1.000000000e+00, v3;
	(pc) =	sbr.rel @p1 .LBB2_24-.Ltmp6, $4  }
0x2f3: {  	(erf) = vpow2.f32 v4  }
0x2f4: {  	v2 =	vpop (erf);
	(erf) = vrcp.f32 v3  }
0x2f5: {  	v3 =	vadd.f32 $1.000000000e+00, v2;
	v2 =	vpop (erf)  }
0x2f6: {  	v2 =	vadd.f32 $1.000000000e+00, v2;
	v4 =	vpop (erf)  }
0x2f7: {  	(erf) = vrcp.f32 v3;
	v6 =	vpop (erf);
	v4 =	vadd.f32 $1.000000000e+00, v4  }
0x2f8: {  	v8 =	vpop (erf);
	(erf) = vrcp.f32 v2  }
0x2f9: {  	s10 =	sshra.s32 s10, $0x2;
	(erf) = vrcp.f32 v4  }
0x2fa: {  	v5 =	vld [tilespmem:s10+$0x1A610]  }
0x2fb: {  	v3 =	vld [tilespmem:s10+$0x1A630];
	v6 =	vadd.f32 $1.000000000e+00, v6;
	v9 =	vpop (erf)  }
0x2fc: {  	v7 =	vld [tilespmem:s10+$0x1A640];
	v8 =	vadd.f32 $1.000000000e+00, v8;
	v28 =	vpop (erf)  }
0x2fd: {  	v2 =	vld [tilespmem:s10+$0x19210];
	v9 =	vadd.f32 $1.000000000e+00, v9;
	v12 =	vpop (erf);
	(erf) = vrcp.f32 v6  }
0x2fe: {  	v10 =	vld [tilespmem:s10+$0x1A650];
	(erf) = vrcp.f32 v8  }
0x2ff: {  	v11 =	vld [tilespmem:s10+$0x19200];
	(erf) = vrcp.f32 v9  }
0x300: {  	v13 =	vld [tilespmem:s10+$0x19220];
	v4 =	vadd.f32 $1.000000000e+00, v28;
	v29 =	vadd.f32 v12, v12;
	v15 =	vpop (erf)  }
0x301: {  	v30 =	vld [tilespmem:s10+$0x19230];
	v33 =	vpop (erf)  }
0x302: {  	v14 =	vld [tilespmem:s10+$0x19250];
	v6 =	vsub.f32 $1.000000000e+00, v29;
	v18 =	vpop (erf);
	(erf) = vrcp.f32 v4  }
0x303: {  	v31 =	vld [tilespmem:s10+$0x19270];
	v32 =	vadd.f32 v15, v15  }
0x304: {  	v16 =	vld [tilespmem:s10+$0x1A600];
	[tilespmem:s11+$0x17E70] =	vst v6;
	v6 =	vadd.f32 v33, v33  }
0x305: {  	v34 =	vld [tilespmem:s10+$0x17E70];
	v9 =	vsub.f32 $1.000000000e+00, v32;
	v35 =	vadd.f32 v18, v18  }
0x306: {  	v17 =	vld [tilespmem:s10+$0x19240];
	v6 =	vsub.f32 $1.000000000e+00, v6;
	v36 =	vpop (erf)  }
0x307: {  	v19 =	vld [tilespmem:s10+$0x1A670];
	[tilespmem:s11+$0x17E50] =	vst v9;
	v4 =	vsub.f32 $1.000000000e+00, v35;
	v9 =	vadd.f32 v36, v36;
	v38 =	vpop (erf)  }
0x308: {  	v37 =	vld [tilespmem:s10+$0x17E50];
	[tilespmem:s11+$0x17E40] =	vst v6;
	v6 =	vadd.f32 v38, v38;
	v39 =	vpop (erf)  }
0x309: {  	v20 =	vld [tilespmem:s10+$0x17E40];
	[tilespmem:s11+$0x17E30] =	vst v4;
	v9 =	vsub.f32 $1.000000000e+00, v9;
	v4 =	vadd.f32 v39, v39  }
0x30a: {  	v6 =	vsub.f32 $1.000000000e+00, v6  }
0x30b: {  	v21 =	vld [tilespmem:s10+$0x17E30];
	[tilespmem:s11+$0x17E10] =	vst v9;
	v4 =	vsub.f32 $1.000000000e+00, v4;
	v40 =	vpop (erf)  }
0x30c: {  	v9 =	vld [tilespmem:s10+$0x17E10];
	[tilespmem:s11+$0x17E20] =	vst v6;
	v6 =	vadd.f32 v40, v40  }
0x30d: {  	v22 =	vld [tilespmem:s10+$0x17E20];
	[tilespmem:s11+$0x17E00] =	vst v4  }
0x30e: {  	v41 =	vadd.f32 v31, v34;
	v42 =	vld [tilespmem:s10+$0x17E00];
	v6 =	vsub.f32 $1.000000000e+00, v6  }
0x30f: {  	v14 =	vadd.f32 v14, v37;
	v43 =	vld [tilespmem:s10+$0x1A620]  }
0x310: {  	v4 =	vadd.f32 v19, v41;
	v12 =	vadd.f32 v30, v21;
	v44 =	vld [tilespmem:s10+$0x19260];
	[tilespmem:s11+$0x17E60] =	vst v6  }
0x311: {  	v45 =	vadd.f32 v17, v20;
	v46 =	vld [tilespmem:s10+$0x17E60]  }
0x312: {  	v10 =	vadd.f32 v10, v14;
	v4 =	vmul.f32 $1.442695020e+00, v4;
	v3 =	vadd.f32 v3, v12  }
0x313: {  	v6 =	vadd.f32 v7, v45;
	v2 =	vadd.f32 v2, v9;
	v48 =	vld [tilespmem:s10+$0x1A660]  }
0x314: {  	v49 =	vmul.f32 $1.442695020e+00, v10;
	(erf) = vpow2.f32 v4  }
0x315: {  	v3 =	vmul.f32 $1.442695020e+00, v3;
	v50 =	vmul.f32 $1.442695020e+00, v6;
	v2 =	vadd.f32 v5, v2  }
0x316: {  	v47 =	vadd.f32 v13, v22;
	(erf) = vpow2.f32 v49;
	v51 =	vadd.f32 v44, v46  }
0x317: {  	v8 =	vadd.f32 v11, v42;
	(erf) = vpow2.f32 v50;
	v2 =	vmul.f32 $1.442695020e+00, v2  }
0x318: {  	v4 =	vadd.f32 v43, v47;
	(erf) = vpow2.f32 v3;
	v3 =	vadd.f32 v48, v51  }
0x319: {  	v8 =	vadd.f32 v16, v8;
	(erf) = vpow2.f32 v2  }
0x31a: {  	v4 =	vmul.f32 $1.442695020e+00, v4;
	v2 =	vmul.f32 $1.442695020e+00, v3  }
0x31b: {  	v52 =	vmul.f32 $1.442695020e+00, v8  }
0x31c: {  	(erf) = vpow2.f32 v4  }
0x31d: {  	(erf) = vpow2.f32 v52  }
0x31e: {  	(erf) = vpow2.f32 v2;
	v2 =	vpop (erf)  }
0x31f: {  	v3 =	vpop (erf)  }
0x320: {  	v2 =	vadd.f32 $1.000000000e+00, v2;
	v53 =	vpop (erf)  }
0x321: {  	v3 =	vadd.f32 $1.000000000e+00, v3;
	v54 =	vpop (erf)  }
0x322: {  	(erf) = vrcp.f32 v2;
	v55 =	vpop (erf)  }
0x323: {  	v2 =	vadd.f32 $1.000000000e+00, v53;
	(erf) = vrcp.f32 v3;
	v3 =	vadd.f32 $1.000000000e+00, v55  }
0x324: {  	v4 =	vadd.f32 $1.000000000e+00, v54  }
0x325: {  	v56 =	vpop (erf);
	(erf) = vrcp.f32 v2  }
0x326: {  	v2 =	vadd.f32 $1.000000000e+00, v56;
	v57 =	vpop (erf);
	(erf) = vrcp.f32 v4  }
0x327: {  	(erf) = vrcp.f32 v3;
	v3 =	vpop (erf)  }
0x328: {  	(erf) = vrcp.f32 v2;
	v2 =	vadd.f32 $1.000000000e+00, v3  }
0x329: {  	v58 =	vadd.f32 $1.000000000e+00, v57;
	_ =	sdelay $0x1  }
0x32a: {  	(erf) = vrcp.f32 v58  }
0x32b: {  	(erf) = vrcp.f32 v2;
	v2 =	vpop (erf)  }
0x32c: {  	v3 =	vpop (erf)  }
0x32d: {  	v3 =	vadd.f32 v3, v3  }
0x32e: {  	v2 =	vadd.f32 v2, v2  }
0x32f: {  	v59 =	vpop (erf);
	v3 =	vsub.f32 $1.000000000e+00, v3  }
0x330: {  	v2 =	vsub.f32 $1.000000000e+00, v2;
	v4 =	vadd.f32 v59, v59;
	v60 =	vpop (erf)  }
0x331: {  	v5 =	vadd.f32 v60, v60;
	v61 =	vpop (erf)  }
0x332: {  	[tilespmem:s10+$0x17E70] =	vst v2;
	v2 =	vadd.f32 v61, v61;
	v4 =	vsub.f32 $1.000000000e+00, v4;
	v62 =	vpop (erf)  }
0x333: {  	v6 =	vadd.f32 v62, v62;
	v5 =	vsub.f32 $1.000000000e+00, v5;
	[tilespmem:s10+$0x17E50] =	vst v3;
	v3 =	vpop (erf)  }
0x334: {  	v2 =	vsub.f32 $1.000000000e+00, v2;
	[tilespmem:s10+$0x17E40] =	vst v4;
	v3 =	vadd.f32 v3, v3;
	v63 =	vpop (erf)  }
.Ltmp7:
0x335: {  	v6 =	vsub.f32 $1.000000000e+00, v6;
	[tilespmem:s10+$0x17E30] =	vst v5;
	v4 =	vadd.f32 v63, v63;
	(pc) =	sbr.rel .LBB2_26-.Ltmp7, $4  }
0x336: {  	[tilespmem:s10+$0x17E10] =	vst v2;
	v3 =	vsub.f32 $1.000000000e+00, v3  }
0x337: {  	[tilespmem:s10+$0x17E20] =	vst v6;
	v2 =	vsub.f32 $1.000000000e+00, v4  }
0x338: {  	[tilespmem:s10+$0x17E00] =	vst v3  }
0x339: {  	[tilespmem:s10+$0x17E60] =	vst v2  }
.LBB2_4:
0x33a: {  	[tilespmem:s13], [sflag:$0x1] =	stream.indirect.gather [hbm4b:s7+s3], $0x80, s19, s3, $0xb8;
	[tilespmem:$0x1BA00] =	vst v63  }
0x33b: {  	s10 =	simm.s32 $0x15600  }
0x33c: {  	[tilespmem:s10], [sflag:$0x1] =	stream.indirect.gather [hbm4b:s8+s3], $0x80, s21, s3, $0xb8;
	[tilespmem:$0x1BA00] =	vst v63  }
0x33d: {  	s31 =	simm.s32 $0x0;
	s25 =	rddreg [dreg:$0x8]  }
0x33e: {  	[tilespmem:s12], [sflag:$0x1] =	stream.linear.gather [hbm4b:s25+s31], $0x1400, $0x38;
	[tilespmem:$0x1BA00] =	vst v63  }
0x33f: {  	s25 =	simm.s32 $0x0  }
.LBB2_5:
0x340: {  	s11 =	smul.u32 $0x50, s25  }
0x341: {  	s10 =	rddreg [dreg:$0x9]  }
0x342: {  	s10 =	sadd.s32 s11, s10  }
0x343: {  	s14 =	sshrl.u32 s10, $0x3  }
0x344: {  	s15 =	sadd.s32 s4, s14  }
0x345: {  	[tilespmem:s16], [sflag:$0x3] =	stream.linear.gather [hbm4b:s15+s31], $0x28, $0x38;
	[tilespmem:$0x1BA00] =	vst v63  }
0x346: {  	_ =	swait.ge [sflag:s18], $0x28  }
0x347: {  	[sflag:s18] =	ssyncset.done $0x0  }
0x348: {  	s14 =	sadd.s32 s5, s14;
	[sflag:s18] =	ssyncadd.s32 $0xFFFFFFD8  }
0x349: {  	[tilespmem:s17], [sflag:$0x3] =	stream.linear.gather [hbm4b:s14+s31], $0x28, $0x38;
	[tilespmem:$0x1BA00] =	vst v63  }
0x34a: {  	_ =	swait.ge [sflag:s18], $0x28  }
0x34b: {  	[sflag:s18] =	ssyncset.done $0x0  }
0x34c: {  	[sflag:s18] =	ssyncadd.s32 $0xFFFFFFD8  }
0x34d: {  	[tilespmem:s22], [sflag:$0x2] =	stream.indirect.gather [hbm4b:s7+s3], $0x80, s16, s3, $0xb8;
	[tilespmem:$0x1BA00] =	vst v63  }
0x34e: {  	s23 =	simm.s32 $0x19200;
	s10 =	sshll.u32 s10, $0x4  }
0x34f: {  	[tilespmem:s23], [sflag:$0x2] =	stream.indirect.gather [hbm4b:s8+s3], $0x80, s17, s3, $0xb8;
	[tilespmem:$0x1BA00] =	vst v63  }
0x350: {  	s24 =	simm.s32 $0x1A600;
	s10 =	sadd.s32 s6, s10  }
0x351: {  	[tilespmem:s24], [sflag:$0x2] =	stream.linear.gather [hbm4b:s10+s31], $0x1400, $0x38;
	[tilespmem:$0x1BA00] =	vst v63  }
0x352: {  	_ =	swait.ge [sflag:s0], $0x1400  }
0x353: {  	[sflag:s0] =	ssyncset.done $0x0  }
0x354: {  	[sflag:s0] =	ssyncadd.s32 $0xFFFFEC00  }
0x355: {  	_ =	swait.ge [sflag:s0], $0x1400  }
0x356: {  	[sflag:s0] =	ssyncset.done $0x0  }
0x357: {  	[sflag:s0] =	ssyncadd.s32 $0xFFFFEC00  }
0x358: {  	_ =	swait.ge [sflag:s0], $0x1400  }
0x359: {  	[sflag:s0] =	ssyncset.done $0x0  }
0x35a: {  	s23 =	simm.s32 $0x0;
	[sflag:s0] =	ssyncadd.s32 $0xFFFFEC00  }
0x35b: {  	v2 =	vld [tilespmem:s23+$0x16A10]  }
0x35c: {  	v3 =	vld [tilespmem:s23+$0x16A30]  }
0x35d: {  	v4 =	vld [tilespmem:s23+$0x16A40]  }
0x35e: {  	v5 =	vld [tilespmem:s23+$0x15610]  }
0x35f: {  	v6 =	vld [tilespmem:s23+$0x16A50]  }
0x360: {  	v7 =	vld [tilespmem:s23+$0x15630]  }
0x361: {  	v8 =	vld [tilespmem:s23+$0x15650]  }
0x362: {  	v9 =	vld [tilespmem:s23+$0x15670]  }
0x363: {  	v10 =	vld [tilespmem:s23+$0x14270]  }
0x364: {  	v11 =	vld [tilespmem:s23+$0x15640]  }
0x365: {  	v12 =	vld [tilespmem:s23+$0x16A70]  }
0x366: {  	v13 =	vld [tilespmem:s23+$0x14250]  }
0x367: {  	v14 =	vld [tilespmem:s23+$0x14240]  }
0x368: {  	v15 =	vld [tilespmem:s23+$0x14230]  }
0x369: {  	v16 =	vld [tilespmem:s23+$0x15600]  }
0x36a: {  	v17 =	vld [tilespmem:s23+$0x15620]  }
0x36b: {  	v58 =	vld [tilespmem:s23+$0x14210];
	v9 =	vadd.f32 v9, v10  }
0x36c: {  	v59 =	vld [tilespmem:s23+$0x14220];
	v8 =	vadd.f32 v8, v13  }
0x36d: {  	v60 =	vld [tilespmem:s23+$0x14200];
	v11 =	vadd.f32 v11, v14;
	v9 =	vadd.f32 v12, v9  }
0x36e: {  	v61 =	vld [tilespmem:s23+$0x16A20];
	v7 =	vadd.f32 v7, v15;
	v6 =	vadd.f32 v6, v8  }
0x36f: {  	v62 =	vld [tilespmem:s23+$0x15660];
	v4 =	vadd.f32 v4, v11;
	v9 =	vmul.f32 $1.442695020e+00, v9  }
0x370: {  	v63 =	vld [tilespmem:s23+$0x16A00];
	v3 =	vadd.f32 v3, v7;
	v6 =	vmul.f32 $1.442695020e+00, v6  }
0x371: {  	v7 =	vld [tilespmem:s23+$0x14260];
	v4 =	vmul.f32 $1.442695020e+00, v4;
	(erf) = vpow2.f32 v9  }
0x372: {  	v5 =	vadd.f32 v5, v58;
	v3 =	vmul.f32 $1.442695020e+00, v3;
	(erf) = vpow2.f32 v6  }
0x373: {  	v6 =	vld [tilespmem:s23+$0x16A60];
	(erf) = vpow2.f32 v4;
	v4 =	vadd.f32 v17, v59  }
0x374: {  	v2 =	vadd.f32 v2, v5;
	(erf) = vpow2.f32 v3;
	v3 =	vadd.f32 v16, v60  }
0x375: {  	v4 =	vadd.f32 v61, v4  }
0x376: {  	v2 =	vmul.f32 $1.442695020e+00, v2;
	v5 =	vadd.f32 v62, v7;
	v3 =	vadd.f32 v63, v3  }
0x377: {  	v4 =	vmul.f32 $1.442695020e+00, v4  }
0x378: {  	(erf) = vpow2.f32 v2;
	v5 =	vadd.f32 v6, v5;
	v3 =	vmul.f32 $1.442695020e+00, v3  }
0x379: {  	(erf) = vpow2.f32 v4  }
0x37a: {  	v2 =	vmul.f32 $1.442695020e+00, v5;
	(erf) = vpow2.f32 v3  }
0x37b: {  	v4 =	vpop (erf)  }
0x37c: {  	v3 =	vadd.f32 $1.000000000e+00, v4  }
0x37d: {  	(erf) = vpow2.f32 v2;
	v4 =	vpop (erf)  }
0x37e: {  	v2 =	vpop (erf);
	(erf) = vrcp.f32 v3  }
0x37f: {  	s10 =	simm.s32 $0x200;
	s24 =	simm.s32 $0x400;
	v3 =	vadd.f32 $1.000000000e+00, v4;
	v2 =	vadd.f32 $1.000000000e+00, v2;
	v4 =	vpop (erf)  }
.LBB2_6:
0x380: {  	p1 =	sne.s32 s24, $0x4E00  }
0x381: {  	s14 =	sshra.s32 s10, $0x2;
	v4 =	vadd.f32 $1.000000000e+00, v4;
	v5 =	vpop (erf);
	(erf) = vrcp.f32 v3;
	s10 =	smov.u32 s24;
	s24 =	sadd.s32 $0x200, s24  }
0x382: {  	v3 =	vld [tilespmem:s14+$0x16A10];
	v5 =	vadd.f32 $1.000000000e+00, v5;
	v6 =	vpop (erf);
	(erf) = vrcp.f32 v2  }
0x383: {  	v2 =	vld [tilespmem:s14+$0x16A30];
	v6 =	vadd.f32 $1.000000000e+00, v6;
	v7 =	vpop (erf);
	(erf) = vrcp.f32 v4  }
0x384: {  	v4 =	vld [tilespmem:s14+$0x16A40];
	v8 =	vadd.f32 $1.000000000e+00, v7;
	(erf) = vrcp.f32 v5  }
0x385: {  	v5 =	vld [tilespmem:s14+$0x15610];
	(erf) = vrcp.f32 v6  }
0x386: {  	v6 =	vld [tilespmem:s14+$0x16A50];
	(erf) = vrcp.f32 v8;
	v7 =	vpop (erf)  }
0x387: {  	v8 =	vld [tilespmem:s14+$0x15600];
	v7 =	vadd.f32 $1.000000000e+00, v7;
	v9 =	vpop (erf)  }
0x388: {  	v10 =	vld [tilespmem:s14+$0x15620];
	v9 =	vadd.f32 v9, v9  }
0x389: {  	v11 =	vld [tilespmem:s14+$0x15630];
	(erf) = vrcp.f32 v7  }
0x38a: {  	v7 =	vld [tilespmem:s14+$0x15650];
	v16 =	vsub.f32 $1.000000000e+00, v9;
	v12 =	vpop (erf)  }
0x38b: {  	v13 =	vld [tilespmem:s14+$0x15670];
	v12 =	vadd.f32 v12, v12;
	v14 =	vpop (erf)  }
0x38c: {  	v15 =	vld [tilespmem:s14+$0x16A00];
	v14 =	vadd.f32 v14, v14;
	[tilespmem:s23+$0x14270] =	vst v16;
	v9 =	vpop (erf)  }
0x38d: {  	v16 =	vld [tilespmem:s14+$0x14270];
	v9 =	vadd.f32 v9, v9;
	v21 =	vsub.f32 $1.000000000e+00, v12;
	v17 =	vpop (erf)  }
0x38e: {  	v18 =	vld [tilespmem:s14+$0x15640];
	v17 =	vadd.f32 v17, v17;
	v14 =	vsub.f32 $1.000000000e+00, v14;
	v19 =	vpop (erf)  }
0x38f: {  	v20 =	vld [tilespmem:s14+$0x16A70];
	v19 =	vadd.f32 v19, v19;
	v9 =	vsub.f32 $1.000000000e+00, v9;
	[tilespmem:s23+$0x14250] =	vst v21;
	v12 =	vpop (erf)  }
0x390: {  	v21 =	vld [tilespmem:s14+$0x14250];
	v12 =	vadd.f32 v12, v12;
	v17 =	vsub.f32 $1.000000000e+00, v17;
	[tilespmem:s23+$0x14240] =	vst v14  }
0x391: {  	v14 =	vld [tilespmem:s14+$0x14240];
	v19 =	vsub.f32 $1.000000000e+00, v19;
	[tilespmem:s23+$0x14230] =	vst v9  }
0x392: {  	v9 =	vld [tilespmem:s14+$0x14230];
	v13 =	vadd.f32 v13, v16;
	v12 =	vsub.f32 $1.000000000e+00, v12;
	[tilespmem:s23+$0x14210] =	vst v17;
	v16 =	vpop (erf)  }
0x393: {  	v17 =	vld [tilespmem:s14+$0x14210];
	[tilespmem:s23+$0x14220] =	vst v19;
	v16 =	vadd.f32 v16, v16  }
0x394: {  	v19 =	vld [tilespmem:s14+$0x14220];
	v13 =	vadd.f32 v20, v13;
	[tilespmem:s23+$0x14200] =	vst v12  }
0x395: {  	v12 =	vld [tilespmem:s14+$0x14200];
	v7 =	vadd.f32 v7, v21;
	v16 =	vsub.f32 $1.000000000e+00, v16  }
0x396: {  	v20 =	vld [tilespmem:s14+$0x16A20];
	v14 =	vadd.f32 v18, v14;
	v13 =	vmul.f32 $1.442695020e+00, v13  }
0x397: {  	v9 =	vadd.f32 v11, v9;
	v6 =	vadd.f32 v6, v7;
	v7 =	vld [tilespmem:s14+$0x15660];
	[tilespmem:s23+$0x14260] =	vst v16;
	s23 =	smov.u32 s14  }
0x398: {  	v5 =	vadd.f32 v5, v17;
	v4 =	vadd.f32 v4, v14;
	v11 =	vld [tilespmem:s23+$0x14260];
	(erf) = vpow2.f32 v13  }
0x399: {  	v10 =	vadd.f32 v10, v19;
	v2 =	vadd.f32 v2, v9;
	v6 =	vmul.f32 $1.442695020e+00, v6  }
0x39a: {  	v8 =	vadd.f32 v8, v12;
	v3 =	vadd.f32 v3, v5;
	v4 =	vmul.f32 $1.442695020e+00, v4;
	v5 =	vld [tilespmem:s23+$0x16A60]  }
0x39b: {  	v9 =	vadd.f32 v20, v10;
	v2 =	vmul.f32 $1.442695020e+00, v2;
	(erf) = vpow2.f32 v6  }
0x39c: {  	v6 =	vadd.f32 v15, v8;
	v3 =	vmul.f32 $1.442695020e+00, v3;
	(erf) = vpow2.f32 v4  }
0x39d: {  	v4 =	vmul.f32 $1.442695020e+00, v9;
	v7 =	vadd.f32 v7, v11;
	(erf) = vpow2.f32 v2  }
0x39e: {  	v2 =	vmul.f32 $1.442695020e+00, v6;
	(erf) = vpow2.f32 v3  }
0x39f: {  	v5 =	vadd.f32 v5, v7;
	(erf) = vpow2.f32 v4  }
0x3a0: {  	(erf) = vpow2.f32 v2  }
0x3a1: {  	v4 =	vmul.f32 $1.442695020e+00, v5;
	v3 =	vpop (erf)  }
.Ltmp8:
0x3a2: {  	v3 =	vadd.f32 $1.000000000e+00, v3;
	(pc) =	sbr.rel @p1 .LBB2_6-.Ltmp8, $4  }
0x3a3: {  	(erf) = vpow2.f32 v4  }
0x3a4: {  	v2 =	vpop (erf);
	(erf) = vrcp.f32 v3  }
0x3a5: {  	v3 =	vadd.f32 $1.000000000e+00, v2;
	v2 =	vpop (erf)  }
0x3a6: {  	v2 =	vadd.f32 $1.000000000e+00, v2;
	v4 =	vpop (erf)  }
0x3a7: {  	_ = 	snop  }
0x3a8: {  	v4 =	vadd.f32 $1.000000000e+00, v4  }
0x3a9: {  	s10 =	sshra.s32 s10, $0x2;
	v6 =	vpop (erf)  }
0x3aa: {  	(erf) = vrcp.f32 v3;
	v5 =	vld [tilespmem:s10+$0x16A10];
	v8 =	vpop (erf)  }
0x3ab: {  	v3 =	vld [tilespmem:s10+$0x16A30];
	(erf) = vrcp.f32 v2;
	v9 =	vpop (erf)  }
0x3ac: {  	v7 =	vld [tilespmem:s10+$0x16A40];
	v6 =	vadd.f32 $1.000000000e+00, v6;
	(erf) = vrcp.f32 v4;
	v4 =	vpop (erf)  }
0x3ad: {  	v2 =	vld [tilespmem:s10+$0x15610];
	v12 =	vpop (erf)  }
0x3ae: {  	v10 =	vld [tilespmem:s10+$0x16A50];
	(erf) = vrcp.f32 v6;
	v6 =	vadd.f32 v12, v12  }
0x3af: {  	v11 =	vld [tilespmem:s10+$0x15600]  }
0x3b0: {  	v13 =	vld [tilespmem:s10+$0x15620];
	v8 =	vadd.f32 $1.000000000e+00, v8;
	v6 =	vsub.f32 $1.000000000e+00, v6  }
0x3b1: {  	v37 =	vld [tilespmem:s10+$0x15630]  }
0x3b2: {  	v14 =	vld [tilespmem:s10+$0x15650];
	(erf) = vrcp.f32 v8  }
0x3b3: {  	v38 =	vld [tilespmem:s10+$0x15670];
	v15 =	vpop (erf)  }
0x3b4: {  	v16 =	vld [tilespmem:s10+$0x16A00];
	v9 =	vadd.f32 $1.000000000e+00, v9;
	[tilespmem:s23+$0x14270] =	vst v6;
	v6 =	vpop (erf)  }
0x3b5: {  	v6 =	vadd.f32 v6, v6  }
0x3b6: {  	(erf) = vrcp.f32 v9;
	v39 =	vadd.f32 v15, v15  }
0x3b7: {  	v4 =	vadd.f32 $1.000000000e+00, v4;
	v6 =	vsub.f32 $1.000000000e+00, v6  }
0x3b8: {  	v40 =	vld [tilespmem:s10+$0x14270];
	v9 =	vsub.f32 $1.000000000e+00, v39;
	v18 =	vpop (erf)  }
0x3b9: {  	v17 =	vld [tilespmem:s10+$0x15640];
	(erf) = vrcp.f32 v4;
	v4 =	vadd.f32 v18, v18  }
0x3ba: {  	v19 =	vld [tilespmem:s10+$0x16A70];
	[tilespmem:s23+$0x14250] =	vst v9;
	v41 =	vpop (erf)  }
0x3bb: {  	v42 =	vld [tilespmem:s10+$0x14250];
	v4 =	vsub.f32 $1.000000000e+00, v4;
	[tilespmem:s23+$0x14240] =	vst v6;
	v6 =	vpop (erf)  }
0x3bc: {  	v6 =	vadd.f32 v6, v6  }
0x3bd: {  	v9 =	vadd.f32 v41, v41  }
0x3be: {  	v6 =	vsub.f32 $1.000000000e+00, v6  }
0x3bf: {  	v9 =	vsub.f32 $1.000000000e+00, v9;
	v20 =	vld [tilespmem:s10+$0x14240];
	[tilespmem:s23+$0x14230] =	vst v4;
	v4 =	vpop (erf)  }
0x3c0: {  	v4 =	vadd.f32 v4, v4  }
0x3c1: {  	v21 =	vld [tilespmem:s10+$0x14230];
	[tilespmem:s23+$0x14210] =	vst v9  }
0x3c2: {  	v9 =	vld [tilespmem:s10+$0x14210];
	v4 =	vsub.f32 $1.000000000e+00, v4;
	[tilespmem:s23+$0x14220] =	vst v6;
	v6 =	vpop (erf)  }
0x3c3: {  	v6 =	vadd.f32 v6, v6  }
0x3c4: {  	v22 =	vld [tilespmem:s10+$0x14220];
	[tilespmem:s23+$0x14200] =	vst v4  }
0x3c5: {  	v43 =	vld [tilespmem:s10+$0x14200];
	v6 =	vsub.f32 $1.000000000e+00, v6  }
0x3c6: {  	v4 =	vadd.f32 v38, v40;
	v44 =	vld [tilespmem:s10+$0x16A20]  }
0x3c7: {  	v14 =	vadd.f32 v14, v42;
	v12 =	vadd.f32 v37, v21;
	v45 =	vld [tilespmem:s10+$0x15660];
	[tilespmem:s23+$0x14260] =	vst v6  }
0x3c8: {  	v4 =	vadd.f32 v19, v4;
	v6 =	vadd.f32 v17, v20;
	v46 =	vld [tilespmem:s10+$0x14260]  }
0x3c9: {  	v10 =	vadd.f32 v10, v14;
	v3 =	vadd.f32 v3, v12  }
0x3ca: {  	v2 =	vadd.f32 v2, v9;
	v4 =	vmul.f32 $1.442695020e+00, v4;
	v6 =	vadd.f32 v7, v6;
	v7 =	vld [tilespmem:s10+$0x16A60]  }
0x3cb: {  	v47 =	vmul.f32 $1.442695020e+00, v10;
	v3 =	vmul.f32 $1.442695020e+00, v3  }
0x3cc: {  	v2 =	vadd.f32 v5, v2;
	(erf) = vpow2.f32 v4;
	v5 =	vmul.f32 $1.442695020e+00, v6  }
0x3cd: {  	v4 =	vadd.f32 v13, v22;
	(erf) = vpow2.f32 v47;
	v6 =	vadd.f32 v45, v46  }
0x3ce: {  	v2 =	vmul.f32 $1.442695020e+00, v2;
	v8 =	vadd.f32 v11, v43;
	(erf) = vpow2.f32 v5  }
0x3cf: {  	v4 =	vadd.f32 v44, v4;
	(erf) = vpow2.f32 v3;
	v3 =	vadd.f32 v7, v6  }
0x3d0: {  	v8 =	vadd.f32 v16, v8;
	(erf) = vpow2.f32 v2  }
0x3d1: {  	v4 =	vmul.f32 $1.442695020e+00, v4;
	v2 =	vmul.f32 $1.442695020e+00, v3  }
0x3d2: {  	v5 =	vmul.f32 $1.442695020e+00, v8  }
0x3d3: {  	(erf) = vpow2.f32 v4  }
0x3d4: {  	(erf) = vpow2.f32 v5  }
0x3d5: {  	(erf) = vpow2.f32 v2;
	v2 =	vpop (erf)  }
0x3d6: {  	v2 =	vadd.f32 $1.000000000e+00, v2;
	v3 =	vpop (erf)  }
0x3d7: {  	v4 =	vpop (erf)  }
0x3d8: {  	v3 =	vadd.f32 $1.000000000e+00, v3;
	(erf) = vrcp.f32 v2;
	v2 =	vadd.f32 $1.000000000e+00, v4;
	v4 =	vpop (erf)  }
0x3d9: {  	v5 =	vpop (erf)  }
0x3da: {  	(erf) = vrcp.f32 v3;
	v3 =	vadd.f32 $1.000000000e+00, v5  }
0x3db: {  	v4 =	vadd.f32 $1.000000000e+00, v4  }
0x3dc: {  	v5 =	vpop (erf);
	(erf) = vrcp.f32 v2  }
0x3dd: {  	v2 =	vadd.f32 $1.000000000e+00, v5;
	v5 =	vpop (erf);
	(erf) = vrcp.f32 v4  }
0x3de: {  	(erf) = vrcp.f32 v3;
	v3 =	vpop (erf)  }
0x3df: {  	(erf) = vrcp.f32 v2;
	v2 =	vadd.f32 $1.000000000e+00, v3  }
0x3e0: {  	v4 =	vadd.f32 $1.000000000e+00, v5;
	_ =	sdelay $0x1  }
0x3e1: {  	(erf) = vrcp.f32 v4  }
0x3e2: {  	(erf) = vrcp.f32 v2;
	v2 =	vpop (erf)  }
0x3e3: {  	v3 =	vpop (erf)  }
0x3e4: {  	v3 =	vadd.f32 v3, v3;
	v4 =	vpop (erf)  }
0x3e5: {  	v2 =	vadd.f32 v2, v2;
	v4 =	vadd.f32 v4, v4  }
0x3e6: {  	v3 =	vsub.f32 $1.000000000e+00, v3  }
0x3e7: {  	v2 =	vsub.f32 $1.000000000e+00, v2;
	v5 =	vpop (erf);
	v4 =	vsub.f32 $1.000000000e+00, v4  }
0x3e8: {  	v5 =	vadd.f32 v5, v5;
	v6 =	vpop (erf)  }
0x3e9: {  	[tilespmem:s10+$0x14270] =	vst v2;
	v2 =	vadd.f32 v6, v6;
	v6 =	vpop (erf)  }
0x3ea: {  	v6 =	vadd.f32 v6, v6;
	v5 =	vsub.f32 $1.000000000e+00, v5;
	[tilespmem:s10+$0x14250] =	vst v3;
	v3 =	vpop (erf)  }
0x3eb: {  	v2 =	vsub.f32 $1.000000000e+00, v2;
	[tilespmem:s10+$0x14240] =	vst v4;
	v3 =	vadd.f32 v3, v3;
	v4 =	vpop (erf)  }
0x3ec: {  	v6 =	vsub.f32 $1.000000000e+00, v6;
	[tilespmem:s10+$0x14230] =	vst v5;
	v4 =	vadd.f32 v4, v4  }
0x3ed: {  	[tilespmem:s10+$0x14210] =	vst v2;
	v3 =	vsub.f32 $1.000000000e+00, v3  }
0x3ee: {  	[tilespmem:s10+$0x14220] =	vst v6;
	v2 =	vsub.f32 $1.000000000e+00, v4  }
0x3ef: {  	[tilespmem:s10+$0x14200] =	vst v3  }
0x3f0: {  	[tilespmem:s10+$0x14260] =	vst v2  }
0x3f1: {  	[spmem:s1] =	stream.indirect.scatter.add.f32 [tilespmem:s13], [sflag:$0x3], $0x80, s19, s3, $0xb8;
	[tilespmem:$0x1BA00] =	vst v63  }
0x3f2: {  	_ =	swait.ge [sflag:s18], $0x1400  }
0x3f3: {  	s23 =	rddreg [dreg:$0xa]  }
0x3f4: {  	s10 =	sadd.s32 s11, s23  }
0x3f5: {  	[sflag:s18] =	ssyncset.done $0x0;
	s11 =	sshrl.u32 s10, $0x3  }
0x3f6: {  	s15 =	simm.s32 $0x0;
	[sflag:s18] =	ssyncadd.s32 $0xFFFFEC00;
	s14 =	sadd.s32 s4, s11  }
0x3f7: {  	[tilespmem:s19], [sflag:$0x3] =	stream.linear.gather [hbm4b:s14+s15], $0x28, $0x38;
	[tilespmem:$0x1BA00] =	vst v63  }
0x3f8: {  	_ =	swait.ge [sflag:s18], $0x28  }
0x3f9: {  	[sflag:s18] =	ssyncset.done $0x0  }
0x3fa: {  	s11 =	sadd.s32 s5, s11;
	[sflag:s18] =	ssyncadd.s32 $0xFFFFFFD8  }
0x3fb: {  	[tilespmem:s21], [sflag:$0x3] =	stream.linear.gather [hbm4b:s11+s15], $0x28, $0x38;
	[tilespmem:$0x1BA00] =	vst v63  }
0x3fc: {  	_ =	swait.ge [sflag:s18], $0x28  }
0x3fd: {  	[sflag:s18] =	ssyncset.done $0x0  }
0x3fe: {  	[sflag:s18] =	ssyncadd.s32 $0xFFFFFFD8  }
0x3ff: {  	[tilespmem:s13], [sflag:$0x1] =	stream.indirect.gather [hbm4b:s7+s3], $0x80, s19, s3, $0xb8;
	[tilespmem:$0x1BA00] =	vst v63  }
0x400: {  	s24 =	simm.s32 $0x15600;
	s10 =	sshll.u32 s10, $0x4  }
0x401: {  	[tilespmem:s24], [sflag:$0x1] =	stream.indirect.gather [hbm4b:s8+s3], $0x80, s21, s3, $0xb8;
	[tilespmem:$0x1BA00] =	vst v63  }
0x402: {  	s10 =	sadd.s32 s6, s10  }
0x403: {  	[tilespmem:s12], [sflag:$0x1] =	stream.linear.gather [hbm4b:s10+s15], $0x1400, $0x38;
	[tilespmem:$0x1BA00] =	vst v63  }
0x404: {  	_ =	swait.ge [sflag:s26], $0x1400  }
0x405: {  	[sflag:s26] =	ssyncset.done $0x0  }
0x406: {  	[sflag:s26] =	ssyncadd.s32 $0xFFFFEC00  }
0x407: {  	_ =	swait.ge [sflag:s26], $0x1400  }
0x408: {  	[sflag:s26] =	ssyncset.done $0x0  }
0x409: {  	[sflag:s26] =	ssyncadd.s32 $0xFFFFEC00  }
0x40a: {  	_ =	swait.ge [sflag:s26], $0x1400  }
0x40b: {  	[sflag:s26] =	ssyncset.done $0x0  }
0x40c: {  	s11 =	simm.s32 $0x0;
	[sflag:s26] =	ssyncadd.s32 $0xFFFFEC00  }
0x40d: {  	v2 =	vld [tilespmem:s11+$0x1A610]  }
0x40e: {  	v3 =	vld [tilespmem:s11+$0x1A630]  }
0x40f: {  	v4 =	vld [tilespmem:s11+$0x1A640]  }
0x410: {  	v5 =	vld [tilespmem:s11+$0x19210]  }
0x411: {  	v6 =	vld [tilespmem:s11+$0x1A650]  }
0x412: {  	v7 =	vld [tilespmem:s11+$0x19230]  }
0x413: {  	v48 =	vld [tilespmem:s11+$0x19250]  }
0x414: {  	v49 =	vld [tilespmem:s11+$0x19270]  }
0x415: {  	v50 =	vld [tilespmem:s11+$0x17E70]  }
0x416: {  	v51 =	vld [tilespmem:s11+$0x19240]  }
0x417: {  	v52 =	vld [tilespmem:s11+$0x1A670]  }
0x418: {  	v53 =	vld [tilespmem:s11+$0x17E50]  }
0x419: {  	v54 =	vld [tilespmem:s11+$0x17E40]  }
0x41a: {  	v55 =	vld [tilespmem:s11+$0x17E30]  }
0x41b: {  	v56 =	vld [tilespmem:s11+$0x19200]  }
0x41c: {  	v57 =	vld [tilespmem:s11+$0x19220];
	v9 =	vadd.f32 v49, v50  }
0x41d: {  	v58 =	vld [tilespmem:s11+$0x17E10];
	v8 =	vadd.f32 v48, v53  }
0x41e: {  	v59 =	vld [tilespmem:s11+$0x17E20];
	v11 =	vadd.f32 v51, v54;
	v9 =	vadd.f32 v52, v9  }
0x41f: {  	v60 =	vld [tilespmem:s11+$0x17E00];
	v6 =	vadd.f32 v6, v8  }
0x420: {  	v61 =	vld [tilespmem:s11+$0x1A620];
	v7 =	vadd.f32 v7, v55;
	v4 =	vadd.f32 v4, v11;
	v9 =	vmul.f32 $1.442695020e+00, v9  }
0x421: {  	v62 =	vld [tilespmem:s11+$0x19260];
	v6 =	vmul.f32 $1.442695020e+00, v6  }
0x422: {  	v63 =	vld [tilespmem:s11+$0x1A600];
	v3 =	vadd.f32 v3, v7;
	v4 =	vmul.f32 $1.442695020e+00, v4;
	(erf) = vpow2.f32 v9  }
0x423: {  	v5 =	vadd.f32 v5, v58;
	v7 =	vld [tilespmem:s11+$0x17E60];
	(erf) = vpow2.f32 v6  }
0x424: {  	v3 =	vmul.f32 $1.442695020e+00, v3;
	(erf) = vpow2.f32 v4;
	v4 =	vadd.f32 v57, v59  }
0x425: {  	v2 =	vadd.f32 v2, v5;
	v6 =	vld [tilespmem:s11+$0x1A660]  }
0x426: {  	(erf) = vpow2.f32 v3;
	v3 =	vadd.f32 v56, v60;
	v4 =	vadd.f32 v61, v4  }
0x427: {  	v2 =	vmul.f32 $1.442695020e+00, v2  }
0x428: {  	v5 =	vadd.f32 v62, v7;
	v3 =	vadd.f32 v63, v3;
	v4 =	vmul.f32 $1.442695020e+00, v4;
	_ =	sdelay $0x1  }
0x429: {  	(erf) = vpow2.f32 v2;
	v5 =	vadd.f32 v6, v5;
	v3 =	vmul.f32 $1.442695020e+00, v3  }
0x42a: {  	(erf) = vpow2.f32 v4  }
0x42b: {  	v2 =	vmul.f32 $1.442695020e+00, v5;
	v4 =	vpop (erf);
	(erf) = vpow2.f32 v3;
	_ =	sdelay $0x1  }
0x42c: {  	v3 =	vadd.f32 $1.000000000e+00, v4  }
0x42d: {  	v4 =	vpop (erf);
	(erf) = vpow2.f32 v2  }
0x42e: {  	v2 =	vpop (erf);
	(erf) = vrcp.f32 v3  }
0x42f: {  	s23 =	simm.s32 $0x400;
	s10 =	simm.s32 $0x200;
	v3 =	vadd.f32 $1.000000000e+00, v4;
	v2 =	vadd.f32 $1.000000000e+00, v2;
	v4 =	vpop (erf)  }
.LBB2_8:
0x430: {  	p1 =	sne.s32 s23, $0x4E00  }
0x431: {  	s14 =	sshra.s32 s10, $0x2;
	v4 =	vadd.f32 $1.000000000e+00, v4;
	v5 =	vpop (erf);
	(erf) = vrcp.f32 v3;
	s10 =	smov.u32 s23;
	s23 =	sadd.s32 $0x200, s23  }
0x432: {  	v3 =	vld [tilespmem:s14+$0x1A610];
	v5 =	vadd.f32 $1.000000000e+00, v5;
	v6 =	vpop (erf);
	(erf) = vrcp.f32 v2  }
0x433: {  	v2 =	vld [tilespmem:s14+$0x1A630];
	v6 =	vadd.f32 $1.000000000e+00, v6;
	v7 =	vpop (erf);
	(erf) = vrcp.f32 v4  }
0x434: {  	v4 =	vld [tilespmem:s14+$0x1A640];
	v8 =	vadd.f32 $1.000000000e+00, v7;
	(erf) = vrcp.f32 v5  }
0x435: {  	v5 =	vld [tilespmem:s14+$0x19210];
	(erf) = vrcp.f32 v6  }
0x436: {  	v6 =	vld [tilespmem:s14+$0x1A650];
	(erf) = vrcp.f32 v8;
	v7 =	vpop (erf)  }
0x437: {  	v8 =	vld [tilespmem:s14+$0x19200];
	v7 =	vadd.f32 $1.000000000e+00, v7;
	v9 =	vpop (erf)  }
0x438: {  	v10 =	vld [tilespmem:s14+$0x19220];
	v9 =	vadd.f32 v9, v9  }
0x439: {  	v11 =	vld [tilespmem:s14+$0x19230];
	(erf) = vrcp.f32 v7  }
0x43a: {  	v7 =	vld [tilespmem:s14+$0x19250];
	v16 =	vsub.f32 $1.000000000e+00, v9;
	v12 =	vpop (erf)  }
0x43b: {  	v13 =	vld [tilespmem:s14+$0x19270];
	v12 =	vadd.f32 v12, v12;
	v14 =	vpop (erf)  }
0x43c: {  	v15 =	vld [tilespmem:s14+$0x1A600];
	v14 =	vadd.f32 v14, v14;
	[tilespmem:s11+$0x17E70] =	vst v16;
	v9 =	vpop (erf)  }
0x43d: {  	v16 =	vld [tilespmem:s14+$0x17E70];
	v9 =	vadd.f32 v9, v9;
	v21 =	vsub.f32 $1.000000000e+00, v12;
	v17 =	vpop (erf)  }
0x43e: {  	v18 =	vld [tilespmem:s14+$0x19240];
	v17 =	vadd.f32 v17, v17;
	v14 =	vsub.f32 $1.000000000e+00, v14;
	v19 =	vpop (erf)  }
0x43f: {  	v20 =	vld [tilespmem:s14+$0x1A670];
	v19 =	vadd.f32 v19, v19;
	v9 =	vsub.f32 $1.000000000e+00, v9;
	[tilespmem:s11+$0x17E50] =	vst v21;
	v12 =	vpop (erf)  }
0x440: {  	v21 =	vld [tilespmem:s14+$0x17E50];
	v12 =	vadd.f32 v12, v12;
	v17 =	vsub.f32 $1.000000000e+00, v17;
	[tilespmem:s11+$0x17E40] =	vst v14  }
0x441: {  	v14 =	vld [tilespmem:s14+$0x17E40];
	v19 =	vsub.f32 $1.000000000e+00, v19;
	[tilespmem:s11+$0x17E30] =	vst v9  }
0x442: {  	v9 =	vld [tilespmem:s14+$0x17E30];
	v13 =	vadd.f32 v13, v16;
	v12 =	vsub.f32 $1.000000000e+00, v12;
	[tilespmem:s11+$0x17E10] =	vst v17;
	v16 =	vpop (erf)  }
0x443: {  	v17 =	vld [tilespmem:s14+$0x17E10];
	[tilespmem:s11+$0x17E20] =	vst v19;
	v16 =	vadd.f32 v16, v16  }
0x444: {  	v19 =	vld [tilespmem:s14+$0x17E20];
	v13 =	vadd.f32 v20, v13;
	[tilespmem:s11+$0x17E00] =	vst v12  }
0x445: {  	v12 =	vld [tilespmem:s14+$0x17E00];
	v7 =	vadd.f32 v7, v21;
	v16 =	vsub.f32 $1.000000000e+00, v16  }
0x446: {  	v20 =	vld [tilespmem:s14+$0x1A620];
	v14 =	vadd.f32 v18, v14;
	v13 =	vmul.f32 $1.442695020e+00, v13  }
0x447: {  	v9 =	vadd.f32 v11, v9;
	v6 =	vadd.f32 v6, v7;
	v7 =	vld [tilespmem:s14+$0x19260];
	[tilespmem:s11+$0x17E60] =	vst v16;
	s11 =	smov.u32 s14  }
0x448: {  	v5 =	vadd.f32 v5, v17;
	v4 =	vadd.f32 v4, v14;
	v11 =	vld [tilespmem:s11+$0x17E60];
	(erf) = vpow2.f32 v13  }
0x449: {  	v10 =	vadd.f32 v10, v19;
	v2 =	vadd.f32 v2, v9;
	v6 =	vmul.f32 $1.442695020e+00, v6  }
0x44a: {  	v8 =	vadd.f32 v8, v12;
	v3 =	vadd.f32 v3, v5;
	v4 =	vmul.f32 $1.442695020e+00, v4;
	v5 =	vld [tilespmem:s11+$0x1A660]  }
0x44b: {  	v9 =	vadd.f32 v20, v10;
	v2 =	vmul.f32 $1.442695020e+00, v2;
	(erf) = vpow2.f32 v6  }
0x44c: {  	v6 =	vadd.f32 v15, v8;
	v3 =	vmul.f32 $1.442695020e+00, v3;
	(erf) = vpow2.f32 v4  }
0x44d: {  	v4 =	vmul.f32 $1.442695020e+00, v9;
	v7 =	vadd.f32 v7, v11;
	(erf) = vpow2.f32 v2  }
0x44e: {  	v2 =	vmul.f32 $1.442695020e+00, v6;
	(erf) = vpow2.f32 v3  }
0x44f: {  	v5 =	vadd.f32 v5, v7;
	(erf) = vpow2.f32 v4  }
0x450: {  	(erf) = vpow2.f32 v2  }
0x451: {  	v4 =	vmul.f32 $1.442695020e+00, v5;
	v3 =	vpop (erf)  }
.Ltmp9:
0x452: {  	v3 =	vadd.f32 $1.000000000e+00, v3;
	(pc) =	sbr.rel @p1 .LBB2_8-.Ltmp9, $4  }
0x453: {  	(erf) = vpow2.f32 v4  }
0x454: {  	v2 =	vpop (erf);
	(erf) = vrcp.f32 v3  }
0x455: {  	v3 =	vadd.f32 $1.000000000e+00, v2;
	v2 =	vpop (erf)  }
0x456: {  	v2 =	vadd.f32 $1.000000000e+00, v2;
	v4 =	vpop (erf)  }
0x457: {  	(erf) = vrcp.f32 v3;
	v6 =	vpop (erf);
	v4 =	vadd.f32 $1.000000000e+00, v4  }
0x458: {  	v8 =	vpop (erf);
	(erf) = vrcp.f32 v2  }
0x459: {  	s10 =	sshra.s32 s10, $0x2;
	(erf) = vrcp.f32 v4  }
0x45a: {  	v5 =	vld [tilespmem:s10+$0x1A610]  }
0x45b: {  	v3 =	vld [tilespmem:s10+$0x1A630];
	v6 =	vadd.f32 $1.000000000e+00, v6;
	v9 =	vpop (erf)  }
0x45c: {  	v7 =	vld [tilespmem:s10+$0x1A640];
	v8 =	vadd.f32 $1.000000000e+00, v8;
	v28 =	vpop (erf)  }
0x45d: {  	v2 =	vld [tilespmem:s10+$0x19210];
	v9 =	vadd.f32 $1.000000000e+00, v9;
	v12 =	vpop (erf);
	(erf) = vrcp.f32 v6  }
0x45e: {  	v10 =	vld [tilespmem:s10+$0x1A650];
	(erf) = vrcp.f32 v8  }
0x45f: {  	v11 =	vld [tilespmem:s10+$0x19200];
	(erf) = vrcp.f32 v9  }
0x460: {  	v13 =	vld [tilespmem:s10+$0x19220];
	v4 =	vadd.f32 $1.000000000e+00, v28;
	v29 =	vadd.f32 v12, v12;
	v15 =	vpop (erf)  }
0x461: {  	v30 =	vld [tilespmem:s10+$0x19230];
	v33 =	vpop (erf)  }
0x462: {  	v14 =	vld [tilespmem:s10+$0x19250];
	v6 =	vsub.f32 $1.000000000e+00, v29;
	v18 =	vpop (erf);
	(erf) = vrcp.f32 v4  }
0x463: {  	v31 =	vld [tilespmem:s10+$0x19270];
	v32 =	vadd.f32 v15, v15  }
0x464: {  	v16 =	vld [tilespmem:s10+$0x1A600];
	[tilespmem:s11+$0x17E70] =	vst v6;
	v6 =	vadd.f32 v33, v33  }
0x465: {  	v34 =	vld [tilespmem:s10+$0x17E70];
	v9 =	vsub.f32 $1.000000000e+00, v32;
	v35 =	vadd.f32 v18, v18  }
0x466: {  	v17 =	vld [tilespmem:s10+$0x19240];
	v6 =	vsub.f32 $1.000000000e+00, v6;
	v36 =	vpop (erf)  }
0x467: {  	v19 =	vld [tilespmem:s10+$0x1A670];
	[tilespmem:s11+$0x17E50] =	vst v9;
	v4 =	vsub.f32 $1.000000000e+00, v35;
	v9 =	vadd.f32 v36, v36;
	v38 =	vpop (erf)  }
0x468: {  	v37 =	vld [tilespmem:s10+$0x17E50];
	[tilespmem:s11+$0x17E40] =	vst v6;
	v6 =	vadd.f32 v38, v38;
	v39 =	vpop (erf)  }
0x469: {  	v20 =	vld [tilespmem:s10+$0x17E40];
	[tilespmem:s11+$0x17E30] =	vst v4;
	v9 =	vsub.f32 $1.000000000e+00, v9;
	v4 =	vadd.f32 v39, v39  }
0x46a: {  	v6 =	vsub.f32 $1.000000000e+00, v6  }
0x46b: {  	v21 =	vld [tilespmem:s10+$0x17E30];
	[tilespmem:s11+$0x17E10] =	vst v9;
	v4 =	vsub.f32 $1.000000000e+00, v4;
	v40 =	vpop (erf)  }
0x46c: {  	v9 =	vld [tilespmem:s10+$0x17E10];
	[tilespmem:s11+$0x17E20] =	vst v6;
	v6 =	vadd.f32 v40, v40  }
0x46d: {  	v22 =	vld [tilespmem:s10+$0x17E20];
	[tilespmem:s11+$0x17E00] =	vst v4  }
0x46e: {  	v41 =	vadd.f32 v31, v34;
	v42 =	vld [tilespmem:s10+$0x17E00];
	v6 =	vsub.f32 $1.000000000e+00, v6  }
0x46f: {  	v14 =	vadd.f32 v14, v37;
	v43 =	vld [tilespmem:s10+$0x1A620]  }
0x470: {  	v4 =	vadd.f32 v19, v41;
	v12 =	vadd.f32 v30, v21;
	v44 =	vld [tilespmem:s10+$0x19260];
	[tilespmem:s11+$0x17E60] =	vst v6  }
0x471: {  	v45 =	vadd.f32 v17, v20;
	v46 =	vld [tilespmem:s10+$0x17E60]  }
0x472: {  	v10 =	vadd.f32 v10, v14;
	v4 =	vmul.f32 $1.442695020e+00, v4;
	v3 =	vadd.f32 v3, v12  }
0x473: {  	v6 =	vadd.f32 v7, v45;
	v2 =	vadd.f32 v2, v9;
	v48 =	vld [tilespmem:s10+$0x1A660]  }
0x474: {  	v49 =	vmul.f32 $1.442695020e+00, v10;
	(erf) = vpow2.f32 v4  }
0x475: {  	v3 =	vmul.f32 $1.442695020e+00, v3;
	v50 =	vmul.f32 $1.442695020e+00, v6;
	v2 =	vadd.f32 v5, v2  }
0x476: {  	v47 =	vadd.f32 v13, v22;
	(erf) = vpow2.f32 v49;
	v51 =	vadd.f32 v44, v46  }
0x477: {  	v8 =	vadd.f32 v11, v42;
	(erf) = vpow2.f32 v50;
	v2 =	vmul.f32 $1.442695020e+00, v2  }
0x478: {  	v4 =	vadd.f32 v43, v47;
	(erf) = vpow2.f32 v3;
	v3 =	vadd.f32 v48, v51  }
0x479: {  	v8 =	vadd.f32 v16, v8;
	(erf) = vpow2.f32 v2  }
0x47a: {  	v4 =	vmul.f32 $1.442695020e+00, v4;
	v2 =	vmul.f32 $1.442695020e+00, v3  }
0x47b: {  	v52 =	vmul.f32 $1.442695020e+00, v8  }
0x47c: {  	(erf) = vpow2.f32 v4  }
0x47d: {  	(erf) = vpow2.f32 v52  }
0x47e: {  	(erf) = vpow2.f32 v2;
	v2 =	vpop (erf)  }
0x47f: {  	v3 =	vpop (erf)  }
0x480: {  	v2 =	vadd.f32 $1.000000000e+00, v2;
	v53 =	vpop (erf)  }
0x481: {  	v3 =	vadd.f32 $1.000000000e+00, v3;
	v54 =	vpop (erf)  }
0x482: {  	(erf) = vrcp.f32 v2;
	v55 =	vpop (erf)  }
0x483: {  	v2 =	vadd.f32 $1.000000000e+00, v53;
	(erf) = vrcp.f32 v3;
	v3 =	vadd.f32 $1.000000000e+00, v55  }
0x484: {  	v4 =	vadd.f32 $1.000000000e+00, v54  }
0x485: {  	v56 =	vpop (erf);
	(erf) = vrcp.f32 v2  }
0x486: {  	v2 =	vadd.f32 $1.000000000e+00, v56;
	v57 =	vpop (erf);
	(erf) = vrcp.f32 v4  }
0x487: {  	(erf) = vrcp.f32 v3;
	v3 =	vpop (erf)  }
0x488: {  	(erf) = vrcp.f32 v2;
	v2 =	vadd.f32 $1.000000000e+00, v3  }
0x489: {  	v58 =	vadd.f32 $1.000000000e+00, v57;
	_ =	sdelay $0x1  }
0x48a: {  	(erf) = vrcp.f32 v58  }
0x48b: {  	(erf) = vrcp.f32 v2;
	v2 =	vpop (erf)  }
0x48c: {  	v3 =	vpop (erf)  }
0x48d: {  	v3 =	vadd.f32 v3, v3  }
0x48e: {  	v2 =	vadd.f32 v2, v2  }
0x48f: {  	v59 =	vpop (erf);
	v3 =	vsub.f32 $1.000000000e+00, v3  }
0x490: {  	v2 =	vsub.f32 $1.000000000e+00, v2;
	v4 =	vadd.f32 v59, v59;
	v60 =	vpop (erf)  }
0x491: {  	v5 =	vadd.f32 v60, v60;
	v61 =	vpop (erf)  }
0x492: {  	[tilespmem:s10+$0x17E70] =	vst v2;
	v2 =	vadd.f32 v61, v61;
	v4 =	vsub.f32 $1.000000000e+00, v4;
	v62 =	vpop (erf)  }
0x493: {  	v6 =	vadd.f32 v62, v62;
	v5 =	vsub.f32 $1.000000000e+00, v5;
	[tilespmem:s10+$0x17E50] =	vst v3;
	v3 =	vpop (erf)  }
0x494: {  	v2 =	vsub.f32 $1.000000000e+00, v2;
	[tilespmem:s10+$0x17E40] =	vst v4;
	v3 =	vadd.f32 v3, v3;
	v63 =	vpop (erf)  }
0x495: {  	v6 =	vsub.f32 $1.000000000e+00, v6;
	[tilespmem:s10+$0x17E30] =	vst v5;
	v4 =	vadd.f32 v63, v63  }
0x496: {  	[tilespmem:s10+$0x17E10] =	vst v2;
	v3 =	vsub.f32 $1.000000000e+00, v3  }
0x497: {  	s25 =	sadd.s32 $0x1, s25;
	[tilespmem:s10+$0x17E20] =	vst v6;
	v2 =	vsub.f32 $1.000000000e+00, v4  }
0x498: {  	p1 =	sne.s32 s25, $0xF9;
	[tilespmem:s10+$0x17E00] =	vst v3  }
.Ltmp10:
0x499: {  	[tilespmem:s10+$0x17E60] =	vst v2;
	(pc) =	sbr.rel @p1 .LBB2_5-.Ltmp10, $4  }
0x49a: {  	[spmem:s1] =	stream.indirect.scatter.add.f32 [tilespmem:s22], [sflag:$0x3], $0x80, s16, s3, $0xb8;
	[tilespmem:$0x1BA00] =	vst v63  }
0x49b: {  	_ =	swait.ge [sflag:s18], $0x1400  }
0x49c: {  	[sflag:s18] =	ssyncset.done $0x0  }
0x49d: {  	[sflag:s18] =	ssyncadd.s32 $0xFFFFEC00  }
0x49e: {  	s10 =	simm.s32 $0x0;
	s6 =	rddreg [dreg:$0xb]  }
0x49f: {  	[tilespmem:s16], [sflag:$0x3] =	stream.linear.gather [hbm4b:s6+s10], $0x28, $0x38;
	[tilespmem:$0x1BA00] =	vst v63  }
0x4a0: {  	_ =	swait.ge [sflag:s18], $0x28  }
0x4a1: {  	[sflag:s18] =	ssyncset.done $0x0  }
0x4a2: {  	s23 =	rddreg [dreg:$0xc];
	[sflag:s18] =	ssyncadd.s32 $0xFFFFFFD8  }
0x4a3: {  	[tilespmem:s17], [sflag:$0x3] =	stream.linear.gather [hbm4b:s23+s10], $0x28, $0x38;
	[tilespmem:$0x1BA00] =	vst v63  }
0x4a4: {  	_ =	swait.ge [sflag:s18], $0x28  }
0x4a5: {  	[sflag:s18] =	ssyncset.done $0x0  }
0x4a6: {  	[sflag:s18] =	ssyncadd.s32 $0xFFFFFFD8  }
0x4a7: {  	[tilespmem:s22], [sflag:$0x2] =	stream.indirect.gather [hbm4b:s7+s3], $0x80, s16, s3, $0xb8;
	[tilespmem:$0x1BA00] =	vst v63  }
0x4a8: {  	s24 =	simm.s32 $0x19200  }
0x4a9: {  	[tilespmem:s24], [sflag:$0x2] =	stream.indirect.gather [hbm4b:s8+s3], $0x80, s17, s3, $0xb8;
	[tilespmem:$0x1BA00] =	vst v63  }
0x4aa: {  	s31 =	simm.s32 $0x1A600;
	s25 =	rddreg [dreg:$0xd]  }
0x4ab: {  	[tilespmem:s31], [sflag:$0x2] =	stream.linear.gather [hbm4b:s25+s10], $0x1400, $0x38;
	[tilespmem:$0x1BA00] =	vst v63  }
0x4ac: {  	_ =	swait.ge [sflag:s0], $0x1400  }
0x4ad: {  	[sflag:s0] =	ssyncset.done $0x0  }
0x4ae: {  	[sflag:s0] =	ssyncadd.s32 $0xFFFFEC00  }
0x4af: {  	_ =	swait.ge [sflag:s0], $0x1400  }
0x4b0: {  	[sflag:s0] =	ssyncset.done $0x0  }
0x4b1: {  	[sflag:s0] =	ssyncadd.s32 $0xFFFFEC00  }
0x4b2: {  	_ =	swait.ge [sflag:s0], $0x1400  }
0x4b3: {  	[sflag:s0] =	ssyncset.done $0x0  }
0x4b4: {  	s11 =	simm.s32 $0x0;
	[sflag:s0] =	ssyncadd.s32 $0xFFFFEC00  }
0x4b5: {  	v2 =	vld [tilespmem:s11+$0x16A10]  }
0x4b6: {  	v3 =	vld [tilespmem:s11+$0x16A30]  }
0x4b7: {  	v4 =	vld [tilespmem:s11+$0x16A40]  }
0x4b8: {  	v5 =	vld [tilespmem:s11+$0x15610]  }
0x4b9: {  	v6 =	vld [tilespmem:s11+$0x16A50]  }
0x4ba: {  	v7 =	vld [tilespmem:s11+$0x15630]  }
0x4bb: {  	v8 =	vld [tilespmem:s11+$0x15650]  }
0x4bc: {  	v9 =	vld [tilespmem:s11+$0x15670]  }
0x4bd: {  	v10 =	vld [tilespmem:s11+$0x14270]  }
0x4be: {  	v11 =	vld [tilespmem:s11+$0x15640]  }
0x4bf: {  	v12 =	vld [tilespmem:s11+$0x16A70]  }
0x4c0: {  	v13 =	vld [tilespmem:s11+$0x14250]  }
0x4c1: {  	v14 =	vld [tilespmem:s11+$0x14240]  }
0x4c2: {  	v15 =	vld [tilespmem:s11+$0x14230]  }
0x4c3: {  	v16 =	vld [tilespmem:s11+$0x15600]  }
0x4c4: {  	v17 =	vld [tilespmem:s11+$0x15620]  }
0x4c5: {  	v58 =	vld [tilespmem:s11+$0x14210];
	v9 =	vadd.f32 v9, v10  }
0x4c6: {  	v59 =	vld [tilespmem:s11+$0x14220];
	v8 =	vadd.f32 v8, v13  }
0x4c7: {  	v60 =	vld [tilespmem:s11+$0x14200];
	v11 =	vadd.f32 v11, v14;
	v9 =	vadd.f32 v12, v9  }
0x4c8: {  	v61 =	vld [tilespmem:s11+$0x16A20];
	v7 =	vadd.f32 v7, v15;
	v6 =	vadd.f32 v6, v8  }
0x4c9: {  	v62 =	vld [tilespmem:s11+$0x15660];
	v4 =	vadd.f32 v4, v11;
	v9 =	vmul.f32 $1.442695020e+00, v9  }
0x4ca: {  	v63 =	vld [tilespmem:s11+$0x16A00];
	v3 =	vadd.f32 v3, v7;
	v6 =	vmul.f32 $1.442695020e+00, v6  }
0x4cb: {  	v7 =	vld [tilespmem:s11+$0x14260];
	v4 =	vmul.f32 $1.442695020e+00, v4;
	(erf) = vpow2.f32 v9  }
0x4cc: {  	v5 =	vadd.f32 v5, v58;
	v3 =	vmul.f32 $1.442695020e+00, v3;
	(erf) = vpow2.f32 v6  }
0x4cd: {  	v6 =	vld [tilespmem:s11+$0x16A60];
	(erf) = vpow2.f32 v4;
	v4 =	vadd.f32 v17, v59  }
0x4ce: {  	v2 =	vadd.f32 v2, v5;
	(erf) = vpow2.f32 v3;
	v3 =	vadd.f32 v16, v60  }
0x4cf: {  	v4 =	vadd.f32 v61, v4  }
0x4d0: {  	v2 =	vmul.f32 $1.442695020e+00, v2;
	v5 =	vadd.f32 v62, v7;
	v3 =	vadd.f32 v63, v3  }
0x4d1: {  	v4 =	vmul.f32 $1.442695020e+00, v4  }
0x4d2: {  	(erf) = vpow2.f32 v2;
	v5 =	vadd.f32 v6, v5;
	v3 =	vmul.f32 $1.442695020e+00, v3  }
0x4d3: {  	(erf) = vpow2.f32 v4  }
0x4d4: {  	v2 =	vmul.f32 $1.442695020e+00, v5;
	(erf) = vpow2.f32 v3  }
0x4d5: {  	v4 =	vpop (erf)  }
0x4d6: {  	v3 =	vadd.f32 $1.000000000e+00, v4  }
0x4d7: {  	(erf) = vpow2.f32 v2;
	v4 =	vpop (erf)  }
0x4d8: {  	v2 =	vpop (erf);
	(erf) = vrcp.f32 v3  }
0x4d9: {  	s23 =	simm.s32 $0x400;
	s10 =	simm.s32 $0x200;
	v3 =	vadd.f32 $1.000000000e+00, v4;
	v2 =	vadd.f32 $1.000000000e+00, v2;
	v4 =	vpop (erf)  }
.LBB2_11:
0x4da: {  	p1 =	sne.s32 s23, $0x4E00  }
0x4db: {  	s14 =	sshra.s32 s10, $0x2;
	v4 =	vadd.f32 $1.000000000e+00, v4;
	v5 =	vpop (erf);
	(erf) = vrcp.f32 v3;
	s10 =	smov.u32 s23;
	s23 =	sadd.s32 $0x200, s23  }
0x4dc: {  	v3 =	vld [tilespmem:s14+$0x16A10];
	v5 =	vadd.f32 $1.000000000e+00, v5;
	v6 =	vpop (erf);
	(erf) = vrcp.f32 v2  }
0x4dd: {  	v2 =	vld [tilespmem:s14+$0x16A30];
	v6 =	vadd.f32 $1.000000000e+00, v6;
	v7 =	vpop (erf);
	(erf) = vrcp.f32 v4  }
0x4de: {  	v4 =	vld [tilespmem:s14+$0x16A40];
	v8 =	vadd.f32 $1.000000000e+00, v7;
	(erf) = vrcp.f32 v5  }
0x4df: {  	v5 =	vld [tilespmem:s14+$0x15610];
	(erf) = vrcp.f32 v6  }
0x4e0: {  	v6 =	vld [tilespmem:s14+$0x16A50];
	(erf) = vrcp.f32 v8;
	v7 =	vpop (erf)  }
0x4e1: {  	v8 =	vld [tilespmem:s14+$0x15600];
	v7 =	vadd.f32 $1.000000000e+00, v7;
	v9 =	vpop (erf)  }
0x4e2: {  	v10 =	vld [tilespmem:s14+$0x15620];
	v9 =	vadd.f32 v9, v9  }
0x4e3: {  	v11 =	vld [tilespmem:s14+$0x15630];
	(erf) = vrcp.f32 v7  }
0x4e4: {  	v7 =	vld [tilespmem:s14+$0x15650];
	v16 =	vsub.f32 $1.000000000e+00, v9;
	v12 =	vpop (erf)  }
0x4e5: {  	v13 =	vld [tilespmem:s14+$0x15670];
	v12 =	vadd.f32 v12, v12;
	v14 =	vpop (erf)  }
0x4e6: {  	v15 =	vld [tilespmem:s14+$0x16A00];
	v14 =	vadd.f32 v14, v14;
	[tilespmem:s11+$0x14270] =	vst v16;
	v9 =	vpop (erf)  }
0x4e7: {  	v16 =	vld [tilespmem:s14+$0x14270];
	v9 =	vadd.f32 v9, v9;
	v21 =	vsub.f32 $1.000000000e+00, v12;
	v17 =	vpop (erf)  }
0x4e8: {  	v18 =	vld [tilespmem:s14+$0x15640];
	v17 =	vadd.f32 v17, v17;
	v14 =	vsub.f32 $1.000000000e+00, v14;
	v19 =	vpop (erf)  }
0x4e9: {  	v20 =	vld [tilespmem:s14+$0x16A70];
	v19 =	vadd.f32 v19, v19;
	v9 =	vsub.f32 $1.000000000e+00, v9;
	[tilespmem:s11+$0x14250] =	vst v21;
	v12 =	vpop (erf)  }
0x4ea: {  	v21 =	vld [tilespmem:s14+$0x14250];
	v12 =	vadd.f32 v12, v12;
	v17 =	vsub.f32 $1.000000000e+00, v17;
	[tilespmem:s11+$0x14240] =	vst v14  }
0x4eb: {  	v14 =	vld [tilespmem:s14+$0x14240];
	v19 =	vsub.f32 $1.000000000e+00, v19;
	[tilespmem:s11+$0x14230] =	vst v9  }
0x4ec: {  	v9 =	vld [tilespmem:s14+$0x14230];
	v13 =	vadd.f32 v13, v16;
	v12 =	vsub.f32 $1.000000000e+00, v12;
	[tilespmem:s11+$0x14210] =	vst v17;
	v16 =	vpop (erf)  }
0x4ed: {  	v17 =	vld [tilespmem:s14+$0x14210];
	[tilespmem:s11+$0x14220] =	vst v19;
	v16 =	vadd.f32 v16, v16  }
0x4ee: {  	v19 =	vld [tilespmem:s14+$0x14220];
	v13 =	vadd.f32 v20, v13;
	[tilespmem:s11+$0x14200] =	vst v12  }
0x4ef: {  	v12 =	vld [tilespmem:s14+$0x14200];
	v7 =	vadd.f32 v7, v21;
	v16 =	vsub.f32 $1.000000000e+00, v16  }
0x4f0: {  	v20 =	vld [tilespmem:s14+$0x16A20];
	v14 =	vadd.f32 v18, v14;
	v13 =	vmul.f32 $1.442695020e+00, v13  }
0x4f1: {  	v9 =	vadd.f32 v11, v9;
	v6 =	vadd.f32 v6, v7;
	v7 =	vld [tilespmem:s14+$0x15660];
	[tilespmem:s11+$0x14260] =	vst v16;
	s11 =	smov.u32 s14  }
0x4f2: {  	v5 =	vadd.f32 v5, v17;
	v4 =	vadd.f32 v4, v14;
	v11 =	vld [tilespmem:s11+$0x14260];
	(erf) = vpow2.f32 v13  }
0x4f3: {  	v10 =	vadd.f32 v10, v19;
	v2 =	vadd.f32 v2, v9;
	v6 =	vmul.f32 $1.442695020e+00, v6  }
0x4f4: {  	v8 =	vadd.f32 v8, v12;
	v3 =	vadd.f32 v3, v5;
	v4 =	vmul.f32 $1.442695020e+00, v4;
	v5 =	vld [tilespmem:s11+$0x16A60]  }
0x4f5: {  	v9 =	vadd.f32 v20, v10;
	v2 =	vmul.f32 $1.442695020e+00, v2;
	(erf) = vpow2.f32 v6  }
0x4f6: {  	v6 =	vadd.f32 v15, v8;
	v3 =	vmul.f32 $1.442695020e+00, v3;
	(erf) = vpow2.f32 v4  }
0x4f7: {  	v4 =	vmul.f32 $1.442695020e+00, v9;
	v7 =	vadd.f32 v7, v11;
	(erf) = vpow2.f32 v2  }
0x4f8: {  	v2 =	vmul.f32 $1.442695020e+00, v6;
	(erf) = vpow2.f32 v3  }
0x4f9: {  	v5 =	vadd.f32 v5, v7;
	(erf) = vpow2.f32 v4  }
0x4fa: {  	(erf) = vpow2.f32 v2  }
0x4fb: {  	v4 =	vmul.f32 $1.442695020e+00, v5;
	v3 =	vpop (erf)  }
.Ltmp11:
0x4fc: {  	v3 =	vadd.f32 $1.000000000e+00, v3;
	(pc) =	sbr.rel @p1 .LBB2_11-.Ltmp11, $4  }
0x4fd: {  	(erf) = vpow2.f32 v4  }
0x4fe: {  	v2 =	vpop (erf);
	(erf) = vrcp.f32 v3  }
0x4ff: {  	v3 =	vadd.f32 $1.000000000e+00, v2;
	v2 =	vpop (erf)  }
0x500: {  	v2 =	vadd.f32 $1.000000000e+00, v2;
	v4 =	vpop (erf)  }
0x501: {  	_ = 	snop  }
0x502: {  	v4 =	vadd.f32 $1.000000000e+00, v4  }
0x503: {  	s10 =	sshra.s32 s10, $0x2;
	v6 =	vpop (erf)  }
0x504: {  	(erf) = vrcp.f32 v3;
	v5 =	vld [tilespmem:s10+$0x16A10];
	v8 =	vpop (erf)  }
0x505: {  	v3 =	vld [tilespmem:s10+$0x16A30];
	(erf) = vrcp.f32 v2;
	v9 =	vpop (erf)  }
0x506: {  	v7 =	vld [tilespmem:s10+$0x16A40];
	v6 =	vadd.f32 $1.000000000e+00, v6;
	(erf) = vrcp.f32 v4;
	v4 =	vpop (erf)  }
0x507: {  	v2 =	vld [tilespmem:s10+$0x15610];
	v12 =	vpop (erf)  }
0x508: {  	v10 =	vld [tilespmem:s10+$0x16A50];
	(erf) = vrcp.f32 v6;
	v6 =	vadd.f32 v12, v12  }
0x509: {  	v11 =	vld [tilespmem:s10+$0x15600]  }
0x50a: {  	v13 =	vld [tilespmem:s10+$0x15620];
	v8 =	vadd.f32 $1.000000000e+00, v8;
	v6 =	vsub.f32 $1.000000000e+00, v6  }
0x50b: {  	v37 =	vld [tilespmem:s10+$0x15630]  }
0x50c: {  	v14 =	vld [tilespmem:s10+$0x15650];
	(erf) = vrcp.f32 v8  }
0x50d: {  	v38 =	vld [tilespmem:s10+$0x15670];
	v15 =	vpop (erf)  }
0x50e: {  	v16 =	vld [tilespmem:s10+$0x16A00];
	v9 =	vadd.f32 $1.000000000e+00, v9;
	[tilespmem:s11+$0x14270] =	vst v6;
	v6 =	vpop (erf)  }
0x50f: {  	v6 =	vadd.f32 v6, v6  }
0x510: {  	(erf) = vrcp.f32 v9;
	v39 =	vadd.f32 v15, v15  }
0x511: {  	v4 =	vadd.f32 $1.000000000e+00, v4;
	v6 =	vsub.f32 $1.000000000e+00, v6  }
0x512: {  	v40 =	vld [tilespmem:s10+$0x14270];
	v9 =	vsub.f32 $1.000000000e+00, v39;
	v18 =	vpop (erf)  }
0x513: {  	v17 =	vld [tilespmem:s10+$0x15640];
	(erf) = vrcp.f32 v4;
	v4 =	vadd.f32 v18, v18  }
0x514: {  	v19 =	vld [tilespmem:s10+$0x16A70];
	[tilespmem:s11+$0x14250] =	vst v9;
	v41 =	vpop (erf)  }
0x515: {  	v42 =	vld [tilespmem:s10+$0x14250];
	v4 =	vsub.f32 $1.000000000e+00, v4;
	[tilespmem:s11+$0x14240] =	vst v6;
	v6 =	vpop (erf)  }
0x516: {  	v6 =	vadd.f32 v6, v6  }
0x517: {  	v9 =	vadd.f32 v41, v41  }
0x518: {  	v6 =	vsub.f32 $1.000000000e+00, v6  }
0x519: {  	v9 =	vsub.f32 $1.000000000e+00, v9;
	v20 =	vld [tilespmem:s10+$0x14240];
	[tilespmem:s11+$0x14230] =	vst v4;
	v4 =	vpop (erf)  }
0x51a: {  	v4 =	vadd.f32 v4, v4  }
0x51b: {  	v21 =	vld [tilespmem:s10+$0x14230];
	[tilespmem:s11+$0x14210] =	vst v9  }
0x51c: {  	v9 =	vld [tilespmem:s10+$0x14210];
	v4 =	vsub.f32 $1.000000000e+00, v4;
	[tilespmem:s11+$0x14220] =	vst v6;
	v6 =	vpop (erf)  }
0x51d: {  	v6 =	vadd.f32 v6, v6  }
0x51e: {  	v22 =	vld [tilespmem:s10+$0x14220];
	[tilespmem:s11+$0x14200] =	vst v4  }
0x51f: {  	v43 =	vld [tilespmem:s10+$0x14200];
	v6 =	vsub.f32 $1.000000000e+00, v6  }
0x520: {  	v4 =	vadd.f32 v38, v40;
	v44 =	vld [tilespmem:s10+$0x16A20]  }
0x521: {  	v14 =	vadd.f32 v14, v42;
	v12 =	vadd.f32 v37, v21;
	v45 =	vld [tilespmem:s10+$0x15660];
	[tilespmem:s11+$0x14260] =	vst v6  }
0x522: {  	v4 =	vadd.f32 v19, v4;
	v6 =	vadd.f32 v17, v20;
	v46 =	vld [tilespmem:s10+$0x14260]  }
0x523: {  	v10 =	vadd.f32 v10, v14;
	v3 =	vadd.f32 v3, v12  }
0x524: {  	v2 =	vadd.f32 v2, v9;
	v4 =	vmul.f32 $1.442695020e+00, v4;
	v6 =	vadd.f32 v7, v6;
	v7 =	vld [tilespmem:s10+$0x16A60]  }
0x525: {  	v47 =	vmul.f32 $1.442695020e+00, v10;
	v3 =	vmul.f32 $1.442695020e+00, v3  }
0x526: {  	v2 =	vadd.f32 v5, v2;
	(erf) = vpow2.f32 v4;
	v5 =	vmul.f32 $1.442695020e+00, v6  }
0x527: {  	v4 =	vadd.f32 v13, v22;
	(erf) = vpow2.f32 v47;
	v6 =	vadd.f32 v45, v46  }
0x528: {  	v2 =	vmul.f32 $1.442695020e+00, v2;
	v8 =	vadd.f32 v11, v43;
	(erf) = vpow2.f32 v5  }
0x529: {  	v4 =	vadd.f32 v44, v4;
	(erf) = vpow2.f32 v3;
	v3 =	vadd.f32 v7, v6  }
0x52a: {  	v8 =	vadd.f32 v16, v8;
	(erf) = vpow2.f32 v2  }
0x52b: {  	v4 =	vmul.f32 $1.442695020e+00, v4;
	v2 =	vmul.f32 $1.442695020e+00, v3  }
0x52c: {  	v5 =	vmul.f32 $1.442695020e+00, v8  }
0x52d: {  	(erf) = vpow2.f32 v4  }
0x52e: {  	(erf) = vpow2.f32 v5  }
0x52f: {  	(erf) = vpow2.f32 v2;
	v2 =	vpop (erf)  }
0x530: {  	v2 =	vadd.f32 $1.000000000e+00, v2;
	v3 =	vpop (erf)  }
0x531: {  	v4 =	vpop (erf)  }
0x532: {  	v3 =	vadd.f32 $1.000000000e+00, v3;
	(erf) = vrcp.f32 v2;
	v2 =	vadd.f32 $1.000000000e+00, v4;
	v4 =	vpop (erf)  }
0x533: {  	v5 =	vpop (erf)  }
0x534: {  	(erf) = vrcp.f32 v3;
	v3 =	vadd.f32 $1.000000000e+00, v5  }
0x535: {  	v4 =	vadd.f32 $1.000000000e+00, v4  }
0x536: {  	v5 =	vpop (erf);
	(erf) = vrcp.f32 v2  }
0x537: {  	v2 =	vadd.f32 $1.000000000e+00, v5;
	v5 =	vpop (erf);
	(erf) = vrcp.f32 v4  }
0x538: {  	(erf) = vrcp.f32 v3;
	v3 =	vpop (erf)  }
0x539: {  	(erf) = vrcp.f32 v2;
	v2 =	vadd.f32 $1.000000000e+00, v3  }
0x53a: {  	v4 =	vadd.f32 $1.000000000e+00, v5;
	_ =	sdelay $0x1  }
0x53b: {  	(erf) = vrcp.f32 v4  }
0x53c: {  	(erf) = vrcp.f32 v2;
	v2 =	vpop (erf)  }
0x53d: {  	v3 =	vpop (erf)  }
0x53e: {  	v3 =	vadd.f32 v3, v3;
	v4 =	vpop (erf)  }
0x53f: {  	v2 =	vadd.f32 v2, v2;
	v4 =	vadd.f32 v4, v4  }
0x540: {  	v3 =	vsub.f32 $1.000000000e+00, v3  }
0x541: {  	v2 =	vsub.f32 $1.000000000e+00, v2;
	v5 =	vpop (erf);
	v4 =	vsub.f32 $1.000000000e+00, v4  }
0x542: {  	v5 =	vadd.f32 v5, v5;
	v6 =	vpop (erf)  }
0x543: {  	[tilespmem:s10+$0x14270] =	vst v2;
	v2 =	vadd.f32 v6, v6;
	v6 =	vpop (erf)  }
0x544: {  	v6 =	vadd.f32 v6, v6;
	v5 =	vsub.f32 $1.000000000e+00, v5;
	[tilespmem:s10+$0x14250] =	vst v3;
	v3 =	vpop (erf)  }
0x545: {  	v2 =	vsub.f32 $1.000000000e+00, v2;
	[tilespmem:s10+$0x14240] =	vst v4;
	v3 =	vadd.f32 v3, v3;
	v4 =	vpop (erf)  }
0x546: {  	v6 =	vsub.f32 $1.000000000e+00, v6;
	[tilespmem:s10+$0x14230] =	vst v5;
	v4 =	vadd.f32 v4, v4  }
0x547: {  	[tilespmem:s10+$0x14210] =	vst v2;
	v3 =	vsub.f32 $1.000000000e+00, v3  }
0x548: {  	[tilespmem:s10+$0x14220] =	vst v6;
	v2 =	vsub.f32 $1.000000000e+00, v4  }
0x549: {  	[tilespmem:s10+$0x14200] =	vst v3  }
0x54a: {  	[tilespmem:s10+$0x14260] =	vst v2  }
0x54b: {  	[spmem:s1] =	stream.indirect.scatter.add.f32 [tilespmem:s13], [sflag:$0x3], $0x80, s19, s3, $0xb8;
	[tilespmem:$0x1BA00] =	vst v63  }
0x54c: {  	_ =	swait.ge [sflag:s18], $0x1400  }
0x54d: {  	[sflag:s18] =	ssyncset.done $0x0  }
0x54e: {  	[sflag:s18] =	ssyncadd.s32 $0xFFFFEC00  }
0x54f: {  	_ =	swait.ge [sflag:s26], $0x1400  }
0x550: {  	[sflag:s26] =	ssyncset.done $0x0  }
0x551: {  	[sflag:s26] =	ssyncadd.s32 $0xFFFFEC00  }
0x552: {  	_ =	swait.ge [sflag:s26], $0x1400  }
0x553: {  	[sflag:s26] =	ssyncset.done $0x0  }
0x554: {  	[sflag:s26] =	ssyncadd.s32 $0xFFFFEC00  }
0x555: {  	_ =	swait.ge [sflag:s26], $0x1400  }
0x556: {  	[sflag:s26] =	ssyncset.done $0x0  }
0x557: {  	s11 =	simm.s32 $0x0;
	[sflag:s26] =	ssyncadd.s32 $0xFFFFEC00  }
0x558: {  	v2 =	vld [tilespmem:s11+$0x1A610]  }
0x559: {  	v3 =	vld [tilespmem:s11+$0x1A630]  }
0x55a: {  	v4 =	vld [tilespmem:s11+$0x1A640]  }
0x55b: {  	v5 =	vld [tilespmem:s11+$0x19210]  }
0x55c: {  	v6 =	vld [tilespmem:s11+$0x1A650]  }
0x55d: {  	v7 =	vld [tilespmem:s11+$0x19230]  }
0x55e: {  	v48 =	vld [tilespmem:s11+$0x19250]  }
0x55f: {  	v49 =	vld [tilespmem:s11+$0x19270]  }
0x560: {  	v50 =	vld [tilespmem:s11+$0x17E70]  }
0x561: {  	v51 =	vld [tilespmem:s11+$0x19240]  }
0x562: {  	v52 =	vld [tilespmem:s11+$0x1A670]  }
0x563: {  	v53 =	vld [tilespmem:s11+$0x17E50]  }
0x564: {  	v54 =	vld [tilespmem:s11+$0x17E40]  }
0x565: {  	v55 =	vld [tilespmem:s11+$0x17E30]  }
0x566: {  	v56 =	vld [tilespmem:s11+$0x19200]  }
0x567: {  	v57 =	vld [tilespmem:s11+$0x19220];
	v9 =	vadd.f32 v49, v50  }
0x568: {  	v58 =	vld [tilespmem:s11+$0x17E10];
	v8 =	vadd.f32 v48, v53  }
0x569: {  	v59 =	vld [tilespmem:s11+$0x17E20];
	v11 =	vadd.f32 v51, v54;
	v9 =	vadd.f32 v52, v9  }
0x56a: {  	v60 =	vld [tilespmem:s11+$0x17E00];
	v6 =	vadd.f32 v6, v8  }
0x56b: {  	v61 =	vld [tilespmem:s11+$0x1A620];
	v7 =	vadd.f32 v7, v55;
	v4 =	vadd.f32 v4, v11;
	v9 =	vmul.f32 $1.442695020e+00, v9  }
0x56c: {  	v62 =	vld [tilespmem:s11+$0x19260];
	v6 =	vmul.f32 $1.442695020e+00, v6  }
0x56d: {  	v63 =	vld [tilespmem:s11+$0x1A600];
	v3 =	vadd.f32 v3, v7;
	v4 =	vmul.f32 $1.442695020e+00, v4;
	(erf) = vpow2.f32 v9  }
0x56e: {  	v5 =	vadd.f32 v5, v58;
	v7 =	vld [tilespmem:s11+$0x17E60];
	(erf) = vpow2.f32 v6  }
0x56f: {  	v3 =	vmul.f32 $1.442695020e+00, v3;
	(erf) = vpow2.f32 v4;
	v4 =	vadd.f32 v57, v59  }
0x570: {  	v2 =	vadd.f32 v2, v5;
	v6 =	vld [tilespmem:s11+$0x1A660]  }
0x571: {  	(erf) = vpow2.f32 v3;
	v3 =	vadd.f32 v56, v60;
	v4 =	vadd.f32 v61, v4  }
0x572: {  	v2 =	vmul.f32 $1.442695020e+00, v2  }
0x573: {  	v5 =	vadd.f32 v62, v7;
	v3 =	vadd.f32 v63, v3;
	v4 =	vmul.f32 $1.442695020e+00, v4;
	_ =	sdelay $0x1  }
0x574: {  	(erf) = vpow2.f32 v2;
	v5 =	vadd.f32 v6, v5;
	v3 =	vmul.f32 $1.442695020e+00, v3  }
0x575: {  	(erf) = vpow2.f32 v4  }
0x576: {  	v2 =	vmul.f32 $1.442695020e+00, v5;
	v4 =	vpop (erf);
	(erf) = vpow2.f32 v3;
	_ =	sdelay $0x1  }
0x577: {  	v3 =	vadd.f32 $1.000000000e+00, v4  }
0x578: {  	v4 =	vpop (erf);
	(erf) = vpow2.f32 v2  }
0x579: {  	v2 =	vpop (erf);
	(erf) = vrcp.f32 v3  }
0x57a: {  	s23 =	simm.s32 $0x400;
	s10 =	simm.s32 $0x200;
	v3 =	vadd.f32 $1.000000000e+00, v4;
	v2 =	vadd.f32 $1.000000000e+00, v2;
	v4 =	vpop (erf)  }
.LBB2_13:
0x57b: {  	p1 =	seq.s32 s23, $0x4E00  }
0x57c: {  	s14 =	sshra.s32 s10, $0x2;
	v4 =	vadd.f32 $1.000000000e+00, v4;
	v5 =	vpop (erf);
	(erf) = vrcp.f32 v3;
	s10 =	smov.u32 s23;
	s23 =	sadd.s32 $0x200, s23  }
0x57d: {  	v3 =	vld [tilespmem:s14+$0x1A610];
	v5 =	vadd.f32 $1.000000000e+00, v5;
	v6 =	vpop (erf);
	(erf) = vrcp.f32 v2  }
0x57e: {  	v2 =	vld [tilespmem:s14+$0x1A630];
	v6 =	vadd.f32 $1.000000000e+00, v6;
	v7 =	vpop (erf);
	(erf) = vrcp.f32 v4  }
0x57f: {  	v4 =	vld [tilespmem:s14+$0x1A640];
	v8 =	vadd.f32 $1.000000000e+00, v7;
	(erf) = vrcp.f32 v5  }
0x580: {  	v5 =	vld [tilespmem:s14+$0x19210];
	(erf) = vrcp.f32 v6  }
0x581: {  	v6 =	vld [tilespmem:s14+$0x1A650];
	(erf) = vrcp.f32 v8;
	v7 =	vpop (erf)  }
0x582: {  	v8 =	vld [tilespmem:s14+$0x19200];
	v7 =	vadd.f32 $1.000000000e+00, v7;
	v9 =	vpop (erf)  }
0x583: {  	v10 =	vld [tilespmem:s14+$0x19220];
	v9 =	vadd.f32 v9, v9  }
0x584: {  	v11 =	vld [tilespmem:s14+$0x19230];
	(erf) = vrcp.f32 v7  }
0x585: {  	v7 =	vld [tilespmem:s14+$0x19250];
	v16 =	vsub.f32 $1.000000000e+00, v9;
	v12 =	vpop (erf)  }
0x586: {  	v13 =	vld [tilespmem:s14+$0x19270];
	v12 =	vadd.f32 v12, v12;
	v14 =	vpop (erf)  }
0x587: {  	v15 =	vld [tilespmem:s14+$0x1A600];
	v14 =	vadd.f32 v14, v14;
	[tilespmem:s11+$0x17E70] =	vst v16;
	v9 =	vpop (erf)  }
0x588: {  	v16 =	vld [tilespmem:s14+$0x17E70];
	v9 =	vadd.f32 v9, v9;
	v21 =	vsub.f32 $1.000000000e+00, v12;
	v17 =	vpop (erf)  }
0x589: {  	v18 =	vld [tilespmem:s14+$0x19240];
	v17 =	vadd.f32 v17, v17;
	v14 =	vsub.f32 $1.000000000e+00, v14;
	v19 =	vpop (erf)  }
0x58a: {  	v20 =	vld [tilespmem:s14+$0x1A670];
	v19 =	vadd.f32 v19, v19;
	v9 =	vsub.f32 $1.000000000e+00, v9;
	[tilespmem:s11+$0x17E50] =	vst v21;
	v12 =	vpop (erf)  }
0x58b: {  	v21 =	vld [tilespmem:s14+$0x17E50];
	v12 =	vadd.f32 v12, v12;
	v17 =	vsub.f32 $1.000000000e+00, v17;
	[tilespmem:s11+$0x17E40] =	vst v14  }
0x58c: {  	v14 =	vld [tilespmem:s14+$0x17E40];
	v19 =	vsub.f32 $1.000000000e+00, v19;
	[tilespmem:s11+$0x17E30] =	vst v9  }
0x58d: {  	v9 =	vld [tilespmem:s14+$0x17E30];
	v13 =	vadd.f32 v13, v16;
	v12 =	vsub.f32 $1.000000000e+00, v12;
	[tilespmem:s11+$0x17E10] =	vst v17;
	v16 =	vpop (erf)  }
0x58e: {  	v17 =	vld [tilespmem:s14+$0x17E10];
	[tilespmem:s11+$0x17E20] =	vst v19;
	v16 =	vadd.f32 v16, v16  }
0x58f: {  	v19 =	vld [tilespmem:s14+$0x17E20];
	v13 =	vadd.f32 v20, v13;
	[tilespmem:s11+$0x17E00] =	vst v12  }
0x590: {  	v12 =	vld [tilespmem:s14+$0x17E00];
	v7 =	vadd.f32 v7, v21;
	v16 =	vsub.f32 $1.000000000e+00, v16  }
0x591: {  	v20 =	vld [tilespmem:s14+$0x1A620];
	v14 =	vadd.f32 v18, v14;
	v13 =	vmul.f32 $1.442695020e+00, v13  }
0x592: {  	v9 =	vadd.f32 v11, v9;
	v6 =	vadd.f32 v6, v7;
	v7 =	vld [tilespmem:s14+$0x19260];
	[tilespmem:s11+$0x17E60] =	vst v16;
	s11 =	smov.u32 s14  }
0x593: {  	v5 =	vadd.f32 v5, v17;
	v4 =	vadd.f32 v4, v14;
	v11 =	vld [tilespmem:s11+$0x17E60];
	(erf) = vpow2.f32 v13  }
0x594: {  	v10 =	vadd.f32 v10, v19;
	v2 =	vadd.f32 v2, v9;
	v6 =	vmul.f32 $1.442695020e+00, v6  }
0x595: {  	v8 =	vadd.f32 v8, v12;
	v3 =	vadd.f32 v3, v5;
	v4 =	vmul.f32 $1.442695020e+00, v4;
	v5 =	vld [tilespmem:s11+$0x1A660]  }
0x596: {  	v9 =	vadd.f32 v20, v10;
	v2 =	vmul.f32 $1.442695020e+00, v2;
	(erf) = vpow2.f32 v6  }
0x597: {  	v6 =	vadd.f32 v15, v8;
	v3 =	vmul.f32 $1.442695020e+00, v3;
	(erf) = vpow2.f32 v4  }
0x598: {  	v4 =	vmul.f32 $1.442695020e+00, v9;
	v7 =	vadd.f32 v7, v11;
	(erf) = vpow2.f32 v2  }
0x599: {  	v2 =	vmul.f32 $1.442695020e+00, v6;
	(erf) = vpow2.f32 v3  }
0x59a: {  	v5 =	vadd.f32 v5, v7;
	(erf) = vpow2.f32 v4  }
0x59b: {  	(erf) = vpow2.f32 v2  }
0x59c: {  	v4 =	vmul.f32 $1.442695020e+00, v5;
	v3 =	vpop (erf)  }
.Ltmp12:
0x59d: {  	v3 =	vadd.f32 $1.000000000e+00, v3;
	(pc) =	sbr.rel @!p1 .LBB2_13-.Ltmp12, $4  }
0x59e: {  	(erf) = vpow2.f32 v4  }
0x59f: {  	v2 =	vpop (erf);
	(erf) = vrcp.f32 v3  }
0x5a0: {  	v3 =	vadd.f32 $1.000000000e+00, v2;
	v2 =	vpop (erf)  }
0x5a1: {  	v2 =	vadd.f32 $1.000000000e+00, v2;
	v4 =	vpop (erf)  }
0x5a2: {  	(erf) = vrcp.f32 v3;
	v6 =	vpop (erf);
	v4 =	vadd.f32 $1.000000000e+00, v4  }
0x5a3: {  	v8 =	vpop (erf);
	(erf) = vrcp.f32 v2  }
0x5a4: {  	s10 =	sshra.s32 s10, $0x2;
	(erf) = vrcp.f32 v4  }
0x5a5: {  	v5 =	vld [tilespmem:s10+$0x1A610]  }
0x5a6: {  	v3 =	vld [tilespmem:s10+$0x1A630];
	v6 =	vadd.f32 $1.000000000e+00, v6;
	v9 =	vpop (erf)  }
0x5a7: {  	v7 =	vld [tilespmem:s10+$0x1A640];
	v8 =	vadd.f32 $1.000000000e+00, v8;
	v28 =	vpop (erf)  }
0x5a8: {  	v2 =	vld [tilespmem:s10+$0x19210];
	v9 =	vadd.f32 $1.000000000e+00, v9;
	v12 =	vpop (erf);
	(erf) = vrcp.f32 v6  }
0x5a9: {  	v10 =	vld [tilespmem:s10+$0x1A650];
	(erf) = vrcp.f32 v8  }
0x5aa: {  	v11 =	vld [tilespmem:s10+$0x19200];
	(erf) = vrcp.f32 v9  }
0x5ab: {  	v13 =	vld [tilespmem:s10+$0x19220];
	v4 =	vadd.f32 $1.000000000e+00, v28;
	v29 =	vadd.f32 v12, v12;
	v15 =	vpop (erf)  }
0x5ac: {  	v30 =	vld [tilespmem:s10+$0x19230];
	v33 =	vpop (erf)  }
0x5ad: {  	v14 =	vld [tilespmem:s10+$0x19250];
	v6 =	vsub.f32 $1.000000000e+00, v29;
	v18 =	vpop (erf);
	(erf) = vrcp.f32 v4  }
0x5ae: {  	v31 =	vld [tilespmem:s10+$0x19270];
	v32 =	vadd.f32 v15, v15  }
0x5af: {  	v16 =	vld [tilespmem:s10+$0x1A600];
	[tilespmem:s11+$0x17E70] =	vst v6;
	v6 =	vadd.f32 v33, v33  }
0x5b0: {  	v34 =	vld [tilespmem:s10+$0x17E70];
	v9 =	vsub.f32 $1.000000000e+00, v32;
	v35 =	vadd.f32 v18, v18  }
0x5b1: {  	v17 =	vld [tilespmem:s10+$0x19240];
	v6 =	vsub.f32 $1.000000000e+00, v6;
	v36 =	vpop (erf)  }
0x5b2: {  	v19 =	vld [tilespmem:s10+$0x1A670];
	[tilespmem:s11+$0x17E50] =	vst v9;
	v4 =	vsub.f32 $1.000000000e+00, v35;
	v9 =	vadd.f32 v36, v36;
	v38 =	vpop (erf)  }
0x5b3: {  	v37 =	vld [tilespmem:s10+$0x17E50];
	[tilespmem:s11+$0x17E40] =	vst v6;
	v6 =	vadd.f32 v38, v38;
	v39 =	vpop (erf)  }
0x5b4: {  	v20 =	vld [tilespmem:s10+$0x17E40];
	[tilespmem:s11+$0x17E30] =	vst v4;
	v9 =	vsub.f32 $1.000000000e+00, v9;
	v4 =	vadd.f32 v39, v39  }
0x5b5: {  	v6 =	vsub.f32 $1.000000000e+00, v6  }
0x5b6: {  	v21 =	vld [tilespmem:s10+$0x17E30];
	[tilespmem:s11+$0x17E10] =	vst v9;
	v4 =	vsub.f32 $1.000000000e+00, v4;
	v40 =	vpop (erf)  }
0x5b7: {  	v9 =	vld [tilespmem:s10+$0x17E10];
	[tilespmem:s11+$0x17E20] =	vst v6;
	v6 =	vadd.f32 v40, v40  }
0x5b8: {  	v22 =	vld [tilespmem:s10+$0x17E20];
	[tilespmem:s11+$0x17E00] =	vst v4  }
0x5b9: {  	v41 =	vadd.f32 v31, v34;
	v42 =	vld [tilespmem:s10+$0x17E00];
	v6 =	vsub.f32 $1.000000000e+00, v6  }
0x5ba: {  	v14 =	vadd.f32 v14, v37;
	v43 =	vld [tilespmem:s10+$0x1A620]  }
0x5bb: {  	v4 =	vadd.f32 v19, v41;
	v12 =	vadd.f32 v30, v21;
	v44 =	vld [tilespmem:s10+$0x19260];
	[tilespmem:s11+$0x17E60] =	vst v6  }
0x5bc: {  	v45 =	vadd.f32 v17, v20;
	v46 =	vld [tilespmem:s10+$0x17E60]  }
0x5bd: {  	v10 =	vadd.f32 v10, v14;
	v4 =	vmul.f32 $1.442695020e+00, v4;
	v3 =	vadd.f32 v3, v12  }
0x5be: {  	v6 =	vadd.f32 v7, v45;
	v2 =	vadd.f32 v2, v9;
	v48 =	vld [tilespmem:s10+$0x1A660]  }
0x5bf: {  	v49 =	vmul.f32 $1.442695020e+00, v10;
	(erf) = vpow2.f32 v4  }
0x5c0: {  	v3 =	vmul.f32 $1.442695020e+00, v3;
	v50 =	vmul.f32 $1.442695020e+00, v6;
	v2 =	vadd.f32 v5, v2  }
0x5c1: {  	v47 =	vadd.f32 v13, v22;
	(erf) = vpow2.f32 v49;
	v51 =	vadd.f32 v44, v46  }
0x5c2: {  	v8 =	vadd.f32 v11, v42;
	(erf) = vpow2.f32 v50;
	v2 =	vmul.f32 $1.442695020e+00, v2  }
0x5c3: {  	v4 =	vadd.f32 v43, v47;
	(erf) = vpow2.f32 v3;
	v3 =	vadd.f32 v48, v51  }
0x5c4: {  	v8 =	vadd.f32 v16, v8;
	(erf) = vpow2.f32 v2  }
0x5c5: {  	v4 =	vmul.f32 $1.442695020e+00, v4;
	v2 =	vmul.f32 $1.442695020e+00, v3  }
0x5c6: {  	v52 =	vmul.f32 $1.442695020e+00, v8  }
0x5c7: {  	(erf) = vpow2.f32 v4  }
0x5c8: {  	(erf) = vpow2.f32 v52  }
0x5c9: {  	(erf) = vpow2.f32 v2;
	v2 =	vpop (erf)  }
0x5ca: {  	v3 =	vpop (erf)  }
0x5cb: {  	v2 =	vadd.f32 $1.000000000e+00, v2;
	v53 =	vpop (erf)  }
0x5cc: {  	v3 =	vadd.f32 $1.000000000e+00, v3;
	v54 =	vpop (erf)  }
0x5cd: {  	(erf) = vrcp.f32 v2;
	v55 =	vpop (erf)  }
0x5ce: {  	v2 =	vadd.f32 $1.000000000e+00, v53;
	(erf) = vrcp.f32 v3;
	v3 =	vadd.f32 $1.000000000e+00, v55  }
0x5cf: {  	v4 =	vadd.f32 $1.000000000e+00, v54  }
0x5d0: {  	v56 =	vpop (erf);
	(erf) = vrcp.f32 v2  }
0x5d1: {  	v2 =	vadd.f32 $1.000000000e+00, v56;
	v57 =	vpop (erf);
	(erf) = vrcp.f32 v4  }
0x5d2: {  	(erf) = vrcp.f32 v3;
	v3 =	vpop (erf)  }
0x5d3: {  	(erf) = vrcp.f32 v2;
	v2 =	vadd.f32 $1.000000000e+00, v3  }
0x5d4: {  	v58 =	vadd.f32 $1.000000000e+00, v57;
	_ =	sdelay $0x1  }
0x5d5: {  	(erf) = vrcp.f32 v58  }
0x5d6: {  	(erf) = vrcp.f32 v2;
	v2 =	vpop (erf)  }
0x5d7: {  	v3 =	vpop (erf)  }
0x5d8: {  	v3 =	vadd.f32 v3, v3  }
0x5d9: {  	v2 =	vadd.f32 v2, v2  }
0x5da: {  	v59 =	vpop (erf);
	v3 =	vsub.f32 $1.000000000e+00, v3  }
0x5db: {  	v2 =	vsub.f32 $1.000000000e+00, v2;
	v4 =	vadd.f32 v59, v59;
	v60 =	vpop (erf)  }
0x5dc: {  	v5 =	vadd.f32 v60, v60;
	v61 =	vpop (erf)  }
0x5dd: {  	[tilespmem:s10+$0x17E70] =	vst v2;
	v2 =	vadd.f32 v61, v61;
	v4 =	vsub.f32 $1.000000000e+00, v4;
	v62 =	vpop (erf)  }
0x5de: {  	v6 =	vadd.f32 v62, v62;
	v5 =	vsub.f32 $1.000000000e+00, v5;
	[tilespmem:s10+$0x17E50] =	vst v3;
	v3 =	vpop (erf)  }
0x5df: {  	v2 =	vsub.f32 $1.000000000e+00, v2;
	[tilespmem:s10+$0x17E40] =	vst v4;
	v3 =	vadd.f32 v3, v3;
	v63 =	vpop (erf)  }
0x5e0: {  	v6 =	vsub.f32 $1.000000000e+00, v6;
	[tilespmem:s10+$0x17E30] =	vst v5;
	v4 =	vadd.f32 v63, v63  }
0x5e1: {  	[tilespmem:s10+$0x17E10] =	vst v2;
	v3 =	vsub.f32 $1.000000000e+00, v3  }
0x5e2: {  	[tilespmem:s10+$0x17E20] =	vst v6;
	v2 =	vsub.f32 $1.000000000e+00, v4  }
0x5e3: {  	[tilespmem:s10+$0x17E00] =	vst v3  }
0x5e4: {  	[tilespmem:s10+$0x17E60] =	vst v2  }
.LBB2_26:
0x5e5: {  	[spmem:s1] =	stream.indirect.scatter.add.f32 [tilespmem:s22], [sflag:$0x3], $0x80, s16, s3, $0xb8;
	[tilespmem:$0x1BA00] =	vst v63  }
0x5e6: {  	_ =	swait.ge [sflag:s18], $0x1400  }
0x5e7: {  	[sflag:s18] =	ssyncset.done $0x0  }
0x5e8: {  	s8 =	smov.u32 s20;
	[sflag:s18] =	ssyncadd.s32 $0xFFFFEC00  }
0x5e9: {  	s11 =	simm.s32 $0x0;
	s10 =	simm.s32 $0x200;
	[bflag:$0x0] =	sbarrier.arrive $0xFFFF  }
.LBB2_27:
0x5ea: {  	p1 =	sne.s32 s10, $0x4E00;
	[tilespmem:s11+$0x16A70] =	vst v0  }
0x5eb: {  	[tilespmem:s11+$0x16A00] =	vst v0  }
0x5ec: {  	[tilespmem:s11+$0x16A10] =	vst v0  }
.Ltmp13:
0x5ed: {  	[tilespmem:s11+$0x16A20] =	vst v0;
	(pc) =	sbr.rel @p1 .LBB2_27-.Ltmp13, $4  }
0x5ee: {  	[tilespmem:s11+$0x16A30] =	vst v0  }
0x5ef: {  	[tilespmem:s11+$0x16A40] =	vst v0  }
0x5f0: {  	[tilespmem:s11+$0x16A50] =	vst v0  }
0x5f1: {  	[tilespmem:s11+$0x16A60] =	vst v0;
	s11 =	sshra.s32 s10, $0x2;
	s10 =	sadd.s32 $0x200, s10  }
0x5f2: {  	[tilespmem:s11+$0x16A70] =	vst v0  }
0x5f3: {  	[tilespmem:s11+$0x16A00] =	vst v0  }
0x5f4: {  	[tilespmem:s11+$0x16A10] =	vst v0  }
0x5f5: {  	[tilespmem:s11+$0x16A20] =	vst v0  }
0x5f6: {  	[tilespmem:s11+$0x16A30] =	vst v0  }
0x5f7: {  	[tilespmem:s11+$0x16A40] =	vst v0;
	s6 =	stileid.u32  }
0x5f8: {  	[tilespmem:s11+$0x16A50] =	vst v0;
	s25 =	rddreg [dreg:$0x14];
	s10 =	sshll.u32 s6, $0x6  }
0x5f9: {  	[tilespmem:s11+$0x16A60] =	vst v0;
	s14 =	sadd.s32 $0x0, s29;
	s23 =	sshrl.u32 s25, $0x3;
	s11 =	sor.u32 $0x1C03, s10  }
0x5fa: {  	[hbm:s14], [sflag:s11] =	dma.local [spmem:s23], $0x280  }
0x5fb: {  	_ =	swait.ge [sflag:s18], $0x280  }
0x5fc: {  	[sflag:s18] =	ssyncset.done $0x0  }
0x5fd: {  	s15 =	simm.s32 $0x500;
	[sflag:s18] =	ssyncadd.s32 $0xFFFFFD80  }
0x5fe: {  	[spmem:s25] =	stream.linear.scatter [tilespmem:s12], [sflag:$0x3], $0x1400, $0x38;
	[tilespmem:$0x1BA00] =	vst v63  }
0x5ff: {  	s14 =	sadd.s32 $0x280, s29;
	s24 =	rddreg [dreg:$0x16];
	_ =	swait.ge [sflag:s18], $0x1400  }
0x600: {  	s31 =	sshrl.u32 s24, $0x3;
	s25 =	sadd.s32 $0x1400, s24;
	[sflag:s18] =	ssyncset.done $0x0  }
.LBB2_29:
0x601: {  	s20 =	sshrl.u32 s25, $0x3;
	s6 =	sor.u32 $0x1C03, s10  }
0x602: {  	[sflag:s18] =	ssyncadd.s32 $0xFFFFEC00;
	s7 =	smov.u32 s15;
	p1 =	sne.s32 s15, $0x2580  }
0x603: {  	[hbm:s14], [sflag:s6] =	dma.local [spmem:s31], $0x280  }
0x604: {  	s14 =	sadd.s32 s7, s29;
	s6 =	sadd.s32 $0x280, s15;
	_ =	swait.ge [sflag:s18], $0x280  }
.Ltmp14:
0x605: {  	[sflag:s18] =	ssyncset.done $0x0;
	(pc) =	sbr.rel @p1 .LBB2_29-.Ltmp14, $4  }
0x606: {  	s31 =	smov.u32 s20;
	[sflag:s18] =	ssyncadd.s32 $0xFFFFFD80  }
0x607: {  	[spmem:s24] =	stream.linear.scatter [tilespmem:s12], [sflag:$0x3], $0x1400, $0x38;
	[tilespmem:$0x1BA00] =	vst v63  }
0x608: {  	s24 =	smov.u32 s25;
	_ =	swait.ge [sflag:s18], $0x1400  }
0x609: {  	s15 =	smov.u32 s6;
	s25 =	sadd.s32 $0x1400, s25;
	[sflag:s18] =	ssyncset.done $0x0  }
0x60a: {  	[sflag:s18] =	ssyncadd.s32 $0xFFFFEC00  }
0x60b: {  	[hbm:s14], [sflag:s11] =	dma.local [spmem:s31], $0x280  }
0x60c: {  	_ =	swait.ge [sflag:s18], $0x280  }
0x60d: {  	[sflag:s18] =	ssyncset.done $0x0  }
0x60e: {  	[sflag:s18] =	ssyncadd.s32 $0xFFFFFD80  }
0x60f: {  	[spmem:s24] =	stream.linear.scatter [tilespmem:s12], [sflag:$0x3], $0x1400, $0x38;
	[tilespmem:$0x1BA00] =	vst v63  }
0x610: {  	_ =	swait.ge [sflag:s18], $0x1400  }
0x611: {  	[sflag:s18] =	ssyncset.done $0x0  }
0x612: {  	[sflag:s18] =	ssyncadd.s32 $0xFFFFEC00  }
0x613: {  	s10 =	simm.s32 $0x0;
	s14 =	simm.s32 $0x200;
	[bflag:$0x0] =	sbarrier.arrive $0xFFFF  }
.LBB2_31:
0x614: {  	p1 =	sne.s32 s14, $0x4E00;
	[tilespmem:s10+$0x14270] =	vst v1  }
0x615: {  	[tilespmem:s10+$0x14200] =	vst v1  }
0x616: {  	[tilespmem:s10+$0x14210] =	vst v1  }
.Ltmp15:
0x617: {  	[tilespmem:s10+$0x14220] =	vst v1;
	(pc) =	sbr.rel @p1 .LBB2_31-.Ltmp15, $4  }
0x618: {  	[tilespmem:s10+$0x14230] =	vst v1  }
0x619: {  	[tilespmem:s10+$0x14240] =	vst v1  }
0x61a: {  	[tilespmem:s10+$0x14250] =	vst v1  }
0x61b: {  	[tilespmem:s10+$0x14260] =	vst v1;
	s10 =	sshra.s32 s14, $0x2;
	s14 =	sadd.s32 $0x200, s14  }
0x61c: {  	[tilespmem:s10+$0x14270] =	vst v1  }
0x61d: {  	[tilespmem:s10+$0x14200] =	vst v1  }
0x61e: {  	[tilespmem:s10+$0x14210] =	vst v1  }
0x61f: {  	[tilespmem:s10+$0x14220] =	vst v1  }
0x620: {  	[tilespmem:s10+$0x14230] =	vst v1  }
0x621: {  	[tilespmem:s10+$0x14240] =	vst v1  }
0x622: {  	[tilespmem:s10+$0x14250] =	vst v1  }
0x623: {  	[tilespmem:s10+$0x14260] =	vst v1;
	s6 =	simm.s32 $0x0;
	s7 =	rddreg [dreg:$0x11]  }
0x624: {  	[tilespmem:s19], [sflag:$0x3] =	stream.linear.gather [hbm4b:s7+s6], $0x28, $0x38;
	[tilespmem:$0x1BA00] =	vst v63  }
0x625: {  	_ =	swait.ge [sflag:s18], $0x28  }
0x626: {  	[sflag:s18] =	ssyncset.done $0x0  }
0x627: {  	[sflag:s18] =	ssyncadd.s32 $0xFFFFFFD8  }
0x628: {  	[spmem:s1] =	stream.indirect.scatter.add.f32 [tilespmem:s13], [sflag:$0x1], $0x80, s19, s3, $0xb8;
	[tilespmem:$0x1BA00] =	vst v63  }
0x629: {  	s24 =	sadd.s32 $0x0, s28  }
0x62a: {  	[tilespmem:s16], [sflag:$0x3] =	stream.linear.gather [hbm4b:s24+s2], $0x28, $0x38;
	[tilespmem:$0x1BA00] =	vst v63  }
0x62b: {  	_ =	swait.ge [sflag:s18], $0x28  }
0x62c: {  	[sflag:s18] =	ssyncset.done $0x0  }
0x62d: {  	[sflag:s18] =	ssyncadd.s32 $0xFFFFFFD8  }
0x62e: {  	[spmem:s1] =	stream.indirect.scatter.add.f32 [tilespmem:s13], [sflag:$0x2], $0x80, s16, s3, $0xb8;
	[tilespmem:$0x1BA00] =	vst v63  }
0x62f: {  	_ =	swait.ge [sflag:s0], $0x1400  }
0x630: {  	s25 =	rddreg [dreg:$0x15]  }
0x631: {  	[sflag:s0] =	ssyncset.done $0x0;
	s31 =	sshrl.u32 s25, $0x3  }
0x632: {  	[sflag:s0] =	ssyncadd.s32 $0xFFFFEC00;
	s6 =	sadd.s32 s4, s31  }
0x633: {  	[tilespmem:s19], [sflag:$0x3] =	stream.linear.gather [hbm4b:s6+s2], $0x28, $0x38;
	[tilespmem:$0x1BA00] =	vst v63  }
0x634: {  	_ =	swait.ge [sflag:s18], $0x28  }
0x635: {  	[sflag:s18] =	ssyncset.done $0x0  }
0x636: {  	[sflag:s18] =	ssyncadd.s32 $0xFFFFFFD8  }
0x637: {  	[spmem:s1] =	stream.indirect.scatter.add.f32 [tilespmem:s13], [sflag:$0x1], $0x80, s19, s3, $0xb8;
	[tilespmem:$0x1BA00] =	vst v63  }
0x638: {  	s14 =	simm.s32 $0xA;
	s15 =	simm.s32 $0x14;
	_ =	swait.ge [sflag:s26], $0x1400  }
0x639: {  	s20 =	smov.u32 s8;
	s10 =	sadd.s32 $0x50, s25;
	[sflag:s26] =	ssyncset.done $0x0  }
.LBB2_33:
0x63a: {  	s6 =	sadd.s32 s14, s28  }
0x63b: {  	[sflag:s26] =	ssyncadd.s32 $0xFFFFEC00;
	s14 =	smov.u32 s15;
	s7 =	sadd.s32 $0xA, s15  }
0x63c: {  	[tilespmem:s16], [sflag:$0x3] =	stream.linear.gather [hbm4b:s6+s2], $0x28, $0x38;
	[tilespmem:$0x1BA00] =	vst v63  }
0x63d: {  	p1 =	sne.s32 s15, $0x4CE;
	_ =	swait.ge [sflag:s18], $0x28  }
0x63e: {  	[sflag:s18] =	ssyncset.done $0x0  }
0x63f: {  	[sflag:s18] =	ssyncadd.s32 $0xFFFFFFD8  }
0x640: {  	[spmem:s1] =	stream.indirect.scatter.add.f32 [tilespmem:s13], [sflag:$0x2], $0x80, s16, s3, $0xb8;
	[tilespmem:$0x1BA00] =	vst v63  }
0x641: {  	_ =	swait.ge [sflag:s0], $0x1400  }
0x642: {  	s6 =	sshrl.u32 s10, $0x3;
	[sflag:s0] =	ssyncset.done $0x0  }
0x643: {  	s6 =	sadd.s32 s4, s6;
	[sflag:s0] =	ssyncadd.s32 $0xFFFFEC00  }
0x644: {  	[tilespmem:s19], [sflag:$0x3] =	stream.linear.gather [hbm4b:s6+s2], $0x28, $0x38;
	[tilespmem:$0x1BA00] =	vst v63  }
0x645: {  	_ =	swait.ge [sflag:s18], $0x28  }
.Ltmp16:
0x646: {  	[sflag:s18] =	ssyncset.done $0x0;
	(pc) =	sbr.rel @p1 .LBB2_33-.Ltmp16, $4  }
0x647: {  	[sflag:s18] =	ssyncadd.s32 $0xFFFFFFD8  }
0x648: {  	[spmem:s1] =	stream.indirect.scatter.add.f32 [tilespmem:s13], [sflag:$0x1], $0x80, s19, s3, $0xb8;
	[tilespmem:$0x1BA00] =	vst v63  }
0x649: {  	_ =	swait.ge [sflag:s26], $0x1400  }
0x64a: {  	s10 =	sadd.s32 $0x50, s10;
	s15 =	smov.u32 s7;
	[sflag:s26] =	ssyncset.done $0x0  }
0x64b: {  	s6 =	sadd.s32 s14, s28;
	[sflag:s26] =	ssyncadd.s32 $0xFFFFEC00  }
0x64c: {  	[tilespmem:s16], [sflag:$0x3] =	stream.linear.gather [hbm4b:s6+s2], $0x28, $0x38;
	[tilespmem:$0x1BA00] =	vst v63  }
0x64d: {  	_ =	swait.ge [sflag:s18], $0x28  }
0x64e: {  	[sflag:s18] =	ssyncset.done $0x0  }
0x64f: {  	[sflag:s18] =	ssyncadd.s32 $0xFFFFFFD8  }
0x650: {  	[spmem:s1] =	stream.indirect.scatter.add.f32 [tilespmem:s13], [sflag:$0x2], $0x80, s16, s3, $0xb8;
	[tilespmem:$0x1BA00] =	vst v63  }
0x651: {  	_ =	swait.ge [sflag:s0], $0x1400  }
0x652: {  	s24 =	sshrl.u32 s10, $0x3;
	[sflag:s0] =	ssyncset.done $0x0  }
0x653: {  	s6 =	sadd.s32 s4, s24;
	[sflag:s0] =	ssyncadd.s32 $0xFFFFEC00  }
0x654: {  	[tilespmem:s19], [sflag:$0x3] =	stream.linear.gather [hbm4b:s6+s2], $0x28, $0x38;
	[tilespmem:$0x1BA00] =	vst v63  }
0x655: {  	_ =	swait.ge [sflag:s18], $0x28  }
0x656: {  	[sflag:s18] =	ssyncset.done $0x0  }
0x657: {  	[sflag:s18] =	ssyncadd.s32 $0xFFFFFFD8  }
0x658: {  	[spmem:s1] =	stream.indirect.scatter.add.f32 [tilespmem:s13], [sflag:$0x1], $0x80, s19, s3, $0xb8;
	[tilespmem:$0x1BA00] =	vst v63  }
0x659: {  	_ =	swait.ge [sflag:s26], $0x1400  }
0x65a: {  	[sflag:s26] =	ssyncset.done $0x0  }
0x65b: {  	s25 =	simm.s32 $0x0;
	s7 =	rddreg [dreg:$0x12];
	[sflag:s26] =	ssyncadd.s32 $0xFFFFEC00  }
0x65c: {  	[tilespmem:s16], [sflag:$0x3] =	stream.linear.gather [hbm4b:s7+s25], $0x28, $0x38;
	[tilespmem:$0x1BA00] =	vst v63  }
0x65d: {  	_ =	swait.ge [sflag:s18], $0x28  }
0x65e: {  	[sflag:s18] =	ssyncset.done $0x0  }
0x65f: {  	[sflag:s18] =	ssyncadd.s32 $0xFFFFFFD8  }
0x660: {  	[spmem:s1] =	stream.indirect.scatter.add.f32 [tilespmem:s13], [sflag:$0x2], $0x80, s16, s3, $0xb8;
	[tilespmem:$0x1BA00] =	vst v63  }
0x661: {  	_ =	swait.ge [sflag:s0], $0x1400  }
0x662: {  	[sflag:s0] =	ssyncset.done $0x0  }
0x663: {  	[sflag:s0] =	ssyncadd.s32 $0xFFFFEC00  }
0x664: {  	_ =	swait.ge [sflag:s26], $0x1400  }
0x665: {  	[sflag:s26] =	ssyncset.done $0x0  }
0x666: {  	[sflag:s26] =	ssyncadd.s32 $0xFFFFEC00  }
0x667: {  	s31 =	sadd.s32 $0x0, s30;
	[bflag:$0x0] =	sbarrier.arrive $0xFFFF  }
0x668: {  	[hbm:s31], [sflag:s11] =	dma.local [spmem:s23], $0x280  }
0x669: {  	_ =	swait.ge [sflag:s18], $0x280  }
0x66a: {  	s14 =	rddreg [dreg:$0x16]  }
0x66b: {  	s10 =	simm.s32 $0x280;
	[sflag:s18] =	ssyncset.done $0x0;
	s8 =	rddreg [dreg:$0x4]  }
.LBB2_35:
0x66c: {  	s6 =	sadd.s32 s10, s30  }
0x66d: {  	s7 =	sshrl.u32 s14, $0x3;
	[sflag:s18] =	ssyncadd.s32 $0xFFFFFD80;
	p1 =	sne.s32 s10, $0x2580  }
0x66e: {  	[hbm:s6], [sflag:s11] =	dma.local [spmem:s7], $0x280  }
.Ltmp17:
0x66f: {  	_ = 	snop;
	(pc) =	sbr.rel @p1 .LBB2_35-.Ltmp17, $4  }
0x670: {  	_ = 	snop  }
0x671: {  	s10 =	sadd.s32 $0x280, s10  }
0x672: {  	_ =	swait.ge [sflag:s18], $0x280  }
0x673: {  	s14 =	sadd.s32 $0x1400, s14;
	[sflag:s18] =	ssyncset.done $0x0  }
0x674: {  	s10 =	sld [smem:$0x7F8];
	_ =	sdelay $0x2  }
0x675: {  	s6 =	rddreg [dreg:$0x13];
	s10 =	sadd.s32 $0x1, s10  }
0x676: {  	p1 =	sne.s32 s10, s6  }
.Ltmp18:
0x677: {  	_ = 	snop;
	(pc) =	sbr.rel @p1 .LBB2_1-.Ltmp18, $2  }
0x678: {  	_ =	sdelay $0x2  }
0x679: {  	[sflag:s18] =	ssyncadd.s32 $0xFFFFFD80;
	s7 =	rddreg [dreg:$0x3]  }
0x67a: {  	_ =	sfence.sel $0x180000  }
0x67b: {  	[bflag:$0x0] =	sbarrier.arrive $0xFFFF  }
0x67c: {  	_ =	strace $0x90000047  }
0x67d: {  	s0 =	stileid.u32;
	[bflag:$0x2] =	sbarrier.arrive $0xFFFF  }
0x67e: {  	p0 =	sne.s32 s0, $0x0;
	s0 =	rddreg [dreg:$0x2]  }
0x67f: {  	s0 =	sadd.s32 @!p0 $0x100000, s0  }
0x680: {  	[sflag:s0] =	ssyncadd.tile.s32 @!p0 $0x1;
	_ =	shalt  }
.Lfunc_end2:
_tile_overlayer_lowered:
.L_overlay_start_2:
0x681: {  	(tag) =	ssettag $0x2  }
0x682: {  	s0 =	rddreg [dreg:$0x0];
	s2 =	stileid.u32  }
0x683: {  	s1 =	rddreg [dreg:$0x1];
	p0 =	sne.s32 s2, $0x0  }
0x684: {  	s3 =	rddreg [dreg:$0x2];
	[bflag:$0x3] =	sbarrier.arrive $0xFFFF;
	s2 =	simm.s32 @!p0 $0x1C03  }
0x685: {  	[timem:s3], [sflag:s2] =	dma.local @!p0 [hbm:s0], s1  }
0x686: {  	s0 =	simm.s32 @!p0 $0x3  }
0x687: {  	_ =	swait.ge @!p0 [sflag:s0], s1  }
0x688: {  	s1 =	ssub.s32 @!p0 $0x0, s1;
	[sflag:s0] =	ssyncset.done @!p0 $0x0  }
0x689: {  	[sflag:s0] =	ssyncadd.s32 @!p0 s1  }
0x68a: {  	[bflag:$0x3] =	sbarrier.arrive $0xFFFF  }
0x68b: {  	_ =	shalt  }

</sc_bundles>
